<compile_context>
chip_gen: v7x
topology: tpu7x:2x2x1
jax: 0.10.2.dev20260603
libtpu: 0.0.44.dev20260713+nightly
codegen_flags: <defaults>
</compile_context>

<pallas_src>
import functools

import jax
import jax.numpy as jnp
from jax import lax
from jax.experimental import pallas as pl
from jax.experimental.pallas import tpu as pltpu
from jax.experimental.pallas import tpu_sc as plsc

_VOCAB = 1000000
_EMBED = 32
_LABELS = 107
_ORDER = 3
_HASHES = 20
_BATCH = 16384
_PER_ROW = _ORDER * _HASHES

_NC = 2
_NS = 16
_NW = _NC * _NS
_SLOT = 64
_GS = 2 * _SLOT
_VROWS = _BATCH // 2
_VPW = _VROWS // _NW
_NG = 8
_NCHUNK = _VPW // _NG



_FB = 1024


def _pack64(x, zero):
    return jnp.concatenate(
        [x[:, 0, :], x[:, 1, :], x[:, 2, :], zero], axis=-1)


def _flat_body(lo_i, hi_i, lo_w, hi_w, oi_ref, ow_ref):
    pid = pl.program_id(0)
    zi = (lax.broadcasted_iota(jnp.int32, (_FB, _SLOT - _PER_ROW), 0)
          + pid * _FB) * 29 + lax.broadcasted_iota(
              jnp.int32, (_FB, _SLOT - _PER_ROW), 1)
    zw = jnp.zeros((_FB, _SLOT - _PER_ROW), jnp.float32)
    ti = (lo_i[...] % _NQ) * 4 + lo_i[...] // _NQ
    th = (hi_i[...] % _NQ) * 4 + hi_i[...] // _NQ
    oi_ref[...] = jnp.concatenate(
        [_pack64(ti, zi), _pack64(th, zi)], axis=-1)
    ow_ref[...] = jnp.concatenate(
        [_pack64(lo_w[...], zw), _pack64(hi_w[...], zw)], axis=-1)


def _flatten(ngrams, weights):
    nblk = _VROWS // _FB
    spec_lo = pl.BlockSpec((_FB, _ORDER, _HASHES), lambda i: (i, 0, 0))
    spec_hi = pl.BlockSpec((_FB, _ORDER, _HASHES), lambda i: (i + nblk, 0, 0))
    return pl.pallas_call(
        _flat_body,
        grid=(nblk,),
        in_specs=[spec_lo, spec_hi, spec_lo, spec_hi],
        out_specs=[
            pl.BlockSpec((_FB, _GS), lambda i: (i, 0)),
            pl.BlockSpec((_FB, _GS), lambda i: (i, 0)),
        ],
        out_shape=[
            jax.ShapeDtypeStruct((_VROWS, _GS), jnp.int32),
            jax.ShapeDtypeStruct((_VROWS, _GS), jnp.float32),
        ],
    )(ngrams, ngrams, weights, weights)



_NQ = _VOCAB // 4
_TBLK = 2000


def _packt_body(a, b, c, d, o_ref):
    o_ref[...] = jnp.concatenate([a[...], b[...], c[...], d[...]], axis=-1)


def _pack_table(emb):
    nb = _NQ // _TBLK
    mk = lambda k: pl.BlockSpec((_TBLK, _EMBED), lambda i, k=k: (i + k * nb, 0))
    return pl.pallas_call(
        _packt_body,
        grid=(nb,),
        in_specs=[mk(0), mk(1), mk(2), mk(3)],
        out_specs=pl.BlockSpec((_TBLK, 4 * _EMBED), lambda i: (i, 0)),
        out_shape=jax.ShapeDtypeStruct((_NQ, 4 * _EMBED), jnp.float32),
    )(emb, emb, emb, emb)




def _sc_body(idx_hbm, w_hbm, emb_hbm, out_hbm, idx_v, w_v, rows_v, out_v,
             sems):
    wid = lax.axis_index("s") * _NC + lax.axis_index("c")
    vbase = wid * _VPW
    _CW = _NG * _GS

    def stage_and_fire(g, buf):
        vr0 = vbase + g * _NG
        pltpu.sync_copy(idx_hbm.at[pl.ds(vr0, _NG)], idx_v.at[buf])
        pltpu.sync_copy(w_hbm.at[pl.ds(vr0, _NG)], w_v.at[buf])
        for j in range(_NG):
            pltpu.async_copy(
                emb_hbm.at[idx_v.at[buf, j]],
                rows_v.at[buf, pl.ds(j * _GS, _GS)],
                sems.at[buf],
            )

    def drain(buf):
        pltpu.make_async_copy(
            emb_hbm.at[pl.ds(0, _NG * _GS)],
            rows_v.at[buf],
            sems.at[buf],
        ).wait()

    def compute(g, buf):
        vr0 = vbase + g * _NG

        def bb_body(bb, carry):
            for q in range(2):
                for o in range(_ORDER):
                    acc0 = jnp.zeros((16,), jnp.float32)
                    acc1 = jnp.zeros((16,), jnp.float32)
                    col0 = q * _SLOT + o * _HASHES
                    wv0 = w_v[buf, pl.ds(bb * _GS + col0, 16)]
                    wv1 = w_v[buf, pl.ds(bb * _GS + col0 + 4, 16)]
                    for h in range(_HASHES):
                        w = wv0[h] if h < 16 else wv1[h - 4]
                        wb = jnp.full((16,), w, jnp.float32)
                        r = bb * _GS + col0 + h
                        acc0 = acc0 + wb * rows_v[buf, r, pl.ds(0, 16)]
                        acc1 = acc1 + wb * rows_v[buf, r, pl.ds(16, 16)]
                    out_v[q, bb, pl.ds(o * _EMBED, 16)] = acc0
                    out_v[q, bb, pl.ds(o * _EMBED + 16, 16)] = acc1
            return carry

        lax.fori_loop(0, _NG, bb_body, 0)
        pltpu.sync_copy(out_v.at[0], out_hbm.at[pl.ds(vr0, _NG)])
        pltpu.sync_copy(out_v.at[1], out_hbm.at[pl.ds(_VROWS + vr0, _NG)])

    def loop_body(g, carry):
        vr0 = vbase + g * _NG
        flat0 = vr0 * _GS
        pltpu.sync_copy(idx_hbm.at[pl.ds(flat0, _CW)], idx_v.at[0])
        pltpu.sync_copy(w_hbm.at[pl.ds(flat0, _CW)], w_v.at[0])
        copies = [
            pltpu.async_copy(
                emb_hbm.at[idx_v.at[0, pl.ds(j * _GS, _GS)]],
                rows_v.at[0, pl.ds(j * _GS, _GS)],
                sems.at[0],
            )
            for j in range(_NG)
        ]
        for c in copies:
            c.wait()
        compute(g, 0)
        return carry

    lax.fori_loop(0, _NCHUNK, loop_body, 0)


def _sc_gather(idx2d, w2d, emb):
    mesh = plsc.VectorSubcoreMesh(core_axis_name="c", subcore_axis_name="s")
    k = functools.partial(
        pl.kernel,
        mesh=mesh,
        compiler_params=pltpu.CompilerParams(use_tc_tiling_on_sc=False),
        out_type=jax.ShapeDtypeStruct((_BATCH, _ORDER * _EMBED), jnp.float32),
        scratch_types=[
            pltpu.VMEM((2, _NG * _GS), jnp.int32),
            pltpu.VMEM((2, _NG * _GS), jnp.float32),
            pltpu.VMEM((2, _NG * _GS, _EMBED), jnp.float32),
            pltpu.VMEM((2, _NG, _ORDER * _EMBED), jnp.float32),
            pltpu.SemaphoreType.DMA((2,)),
        ],
    )(_sc_body)
    return k(idx2d, w2d, emb)



_MLP_BLK = 1024


def _mlp_body(e_ref, w1_ref, b1_ref, w2_ref, b2_ref, o_ref):
    e = e_ref[...]
    h = lax.dot_general(e, w1_ref[...], (((1,), (1,)), ((), ())),
                        preferred_element_type=jnp.float32) + b1_ref[...]
    l = lax.dot_general(h, w2_ref[...], (((1,), (1,)), ((), ())),
                        preferred_element_type=jnp.float32) + b2_ref[...]
    m = jnp.max(l, axis=-1, keepdims=True)
    lse = jnp.log(jnp.sum(jnp.exp(l - m), axis=-1, keepdims=True)) + m
    o_ref[...] = l - lse


def _mlp(embed, W1, b1, W2, b2):
    grid = (_BATCH // _MLP_BLK,)
    return pl.pallas_call(
        _mlp_body,
        grid=grid,
        in_specs=[
            pl.BlockSpec((_MLP_BLK, _ORDER * _EMBED), lambda i: (i, 0)),
            pl.BlockSpec((_EMBED, _ORDER * _EMBED), lambda i: (0, 0)),
            pl.BlockSpec((1, _EMBED), lambda i: (0, 0)),
            pl.BlockSpec((_LABELS, _EMBED), lambda i: (0, 0)),
            pl.BlockSpec((1, _LABELS), lambda i: (0, 0)),
        ],
        out_specs=pl.BlockSpec((_MLP_BLK, _LABELS), lambda i: (i, 0)),
        out_shape=jax.ShapeDtypeStruct((_BATCH, _LABELS), jnp.float32),
    )(embed, W1, b1, W2, b2)


def kernel(ngrams, ngrams_weights, emb, W1, b1, W2, b2):
    idx2d, w2d = _flatten(ngrams, ngrams_weights)
    embp = _pack_table(emb).reshape(_VOCAB, _EMBED)
    embed = _sc_gather(idx2d.reshape(-1), w2d.reshape(-1), embp)
    return _mlp(embed, W1, b1.reshape(1, -1), W2, b2.reshape(1, -1))

# --- scband reference (transcript-rebuilt; emitter-appended) ---
"""Pipeline reference for scband-cld3-model-49735721288231 (READ-ONLY COPY).

The authoritative reference and input builder live on the scoring server;
editing this copy changes nothing except your own understanding.
"""

import jax, jax.numpy as jnp
import numpy as np

VOCAB = 1000000
EMBED = 32
LABELS = 107
ORDER = 3
HASHES = 20
BATCH = 16384

def setup_inputs(seed: int = 0) -> dict:
    key = jax.random.key(seed)
    k1, k2, k3, k4, k5, k6, k7 = jax.random.split(key, 7)
    ngrams = jax.random.randint(k1, (BATCH, ORDER, HASHES), 0, VOCAB, dtype=jnp.int64 if jax.config.jax_enable_x64 else jnp.int32).astype(jnp.int32)
    ngrams_weights = jax.random.uniform(k2, (BATCH, ORDER, HASHES), dtype=jnp.float32)
    emb = jax.random.normal(k3, (VOCAB, EMBED), dtype=jnp.float32) * 0.02
    W1 = jax.random.normal(k4, (EMBED, EMBED * ORDER), dtype=jnp.float32) * (1.0 / np.sqrt(EMBED * ORDER))
    b1 = jnp.zeros((EMBED,), dtype=jnp.float32)
    W2 = jax.random.normal(k5, (LABELS, EMBED), dtype=jnp.float32) * (1.0 / np.sqrt(EMBED))
    b2 = jnp.zeros((LABELS,), dtype=jnp.float32)
    return {"ngrams": ngrams, "ngrams_weights": ngrams_weights, "emb": emb, "W1": W1, "b1": b1, "W2": W2, "b2": b2}

def reference(ngrams, ngrams_weights, emb, W1, b1, W2, b2):
    # embedding gather: [B, ORDER, HASHES, EMBED]
    gathered = jnp.take(emb, ngrams, axis=0)
    # weighted sum over hash slots (dim=2)
    out = jnp.sum(gathered * ngrams_weights[:, :, :, None], axis=2)  # [B, ORDER, EMBED]
    embed = out.reshape(out.shape[0], -1)  # [B, ORDER*EMBED]
    hidden = embed @ W1.T + b1  # [B, EMBED]
    logits = hidden @ W2.T + b2  # [B, LABELS]
    return jax.nn.log_softmax(logits, axis=-1)

if __name__ == "__main__":
    import jax
    _d = setup_inputs()
    print(jax.jit(kernel)(*tuple(_d.values())))

</pallas_src>

<mosaic_0001>
#map = affine_map<(d0, d1) -> (0)>
#map1 = affine_map<(d0, d1) -> (0, 0)>
module attributes {stable_mosaic.version = 14 : i64} {
  func.func @_sc_body(%arg0: i32, %arg1: i32, %arg2: memref<1048576xi32, #tpu.memory_space<hbm>>, %arg3: memref<1048576xf32, #tpu.memory_space<hbm>>, %arg4: memref<1000000x32xf32, #tpu.memory_space<hbm>>, %arg5: memref<16384x96xf32, #tpu.memory_space<hbm>>, %arg6: memref<2x1024xi32, #tpu.memory_space<vmem>>, %arg7: memref<2x1024xf32, #tpu.memory_space<vmem>>, %arg8: memref<2x1024x32xf32, #tpu.memory_space<vmem>>, %arg9: memref<2x8x96xf32, #tpu.memory_space<vmem>>, %arg10: memref<2x!tpu.dma_semaphore, #tpu.memory_space<semaphore_mem>>) attributes {dimension_semantics = [#tpu.dimension_semantics<core_parallel>, #tpu.dimension_semantics<subcore_parallel>], iteration_bounds = array<i64: 2, 16>, scalar_prefetch = 0 : i64, scratch_operands = 5 : i64, tpu.core_type = #tpu.core_type<sc_vector_subcore>, window_params = [{transform_indices = #map}, {transform_indices = #map}, {transform_indices = #map1}, {transform_indices = #map1}]} {
    %mul3A = arith.constant 2 : i32
    %mul3A_0 = arith.muli %arg1, %mul3A : i32
    %add3A = arith.addi %mul3A_0, %arg0 : i32
    %mul3A_1 = arith.constant 256 : i32
    %mul3A_2 = arith.muli %add3A, %mul3A_1 : i32
    %scan3A = arith.constant 0 : i32
    %scan3A_3 = arith.constant 0 : i32
    %scan3A_4 = arith.constant 32 : i32
    %scan3A_5 = arith.addi %scan3A_3, %scan3A_4 : i32
    %scan3A_6 = arith.constant 1 : i32
    scf.for %scan3A_8 = %scan3A_3 to %scan3A_5 step %scan3A_6  : i32 {
      %mul3A_9 = arith.constant 8 : i32
      %mul3A_10 = arith.muli %scan3A_8, %mul3A_9 : i32
      %add3A_11 = arith.addi %mul3A_2, %mul3A_10 : i32
      %mul3A_12 = arith.constant 128 : i32
      %mul3A_13 = arith.muli %add3A_11, %mul3A_12 : i32
      %run_scoped3A = arith.constant 0 : i32
      "tpu.region"() ({
        %run_scoped3A_266 = tpu.sem_alloc : memref<!tpu.dma_semaphore, #tpu.memory_space<semaphore_mem>>
        %dma_start3A_267 = arith.constant 0 : i32
        %dma_start3A_268 = tpu.memref_slice %arg6[%run_scoped3A, %dma_start3A_267] : memref<2x1024xi32, #tpu.memory_space<vmem>> -> memref<1x1024xi32, #tpu.memory_space<vmem>>
        %dma_start3A_269 = tpu.memref_squeeze %dma_start3A_268 : memref<1x1024xi32, #tpu.memory_space<vmem>> -> memref<1024xi32, #tpu.memory_space<vmem>>
        %dma_start3A_270 = tpu.memref_slice %arg2[%mul3A_13] : memref<1048576xi32, #tpu.memory_space<hbm>> -> memref<1024xi32, #tpu.memory_space<hbm>>
        %dma_start3A_271 = arith.constant 0 : i32
        %dma_start3A_272 = tpu.memref_slice %arg6[%run_scoped3A, %dma_start3A_271] : memref<2x1024xi32, #tpu.memory_space<vmem>> -> memref<1x1024xi32, #tpu.memory_space<vmem>>
        %dma_start3A_273 = tpu.memref_squeeze %dma_start3A_272 : memref<1x1024xi32, #tpu.memory_space<vmem>> -> memref<1024xi32, #tpu.memory_space<vmem>>
        %dma_start3A_274 = tpu.memref_slice %arg2[%mul3A_13] : memref<1048576xi32, #tpu.memory_space<hbm>> -> memref<1024xi32, #tpu.memory_space<hbm>>
        tpu.enqueue_dma source(%dma_start3A_274 : memref<1024xi32, #tpu.memory_space<hbm>>) target(%dma_start3A_273 : memref<1024xi32, #tpu.memory_space<vmem>>) target_semaphore(%run_scoped3A_266 : memref<!tpu.dma_semaphore, #tpu.memory_space<semaphore_mem>>)
        %dma_wait3A_275 = arith.constant 0 : i32
        %dma_wait3A_276 = tpu.memref_slice %arg6[%run_scoped3A, %dma_wait3A_275] : memref<2x1024xi32, #tpu.memory_space<vmem>> -> memref<1x1024xi32, #tpu.memory_space<vmem>>
        %dma_wait3A_277 = tpu.memref_squeeze %dma_wait3A_276 : memref<1x1024xi32, #tpu.memory_space<vmem>> -> memref<1024xi32, #tpu.memory_space<vmem>>
        %dma_wait3A_278 = tpu.memref_slice %arg2[%mul3A_13] : memref<1048576xi32, #tpu.memory_space<hbm>> -> memref<1024xi32, #tpu.memory_space<hbm>>
        %dma_wait3A_279 = arith.constant 0 : i32
        %dma_wait3A_280 = tpu.memref_slice %arg6[%run_scoped3A, %dma_wait3A_279] : memref<2x1024xi32, #tpu.memory_space<vmem>> -> memref<1x1024xi32, #tpu.memory_space<vmem>>
        %dma_wait3A_281 = tpu.memref_squeeze %dma_wait3A_280 : memref<1x1024xi32, #tpu.memory_space<vmem>> -> memref<1024xi32, #tpu.memory_space<vmem>>
        %dma_wait3A_282 = tpu.memref_slice %arg2[%mul3A_13] : memref<1048576xi32, #tpu.memory_space<hbm>> -> memref<1024xi32, #tpu.memory_space<hbm>>
        tpu.wait_dma2 semaphore(%run_scoped3A_266 : memref<!tpu.dma_semaphore, #tpu.memory_space<semaphore_mem>>) src(%dma_wait3A_282 : memref<1024xi32, #tpu.memory_space<hbm>>) dst(%dma_wait3A_281 : memref<1024xi32, #tpu.memory_space<vmem>>)
        tpu.yield
      }) : () -> ()
      %run_scoped3A_14 = arith.constant 0 : i32
      "tpu.region"() ({
        %run_scoped3A_266 = tpu.sem_alloc : memref<!tpu.dma_semaphore, #tpu.memory_space<semaphore_mem>>
        %dma_start3A_267 = arith.constant 0 : i32
        %dma_start3A_268 = tpu.memref_slice %arg7[%run_scoped3A_14, %dma_start3A_267] : memref<2x1024xf32, #tpu.memory_space<vmem>> -> memref<1x1024xf32, #tpu.memory_space<vmem>>
        %dma_start3A_269 = tpu.memref_squeeze %dma_start3A_268 : memref<1x1024xf32, #tpu.memory_space<vmem>> -> memref<1024xf32, #tpu.memory_space<vmem>>
        %dma_start3A_270 = tpu.memref_slice %arg3[%mul3A_13] : memref<1048576xf32, #tpu.memory_space<hbm>> -> memref<1024xf32, #tpu.memory_space<hbm>>
        %dma_start3A_271 = arith.constant 0 : i32
        %dma_start3A_272 = tpu.memref_slice %arg7[%run_scoped3A_14, %dma_start3A_271] : memref<2x1024xf32, #tpu.memory_space<vmem>> -> memref<1x1024xf32, #tpu.memory_space<vmem>>
        %dma_start3A_273 = tpu.memref_squeeze %dma_start3A_272 : memref<1x1024xf32, #tpu.memory_space<vmem>> -> memref<1024xf32, #tpu.memory_space<vmem>>
        %dma_start3A_274 = tpu.memref_slice %arg3[%mul3A_13] : memref<1048576xf32, #tpu.memory_space<hbm>> -> memref<1024xf32, #tpu.memory_space<hbm>>
        tpu.enqueue_dma source(%dma_start3A_274 : memref<1024xf32, #tpu.memory_space<hbm>>) target(%dma_start3A_273 : memref<1024xf32, #tpu.memory_space<vmem>>) target_semaphore(%run_scoped3A_266 : memref<!tpu.dma_semaphore, #tpu.memory_space<semaphore_mem>>)
        %dma_wait3A_275 = arith.constant 0 : i32
        %dma_wait3A_276 = tpu.memref_slice %arg7[%run_scoped3A_14, %dma_wait3A_275] : memref<2x1024xf32, #tpu.memory_space<vmem>> -> memref<1x1024xf32, #tpu.memory_space<vmem>>
        %dma_wait3A_277 = tpu.memref_squeeze %dma_wait3A_276 : memref<1x1024xf32, #tpu.memory_space<vmem>> -> memref<1024xf32, #tpu.memory_space<vmem>>
        %dma_wait3A_278 = tpu.memref_slice %arg3[%mul3A_13] : memref<1048576xf32, #tpu.memory_space<hbm>> -> memref<1024xf32, #tpu.memory_space<hbm>>
        %dma_wait3A_279 = arith.constant 0 : i32
        %dma_wait3A_280 = tpu.memref_slice %arg7[%run_scoped3A_14, %dma_wait3A_279] : memref<2x1024xf32, #tpu.memory_space<vmem>> -> memref<1x1024xf32, #tpu.memory_space<vmem>>
        %dma_wait3A_281 = tpu.memref_squeeze %dma_wait3A_280 : memref<1x1024xf32, #tpu.memory_space<vmem>> -> memref<1024xf32, #tpu.memory_space<vmem>>
        %dma_wait3A_282 = tpu.memref_slice %arg3[%mul3A_13] : memref<1048576xf32, #tpu.memory_space<hbm>> -> memref<1024xf32, #tpu.memory_space<hbm>>
        tpu.wait_dma2 semaphore(%run_scoped3A_266 : memref<!tpu.dma_semaphore, #tpu.memory_space<semaphore_mem>>) src(%dma_wait3A_282 : memref<1024xf32, #tpu.memory_space<hbm>>) dst(%dma_wait3A_281 : memref<1024xf32, #tpu.memory_space<vmem>>)
        tpu.yield
      }) : () -> ()
      %dma_start3A = arith.constant 0 : i32
      %dma_start3A_15 = arith.constant 0 : i32
      %dma_start3A_16 = arith.constant 0 : i32
      %dma_start3A_17 = arith.constant 0 : i32
      %dma_start3A_18 = arith.constant 0 : i32
      %dma_start3A_19 = tpu.memref_slice %arg8[%dma_start3A_15, %dma_start3A_17, %dma_start3A_18] : memref<2x1024x32xf32, #tpu.memory_space<vmem>> -> memref<1x128x32xf32, #tpu.memory_space<vmem>>
      %dma_start3A_20 = tpu.memref_squeeze %dma_start3A_19 : memref<1x128x32xf32, #tpu.memory_space<vmem>> -> memref<128x32xf32, #tpu.memory_space<vmem>>
      %dma_start3A_21 = arith.constant 0 : i32
      %dma_start3A_22 = tpu.memref_slice %arg6[%dma_start3A, %dma_start3A_21] : memref<2x1024xi32, #tpu.memory_space<vmem>> -> memref<1x128xi32, #tpu.memory_space<vmem>>
      %dma_start3A_23 = tpu.memref_squeeze %dma_start3A_22 : memref<1x128xi32, #tpu.memory_space<vmem>> -> memref<128xi32, #tpu.memory_space<vmem>>
      %dma_start3A_24 = arith.constant 0 : i32
      %dma_start3A_25 = arith.constant 0 : i32
      %dma_start3A_26 = tpu.memref_slice %arg4[%dma_start3A_24, %dma_start3A_25] : memref<1000000x32xf32, #tpu.memory_space<hbm>> -> memref<1000000x32xf32, #tpu.memory_space<hbm>>
      %dma_start3A_27 = tpu.memref_slice %arg10[%dma_start3A_16] : memref<2x!tpu.dma_semaphore, #tpu.memory_space<semaphore_mem>> -> memref<1x!tpu.dma_semaphore, #tpu.memory_space<semaphore_mem>>
      %dma_start3A_28 = tpu.memref_squeeze %dma_start3A_27 : memref<1x!tpu.dma_semaphore, #tpu.memory_space<semaphore_mem>> -> memref<!tpu.dma_semaphore, #tpu.memory_space<semaphore_mem>>
      tpu.enqueue_indirect_dma source(%dma_start3A_26 : memref<1000000x32xf32, #tpu.memory_space<hbm>>) target(%dma_start3A_20 : memref<128x32xf32, #tpu.memory_space<vmem>>) offsets(%dma_start3A_23 : memref<128xi32, #tpu.memory_space<vmem>>) semaphore(%dma_start3A_28 : memref<!tpu.dma_semaphore, #tpu.memory_space<semaphore_mem>>)
      %dma_start3A_29 = arith.constant 0 : i32
      %dma_start3A_30 = arith.constant 0 : i32
      %dma_start3A_31 = arith.constant 0 : i32
      %dma_start3A_32 = arith.constant 128 : i32
      %dma_start3A_33 = arith.constant 0 : i32
      %dma_start3A_34 = tpu.memref_slice %arg8[%dma_start3A_30, %dma_start3A_32, %dma_start3A_33] : memref<2x1024x32xf32, #tpu.memory_space<vmem>> -> memref<1x128x32xf32, #tpu.memory_space<vmem>>
      %dma_start3A_35 = tpu.memref_squeeze %dma_start3A_34 : memref<1x128x32xf32, #tpu.memory_space<vmem>> -> memref<128x32xf32, #tpu.memory_space<vmem>>
      %dma_start3A_36 = arith.constant 128 : i32
      %dma_start3A_37 = tpu.memref_slice %arg6[%dma_start3A_29, %dma_start3A_36] : memref<2x1024xi32, #tpu.memory_space<vmem>> -> memref<1x128xi32, #tpu.memory_space<vmem>>
      %dma_start3A_38 = tpu.memref_squeeze %dma_start3A_37 : memref<1x128xi32, #tpu.memory_space<vmem>> -> memref<128xi32, #tpu.memory_space<vmem>>
      %dma_start3A_39 = arith.constant 0 : i32
      %dma_start3A_40 = arith.constant 0 : i32
      %dma_start3A_41 = tpu.memref_slice %arg4[%dma_start3A_39, %dma_start3A_40] : memref<1000000x32xf32, #tpu.memory_space<hbm>> -> memref<1000000x32xf32, #tpu.memory_space<hbm>>
      %dma_start3A_42 = tpu.memref_slice %arg10[%dma_start3A_31] : memref<2x!tpu.dma_semaphore, #tpu.memory_space<semaphore_mem>> -> memref<1x!tpu.dma_semaphore, #tpu.memory_space<semaphore_mem>>
      %dma_start3A_43 = tpu.memref_squeeze %dma_start3A_42 : memref<1x!tpu.dma_semaphore, #tpu.memory_space<semaphore_mem>> -> memref<!tpu.dma_semaphore, #tpu.memory_space<semaphore_mem>>
      tpu.enqueue_indirect_dma source(%dma_start3A_41 : memref<1000000x32xf32, #tpu.memory_space<hbm>>) target(%dma_start3A_35 : memref<128x32xf32, #tpu.memory_space<vmem>>) offsets(%dma_start3A_38 : memref<128xi32, #tpu.memory_space<vmem>>) semaphore(%dma_start3A_43 : memref<!tpu.dma_semaphore, #tpu.memory_space<semaphore_mem>>)
      %dma_start3A_44 = arith.constant 0 : i32
      %dma_start3A_45 = arith.constant 0 : i32
      %dma_start3A_46 = arith.constant 0 : i32
      %dma_start3A_47 = arith.constant 256 : i32
      %dma_start3A_48 = arith.constant 0 : i32
      %dma_start3A_49 = tpu.memref_slice %arg8[%dma_start3A_45, %dma_start3A_47, %dma_start3A_48] : memref<2x1024x32xf32, #tpu.memory_space<vmem>> -> memref<1x128x32xf32, #tpu.memory_space<vmem>>
      %dma_start3A_50 = tpu.memref_squeeze %dma_start3A_49 : memref<1x128x32xf32, #tpu.memory_space<vmem>> -> memref<128x32xf32, #tpu.memory_space<vmem>>
      %dma_start3A_51 = arith.constant 256 : i32
      %dma_start3A_52 = tpu.memref_slice %arg6[%dma_start3A_44, %dma_start3A_51] : memref<2x1024xi32, #tpu.memory_space<vmem>> -> memref<1x128xi32, #tpu.memory_space<vmem>>
      %dma_start3A_53 = tpu.memref_squeeze %dma_start3A_52 : memref<1x128xi32, #tpu.memory_space<vmem>> -> memref<128xi32, #tpu.memory_space<vmem>>
      %dma_start3A_54 = arith.constant 0 : i32
      %dma_start3A_55 = arith.constant 0 : i32
      %dma_start3A_56 = tpu.memref_slice %arg4[%dma_start3A_54, %dma_start3A_55] : memref<1000000x32xf32, #tpu.memory_space<hbm>> -> memref<1000000x32xf32, #tpu.memory_space<hbm>>
      %dma_start3A_57 = tpu.memref_slice %arg10[%dma_start3A_46] : memref<2x!tpu.dma_semaphore, #tpu.memory_space<semaphore_mem>> -> memref<1x!tpu.dma_semaphore, #tpu.memory_space<semaphore_mem>>
      %dma_start3A_58 = tpu.memref_squeeze %dma_start3A_57 : memref<1x!tpu.dma_semaphore, #tpu.memory_space<semaphore_mem>> -> memref<!tpu.dma_semaphore, #tpu.memory_space<semaphore_mem>>
      tpu.enqueue_indirect_dma source(%dma_start3A_56 : memref<1000000x32xf32, #tpu.memory_space<hbm>>) target(%dma_start3A_50 : memref<128x32xf32, #tpu.memory_space<vmem>>) offsets(%dma_start3A_53 : memref<128xi32, #tpu.memory_space<vmem>>) semaphore(%dma_start3A_58 : memref<!tpu.dma_semaphore, #tpu.memory_space<semaphore_mem>>)
      %dma_start3A_59 = arith.constant 0 : i32
      %dma_start3A_60 = arith.constant 0 : i32
      %dma_start3A_61 = arith.constant 0 : i32
      %dma_start3A_62 = arith.constant 384 : i32
      %dma_start3A_63 = arith.constant 0 : i32
      %dma_start3A_64 = tpu.memref_slice %arg8[%dma_start3A_60, %dma_start3A_62, %dma_start3A_63] : memref<2x1024x32xf32, #tpu.memory_space<vmem>> -> memref<1x128x32xf32, #tpu.memory_space<vmem>>
      %dma_start3A_65 = tpu.memref_squeeze %dma_start3A_64 : memref<1x128x32xf32, #tpu.memory_space<vmem>> -> memref<128x32xf32, #tpu.memory_space<vmem>>
      %dma_start3A_66 = arith.constant 384 : i32
      %dma_start3A_67 = tpu.memref_slice %arg6[%dma_start3A_59, %dma_start3A_66] : memref<2x1024xi32, #tpu.memory_space<vmem>> -> memref<1x128xi32, #tpu.memory_space<vmem>>
      %dma_start3A_68 = tpu.memref_squeeze %dma_start3A_67 : memref<1x128xi32, #tpu.memory_space<vmem>> -> memref<128xi32, #tpu.memory_space<vmem>>
      %dma_start3A_69 = arith.constant 0 : i32
      %dma_start3A_70 = arith.constant 0 : i32
      %dma_start3A_71 = tpu.memref_slice %arg4[%dma_start3A_69, %dma_start3A_70] : memref<1000000x32xf32, #tpu.memory_space<hbm>> -> memref<1000000x32xf32, #tpu.memory_space<hbm>>
      %dma_start3A_72 = tpu.memref_slice %arg10[%dma_start3A_61] : memref<2x!tpu.dma_semaphore, #tpu.memory_space<semaphore_mem>> -> memref<1x!tpu.dma_semaphore, #tpu.memory_space<semaphore_mem>>
      %dma_start3A_73 = tpu.memref_squeeze %dma_start3A_72 : memref<1x!tpu.dma_semaphore, #tpu.memory_space<semaphore_mem>> -> memref<!tpu.dma_semaphore, #tpu.memory_space<semaphore_mem>>
      tpu.enqueue_indirect_dma source(%dma_start3A_71 : memref<1000000x32xf32, #tpu.memory_space<hbm>>) target(%dma_start3A_65 : memref<128x32xf32, #tpu.memory_space<vmem>>) offsets(%dma_start3A_68 : memref<128xi32, #tpu.memory_space<vmem>>) semaphore(%dma_start3A_73 : memref<!tpu.dma_semaphore, #tpu.memory_space<semaphore_mem>>)
      %dma_start3A_74 = arith.constant 0 : i32
      %dma_start3A_75 = arith.constant 0 : i32
      %dma_start3A_76 = arith.constant 0 : i32
      %dma_start3A_77 = arith.constant 512 : i32
      %dma_start3A_78 = arith.constant 0 : i32
      %dma_start3A_79 = tpu.memref_slice %arg8[%dma_start3A_75, %dma_start3A_77, %dma_start3A_78] : memref<2x1024x32xf32, #tpu.memory_space<vmem>> -> memref<1x128x32xf32, #tpu.memory_space<vmem>>
      %dma_start3A_80 = tpu.memref_squeeze %dma_start3A_79 : memref<1x128x32xf32, #tpu.memory_space<vmem>> -> memref<128x32xf32, #tpu.memory_space<vmem>>
      %dma_start3A_81 = arith.constant 512 : i32
      %dma_start3A_82 = tpu.memref_slice %arg6[%dma_start3A_74, %dma_start3A_81] : memref<2x1024xi32, #tpu.memory_space<vmem>> -> memref<1x128xi32, #tpu.memory_space<vmem>>
      %dma_start3A_83 = tpu.memref_squeeze %dma_start3A_82 : memref<1x128xi32, #tpu.memory_space<vmem>> -> memref<128xi32, #tpu.memory_space<vmem>>
      %dma_start3A_84 = arith.constant 0 : i32
      %dma_start3A_85 = arith.constant 0 : i32
      %dma_start3A_86 = tpu.memref_slice %arg4[%dma_start3A_84, %dma_start3A_85] : memref<1000000x32xf32, #tpu.memory_space<hbm>> -> memref<1000000x32xf32, #tpu.memory_space<hbm>>
      %dma_start3A_87 = tpu.memref_slice %arg10[%dma_start3A_76] : memref<2x!tpu.dma_semaphore, #tpu.memory_space<semaphore_mem>> -> memref<1x!tpu.dma_semaphore, #tpu.memory_space<semaphore_mem>>
      %dma_start3A_88 = tpu.memref_squeeze %dma_start3A_87 : memref<1x!tpu.dma_semaphore, #tpu.memory_space<semaphore_mem>> -> memref<!tpu.dma_semaphore, #tpu.memory_space<semaphore_mem>>
      tpu.enqueue_indirect_dma source(%dma_start3A_86 : memref<1000000x32xf32, #tpu.memory_space<hbm>>) target(%dma_start3A_80 : memref<128x32xf32, #tpu.memory_space<vmem>>) offsets(%dma_start3A_83 : memref<128xi32, #tpu.memory_space<vmem>>) semaphore(%dma_start3A_88 : memref<!tpu.dma_semaphore, #tpu.memory_space<semaphore_mem>>)
      %dma_start3A_89 = arith.constant 0 : i32
      %dma_start3A_90 = arith.constant 0 : i32
      %dma_start3A_91 = arith.constant 0 : i32
      %dma_start3A_92 = arith.constant 640 : i32
      %dma_start3A_93 = arith.constant 0 : i32
      %dma_start3A_94 = tpu.memref_slice %arg8[%dma_start3A_90, %dma_start3A_92, %dma_start3A_93] : memref<2x1024x32xf32, #tpu.memory_space<vmem>> -> memref<1x128x32xf32, #tpu.memory_space<vmem>>
      %dma_start3A_95 = tpu.memref_squeeze %dma_start3A_94 : memref<1x128x32xf32, #tpu.memory_space<vmem>> -> memref<128x32xf32, #tpu.memory_space<vmem>>
      %dma_start3A_96 = arith.constant 640 : i32
      %dma_start3A_97 = tpu.memref_slice %arg6[%dma_start3A_89, %dma_start3A_96] : memref<2x1024xi32, #tpu.memory_space<vmem>> -> memref<1x128xi32, #tpu.memory_space<vmem>>
      %dma_start3A_98 = tpu.memref_squeeze %dma_start3A_97 : memref<1x128xi32, #tpu.memory_space<vmem>> -> memref<128xi32, #tpu.memory_space<vmem>>
      %dma_start3A_99 = arith.constant 0 : i32
      %dma_start3A_100 = arith.constant 0 : i32
      %dma_start3A_101 = tpu.memref_slice %arg4[%dma_start3A_99, %dma_start3A_100] : memref<1000000x32xf32, #tpu.memory_space<hbm>> -> memref<1000000x32xf32, #tpu.memory_space<hbm>>
      %dma_start3A_102 = tpu.memref_slice %arg10[%dma_start3A_91] : memref<2x!tpu.dma_semaphore, #tpu.memory_space<semaphore_mem>> -> memref<1x!tpu.dma_semaphore, #tpu.memory_space<semaphore_mem>>
      %dma_start3A_103 = tpu.memref_squeeze %dma_start3A_102 : memref<1x!tpu.dma_semaphore, #tpu.memory_space<semaphore_mem>> -> memref<!tpu.dma_semaphore, #tpu.memory_space<semaphore_mem>>
      tpu.enqueue_indirect_dma source(%dma_start3A_101 : memref<1000000x32xf32, #tpu.memory_space<hbm>>) target(%dma_start3A_95 : memref<128x32xf32, #tpu.memory_space<vmem>>) offsets(%dma_start3A_98 : memref<128xi32, #tpu.memory_space<vmem>>) semaphore(%dma_start3A_103 : memref<!tpu.dma_semaphore, #tpu.memory_space<semaphore_mem>>)
      %dma_start3A_104 = arith.constant 0 : i32
      %dma_start3A_105 = arith.constant 0 : i32
      %dma_start3A_106 = arith.constant 0 : i32
      %dma_start3A_107 = arith.constant 768 : i32
      %dma_start3A_108 = arith.constant 0 : i32
      %dma_start3A_109 = tpu.memref_slice %arg8[%dma_start3A_105, %dma_start3A_107, %dma_start3A_108] : memref<2x1024x32xf32, #tpu.memory_space<vmem>> -> memref<1x128x32xf32, #tpu.memory_space<vmem>>
      %dma_start3A_110 = tpu.memref_squeeze %dma_start3A_109 : memref<1x128x32xf32, #tpu.memory_space<vmem>> -> memref<128x32xf32, #tpu.memory_space<vmem>>
      %dma_start3A_111 = arith.constant 768 : i32
      %dma_start3A_112 = tpu.memref_slice %arg6[%dma_start3A_104, %dma_start3A_111] : memref<2x1024xi32, #tpu.memory_space<vmem>> -> memref<1x128xi32, #tpu.memory_space<vmem>>
      %dma_start3A_113 = tpu.memref_squeeze %dma_start3A_112 : memref<1x128xi32, #tpu.memory_space<vmem>> -> memref<128xi32, #tpu.memory_space<vmem>>
      %dma_start3A_114 = arith.constant 0 : i32
      %dma_start3A_115 = arith.constant 0 : i32
      %dma_start3A_116 = tpu.memref_slice %arg4[%dma_start3A_114, %dma_start3A_115] : memref<1000000x32xf32, #tpu.memory_space<hbm>> -> memref<1000000x32xf32, #tpu.memory_space<hbm>>
      %dma_start3A_117 = tpu.memref_slice %arg10[%dma_start3A_106] : memref<2x!tpu.dma_semaphore, #tpu.memory_space<semaphore_mem>> -> memref<1x!tpu.dma_semaphore, #tpu.memory_space<semaphore_mem>>
      %dma_start3A_118 = tpu.memref_squeeze %dma_start3A_117 : memref<1x!tpu.dma_semaphore, #tpu.memory_space<semaphore_mem>> -> memref<!tpu.dma_semaphore, #tpu.memory_space<semaphore_mem>>
      tpu.enqueue_indirect_dma source(%dma_start3A_116 : memref<1000000x32xf32, #tpu.memory_space<hbm>>) target(%dma_start3A_110 : memref<128x32xf32, #tpu.memory_space<vmem>>) offsets(%dma_start3A_113 : memref<128xi32, #tpu.memory_space<vmem>>) semaphore(%dma_start3A_118 : memref<!tpu.dma_semaphore, #tpu.memory_space<semaphore_mem>>)
      %dma_start3A_119 = arith.constant 0 : i32
      %dma_start3A_120 = arith.constant 0 : i32
      %dma_start3A_121 = arith.constant 0 : i32
      %dma_start3A_122 = arith.constant 896 : i32
      %dma_start3A_123 = arith.constant 0 : i32
      %dma_start3A_124 = tpu.memref_slice %arg8[%dma_start3A_120, %dma_start3A_122, %dma_start3A_123] : memref<2x1024x32xf32, #tpu.memory_space<vmem>> -> memref<1x128x32xf32, #tpu.memory_space<vmem>>
      %dma_start3A_125 = tpu.memref_squeeze %dma_start3A_124 : memref<1x128x32xf32, #tpu.memory_space<vmem>> -> memref<128x32xf32, #tpu.memory_space<vmem>>
      %dma_start3A_126 = arith.constant 896 : i32
      %dma_start3A_127 = tpu.memref_slice %arg6[%dma_start3A_119, %dma_start3A_126] : memref<2x1024xi32, #tpu.memory_space<vmem>> -> memref<1x128xi32, #tpu.memory_space<vmem>>
      %dma_start3A_128 = tpu.memref_squeeze %dma_start3A_127 : memref<1x128xi32, #tpu.memory_space<vmem>> -> memref<128xi32, #tpu.memory_space<vmem>>
      %dma_start3A_129 = arith.constant 0 : i32
      %dma_start3A_130 = arith.constant 0 : i32
      %dma_start3A_131 = tpu.memref_slice %arg4[%dma_start3A_129, %dma_start3A_130] : memref<1000000x32xf32, #tpu.memory_space<hbm>> -> memref<1000000x32xf32, #tpu.memory_space<hbm>>
      %dma_start3A_132 = tpu.memref_slice %arg10[%dma_start3A_121] : memref<2x!tpu.dma_semaphore, #tpu.memory_space<semaphore_mem>> -> memref<1x!tpu.dma_semaphore, #tpu.memory_space<semaphore_mem>>
      %dma_start3A_133 = tpu.memref_squeeze %dma_start3A_132 : memref<1x!tpu.dma_semaphore, #tpu.memory_space<semaphore_mem>> -> memref<!tpu.dma_semaphore, #tpu.memory_space<semaphore_mem>>
      tpu.enqueue_indirect_dma source(%dma_start3A_131 : memref<1000000x32xf32, #tpu.memory_space<hbm>>) target(%dma_start3A_125 : memref<128x32xf32, #tpu.memory_space<vmem>>) offsets(%dma_start3A_128 : memref<128xi32, #tpu.memory_space<vmem>>) semaphore(%dma_start3A_133 : memref<!tpu.dma_semaphore, #tpu.memory_space<semaphore_mem>>)
      %dma_wait3A = arith.constant 0 : i32
      %dma_wait3A_134 = arith.constant 0 : i32
      %dma_wait3A_135 = arith.constant 0 : i32
      %dma_wait3A_136 = arith.constant 0 : i32
      %dma_wait3A_137 = arith.constant 0 : i32
      %dma_wait3A_138 = tpu.memref_slice %arg8[%dma_wait3A_134, %dma_wait3A_136, %dma_wait3A_137] : memref<2x1024x32xf32, #tpu.memory_space<vmem>> -> memref<1x128x32xf32, #tpu.memory_space<vmem>>
      %dma_wait3A_139 = tpu.memref_squeeze %dma_wait3A_138 : memref<1x128x32xf32, #tpu.memory_space<vmem>> -> memref<128x32xf32, #tpu.memory_space<vmem>>
      %dma_wait3A_140 = arith.constant 0 : i32
      %dma_wait3A_141 = tpu.memref_slice %arg6[%dma_wait3A, %dma_wait3A_140] : memref<2x1024xi32, #tpu.memory_space<vmem>> -> memref<1x128xi32, #tpu.memory_space<vmem>>
      %dma_wait3A_142 = tpu.memref_squeeze %dma_wait3A_141 : memref<1x128xi32, #tpu.memory_space<vmem>> -> memref<128xi32, #tpu.memory_space<vmem>>
      %dma_wait3A_143 = arith.constant 0 : i32
      %dma_wait3A_144 = arith.constant 0 : i32
      %dma_wait3A_145 = tpu.memref_slice %arg4[%dma_wait3A_143, %dma_wait3A_144] : memref<1000000x32xf32, #tpu.memory_space<hbm>> -> memref<1000000x32xf32, #tpu.memory_space<hbm>>
      %dma_wait3A_146 = tpu.memref_slice %arg10[%dma_wait3A_135] : memref<2x!tpu.dma_semaphore, #tpu.memory_space<semaphore_mem>> -> memref<1x!tpu.dma_semaphore, #tpu.memory_space<semaphore_mem>>
      %dma_wait3A_147 = tpu.memref_squeeze %dma_wait3A_146 : memref<1x!tpu.dma_semaphore, #tpu.memory_space<semaphore_mem>> -> memref<!tpu.dma_semaphore, #tpu.memory_space<semaphore_mem>>
      tpu.wait_indirect_dma semaphore(%dma_wait3A_147 : memref<!tpu.dma_semaphore, #tpu.memory_space<semaphore_mem>>) src(%dma_wait3A_145 : memref<1000000x32xf32, #tpu.memory_space<hbm>>) dst(%dma_wait3A_139 : memref<128x32xf32, #tpu.memory_space<vmem>>)
      %dma_wait3A_148 = arith.constant 0 : i32
      %dma_wait3A_149 = arith.constant 0 : i32
      %dma_wait3A_150 = arith.constant 0 : i32
      %dma_wait3A_151 = arith.constant 128 : i32
      %dma_wait3A_152 = arith.constant 0 : i32
      %dma_wait3A_153 = tpu.memref_slice %arg8[%dma_wait3A_149, %dma_wait3A_151, %dma_wait3A_152] : memref<2x1024x32xf32, #tpu.memory_space<vmem>> -> memref<1x128x32xf32, #tpu.memory_space<vmem>>
      %dma_wait3A_154 = tpu.memref_squeeze %dma_wait3A_153 : memref<1x128x32xf32, #tpu.memory_space<vmem>> -> memref<128x32xf32, #tpu.memory_space<vmem>>
      %dma_wait3A_155 = arith.constant 128 : i32
      %dma_wait3A_156 = tpu.memref_slice %arg6[%dma_wait3A_148, %dma_wait3A_155] : memref<2x1024xi32, #tpu.memory_space<vmem>> -> memref<1x128xi32, #tpu.memory_space<vmem>>
      %dma_wait3A_157 = tpu.memref_squeeze %dma_wait3A_156 : memref<1x128xi32, #tpu.memory_space<vmem>> -> memref<128xi32, #tpu.memory_space<vmem>>
      %dma_wait3A_158 = arith.constant 0 : i32
      %dma_wait3A_159 = arith.constant 0 : i32
      %dma_wait3A_160 = tpu.memref_slice %arg4[%dma_wait3A_158, %dma_wait3A_159] : memref<1000000x32xf32, #tpu.memory_space<hbm>> -> memref<1000000x32xf32, #tpu.memory_space<hbm>>
      %dma_wait3A_161 = tpu.memref_slice %arg10[%dma_wait3A_150] : memref<2x!tpu.dma_semaphore, #tpu.memory_space<semaphore_mem>> -> memref<1x!tpu.dma_semaphore, #tpu.memory_space<semaphore_mem>>
      %dma_wait3A_162 = tpu.memref_squeeze %dma_wait3A_161 : memref<1x!tpu.dma_semaphore, #tpu.memory_space<semaphore_mem>> -> memref<!tpu.dma_semaphore, #tpu.memory_space<semaphore_mem>>
      tpu.wait_indirect_dma semaphore(%dma_wait3A_162 : memref<!tpu.dma_semaphore, #tpu.memory_space<semaphore_mem>>) src(%dma_wait3A_160 : memref<1000000x32xf32, #tpu.memory_space<hbm>>) dst(%dma_wait3A_154 : memref<128x32xf32, #tpu.memory_space<vmem>>)
      %dma_wait3A_163 = arith.constant 0 : i32
      %dma_wait3A_164 = arith.constant 0 : i32
      %dma_wait3A_165 = arith.constant 0 : i32
      %dma_wait3A_166 = arith.constant 256 : i32
      %dma_wait3A_167 = arith.constant 0 : i32
      %dma_wait3A_168 = tpu.memref_slice %arg8[%dma_wait3A_164, %dma_wait3A_166, %dma_wait3A_167] : memref<2x1024x32xf32, #tpu.memory_space<vmem>> -> memref<1x128x32xf32, #tpu.memory_space<vmem>>
      %dma_wait3A_169 = tpu.memref_squeeze %dma_wait3A_168 : memref<1x128x32xf32, #tpu.memory_space<vmem>> -> memref<128x32xf32, #tpu.memory_space<vmem>>
      %dma_wait3A_170 = arith.constant 256 : i32
      %dma_wait3A_171 = tpu.memref_slice %arg6[%dma_wait3A_163, %dma_wait3A_170] : memref<2x1024xi32, #tpu.memory_space<vmem>> -> memref<1x128xi32, #tpu.memory_space<vmem>>
      %dma_wait3A_172 = tpu.memref_squeeze %dma_wait3A_171 : memref<1x128xi32, #tpu.memory_space<vmem>> -> memref<128xi32, #tpu.memory_space<vmem>>
      %dma_wait3A_173 = arith.constant 0 : i32
      %dma_wait3A_174 = arith.constant 0 : i32
      %dma_wait3A_175 = tpu.memref_slice %arg4[%dma_wait3A_173, %dma_wait3A_174] : memref<1000000x32xf32, #tpu.memory_space<hbm>> -> memref<1000000x32xf32, #tpu.memory_space<hbm>>
      %dma_wait3A_176 = tpu.memref_slice %arg10[%dma_wait3A_165] : memref<2x!tpu.dma_semaphore, #tpu.memory_space<semaphore_mem>> -> memref<1x!tpu.dma_semaphore, #tpu.memory_space<semaphore_mem>>
      %dma_wait3A_177 = tpu.memref_squeeze %dma_wait3A_176 : memref<1x!tpu.dma_semaphore, #tpu.memory_space<semaphore_mem>> -> memref<!tpu.dma_semaphore, #tpu.memory_space<semaphore_mem>>
      tpu.wait_indirect_dma semaphore(%dma_wait3A_177 : memref<!tpu.dma_semaphore, #tpu.memory_space<semaphore_mem>>) src(%dma_wait3A_175 : memref<1000000x32xf32, #tpu.memory_space<hbm>>) dst(%dma_wait3A_169 : memref<128x32xf32, #tpu.memory_space<vmem>>)
      %dma_wait3A_178 = arith.constant 0 : i32
      %dma_wait3A_179 = arith.constant 0 : i32
      %dma_wait3A_180 = arith.constant 0 : i32
      %dma_wait3A_181 = arith.constant 384 : i32
      %dma_wait3A_182 = arith.constant 0 : i32
      %dma_wait3A_183 = tpu.memref_slice %arg8[%dma_wait3A_179, %dma_wait3A_181, %dma_wait3A_182] : memref<2x1024x32xf32, #tpu.memory_space<vmem>> -> memref<1x128x32xf32, #tpu.memory_space<vmem>>
      %dma_wait3A_184 = tpu.memref_squeeze %dma_wait3A_183 : memref<1x128x32xf32, #tpu.memory_space<vmem>> -> memref<128x32xf32, #tpu.memory_space<vmem>>
      %dma_wait3A_185 = arith.constant 384 : i32
      %dma_wait3A_186 = tpu.memref_slice %arg6[%dma_wait3A_178, %dma_wait3A_185] : memref<2x1024xi32, #tpu.memory_space<vmem>> -> memref<1x128xi32, #tpu.memory_space<vmem>>
      %dma_wait3A_187 = tpu.memref_squeeze %dma_wait3A_186 : memref<1x128xi32, #tpu.memory_space<vmem>> -> memref<128xi32, #tpu.memory_space<vmem>>
      %dma_wait3A_188 = arith.constant 0 : i32
      %dma_wait3A_189 = arith.constant 0 : i32
      %dma_wait3A_190 = tpu.memref_slice %arg4[%dma_wait3A_188, %dma_wait3A_189] : memref<1000000x32xf32, #tpu.memory_space<hbm>> -> memref<1000000x32xf32, #tpu.memory_space<hbm>>
      %dma_wait3A_191 = tpu.memref_slice %arg10[%dma_wait3A_180] : memref<2x!tpu.dma_semaphore, #tpu.memory_space<semaphore_mem>> -> memref<1x!tpu.dma_semaphore, #tpu.memory_space<semaphore_mem>>
      %dma_wait3A_192 = tpu.memref_squeeze %dma_wait3A_191 : memref<1x!tpu.dma_semaphore, #tpu.memory_space<semaphore_mem>> -> memref<!tpu.dma_semaphore, #tpu.memory_space<semaphore_mem>>
      tpu.wait_indirect_dma semaphore(%dma_wait3A_192 : memref<!tpu.dma_semaphore, #tpu.memory_space<semaphore_mem>>) src(%dma_wait3A_190 : memref<1000000x32xf32, #tpu.memory_space<hbm>>) dst(%dma_wait3A_184 : memref<128x32xf32, #tpu.memory_space<vmem>>)
      %dma_wait3A_193 = arith.constant 0 : i32
      %dma_wait3A_194 = arith.constant 0 : i32
      %dma_wait3A_195 = arith.constant 0 : i32
      %dma_wait3A_196 = arith.constant 512 : i32
      %dma_wait3A_197 = arith.constant 0 : i32
      %dma_wait3A_198 = tpu.memref_slice %arg8[%dma_wait3A_194, %dma_wait3A_196, %dma_wait3A_197] : memref<2x1024x32xf32, #tpu.memory_space<vmem>> -> memref<1x128x32xf32, #tpu.memory_space<vmem>>
      %dma_wait3A_199 = tpu.memref_squeeze %dma_wait3A_198 : memref<1x128x32xf32, #tpu.memory_space<vmem>> -> memref<128x32xf32, #tpu.memory_space<vmem>>
      %dma_wait3A_200 = arith.constant 512 : i32
      %dma_wait3A_201 = tpu.memref_slice %arg6[%dma_wait3A_193, %dma_wait3A_200] : memref<2x1024xi32, #tpu.memory_space<vmem>> -> memref<1x128xi32, #tpu.memory_space<vmem>>
      %dma_wait3A_202 = tpu.memref_squeeze %dma_wait3A_201 : memref<1x128xi32, #tpu.memory_space<vmem>> -> memref<128xi32, #tpu.memory_space<vmem>>
      %dma_wait3A_203 = arith.constant 0 : i32
      %dma_wait3A_204 = arith.constant 0 : i32
      %dma_wait3A_205 = tpu.memref_slice %arg4[%dma_wait3A_203, %dma_wait3A_204] : memref<1000000x32xf32, #tpu.memory_space<hbm>> -> memref<1000000x32xf32, #tpu.memory_space<hbm>>
      %dma_wait3A_206 = tpu.memref_slice %arg10[%dma_wait3A_195] : memref<2x!tpu.dma_semaphore, #tpu.memory_space<semaphore_mem>> -> memref<1x!tpu.dma_semaphore, #tpu.memory_space<semaphore_mem>>
      %dma_wait3A_207 = tpu.memref_squeeze %dma_wait3A_206 : memref<1x!tpu.dma_semaphore, #tpu.memory_space<semaphore_mem>> -> memref<!tpu.dma_semaphore, #tpu.memory_space<semaphore_mem>>
      tpu.wait_indirect_dma semaphore(%dma_wait3A_207 : memref<!tpu.dma_semaphore, #tpu.memory_space<semaphore_mem>>) src(%dma_wait3A_205 : memref<1000000x32xf32, #tpu.memory_space<hbm>>) dst(%dma_wait3A_199 : memref<128x32xf32, #tpu.memory_space<vmem>>)
      %dma_wait3A_208 = arith.constant 0 : i32
      %dma_wait3A_209 = arith.constant 0 : i32
      %dma_wait3A_210 = arith.constant 0 : i32
      %dma_wait3A_211 = arith.constant 640 : i32
      %dma_wait3A_212 = arith.constant 0 : i32
      %dma_wait3A_213 = tpu.memref_slice %arg8[%dma_wait3A_209, %dma_wait3A_211, %dma_wait3A_212] : memref<2x1024x32xf32, #tpu.memory_space<vmem>> -> memref<1x128x32xf32, #tpu.memory_space<vmem>>
      %dma_wait3A_214 = tpu.memref_squeeze %dma_wait3A_213 : memref<1x128x32xf32, #tpu.memory_space<vmem>> -> memref<128x32xf32, #tpu.memory_space<vmem>>
      %dma_wait3A_215 = arith.constant 640 : i32
      %dma_wait3A_216 = tpu.memref_slice %arg6[%dma_wait3A_208, %dma_wait3A_215] : memref<2x1024xi32, #tpu.memory_space<vmem>> -> memref<1x128xi32, #tpu.memory_space<vmem>>
      %dma_wait3A_217 = tpu.memref_squeeze %dma_wait3A_216 : memref<1x128xi32, #tpu.memory_space<vmem>> -> memref<128xi32, #tpu.memory_space<vmem>>
      %dma_wait3A_218 = arith.constant 0 : i32
      %dma_wait3A_219 = arith.constant 0 : i32
      %dma_wait3A_220 = tpu.memref_slice %arg4[%dma_wait3A_218, %dma_wait3A_219] : memref<1000000x32xf32, #tpu.memory_space<hbm>> -> memref<1000000x32xf32, #tpu.memory_space<hbm>>
      %dma_wait3A_221 = tpu.memref_slice %arg10[%dma_wait3A_210] : memref<2x!tpu.dma_semaphore, #tpu.memory_space<semaphore_mem>> -> memref<1x!tpu.dma_semaphore, #tpu.memory_space<semaphore_mem>>
      %dma_wait3A_222 = tpu.memref_squeeze %dma_wait3A_221 : memref<1x!tpu.dma_semaphore, #tpu.memory_space<semaphore_mem>> -> memref<!tpu.dma_semaphore, #tpu.memory_space<semaphore_mem>>
      tpu.wait_indirect_dma semaphore(%dma_wait3A_222 : memref<!tpu.dma_semaphore, #tpu.memory_space<semaphore_mem>>) src(%dma_wait3A_220 : memref<1000000x32xf32, #tpu.memory_space<hbm>>) dst(%dma_wait3A_214 : memref<128x32xf32, #tpu.memory_space<vmem>>)
      %dma_wait3A_223 = arith.constant 0 : i32
      %dma_wait3A_224 = arith.constant 0 : i32
      %dma_wait3A_225 = arith.constant 0 : i32
      %dma_wait3A_226 = arith.constant 768 : i32
      %dma_wait3A_227 = arith.constant 0 : i32
      %dma_wait3A_228 = tpu.memref_slice %arg8[%dma_wait3A_224, %dma_wait3A_226, %dma_wait3A_227] : memref<2x1024x32xf32, #tpu.memory_space<vmem>> -> memref<1x128x32xf32, #tpu.memory_space<vmem>>
      %dma_wait3A_229 = tpu.memref_squeeze %dma_wait3A_228 : memref<1x128x32xf32, #tpu.memory_space<vmem>> -> memref<128x32xf32, #tpu.memory_space<vmem>>
      %dma_wait3A_230 = arith.constant 768 : i32
      %dma_wait3A_231 = tpu.memref_slice %arg6[%dma_wait3A_223, %dma_wait3A_230] : memref<2x1024xi32, #tpu.memory_space<vmem>> -> memref<1x128xi32, #tpu.memory_space<vmem>>
      %dma_wait3A_232 = tpu.memref_squeeze %dma_wait3A_231 : memref<1x128xi32, #tpu.memory_space<vmem>> -> memref<128xi32, #tpu.memory_space<vmem>>
      %dma_wait3A_233 = arith.constant 0 : i32
      %dma_wait3A_234 = arith.constant 0 : i32
      %dma_wait3A_235 = tpu.memref_slice %arg4[%dma_wait3A_233, %dma_wait3A_234] : memref<1000000x32xf32, #tpu.memory_space<hbm>> -> memref<1000000x32xf32, #tpu.memory_space<hbm>>
      %dma_wait3A_236 = tpu.memref_slice %arg10[%dma_wait3A_225] : memref<2x!tpu.dma_semaphore, #tpu.memory_space<semaphore_mem>> -> memref<1x!tpu.dma_semaphore, #tpu.memory_space<semaphore_mem>>
      %dma_wait3A_237 = tpu.memref_squeeze %dma_wait3A_236 : memref<1x!tpu.dma_semaphore, #tpu.memory_space<semaphore_mem>> -> memref<!tpu.dma_semaphore, #tpu.memory_space<semaphore_mem>>
      tpu.wait_indirect_dma semaphore(%dma_wait3A_237 : memref<!tpu.dma_semaphore, #tpu.memory_space<semaphore_mem>>) src(%dma_wait3A_235 : memref<1000000x32xf32, #tpu.memory_space<hbm>>) dst(%dma_wait3A_229 : memref<128x32xf32, #tpu.memory_space<vmem>>)
      %dma_wait3A_238 = arith.constant 0 : i32
      %dma_wait3A_239 = arith.constant 0 : i32
      %dma_wait3A_240 = arith.constant 0 : i32
      %dma_wait3A_241 = arith.constant 896 : i32
      %dma_wait3A_242 = arith.constant 0 : i32
      %dma_wait3A_243 = tpu.memref_slice %arg8[%dma_wait3A_239, %dma_wait3A_241, %dma_wait3A_242] : memref<2x1024x32xf32, #tpu.memory_space<vmem>> -> memref<1x128x32xf32, #tpu.memory_space<vmem>>
      %dma_wait3A_244 = tpu.memref_squeeze %dma_wait3A_243 : memref<1x128x32xf32, #tpu.memory_space<vmem>> -> memref<128x32xf32, #tpu.memory_space<vmem>>
      %dma_wait3A_245 = arith.constant 896 : i32
      %dma_wait3A_246 = tpu.memref_slice %arg6[%dma_wait3A_238, %dma_wait3A_245] : memref<2x1024xi32, #tpu.memory_space<vmem>> -> memref<1x128xi32, #tpu.memory_space<vmem>>
      %dma_wait3A_247 = tpu.memref_squeeze %dma_wait3A_246 : memref<1x128xi32, #tpu.memory_space<vmem>> -> memref<128xi32, #tpu.memory_space<vmem>>
      %dma_wait3A_248 = arith.constant 0 : i32
      %dma_wait3A_249 = arith.constant 0 : i32
      %dma_wait3A_250 = tpu.memref_slice %arg4[%dma_wait3A_248, %dma_wait3A_249] : memref<1000000x32xf32, #tpu.memory_space<hbm>> -> memref<1000000x32xf32, #tpu.memory_space<hbm>>
      %dma_wait3A_251 = tpu.memref_slice %arg10[%dma_wait3A_240] : memref<2x!tpu.dma_semaphore, #tpu.memory_space<semaphore_mem>> -> memref<1x!tpu.dma_semaphore, #tpu.memory_space<semaphore_mem>>
      %dma_wait3A_252 = tpu.memref_squeeze %dma_wait3A_251 : memref<1x!tpu.dma_semaphore, #tpu.memory_space<semaphore_mem>> -> memref<!tpu.dma_semaphore, #tpu.memory_space<semaphore_mem>>
      tpu.wait_indirect_dma semaphore(%dma_wait3A_252 : memref<!tpu.dma_semaphore, #tpu.memory_space<semaphore_mem>>) src(%dma_wait3A_250 : memref<1000000x32xf32, #tpu.memory_space<hbm>>) dst(%dma_wait3A_244 : memref<128x32xf32, #tpu.memory_space<vmem>>)
      %mul3A_253 = arith.constant 8 : i32
      %mul3A_254 = arith.muli %scan3A_8, %mul3A_253 : i32
      %add3A_255 = arith.addi %mul3A_2, %mul3A_254 : i32
      %scan3A_256 = arith.constant 0 : i32
      %scan3A_257 = arith.constant 0 : i32
      %scan3A_258 = arith.constant 8 : i32
      %scan3A_259 = arith.addi %scan3A_257, %scan3A_258 : i32
      %scan3A_260 = arith.constant 1 : i32
      scf.for %scan3A_266 = %scan3A_257 to %scan3A_259 step %scan3A_260  : i32 {
        %broadcast_in_dim3A = arith.constant 0.000000e+00 : f32
        %broadcast_in_dim3A_267 = vector.broadcast %broadcast_in_dim3A : f32 to vector<16xf32>
        %broadcast_in_dim3A_268 = arith.constant 0.000000e+00 : f32
        %broadcast_in_dim3A_269 = vector.broadcast %broadcast_in_dim3A_268 : f32 to vector<16xf32>
        %mul3A_270 = arith.constant 128 : i32
        %mul3A_271 = arith.muli %scan3A_266, %mul3A_270 : i32
        %add3A_272 = arith.constant 0 : i32
        %add3A_273 = arith.addi %mul3A_271, %add3A_272 : i32
        %get3A = arith.constant 0 : i32
        %get3A_274 = arith.index_cast %get3A : i32 to index
        %get3A_275 = arith.index_cast %add3A_273 : i32 to index
        %get3A_276 = tpu.vector_load %arg7[%get3A_274, %get3A_275] {strides = array<i32>} : memref<2x1024xf32, #tpu.memory_space<vmem>>, vector<1x16xf32>,
        %get3A_277 = vector.shape_cast %get3A_276 : vector<1x16xf32> to vector<16xf32>
        %mul3A_278 = arith.constant 128 : i32
        %mul3A_279 = arith.muli %scan3A_266, %mul3A_278 : i32
        %add3A_280 = arith.constant 0 : i32
        %add3A_281 = arith.addi %mul3A_279, %add3A_280 : i32
        %add3A_282 = arith.constant 4 : i32
        %add3A_283 = arith.addi %add3A_281, %add3A_282 : i32
        %get3A_284 = arith.constant 0 : i32
        %get3A_285 = arith.index_cast %get3A_284 : i32 to index
        %get3A_286 = arith.index_cast %add3A_283 : i32 to index
        %get3A_287 = tpu.vector_load %arg7[%get3A_285, %get3A_286] {strides = array<i32>} : memref<2x1024xf32, #tpu.memory_space<vmem>>, vector<1x16xf32>,
        %get3A_288 = vector.shape_cast %get3A_287 : vector<1x16xf32> to vector<16xf32>
        %slice3A = vector.extract_strided_slice %get3A_277 {offsets = [0], sizes = [1], strides = [1]} : vector<16xf32> to vector<1xf32>
        %squeeze3A = vector.extract %slice3A[0] : f32 from vector<1xf32>
        %broadcast_in_dim3A_289 = vector.broadcast %squeeze3A : f32 to vector<16xf32>
        %mul3A_290 = arith.constant 128 : i32
        %mul3A_291 = arith.muli %scan3A_266, %mul3A_290 : i32
        %add3A_292 = arith.constant 0 : i32
        %add3A_293 = arith.addi %mul3A_291, %add3A_292 : i32
        %add3A_294 = arith.constant 0 : i32
        %add3A_295 = arith.addi %add3A_293, %add3A_294 : i32
        %get3A_296 = arith.constant 0 : i32
        %get3A_297 = arith.index_cast %get3A_296 : i32 to index
        %get3A_298 = arith.index_cast %add3A_295 : i32 to index
        %get3A_299 = arith.constant 0 : index
        %get3A_300 = tpu.vector_load %arg8[%get3A_297, %get3A_298, %get3A_299] {strides = array<i32>} : memref<2x1024x32xf32, #tpu.memory_space<vmem>>, vector<1x1x16xf32>,
        %get3A_301 = vector.shape_cast %get3A_300 : vector<1x1x16xf32> to vector<16xf32>
        %mul3A_302 = arith.mulf %broadcast_in_dim3A_289, %get3A_301 : vector<16xf32>
        %add3A_303 = arith.addf %broadcast_in_dim3A_267, %mul3A_302 : vector<16xf32>
        %get3A_304 = arith.constant 0 : i32
        %get3A_305 = arith.index_cast %get3A_304 : i32 to index
        %get3A_306 = arith.index_cast %add3A_295 : i32 to index
        %get3A_307 = arith.constant 16 : index
        %get3A_308 = tpu.vector_load %arg8[%get3A_305, %get3A_306, %get3A_307] {strides = array<i32>} : memref<2x1024x32xf32, #tpu.memory_space<vmem>>, vector<1x1x16xf32>,
        %get3A_309 = vector.shape_cast %get3A_308 : vector<1x1x16xf32> to vector<16xf32>
        %mul3A_310 = arith.mulf %broadcast_in_dim3A_289, %get3A_309 : vector<16xf32>
        %add3A_311 = arith.addf %broadcast_in_dim3A_269, %mul3A_310 : vector<16xf32>
        %slice3A_312 = vector.extract_strided_slice %get3A_277 {offsets = [1], sizes = [1], strides = [1]} : vector<16xf32> to vector<1xf32>
        %squeeze3A_313 = vector.extract %slice3A_312[0] : f32 from vector<1xf32>
        %broadcast_in_dim3A_314 = vector.broadcast %squeeze3A_313 : f32 to vector<16xf32>
        %mul3A_315 = arith.constant 128 : i32
        %mul3A_316 = arith.muli %scan3A_266, %mul3A_315 : i32
        %add3A_317 = arith.constant 0 : i32
        %add3A_318 = arith.addi %mul3A_316, %add3A_317 : i32
        %add3A_319 = arith.constant 1 : i32
        %add3A_320 = arith.addi %add3A_318, %add3A_319 : i32
        %get3A_321 = arith.constant 0 : i32
        %get3A_322 = arith.index_cast %get3A_321 : i32 to index
        %get3A_323 = arith.index_cast %add3A_320 : i32 to index
        %get3A_324 = arith.constant 0 : index
        %get3A_325 = tpu.vector_load %arg8[%get3A_322, %get3A_323, %get3A_324] {strides = array<i32>} : memref<2x1024x32xf32, #tpu.memory_space<vmem>>, vector<1x1x16xf32>,
        %get3A_326 = vector.shape_cast %get3A_325 : vector<1x1x16xf32> to vector<16xf32>
        %mul3A_327 = arith.mulf %broadcast_in_dim3A_314, %get3A_326 : vector<16xf32>
        %add3A_328 = arith.addf %add3A_303, %mul3A_327 : vector<16xf32>
        %get3A_329 = arith.constant 0 : i32
        %get3A_330 = arith.index_cast %get3A_329 : i32 to index
        %get3A_331 = arith.index_cast %add3A_320 : i32 to index
        %get3A_332 = arith.constant 16 : index
        %get3A_333 = tpu.vector_load %arg8[%get3A_330, %get3A_331, %get3A_332] {strides = array<i32>} : memref<2x1024x32xf32, #tpu.memory_space<vmem>>, vector<1x1x16xf32>,
        %get3A_334 = vector.shape_cast %get3A_333 : vector<1x1x16xf32> to vector<16xf32>
        %mul3A_335 = arith.mulf %broadcast_in_dim3A_314, %get3A_334 : vector<16xf32>
        %add3A_336 = arith.addf %add3A_311, %mul3A_335 : vector<16xf32>
        %slice3A_337 = vector.extract_strided_slice %get3A_277 {offsets = [2], sizes = [1], strides = [1]} : vector<16xf32> to vector<1xf32>
        %squeeze3A_338 = vector.extract %slice3A_337[0] : f32 from vector<1xf32>
        %broadcast_in_dim3A_339 = vector.broadcast %squeeze3A_338 : f32 to vector<16xf32>
        %mul3A_340 = arith.constant 128 : i32
        %mul3A_341 = arith.muli %scan3A_266, %mul3A_340 : i32
        %add3A_342 = arith.constant 0 : i32
        %add3A_343 = arith.addi %mul3A_341, %add3A_342 : i32
        %add3A_344 = arith.constant 2 : i32
        %add3A_345 = arith.addi %add3A_343, %add3A_344 : i32
        %get3A_346 = arith.constant 0 : i32
        %get3A_347 = arith.index_cast %get3A_346 : i32 to index
        %get3A_348 = arith.index_cast %add3A_345 : i32 to index
        %get3A_349 = arith.constant 0 : index
        %get3A_350 = tpu.vector_load %arg8[%get3A_347, %get3A_348, %get3A_349] {strides = array<i32>} : memref<2x1024x32xf32, #tpu.memory_space<vmem>>, vector<1x1x16xf32>,
        %get3A_351 = vector.shape_cast %get3A_350 : vector<1x1x16xf32> to vector<16xf32>
        %mul3A_352 = arith.mulf %broadcast_in_dim3A_339, %get3A_351 : vector<16xf32>
        %add3A_353 = arith.addf %add3A_328, %mul3A_352 : vector<16xf32>
        %get3A_354 = arith.constant 0 : i32
        %get3A_355 = arith.index_cast %get3A_354 : i32 to index
        %get3A_356 = arith.index_cast %add3A_345 : i32 to index
        %get3A_357 = arith.constant 16 : index
        %get3A_358 = tpu.vector_load %arg8[%get3A_355, %get3A_356, %get3A_357] {strides = array<i32>} : memref<2x1024x32xf32, #tpu.memory_space<vmem>>, vector<1x1x16xf32>,
        %get3A_359 = vector.shape_cast %get3A_358 : vector<1x1x16xf32> to vector<16xf32>
        %mul3A_360 = arith.mulf %broadcast_in_dim3A_339, %get3A_359 : vector<16xf32>
        %add3A_361 = arith.addf %add3A_336, %mul3A_360 : vector<16xf32>
        %slice3A_362 = vector.extract_strided_slice %get3A_277 {offsets = [3], sizes = [1], strides = [1]} : vector<16xf32> to vector<1xf32>
        %squeeze3A_363 = vector.extract %slice3A_362[0] : f32 from vector<1xf32>
        %broadcast_in_dim3A_364 = vector.broadcast %squeeze3A_363 : f32 to vector<16xf32>
        %mul3A_365 = arith.constant 128 : i32
        %mul3A_366 = arith.muli %scan3A_266, %mul3A_365 : i32
        %add3A_367 = arith.constant 0 : i32
        %add3A_368 = arith.addi %mul3A_366, %add3A_367 : i32
        %add3A_369 = arith.constant 3 : i32
        %add3A_370 = arith.addi %add3A_368, %add3A_369 : i32
        %get3A_371 = arith.constant 0 : i32
        %get3A_372 = arith.index_cast %get3A_371 : i32 to index
        %get3A_373 = arith.index_cast %add3A_370 : i32 to index
        %get3A_374 = arith.constant 0 : index
        %get3A_375 = tpu.vector_load %arg8[%get3A_372, %get3A_373, %get3A_374] {strides = array<i32>} : memref<2x1024x32xf32, #tpu.memory_space<vmem>>, vector<1x1x16xf32>,
        %get3A_376 = vector.shape_cast %get3A_375 : vector<1x1x16xf32> to vector<16xf32>
        %mul3A_377 = arith.mulf %broadcast_in_dim3A_364, %get3A_376 : vector<16xf32>
        %add3A_378 = arith.addf %add3A_353, %mul3A_377 : vector<16xf32>
        %get3A_379 = arith.constant 0 : i32
        %get3A_380 = arith.index_cast %get3A_379 : i32 to index
        %get3A_381 = arith.index_cast %add3A_370 : i32 to index
        %get3A_382 = arith.constant 16 : index
        %get3A_383 = tpu.vector_load %arg8[%get3A_380, %get3A_381, %get3A_382] {strides = array<i32>} : memref<2x1024x32xf32, #tpu.memory_space<vmem>>, vector<1x1x16xf32>,
        %get3A_384 = vector.shape_cast %get3A_383 : vector<1x1x16xf32> to vector<16xf32>
        %mul3A_385 = arith.mulf %broadcast_in_dim3A_364, %get3A_384 : vector<16xf32>
        %add3A_386 = arith.addf %add3A_361, %mul3A_385 : vector<16xf32>
        %slice3A_387 = vector.extract_strided_slice %get3A_277 {offsets = [4], sizes = [1], strides = [1]} : vector<16xf32> to vector<1xf32>
        %squeeze3A_388 = vector.extract %slice3A_387[0] : f32 from vector<1xf32>
        %broadcast_in_dim3A_389 = vector.broadcast %squeeze3A_388 : f32 to vector<16xf32>
        %mul3A_390 = arith.constant 128 : i32
        %mul3A_391 = arith.muli %scan3A_266, %mul3A_390 : i32
        %add3A_392 = arith.constant 0 : i32
        %add3A_393 = arith.addi %mul3A_391, %add3A_392 : i32
        %add3A_394 = arith.constant 4 : i32
        %add3A_395 = arith.addi %add3A_393, %add3A_394 : i32
        %get3A_396 = arith.constant 0 : i32
        %get3A_397 = arith.index_cast %get3A_396 : i32 to index
        %get3A_398 = arith.index_cast %add3A_395 : i32 to index
        %get3A_399 = arith.constant 0 : index
        %get3A_400 = tpu.vector_load %arg8[%get3A_397, %get3A_398, %get3A_399] {strides = array<i32>} : memref<2x1024x32xf32, #tpu.memory_space<vmem>>, vector<1x1x16xf32>,
        %get3A_401 = vector.shape_cast %get3A_400 : vector<1x1x16xf32> to vector<16xf32>
        %mul3A_402 = arith.mulf %broadcast_in_dim3A_389, %get3A_401 : vector<16xf32>
        %add3A_403 = arith.addf %add3A_378, %mul3A_402 : vector<16xf32>
        %get3A_404 = arith.constant 0 : i32
        %get3A_405 = arith.index_cast %get3A_404 : i32 to index
        %get3A_406 = arith.index_cast %add3A_395 : i32 to index
        %get3A_407 = arith.constant 16 : index
        %get3A_408 = tpu.vector_load %arg8[%get3A_405, %get3A_406, %get3A_407] {strides = array<i32>} : memref<2x1024x32xf32, #tpu.memory_space<vmem>>, vector<1x1x16xf32>,
        %get3A_409 = vector.shape_cast %get3A_408 : vector<1x1x16xf32> to vector<16xf32>
        %mul3A_410 = arith.mulf %broadcast_in_dim3A_389, %get3A_409 : vector<16xf32>
        %add3A_411 = arith.addf %add3A_386, %mul3A_410 : vector<16xf32>
        %slice3A_412 = vector.extract_strided_slice %get3A_277 {offsets = [5], sizes = [1], strides = [1]} : vector<16xf32> to vector<1xf32>
        %squeeze3A_413 = vector.extract %slice3A_412[0] : f32 from vector<1xf32>
        %broadcast_in_dim3A_414 = vector.broadcast %squeeze3A_413 : f32 to vector<16xf32>
        %mul3A_415 = arith.constant 128 : i32
        %mul3A_416 = arith.muli %scan3A_266, %mul3A_415 : i32
        %add3A_417 = arith.constant 0 : i32
        %add3A_418 = arith.addi %mul3A_416, %add3A_417 : i32
        %add3A_419 = arith.constant 5 : i32
        %add3A_420 = arith.addi %add3A_418, %add3A_419 : i32
        %get3A_421 = arith.constant 0 : i32
        %get3A_422 = arith.index_cast %get3A_421 : i32 to index
        %get3A_423 = arith.index_cast %add3A_420 : i32 to index
        %get3A_424 = arith.constant 0 : index
        %get3A_425 = tpu.vector_load %arg8[%get3A_422, %get3A_423, %get3A_424] {strides = array<i32>} : memref<2x1024x32xf32, #tpu.memory_space<vmem>>, vector<1x1x16xf32>,
        %get3A_426 = vector.shape_cast %get3A_425 : vector<1x1x16xf32> to vector<16xf32>
        %mul3A_427 = arith.mulf %broadcast_in_dim3A_414, %get3A_426 : vector<16xf32>
        %add3A_428 = arith.addf %add3A_403, %mul3A_427 : vector<16xf32>
        %get3A_429 = arith.constant 0 : i32
        %get3A_430 = arith.index_cast %get3A_429 : i32 to index
        %get3A_431 = arith.index_cast %add3A_420 : i32 to index
        %get3A_432 = arith.constant 16 : index
        %get3A_433 = tpu.vector_load %arg8[%get3A_430, %get3A_431, %get3A_432] {strides = array<i32>} : memref<2x1024x32xf32, #tpu.memory_space<vmem>>, vector<1x1x16xf32>,
        %get3A_434 = vector.shape_cast %get3A_433 : vector<1x1x16xf32> to vector<16xf32>
        %mul3A_435 = arith.mulf %broadcast_in_dim3A_414, %get3A_434 : vector<16xf32>
        %add3A_436 = arith.addf %add3A_411, %mul3A_435 : vector<16xf32>
        %slice3A_437 = vector.extract_strided_slice %get3A_277 {offsets = [6], sizes = [1], strides = [1]} : vector<16xf32> to vector<1xf32>
        %squeeze3A_438 = vector.extract %slice3A_437[0] : f32 from vector<1xf32>
        %broadcast_in_dim3A_439 = vector.broadcast %squeeze3A_438 : f32 to vector<16xf32>
        %mul3A_440 = arith.constant 128 : i32
        %mul3A_441 = arith.muli %scan3A_266, %mul3A_440 : i32
        %add3A_442 = arith.constant 0 : i32
        %add3A_443 = arith.addi %mul3A_441, %add3A_442 : i32
        %add3A_444 = arith.constant 6 : i32
        %add3A_445 = arith.addi %add3A_443, %add3A_444 : i32
        %get3A_446 = arith.constant 0 : i32
        %get3A_447 = arith.index_cast %get3A_446 : i32 to index
        %get3A_448 = arith.index_cast %add3A_445 : i32 to index
        %get3A_449 = arith.constant 0 : index
        %get3A_450 = tpu.vector_load %arg8[%get3A_447, %get3A_448, %get3A_449] {strides = array<i32>} : memref<2x1024x32xf32, #tpu.memory_space<vmem>>, vector<1x1x16xf32>,
        %get3A_451 = vector.shape_cast %get3A_450 : vector<1x1x16xf32> to vector<16xf32>
        %mul3A_452 = arith.mulf %broadcast_in_dim3A_439, %get3A_451 : vector<16xf32>
        %add3A_453 = arith.addf %add3A_428, %mul3A_452 : vector<16xf32>
        %get3A_454 = arith.constant 0 : i32
        %get3A_455 = arith.index_cast %get3A_454 : i32 to index
        %get3A_456 = arith.index_cast %add3A_445 : i32 to index
        %get3A_457 = arith.constant 16 : index
        %get3A_458 = tpu.vector_load %arg8[%get3A_455, %get3A_456, %get3A_457] {strides = array<i32>} : memref<2x1024x32xf32, #tpu.memory_space<vmem>>, vector<1x1x16xf32>,
        %get3A_459 = vector.shape_cast %get3A_458 : vector<1x1x16xf32> to vector<16xf32>
        %mul3A_460 = arith.mulf %broadcast_in_dim3A_439, %get3A_459 : vector<16xf32>
        %add3A_461 = arith.addf %add3A_436, %mul3A_460 : vector<16xf32>
        %slice3A_462 = vector.extract_strided_slice %get3A_277 {offsets = [7], sizes = [1], strides = [1]} : vector<16xf32> to vector<1xf32>
        %squeeze3A_463 = vector.extract %slice3A_462[0] : f32 from vector<1xf32>
        %broadcast_in_dim3A_464 = vector.broadcast %squeeze3A_463 : f32 to vector<16xf32>
        %mul3A_465 = arith.constant 128 : i32
        %mul3A_466 = arith.muli %scan3A_266, %mul3A_465 : i32
        %add3A_467 = arith.constant 0 : i32
        %add3A_468 = arith.addi %mul3A_466, %add3A_467 : i32
        %add3A_469 = arith.constant 7 : i32
        %add3A_470 = arith.addi %add3A_468, %add3A_469 : i32
        %get3A_471 = arith.constant 0 : i32
        %get3A_472 = arith.index_cast %get3A_471 : i32 to index
        %get3A_473 = arith.index_cast %add3A_470 : i32 to index
        %get3A_474 = arith.constant 0 : index
        %get3A_475 = tpu.vector_load %arg8[%get3A_472, %get3A_473, %get3A_474] {strides = array<i32>} : memref<2x1024x32xf32, #tpu.memory_space<vmem>>, vector<1x1x16xf32>,
        %get3A_476 = vector.shape_cast %get3A_475 : vector<1x1x16xf32> to vector<16xf32>
        %mul3A_477 = arith.mulf %broadcast_in_dim3A_464, %get3A_476 : vector<16xf32>
        %add3A_478 = arith.addf %add3A_453, %mul3A_477 : vector<16xf32>
        %get3A_479 = arith.constant 0 : i32
        %get3A_480 = arith.index_cast %get3A_479 : i32 to index
        %get3A_481 = arith.index_cast %add3A_470 : i32 to index
        %get3A_482 = arith.constant 16 : index
        %get3A_483 = tpu.vector_load %arg8[%get3A_480, %get3A_481, %get3A_482] {strides = array<i32>} : memref<2x1024x32xf32, #tpu.memory_space<vmem>>, vector<1x1x16xf32>,
        %get3A_484 = vector.shape_cast %get3A_483 : vector<1x1x16xf32> to vector<16xf32>
        %mul3A_485 = arith.mulf %broadcast_in_dim3A_464, %get3A_484 : vector<16xf32>
        %add3A_486 = arith.addf %add3A_461, %mul3A_485 : vector<16xf32>
        %slice3A_487 = vector.extract_strided_slice %get3A_277 {offsets = [8], sizes = [1], strides = [1]} : vector<16xf32> to vector<1xf32>
        %squeeze3A_488 = vector.extract %slice3A_487[0] : f32 from vector<1xf32>
        %broadcast_in_dim3A_489 = vector.broadcast %squeeze3A_488 : f32 to vector<16xf32>
        %mul3A_490 = arith.constant 128 : i32
        %mul3A_491 = arith.muli %scan3A_266, %mul3A_490 : i32
        %add3A_492 = arith.constant 0 : i32
        %add3A_493 = arith.addi %mul3A_491, %add3A_492 : i32
        %add3A_494 = arith.constant 8 : i32
        %add3A_495 = arith.addi %add3A_493, %add3A_494 : i32
        %get3A_496 = arith.constant 0 : i32
        %get3A_497 = arith.index_cast %get3A_496 : i32 to index
        %get3A_498 = arith.index_cast %add3A_495 : i32 to index
        %get3A_499 = arith.constant 0 : index
        %get3A_500 = tpu.vector_load %arg8[%get3A_497, %get3A_498, %get3A_499] {strides = array<i32>} : memref<2x1024x32xf32, #tpu.memory_space<vmem>>, vector<1x1x16xf32>,
        %get3A_501 = vector.shape_cast %get3A_500 : vector<1x1x16xf32> to vector<16xf32>
        %mul3A_502 = arith.mulf %broadcast_in_dim3A_489, %get3A_501 : vector<16xf32>
        %add3A_503 = arith.addf %add3A_478, %mul3A_502 : vector<16xf32>
        %get3A_504 = arith.constant 0 : i32
        %get3A_505 = arith.index_cast %get3A_504 : i32 to index
        %get3A_506 = arith.index_cast %add3A_495 : i32 to index
        %get3A_507 = arith.constant 16 : index
        %get3A_508 = tpu.vector_load %arg8[%get3A_505, %get3A_506, %get3A_507] {strides = array<i32>} : memref<2x1024x32xf32, #tpu.memory_space<vmem>>, vector<1x1x16xf32>,
        %get3A_509 = vector.shape_cast %get3A_508 : vector<1x1x16xf32> to vector<16xf32>
        %mul3A_510 = arith.mulf %broadcast_in_dim3A_489, %get3A_509 : vector<16xf32>
        %add3A_511 = arith.addf %add3A_486, %mul3A_510 : vector<16xf32>
        %slice3A_512 = vector.extract_strided_slice %get3A_277 {offsets = [9], sizes = [1], strides = [1]} : vector<16xf32> to vector<1xf32>
        %squeeze3A_513 = vector.extract %slice3A_512[0] : f32 from vector<1xf32>
        %broadcast_in_dim3A_514 = vector.broadcast %squeeze3A_513 : f32 to vector<16xf32>
        %mul3A_515 = arith.constant 128 : i32
        %mul3A_516 = arith.muli %scan3A_266, %mul3A_515 : i32
        %add3A_517 = arith.constant 0 : i32
        %add3A_518 = arith.addi %mul3A_516, %add3A_517 : i32
        %add3A_519 = arith.constant 9 : i32
        %add3A_520 = arith.addi %add3A_518, %add3A_519 : i32
        %get3A_521 = arith.constant 0 : i32
        %get3A_522 = arith.index_cast %get3A_521 : i32 to index
        %get3A_523 = arith.index_cast %add3A_520 : i32 to index
        %get3A_524 = arith.constant 0 : index
        %get3A_525 = tpu.vector_load %arg8[%get3A_522, %get3A_523, %get3A_524] {strides = array<i32>} : memref<2x1024x32xf32, #tpu.memory_space<vmem>>, vector<1x1x16xf32>,
        %get3A_526 = vector.shape_cast %get3A_525 : vector<1x1x16xf32> to vector<16xf32>
        %mul3A_527 = arith.mulf %broadcast_in_dim3A_514, %get3A_526 : vector<16xf32>
        %add3A_528 = arith.addf %add3A_503, %mul3A_527 : vector<16xf32>
        %get3A_529 = arith.constant 0 : i32
        %get3A_530 = arith.index_cast %get3A_529 : i32 to index
        %get3A_531 = arith.index_cast %add3A_520 : i32 to index
        %get3A_532 = arith.constant 16 : index
        %get3A_533 = tpu.vector_load %arg8[%get3A_530, %get3A_531, %get3A_532] {strides = array<i32>} : memref<2x1024x32xf32, #tpu.memory_space<vmem>>, vector<1x1x16xf32>,
        %get3A_534 = vector.shape_cast %get3A_533 : vector<1x1x16xf32> to vector<16xf32>
        %mul3A_535 = arith.mulf %broadcast_in_dim3A_514, %get3A_534 : vector<16xf32>
        %add3A_536 = arith.addf %add3A_511, %mul3A_535 : vector<16xf32>
        %slice3A_537 = vector.extract_strided_slice %get3A_277 {offsets = [10], sizes = [1], strides = [1]} : vector<16xf32> to vector<1xf32>
        %squeeze3A_538 = vector.extract %slice3A_537[0] : f32 from vector<1xf32>
        %broadcast_in_dim3A_539 = vector.broadcast %squeeze3A_538 : f32 to vector<16xf32>
        %mul3A_540 = arith.constant 128 : i32
        %mul3A_541 = arith.muli %scan3A_266, %mul3A_540 : i32
        %add3A_542 = arith.constant 0 : i32
        %add3A_543 = arith.addi %mul3A_541, %add3A_542 : i32
        %add3A_544 = arith.constant 10 : i32
        %add3A_545 = arith.addi %add3A_543, %add3A_544 : i32
        %get3A_546 = arith.constant 0 : i32
        %get3A_547 = arith.index_cast %get3A_546 : i32 to index
        %get3A_548 = arith.index_cast %add3A_545 : i32 to index
        %get3A_549 = arith.constant 0 : index
        %get3A_550 = tpu.vector_load %arg8[%get3A_547, %get3A_548, %get3A_549] {strides = array<i32>} : memref<2x1024x32xf32, #tpu.memory_space<vmem>>, vector<1x1x16xf32>,
        %get3A_551 = vector.shape_cast %get3A_550 : vector<1x1x16xf32> to vector<16xf32>
        %mul3A_552 = arith.mulf %broadcast_in_dim3A_539, %get3A_551 : vector<16xf32>
        %add3A_553 = arith.addf %add3A_528, %mul3A_552 : vector<16xf32>
        %get3A_554 = arith.constant 0 : i32
        %get3A_555 = arith.index_cast %get3A_554 : i32 to index
        %get3A_556 = arith.index_cast %add3A_545 : i32 to index
        %get3A_557 = arith.constant 16 : index
        %get3A_558 = tpu.vector_load %arg8[%get3A_555, %get3A_556, %get3A_557] {strides = array<i32>} : memref<2x1024x32xf32, #tpu.memory_space<vmem>>, vector<1x1x16xf32>,
        %get3A_559 = vector.shape_cast %get3A_558 : vector<1x1x16xf32> to vector<16xf32>
        %mul3A_560 = arith.mulf %broadcast_in_dim3A_539, %get3A_559 : vector<16xf32>
        %add3A_561 = arith.addf %add3A_536, %mul3A_560 : vector<16xf32>
        %slice3A_562 = vector.extract_strided_slice %get3A_277 {offsets = [11], sizes = [1], strides = [1]} : vector<16xf32> to vector<1xf32>
        %squeeze3A_563 = vector.extract %slice3A_562[0] : f32 from vector<1xf32>
        %broadcast_in_dim3A_564 = vector.broadcast %squeeze3A_563 : f32 to vector<16xf32>
        %mul3A_565 = arith.constant 128 : i32
        %mul3A_566 = arith.muli %scan3A_266, %mul3A_565 : i32
        %add3A_567 = arith.constant 0 : i32
        %add3A_568 = arith.addi %mul3A_566, %add3A_567 : i32
        %add3A_569 = arith.constant 11 : i32
        %add3A_570 = arith.addi %add3A_568, %add3A_569 : i32
        %get3A_571 = arith.constant 0 : i32
        %get3A_572 = arith.index_cast %get3A_571 : i32 to index
        %get3A_573 = arith.index_cast %add3A_570 : i32 to index
        %get3A_574 = arith.constant 0 : index
        %get3A_575 = tpu.vector_load %arg8[%get3A_572, %get3A_573, %get3A_574] {strides = array<i32>} : memref<2x1024x32xf32, #tpu.memory_space<vmem>>, vector<1x1x16xf32>,
        %get3A_576 = vector.shape_cast %get3A_575 : vector<1x1x16xf32> to vector<16xf32>
        %mul3A_577 = arith.mulf %broadcast_in_dim3A_564, %get3A_576 : vector<16xf32>
        %add3A_578 = arith.addf %add3A_553, %mul3A_577 : vector<16xf32>
        %get3A_579 = arith.constant 0 : i32
        %get3A_580 = arith.index_cast %get3A_579 : i32 to index
        %get3A_581 = arith.index_cast %add3A_570 : i32 to index
        %get3A_582 = arith.constant 16 : index
        %get3A_583 = tpu.vector_load %arg8[%get3A_580, %get3A_581, %get3A_582] {strides = array<i32>} : memref<2x1024x32xf32, #tpu.memory_space<vmem>>, vector<1x1x16xf32>,
        %get3A_584 = vector.shape_cast %get3A_583 : vector<1x1x16xf32> to vector<16xf32>
        %mul3A_585 = arith.mulf %broadcast_in_dim3A_564, %get3A_584 : vector<16xf32>
        %add3A_586 = arith.addf %add3A_561, %mul3A_585 : vector<16xf32>
        %slice3A_587 = vector.extract_strided_slice %get3A_277 {offsets = [12], sizes = [1], strides = [1]} : vector<16xf32> to vector<1xf32>
        %squeeze3A_588 = vector.extract %slice3A_587[0] : f32 from vector<1xf32>
        %broadcast_in_dim3A_589 = vector.broadcast %squeeze3A_588 : f32 to vector<16xf32>
        %mul3A_590 = arith.constant 128 : i32
        %mul3A_591 = arith.muli %scan3A_266, %mul3A_590 : i32
        %add3A_592 = arith.constant 0 : i32
        %add3A_593 = arith.addi %mul3A_591, %add3A_592 : i32
        %add3A_594 = arith.constant 12 : i32
        %add3A_595 = arith.addi %add3A_593, %add3A_594 : i32
        %get3A_596 = arith.constant 0 : i32
        %get3A_597 = arith.index_cast %get3A_596 : i32 to index
        %get3A_598 = arith.index_cast %add3A_595 : i32 to index
        %get3A_599 = arith.constant 0 : index
        %get3A_600 = tpu.vector_load %arg8[%get3A_597, %get3A_598, %get3A_599] {strides = array<i32>} : memref<2x1024x32xf32, #tpu.memory_space<vmem>>, vector<1x1x16xf32>,
        %get3A_601 = vector.shape_cast %get3A_600 : vector<1x1x16xf32> to vector<16xf32>
        %mul3A_602 = arith.mulf %broadcast_in_dim3A_589, %get3A_601 : vector<16xf32>
        %add3A_603 = arith.addf %add3A_578, %mul3A_602 : vector<16xf32>
        %get3A_604 = arith.constant 0 : i32
        %get3A_605 = arith.index_cast %get3A_604 : i32 to index
        %get3A_606 = arith.index_cast %add3A_595 : i32 to index
        %get3A_607 = arith.constant 16 : index
        %get3A_608 = tpu.vector_load %arg8[%get3A_605, %get3A_606, %get3A_607] {strides = array<i32>} : memref<2x1024x32xf32, #tpu.memory_space<vmem>>, vector<1x1x16xf32>,
        %get3A_609 = vector.shape_cast %get3A_608 : vector<1x1x16xf32> to vector<16xf32>
        %mul3A_610 = arith.mulf %broadcast_in_dim3A_589, %get3A_609 : vector<16xf32>
        %add3A_611 = arith.addf %add3A_586, %mul3A_610 : vector<16xf32>
        %slice3A_612 = vector.extract_strided_slice %get3A_277 {offsets = [13], sizes = [1], strides = [1]} : vector<16xf32> to vector<1xf32>
        %squeeze3A_613 = vector.extract %slice3A_612[0] : f32 from vector<1xf32>
        %broadcast_in_dim3A_614 = vector.broadcast %squeeze3A_613 : f32 to vector<16xf32>
        %mul3A_615 = arith.constant 128 : i32
        %mul3A_616 = arith.muli %scan3A_266, %mul3A_615 : i32
        %add3A_617 = arith.constant 0 : i32
        %add3A_618 = arith.addi %mul3A_616, %add3A_617 : i32
        %add3A_619 = arith.constant 13 : i32
        %add3A_620 = arith.addi %add3A_618, %add3A_619 : i32
        %get3A_621 = arith.constant 0 : i32
        %get3A_622 = arith.index_cast %get3A_621 : i32 to index
        %get3A_623 = arith.index_cast %add3A_620 : i32 to index
        %get3A_624 = arith.constant 0 : index
        %get3A_625 = tpu.vector_load %arg8[%get3A_622, %get3A_623, %get3A_624] {strides = array<i32>} : memref<2x1024x32xf32, #tpu.memory_space<vmem>>, vector<1x1x16xf32>,
        %get3A_626 = vector.shape_cast %get3A_625 : vector<1x1x16xf32> to vector<16xf32>
        %mul3A_627 = arith.mulf %broadcast_in_dim3A_614, %get3A_626 : vector<16xf32>
        %add3A_628 = arith.addf %add3A_603, %mul3A_627 : vector<16xf32>
        %get3A_629 = arith.constant 0 : i32
        %get3A_630 = arith.index_cast %get3A_629 : i32 to index
        %get3A_631 = arith.index_cast %add3A_620 : i32 to index
        %get3A_632 = arith.constant 16 : index
        %get3A_633 = tpu.vector_load %arg8[%get3A_630, %get3A_631, %get3A_632] {strides = array<i32>} : memref<2x1024x32xf32, #tpu.memory_space<vmem>>, vector<1x1x16xf32>,
        %get3A_634 = vector.shape_cast %get3A_633 : vector<1x1x16xf32> to vector<16xf32>
        %mul3A_635 = arith.mulf %broadcast_in_dim3A_614, %get3A_634 : vector<16xf32>
        %add3A_636 = arith.addf %add3A_611, %mul3A_635 : vector<16xf32>
        %slice3A_637 = vector.extract_strided_slice %get3A_277 {offsets = [14], sizes = [1], strides = [1]} : vector<16xf32> to vector<1xf32>
        %squeeze3A_638 = vector.extract %slice3A_637[0] : f32 from vector<1xf32>
        %broadcast_in_dim3A_639 = vector.broadcast %squeeze3A_638 : f32 to vector<16xf32>
        %mul3A_640 = arith.constant 128 : i32
        %mul3A_641 = arith.muli %scan3A_266, %mul3A_640 : i32
        %add3A_642 = arith.constant 0 : i32
        %add3A_643 = arith.addi %mul3A_641, %add3A_642 : i32
        %add3A_644 = arith.constant 14 : i32
        %add3A_645 = arith.addi %add3A_643, %add3A_644 : i32
        %get3A_646 = arith.constant 0 : i32
        %get3A_647 = arith.index_cast %get3A_646 : i32 to index
        %get3A_648 = arith.index_cast %add3A_645 : i32 to index
        %get3A_649 = arith.constant 0 : index
        %get3A_650 = tpu.vector_load %arg8[%get3A_647, %get3A_648, %get3A_649] {strides = array<i32>} : memref<2x1024x32xf32, #tpu.memory_space<vmem>>, vector<1x1x16xf32>,
        %get3A_651 = vector.shape_cast %get3A_650 : vector<1x1x16xf32> to vector<16xf32>
        %mul3A_652 = arith.mulf %broadcast_in_dim3A_639, %get3A_651 : vector<16xf32>
        %add3A_653 = arith.addf %add3A_628, %mul3A_652 : vector<16xf32>
        %get3A_654 = arith.constant 0 : i32
        %get3A_655 = arith.index_cast %get3A_654 : i32 to index
        %get3A_656 = arith.index_cast %add3A_645 : i32 to index
        %get3A_657 = arith.constant 16 : index
        %get3A_658 = tpu.vector_load %arg8[%get3A_655, %get3A_656, %get3A_657] {strides = array<i32>} : memref<2x1024x32xf32, #tpu.memory_space<vmem>>, vector<1x1x16xf32>,
        %get3A_659 = vector.shape_cast %get3A_658 : vector<1x1x16xf32> to vector<16xf32>
        %mul3A_660 = arith.mulf %broadcast_in_dim3A_639, %get3A_659 : vector<16xf32>
        %add3A_661 = arith.addf %add3A_636, %mul3A_660 : vector<16xf32>
        %slice3A_662 = vector.extract_strided_slice %get3A_277 {offsets = [15], sizes = [1], strides = [1]} : vector<16xf32> to vector<1xf32>
        %squeeze3A_663 = vector.extract %slice3A_662[0] : f32 from vector<1xf32>
        %broadcast_in_dim3A_664 = vector.broadcast %squeeze3A_663 : f32 to vector<16xf32>
        %mul3A_665 = arith.constant 128 : i32
        %mul3A_666 = arith.muli %scan3A_266, %mul3A_665 : i32
        %add3A_667 = arith.constant 0 : i32
        %add3A_668 = arith.addi %mul3A_666, %add3A_667 : i32
        %add3A_669 = arith.constant 15 : i32
        %add3A_670 = arith.addi %add3A_668, %add3A_669 : i32
        %get3A_671 = arith.constant 0 : i32
        %get3A_672 = arith.index_cast %get3A_671 : i32 to index
        %get3A_673 = arith.index_cast %add3A_670 : i32 to index
        %get3A_674 = arith.constant 0 : index
        %get3A_675 = tpu.vector_load %arg8[%get3A_672, %get3A_673, %get3A_674] {strides = array<i32>} : memref<2x1024x32xf32, #tpu.memory_space<vmem>>, vector<1x1x16xf32>,
        %get3A_676 = vector.shape_cast %get3A_675 : vector<1x1x16xf32> to vector<16xf32>
        %mul3A_677 = arith.mulf %broadcast_in_dim3A_664, %get3A_676 : vector<16xf32>
        %add3A_678 = arith.addf %add3A_653, %mul3A_677 : vector<16xf32>
        %get3A_679 = arith.constant 0 : i32
        %get3A_680 = arith.index_cast %get3A_679 : i32 to index
        %get3A_681 = arith.index_cast %add3A_670 : i32 to index
        %get3A_682 = arith.constant 16 : index
        %get3A_683 = tpu.vector_load %arg8[%get3A_680, %get3A_681, %get3A_682] {strides = array<i32>} : memref<2x1024x32xf32, #tpu.memory_space<vmem>>, vector<1x1x16xf32>,
        %get3A_684 = vector.shape_cast %get3A_683 : vector<1x1x16xf32> to vector<16xf32>
        %mul3A_685 = arith.mulf %broadcast_in_dim3A_664, %get3A_684 : vector<16xf32>
        %add3A_686 = arith.addf %add3A_661, %mul3A_685 : vector<16xf32>
        %slice3A_687 = vector.extract_strided_slice %get3A_288 {offsets = [12], sizes = [1], strides = [1]} : vector<16xf32> to vector<1xf32>
        %squeeze3A_688 = vector.extract %slice3A_687[0] : f32 from vector<1xf32>
        %broadcast_in_dim3A_689 = vector.broadcast %squeeze3A_688 : f32 to vector<16xf32>
        %mul3A_690 = arith.constant 128 : i32
        %mul3A_691 = arith.muli %scan3A_266, %mul3A_690 : i32
        %add3A_692 = arith.constant 0 : i32
        %add3A_693 = arith.addi %mul3A_691, %add3A_692 : i32
        %add3A_694 = arith.constant 16 : i32
        %add3A_695 = arith.addi %add3A_693, %add3A_694 : i32
        %get3A_696 = arith.constant 0 : i32
        %get3A_697 = arith.index_cast %get3A_696 : i32 to index
        %get3A_698 = arith.index_cast %add3A_695 : i32 to index
        %get3A_699 = arith.constant 0 : index
        %get3A_700 = tpu.vector_load %arg8[%get3A_697, %get3A_698, %get3A_699] {strides = array<i32>} : memref<2x1024x32xf32, #tpu.memory_space<vmem>>, vector<1x1x16xf32>,
        %get3A_701 = vector.shape_cast %get3A_700 : vector<1x1x16xf32> to vector<16xf32>
        %mul3A_702 = arith.mulf %broadcast_in_dim3A_689, %get3A_701 : vector<16xf32>
        %add3A_703 = arith.addf %add3A_678, %mul3A_702 : vector<16xf32>
        %get3A_704 = arith.constant 0 : i32
        %get3A_705 = arith.index_cast %get3A_704 : i32 to index
        %get3A_706 = arith.index_cast %add3A_695 : i32 to index
        %get3A_707 = arith.constant 16 : index
        %get3A_708 = tpu.vector_load %arg8[%get3A_705, %get3A_706, %get3A_707] {strides = array<i32>} : memref<2x1024x32xf32, #tpu.memory_space<vmem>>, vector<1x1x16xf32>,
        %get3A_709 = vector.shape_cast %get3A_708 : vector<1x1x16xf32> to vector<16xf32>
        %mul3A_710 = arith.mulf %broadcast_in_dim3A_689, %get3A_709 : vector<16xf32>
        %add3A_711 = arith.addf %add3A_686, %mul3A_710 : vector<16xf32>
        %slice3A_712 = vector.extract_strided_slice %get3A_288 {offsets = [13], sizes = [1], strides = [1]} : vector<16xf32> to vector<1xf32>
        %squeeze3A_713 = vector.extract %slice3A_712[0] : f32 from vector<1xf32>
        %broadcast_in_dim3A_714 = vector.broadcast %squeeze3A_713 : f32 to vector<16xf32>
        %mul3A_715 = arith.constant 128 : i32
        %mul3A_716 = arith.muli %scan3A_266, %mul3A_715 : i32
        %add3A_717 = arith.constant 0 : i32
        %add3A_718 = arith.addi %mul3A_716, %add3A_717 : i32
        %add3A_719 = arith.constant 17 : i32
        %add3A_720 = arith.addi %add3A_718, %add3A_719 : i32
        %get3A_721 = arith.constant 0 : i32
        %get3A_722 = arith.index_cast %get3A_721 : i32 to index
        %get3A_723 = arith.index_cast %add3A_720 : i32 to index
        %get3A_724 = arith.constant 0 : index
        %get3A_725 = tpu.vector_load %arg8[%get3A_722, %get3A_723, %get3A_724] {strides = array<i32>} : memref<2x1024x32xf32, #tpu.memory_space<vmem>>, vector<1x1x16xf32>,
        %get3A_726 = vector.shape_cast %get3A_725 : vector<1x1x16xf32> to vector<16xf32>
        %mul3A_727 = arith.mulf %broadcast_in_dim3A_714, %get3A_726 : vector<16xf32>
        %add3A_728 = arith.addf %add3A_703, %mul3A_727 : vector<16xf32>
        %get3A_729 = arith.constant 0 : i32
        %get3A_730 = arith.index_cast %get3A_729 : i32 to index
        %get3A_731 = arith.index_cast %add3A_720 : i32 to index
        %get3A_732 = arith.constant 16 : index
        %get3A_733 = tpu.vector_load %arg8[%get3A_730, %get3A_731, %get3A_732] {strides = array<i32>} : memref<2x1024x32xf32, #tpu.memory_space<vmem>>, vector<1x1x16xf32>,
        %get3A_734 = vector.shape_cast %get3A_733 : vector<1x1x16xf32> to vector<16xf32>
        %mul3A_735 = arith.mulf %broadcast_in_dim3A_714, %get3A_734 : vector<16xf32>
        %add3A_736 = arith.addf %add3A_711, %mul3A_735 : vector<16xf32>
        %slice3A_737 = vector.extract_strided_slice %get3A_288 {offsets = [14], sizes = [1], strides = [1]} : vector<16xf32> to vector<1xf32>
        %squeeze3A_738 = vector.extract %slice3A_737[0] : f32 from vector<1xf32>
        %broadcast_in_dim3A_739 = vector.broadcast %squeeze3A_738 : f32 to vector<16xf32>
        %mul3A_740 = arith.constant 128 : i32
        %mul3A_741 = arith.muli %scan3A_266, %mul3A_740 : i32
        %add3A_742 = arith.constant 0 : i32
        %add3A_743 = arith.addi %mul3A_741, %add3A_742 : i32
        %add3A_744 = arith.constant 18 : i32
        %add3A_745 = arith.addi %add3A_743, %add3A_744 : i32
        %get3A_746 = arith.constant 0 : i32
        %get3A_747 = arith.index_cast %get3A_746 : i32 to index
        %get3A_748 = arith.index_cast %add3A_745 : i32 to index
        %get3A_749 = arith.constant 0 : index
        %get3A_750 = tpu.vector_load %arg8[%get3A_747, %get3A_748, %get3A_749] {strides = array<i32>} : memref<2x1024x32xf32, #tpu.memory_space<vmem>>, vector<1x1x16xf32>,
        %get3A_751 = vector.shape_cast %get3A_750 : vector<1x1x16xf32> to vector<16xf32>
        %mul3A_752 = arith.mulf %broadcast_in_dim3A_739, %get3A_751 : vector<16xf32>
        %add3A_753 = arith.addf %add3A_728, %mul3A_752 : vector<16xf32>
        %get3A_754 = arith.constant 0 : i32
        %get3A_755 = arith.index_cast %get3A_754 : i32 to index
        %get3A_756 = arith.index_cast %add3A_745 : i32 to index
        %get3A_757 = arith.constant 16 : index
        %get3A_758 = tpu.vector_load %arg8[%get3A_755, %get3A_756, %get3A_757] {strides = array<i32>} : memref<2x1024x32xf32, #tpu.memory_space<vmem>>, vector<1x1x16xf32>,
        %get3A_759 = vector.shape_cast %get3A_758 : vector<1x1x16xf32> to vector<16xf32>
        %mul3A_760 = arith.mulf %broadcast_in_dim3A_739, %get3A_759 : vector<16xf32>
        %add3A_761 = arith.addf %add3A_736, %mul3A_760 : vector<16xf32>
        %slice3A_762 = vector.extract_strided_slice %get3A_288 {offsets = [15], sizes = [1], strides = [1]} : vector<16xf32> to vector<1xf32>
        %squeeze3A_763 = vector.extract %slice3A_762[0] : f32 from vector<1xf32>
        %broadcast_in_dim3A_764 = vector.broadcast %squeeze3A_763 : f32 to vector<16xf32>
        %mul3A_765 = arith.constant 128 : i32
        %mul3A_766 = arith.muli %scan3A_266, %mul3A_765 : i32
        %add3A_767 = arith.constant 0 : i32
        %add3A_768 = arith.addi %mul3A_766, %add3A_767 : i32
        %add3A_769 = arith.constant 19 : i32
        %add3A_770 = arith.addi %add3A_768, %add3A_769 : i32
        %get3A_771 = arith.constant 0 : i32
        %get3A_772 = arith.index_cast %get3A_771 : i32 to index
        %get3A_773 = arith.index_cast %add3A_770 : i32 to index
        %get3A_774 = arith.constant 0 : index
        %get3A_775 = tpu.vector_load %arg8[%get3A_772, %get3A_773, %get3A_774] {strides = array<i32>} : memref<2x1024x32xf32, #tpu.memory_space<vmem>>, vector<1x1x16xf32>,
        %get3A_776 = vector.shape_cast %get3A_775 : vector<1x1x16xf32> to vector<16xf32>
        %mul3A_777 = arith.mulf %broadcast_in_dim3A_764, %get3A_776 : vector<16xf32>
        %add3A_778 = arith.addf %add3A_753, %mul3A_777 : vector<16xf32>
        %get3A_779 = arith.constant 0 : i32
        %get3A_780 = arith.index_cast %get3A_779 : i32 to index
        %get3A_781 = arith.index_cast %add3A_770 : i32 to index
        %get3A_782 = arith.constant 16 : index
        %get3A_783 = tpu.vector_load %arg8[%get3A_780, %get3A_781, %get3A_782] {strides = array<i32>} : memref<2x1024x32xf32, #tpu.memory_space<vmem>>, vector<1x1x16xf32>,
        %get3A_784 = vector.shape_cast %get3A_783 : vector<1x1x16xf32> to vector<16xf32>
        %mul3A_785 = arith.mulf %broadcast_in_dim3A_764, %get3A_784 : vector<16xf32>
        %add3A_786 = arith.addf %add3A_761, %mul3A_785 : vector<16xf32>
        %swap3A = arith.constant 0 : i32
        %swap3A_787 = arith.index_cast %swap3A : i32 to index
        %swap3A_788 = arith.index_cast %scan3A_266 : i32 to index
        %swap3A_789 = arith.constant 0 : index
        %swap3A_790 = tpu.vector_load %arg9[%swap3A_787, %swap3A_788, %swap3A_789] {strides = array<i32>} : memref<2x8x96xf32, #tpu.memory_space<vmem>>, vector<1x1x16xf32>,
        %swap3A_791 = vector.shape_cast %swap3A_790 : vector<1x1x16xf32> to vector<16xf32>
        %swap3A_792 = vector.shape_cast %add3A_778 : vector<16xf32> to vector<1x1x16xf32>
        tpu.vector_store %arg9[%swap3A_787, %swap3A_788, %swap3A_789], %swap3A_792 {strides = array<i32>} : memref<2x8x96xf32, #tpu.memory_space<vmem>>, vector<1x1x16xf32>,
        %swap3A_793 = arith.constant 0 : i32
        %swap3A_794 = arith.index_cast %swap3A_793 : i32 to index
        %swap3A_795 = arith.index_cast %scan3A_266 : i32 to index
        %swap3A_796 = arith.constant 16 : index
        %swap3A_797 = tpu.vector_load %arg9[%swap3A_794, %swap3A_795, %swap3A_796] {strides = array<i32>} : memref<2x8x96xf32, #tpu.memory_space<vmem>>, vector<1x1x16xf32>,
        %swap3A_798 = vector.shape_cast %swap3A_797 : vector<1x1x16xf32> to vector<16xf32>
        %swap3A_799 = vector.shape_cast %add3A_786 : vector<16xf32> to vector<1x1x16xf32>
        tpu.vector_store %arg9[%swap3A_794, %swap3A_795, %swap3A_796], %swap3A_799 {strides = array<i32>} : memref<2x8x96xf32, #tpu.memory_space<vmem>>, vector<1x1x16xf32>,
        %broadcast_in_dim3A_800 = arith.constant 0.000000e+00 : f32
        %broadcast_in_dim3A_801 = vector.broadcast %broadcast_in_dim3A_800 : f32 to vector<16xf32>
        %broadcast_in_dim3A_802 = arith.constant 0.000000e+00 : f32
        %broadcast_in_dim3A_803 = vector.broadcast %broadcast_in_dim3A_802 : f32 to vector<16xf32>
        %mul3A_804 = arith.constant 128 : i32
        %mul3A_805 = arith.muli %scan3A_266, %mul3A_804 : i32
        %add3A_806 = arith.constant 20 : i32
        %add3A_807 = arith.addi %mul3A_805, %add3A_806 : i32
        %get3A_808 = arith.constant 0 : i32
        %get3A_809 = arith.index_cast %get3A_808 : i32 to index
        %get3A_810 = arith.index_cast %add3A_807 : i32 to index
        %get3A_811 = tpu.vector_load %arg7[%get3A_809, %get3A_810] {strides = array<i32>} : memref<2x1024xf32, #tpu.memory_space<vmem>>, vector<1x16xf32>,
        %get3A_812 = vector.shape_cast %get3A_811 : vector<1x16xf32> to vector<16xf32>
        %mul3A_813 = arith.constant 128 : i32
        %mul3A_814 = arith.muli %scan3A_266, %mul3A_813 : i32
        %add3A_815 = arith.constant 20 : i32
        %add3A_816 = arith.addi %mul3A_814, %add3A_815 : i32
        %add3A_817 = arith.constant 4 : i32
        %add3A_818 = arith.addi %add3A_816, %add3A_817 : i32
        %get3A_819 = arith.constant 0 : i32
        %get3A_820 = arith.index_cast %get3A_819 : i32 to index
        %get3A_821 = arith.index_cast %add3A_818 : i32 to index
        %get3A_822 = tpu.vector_load %arg7[%get3A_820, %get3A_821] {strides = array<i32>} : memref<2x1024xf32, #tpu.memory_space<vmem>>, vector<1x16xf32>,
        %get3A_823 = vector.shape_cast %get3A_822 : vector<1x16xf32> to vector<16xf32>
        %slice3A_824 = vector.extract_strided_slice %get3A_812 {offsets = [0], sizes = [1], strides = [1]} : vector<16xf32> to vector<1xf32>
        %squeeze3A_825 = vector.extract %slice3A_824[0] : f32 from vector<1xf32>
        %broadcast_in_dim3A_826 = vector.broadcast %squeeze3A_825 : f32 to vector<16xf32>
        %mul3A_827 = arith.constant 128 : i32
        %mul3A_828 = arith.muli %scan3A_266, %mul3A_827 : i32
        %add3A_829 = arith.constant 20 : i32
        %add3A_830 = arith.addi %mul3A_828, %add3A_829 : i32
        %add3A_831 = arith.constant 0 : i32
        %add3A_832 = arith.addi %add3A_830, %add3A_831 : i32
        %get3A_833 = arith.constant 0 : i32
        %get3A_834 = arith.index_cast %get3A_833 : i32 to index
        %get3A_835 = arith.index_cast %add3A_832 : i32 to index
        %get3A_836 = arith.constant 0 : index
        %get3A_837 = tpu.vector_load %arg8[%get3A_834, %get3A_835, %get3A_836] {strides = array<i32>} : memref<2x1024x32xf32, #tpu.memory_space<vmem>>, vector<1x1x16xf32>,
        %get3A_838 = vector.shape_cast %get3A_837 : vector<1x1x16xf32> to vector<16xf32>
        %mul3A_839 = arith.mulf %broadcast_in_dim3A_826, %get3A_838 : vector<16xf32>
        %add3A_840 = arith.addf %broadcast_in_dim3A_801, %mul3A_839 : vector<16xf32>
        %get3A_841 = arith.constant 0 : i32
        %get3A_842 = arith.index_cast %get3A_841 : i32 to index
        %get3A_843 = arith.index_cast %add3A_832 : i32 to index
        %get3A_844 = arith.constant 16 : index
        %get3A_845 = tpu.vector_load %arg8[%get3A_842, %get3A_843, %get3A_844] {strides = array<i32>} : memref<2x1024x32xf32, #tpu.memory_space<vmem>>, vector<1x1x16xf32>,
        %get3A_846 = vector.shape_cast %get3A_845 : vector<1x1x16xf32> to vector<16xf32>
        %mul3A_847 = arith.mulf %broadcast_in_dim3A_826, %get3A_846 : vector<16xf32>
        %add3A_848 = arith.addf %broadcast_in_dim3A_803, %mul3A_847 : vector<16xf32>
        %slice3A_849 = vector.extract_strided_slice %get3A_812 {offsets = [1], sizes = [1], strides = [1]} : vector<16xf32> to vector<1xf32>
        %squeeze3A_850 = vector.extract %slice3A_849[0] : f32 from vector<1xf32>
        %broadcast_in_dim3A_851 = vector.broadcast %squeeze3A_850 : f32 to vector<16xf32>
        %mul3A_852 = arith.constant 128 : i32
        %mul3A_853 = arith.muli %scan3A_266, %mul3A_852 : i32
        %add3A_854 = arith.constant 20 : i32
        %add3A_855 = arith.addi %mul3A_853, %add3A_854 : i32
        %add3A_856 = arith.constant 1 : i32
        %add3A_857 = arith.addi %add3A_855, %add3A_856 : i32
        %get3A_858 = arith.constant 0 : i32
        %get3A_859 = arith.index_cast %get3A_858 : i32 to index
        %get3A_860 = arith.index_cast %add3A_857 : i32 to index
        %get3A_861 = arith.constant 0 : index
        %get3A_862 = tpu.vector_load %arg8[%get3A_859, %get3A_860, %get3A_861] {strides = array<i32>} : memref<2x1024x32xf32, #tpu.memory_space<vmem>>, vector<1x1x16xf32>,
        %get3A_863 = vector.shape_cast %get3A_862 : vector<1x1x16xf32> to vector<16xf32>
        %mul3A_864 = arith.mulf %broadcast_in_dim3A_851, %get3A_863 : vector<16xf32>
        %add3A_865 = arith.addf %add3A_840, %mul3A_864 : vector<16xf32>
        %get3A_866 = arith.constant 0 : i32
        %get3A_867 = arith.index_cast %get3A_866 : i32 to index
        %get3A_868 = arith.index_cast %add3A_857 : i32 to index
        %get3A_869 = arith.constant 16 : index
        %get3A_870 = tpu.vector_load %arg8[%get3A_867, %get3A_868, %get3A_869] {strides = array<i32>} : memref<2x1024x32xf32, #tpu.memory_space<vmem>>, vector<1x1x16xf32>,
        %get3A_871 = vector.shape_cast %get3A_870 : vector<1x1x16xf32> to vector<16xf32>
        %mul3A_872 = arith.mulf %broadcast_in_dim3A_851, %get3A_871 : vector<16xf32>
        %add3A_873 = arith.addf %add3A_848, %mul3A_872 : vector<16xf32>
        %slice3A_874 = vector.extract_strided_slice %get3A_812 {offsets = [2], sizes = [1], strides = [1]} : vector<16xf32> to vector<1xf32>
        %squeeze3A_875 = vector.extract %slice3A_874[0] : f32 from vector<1xf32>
        %broadcast_in_dim3A_876 = vector.broadcast %squeeze3A_875 : f32 to vector<16xf32>
        %mul3A_877 = arith.constant 128 : i32
        %mul3A_878 = arith.muli %scan3A_266, %mul3A_877 : i32
        %add3A_879 = arith.constant 20 : i32
        %add3A_880 = arith.addi %mul3A_878, %add3A_879 : i32
        %add3A_881 = arith.constant 2 : i32
        %add3A_882 = arith.addi %add3A_880, %add3A_881 : i32
        %get3A_883 = arith.constant 0 : i32
        %get3A_884 = arith.index_cast %get3A_883 : i32 to index
        %get3A_885 = arith.index_cast %add3A_882 : i32 to index
        %get3A_886 = arith.constant 0 : index
        %get3A_887 = tpu.vector_load %arg8[%get3A_884, %get3A_885, %get3A_886] {strides = array<i32>} : memref<2x1024x32xf32, #tpu.memory_space<vmem>>, vector<1x1x16xf32>,
        %get3A_888 = vector.shape_cast %get3A_887 : vector<1x1x16xf32> to vector<16xf32>
        %mul3A_889 = arith.mulf %broadcast_in_dim3A_876, %get3A_888 : vector<16xf32>
        %add3A_890 = arith.addf %add3A_865, %mul3A_889 : vector<16xf32>
        %get3A_891 = arith.constant 0 : i32
        %get3A_892 = arith.index_cast %get3A_891 : i32 to index
        %get3A_893 = arith.index_cast %add3A_882 : i32 to index
        %get3A_894 = arith.constant 16 : index
        %get3A_895 = tpu.vector_load %arg8[%get3A_892, %get3A_893, %get3A_894] {strides = array<i32>} : memref<2x1024x32xf32, #tpu.memory_space<vmem>>, vector<1x1x16xf32>,
        %get3A_896 = vector.shape_cast %get3A_895 : vector<1x1x16xf32> to vector<16xf32>
        %mul3A_897 = arith.mulf %broadcast_in_dim3A_876, %get3A_896 : vector<16xf32>
        %add3A_898 = arith.addf %add3A_873, %mul3A_897 : vector<16xf32>
        %slice3A_899 = vector.extract_strided_slice %get3A_812 {offsets = [3], sizes = [1], strides = [1]} : vector<16xf32> to vector<1xf32>
        %squeeze3A_900 = vector.extract %slice3A_899[0] : f32 from vector<1xf32>
        %broadcast_in_dim3A_901 = vector.broadcast %squeeze3A_900 : f32 to vector<16xf32>
        %mul3A_902 = arith.constant 128 : i32
        %mul3A_903 = arith.muli %scan3A_266, %mul3A_902 : i32
        %add3A_904 = arith.constant 20 : i32
        %add3A_905 = arith.addi %mul3A_903, %add3A_904 : i32
        %add3A_906 = arith.constant 3 : i32
        %add3A_907 = arith.addi %add3A_905, %add3A_906 : i32
        %get3A_908 = arith.constant 0 : i32
        %get3A_909 = arith.index_cast %get3A_908 : i32 to index
        %get3A_910 = arith.index_cast %add3A_907 : i32 to index
        %get3A_911 = arith.constant 0 : index
        %get3A_912 = tpu.vector_load %arg8[%get3A_909, %get3A_910, %get3A_911] {strides = array<i32>} : memref<2x1024x32xf32, #tpu.memory_space<vmem>>, vector<1x1x16xf32>,
        %get3A_913 = vector.shape_cast %get3A_912 : vector<1x1x16xf32> to vector<16xf32>
        %mul3A_914 = arith.mulf %broadcast_in_dim3A_901, %get3A_913 : vector<16xf32>
        %add3A_915 = arith.addf %add3A_890, %mul3A_914 : vector<16xf32>
        %get3A_916 = arith.constant 0 : i32
        %get3A_917 = arith.index_cast %get3A_916 : i32 to index
        %get3A_918 = arith.index_cast %add3A_907 : i32 to index
        %get3A_919 = arith.constant 16 : index
        %get3A_920 = tpu.vector_load %arg8[%get3A_917, %get3A_918, %get3A_919] {strides = array<i32>} : memref<2x1024x32xf32, #tpu.memory_space<vmem>>, vector<1x1x16xf32>,
        %get3A_921 = vector.shape_cast %get3A_920 : vector<1x1x16xf32> to vector<16xf32>
        %mul3A_922 = arith.mulf %broadcast_in_dim3A_901, %get3A_921 : vector<16xf32>
        %add3A_923 = arith.addf %add3A_898, %mul3A_922 : vector<16xf32>
        %slice3A_924 = vector.extract_strided_slice %get3A_812 {offsets = [4], sizes = [1], strides = [1]} : vector<16xf32> to vector<1xf32>
        %squeeze3A_925 = vector.extract %slice3A_924[0] : f32 from vector<1xf32>
        %broadcast_in_dim3A_926 = vector.broadcast %squeeze3A_925 : f32 to vector<16xf32>
        %mul3A_927 = arith.constant 128 : i32
        %mul3A_928 = arith.muli %scan3A_266, %mul3A_927 : i32
        %add3A_929 = arith.constant 20 : i32
        %add3A_930 = arith.addi %mul3A_928, %add3A_929 : i32
        %add3A_931 = arith.constant 4 : i32
        %add3A_932 = arith.addi %add3A_930, %add3A_931 : i32
        %get3A_933 = arith.constant 0 : i32
        %get3A_934 = arith.index_cast %get3A_933 : i32 to index
        %get3A_935 = arith.index_cast %add3A_932 : i32 to index
        %get3A_936 = arith.constant 0 : index
        %get3A_937 = tpu.vector_load %arg8[%get3A_934, %get3A_935, %get3A_936] {strides = array<i32>} : memref<2x1024x32xf32, #tpu.memory_space<vmem>>, vector<1x1x16xf32>,
        %get3A_938 = vector.shape_cast %get3A_937 : vector<1x1x16xf32> to vector<16xf32>
        %mul3A_939 = arith.mulf %broadcast_in_dim3A_926, %get3A_938 : vector<16xf32>
        %add3A_940 = arith.addf %add3A_915, %mul3A_939 : vector<16xf32>
        %get3A_941 = arith.constant 0 : i32
        %get3A_942 = arith.index_cast %get3A_941 : i32 to index
        %get3A_943 = arith.index_cast %add3A_932 : i32 to index
        %get3A_944 = arith.constant 16 : index
        %get3A_945 = tpu.vector_load %arg8[%get3A_942, %get3A_943, %get3A_944] {strides = array<i32>} : memref<2x1024x32xf32, #tpu.memory_space<vmem>>, vector<1x1x16xf32>,
        %get3A_946 = vector.shape_cast %get3A_945 : vector<1x1x16xf32> to vector<16xf32>
        %mul3A_947 = arith.mulf %broadcast_in_dim3A_926, %get3A_946 : vector<16xf32>
        %add3A_948 = arith.addf %add3A_923, %mul3A_947 : vector<16xf32>
        %slice3A_949 = vector.extract_strided_slice %get3A_812 {offsets = [5], sizes = [1], strides = [1]} : vector<16xf32> to vector<1xf32>
        %squeeze3A_950 = vector.extract %slice3A_949[0] : f32 from vector<1xf32>
        %broadcast_in_dim3A_951 = vector.broadcast %squeeze3A_950 : f32 to vector<16xf32>
        %mul3A_952 = arith.constant 128 : i32
        %mul3A_953 = arith.muli %scan3A_266, %mul3A_952 : i32
        %add3A_954 = arith.constant 20 : i32
        %add3A_955 = arith.addi %mul3A_953, %add3A_954 : i32
        %add3A_956 = arith.constant 5 : i32
        %add3A_957 = arith.addi %add3A_955, %add3A_956 : i32
        %get3A_958 = arith.constant 0 : i32
        %get3A_959 = arith.index_cast %get3A_958 : i32 to index
        %get3A_960 = arith.index_cast %add3A_957 : i32 to index
        %get3A_961 = arith.constant 0 : index
        %get3A_962 = tpu.vector_load %arg8[%get3A_959, %get3A_960, %get3A_961] {strides = array<i32>} : memref<2x1024x32xf32, #tpu.memory_space<vmem>>, vector<1x1x16xf32>,
        %get3A_963 = vector.shape_cast %get3A_962 : vector<1x1x16xf32> to vector<16xf32>
        %mul3A_964 = arith.mulf %broadcast_in_dim3A_951, %get3A_963 : vector<16xf32>
        %add3A_965 = arith.addf %add3A_940, %mul3A_964 : vector<16xf32>
        %get3A_966 = arith.constant 0 : i32
        %get3A_967 = arith.index_cast %get3A_966 : i32 to index
        %get3A_968 = arith.index_cast %add3A_957 : i32 to index
        %get3A_969 = arith.constant 16 : index
        %get3A_970 = tpu.vector_load %arg8[%get3A_967, %get3A_968, %get3A_969] {strides = array<i32>} : memref<2x1024x32xf32, #tpu.memory_space<vmem>>, vector<1x1x16xf32>,
        %get3A_971 = vector.shape_cast %get3A_970 : vector<1x1x16xf32> to vector<16xf32>
        %mul3A_972 = arith.mulf %broadcast_in_dim3A_951, %get3A_971 : vector<16xf32>
        %add3A_973 = arith.addf %add3A_948, %mul3A_972 : vector<16xf32>
        %slice3A_974 = vector.extract_strided_slice %get3A_812 {offsets = [6], sizes = [1], strides = [1]} : vector<16xf32> to vector<1xf32>
        %squeeze3A_975 = vector.extract %slice3A_974[0] : f32 from vector<1xf32>
        %broadcast_in_dim3A_976 = vector.broadcast %squeeze3A_975 : f32 to vector<16xf32>
        %mul3A_977 = arith.constant 128 : i32
        %mul3A_978 = arith.muli %scan3A_266, %mul3A_977 : i32
        %add3A_979 = arith.constant 20 : i32
        %add3A_980 = arith.addi %mul3A_978, %add3A_979 : i32
        %add3A_981 = arith.constant 6 : i32
        %add3A_982 = arith.addi %add3A_980, %add3A_981 : i32
        %get3A_983 = arith.constant 0 : i32
        %get3A_984 = arith.index_cast %get3A_983 : i32 to index
        %get3A_985 = arith.index_cast %add3A_982 : i32 to index
        %get3A_986 = arith.constant 0 : index
        %get3A_987 = tpu.vector_load %arg8[%get3A_984, %get3A_985, %get3A_986] {strides = array<i32>} : memref<2x1024x32xf32, #tpu.memory_space<vmem>>, vector<1x1x16xf32>,
        %get3A_988 = vector.shape_cast %get3A_987 : vector<1x1x16xf32> to vector<16xf32>
        %mul3A_989 = arith.mulf %broadcast_in_dim3A_976, %get3A_988 : vector<16xf32>
        %add3A_990 = arith.addf %add3A_965, %mul3A_989 : vector<16xf32>
        %get3A_991 = arith.constant 0 : i32
        %get3A_992 = arith.index_cast %get3A_991 : i32 to index
        %get3A_993 = arith.index_cast %add3A_982 : i32 to index
        %get3A_994 = arith.constant 16 : index
        %get3A_995 = tpu.vector_load %arg8[%get3A_992, %get3A_993, %get3A_994] {strides = array<i32>} : memref<2x1024x32xf32, #tpu.memory_space<vmem>>, vector<1x1x16xf32>,
        %get3A_996 = vector.shape_cast %get3A_995 : vector<1x1x16xf32> to vector<16xf32>
        %mul3A_997 = arith.mulf %broadcast_in_dim3A_976, %get3A_996 : vector<16xf32>
        %add3A_998 = arith.addf %add3A_973, %mul3A_997 : vector<16xf32>
        %slice3A_999 = vector.extract_strided_slice %get3A_812 {offsets = [7], sizes = [1], strides = [1]} : vector<16xf32> to vector<1xf32>
        %squeeze3A_1000 = vector.extract %slice3A_999[0] : f32 from vector<1xf32>
        %broadcast_in_dim3A_1001 = vector.broadcast %squeeze3A_1000 : f32 to vector<16xf32>
        %mul3A_1002 = arith.constant 128 : i32
        %mul3A_1003 = arith.muli %scan3A_266, %mul3A_1002 : i32
        %add3A_1004 = arith.constant 20 : i32
        %add3A_1005 = arith.addi %mul3A_1003, %add3A_1004 : i32
        %add3A_1006 = arith.constant 7 : i32
        %add3A_1007 = arith.addi %add3A_1005, %add3A_1006 : i32
        %get3A_1008 = arith.constant 0 : i32
        %get3A_1009 = arith.index_cast %get3A_1008 : i32 to index
        %get3A_1010 = arith.index_cast %add3A_1007 : i32 to index
        %get3A_1011 = arith.constant 0 : index
        %get3A_1012 = tpu.vector_load %arg8[%get3A_1009, %get3A_1010, %get3A_1011] {strides = array<i32>} : memref<2x1024x32xf32, #tpu.memory_space<vmem>>, vector<1x1x16xf32>,
        %get3A_1013 = vector.shape_cast %get3A_1012 : vector<1x1x16xf32> to vector<16xf32>
        %mul3A_1014 = arith.mulf %broadcast_in_dim3A_1001, %get3A_1013 : vector<16xf32>
        %add3A_1015 = arith.addf %add3A_990, %mul3A_1014 : vector<16xf32>
        %get3A_1016 = arith.constant 0 : i32
        %get3A_1017 = arith.index_cast %get3A_1016 : i32 to index
        %get3A_1018 = arith.index_cast %add3A_1007 : i32 to index
        %get3A_1019 = arith.constant 16 : index
        %get3A_1020 = tpu.vector_load %arg8[%get3A_1017, %get3A_1018, %get3A_1019] {strides = array<i32>} : memref<2x1024x32xf32, #tpu.memory_space<vmem>>, vector<1x1x16xf32>,
        %get3A_1021 = vector.shape_cast %get3A_1020 : vector<1x1x16xf32> to vector<16xf32>
        %mul3A_1022 = arith.mulf %broadcast_in_dim3A_1001, %get3A_1021 : vector<16xf32>
        %add3A_1023 = arith.addf %add3A_998, %mul3A_1022 : vector<16xf32>
        %slice3A_1024 = vector.extract_strided_slice %get3A_812 {offsets = [8], sizes = [1], strides = [1]} : vector<16xf32> to vector<1xf32>
        %squeeze3A_1025 = vector.extract %slice3A_1024[0] : f32 from vector<1xf32>
        %broadcast_in_dim3A_1026 = vector.broadcast %squeeze3A_1025 : f32 to vector<16xf32>
        %mul3A_1027 = arith.constant 128 : i32
        %mul3A_1028 = arith.muli %scan3A_266, %mul3A_1027 : i32
        %add3A_1029 = arith.constant 20 : i32
        %add3A_1030 = arith.addi %mul3A_1028, %add3A_1029 : i32
        %add3A_1031 = arith.constant 8 : i32
        %add3A_1032 = arith.addi %add3A_1030, %add3A_1031 : i32
        %get3A_1033 = arith.constant 0 : i32
        %get3A_1034 = arith.index_cast %get3A_1033 : i32 to index
        %get3A_1035 = arith.index_cast %add3A_1032 : i32 to index
        %get3A_1036 = arith.constant 0 : index
        %get3A_1037 = tpu.vector_load %arg8[%get3A_1034, %get3A_1035, %get3A_1036] {strides = array<i32>} : memref<2x1024x32xf32, #tpu.memory_space<vmem>>, vector<1x1x16xf32>,
        %get3A_1038 = vector.shape_cast %get3A_1037 : vector<1x1x16xf32> to vector<16xf32>
        %mul3A_1039 = arith.mulf %broadcast_in_dim3A_1026, %get3A_1038 : vector<16xf32>
        %add3A_1040 = arith.addf %add3A_1015, %mul3A_1039 : vector<16xf32>
        %get3A_1041 = arith.constant 0 : i32
        %get3A_1042 = arith.index_cast %get3A_1041 : i32 to index
        %get3A_1043 = arith.index_cast %add3A_1032 : i32 to index
        %get3A_1044 = arith.constant 16 : index
        %get3A_1045 = tpu.vector_load %arg8[%get3A_1042, %get3A_1043, %get3A_1044] {strides = array<i32>} : memref<2x1024x32xf32, #tpu.memory_space<vmem>>, vector<1x1x16xf32>,
        %get3A_1046 = vector.shape_cast %get3A_1045 : vector<1x1x16xf32> to vector<16xf32>
        %mul3A_1047 = arith.mulf %broadcast_in_dim3A_1026, %get3A_1046 : vector<16xf32>
        %add3A_1048 = arith.addf %add3A_1023, %mul3A_1047 : vector<16xf32>
        %slice3A_1049 = vector.extract_strided_slice %get3A_812 {offsets = [9], sizes = [1], strides = [1]} : vector<16xf32> to vector<1xf32>
        %squeeze3A_1050 = vector.extract %slice3A_1049[0] : f32 from vector<1xf32>
        %broadcast_in_dim3A_1051 = vector.broadcast %squeeze3A_1050 : f32 to vector<16xf32>
        %mul3A_1052 = arith.constant 128 : i32
        %mul3A_1053 = arith.muli %scan3A_266, %mul3A_1052 : i32
        %add3A_1054 = arith.constant 20 : i32
        %add3A_1055 = arith.addi %mul3A_1053, %add3A_1054 : i32
        %add3A_1056 = arith.constant 9 : i32
        %add3A_1057 = arith.addi %add3A_1055, %add3A_1056 : i32
        %get3A_1058 = arith.constant 0 : i32
        %get3A_1059 = arith.index_cast %get3A_1058 : i32 to index
        %get3A_1060 = arith.index_cast %add3A_1057 : i32 to index
        %get3A_1061 = arith.constant 0 : index
        %get3A_1062 = tpu.vector_load %arg8[%get3A_1059, %get3A_1060, %get3A_1061] {strides = array<i32>} : memref<2x1024x32xf32, #tpu.memory_space<vmem>>, vector<1x1x16xf32>,
        %get3A_1063 = vector.shape_cast %get3A_1062 : vector<1x1x16xf32> to vector<16xf32>
        %mul3A_1064 = arith.mulf %broadcast_in_dim3A_1051, %get3A_1063 : vector<16xf32>
        %add3A_1065 = arith.addf %add3A_1040, %mul3A_1064 : vector<16xf32>
        %get3A_1066 = arith.constant 0 : i32
        %get3A_1067 = arith.index_cast %get3A_1066 : i32 to index
        %get3A_1068 = arith.index_cast %add3A_1057 : i32 to index
        %get3A_1069 = arith.constant 16 : index
        %get3A_1070 = tpu.vector_load %arg8[%get3A_1067, %get3A_1068, %get3A_1069] {strides = array<i32>} : memref<2x1024x32xf32, #tpu.memory_space<vmem>>, vector<1x1x16xf32>,
        %get3A_1071 = vector.shape_cast %get3A_1070 : vector<1x1x16xf32> to vector<16xf32>
        %mul3A_1072 = arith.mulf %broadcast_in_dim3A_1051, %get3A_1071 : vector<16xf32>
        %add3A_1073 = arith.addf %add3A_1048, %mul3A_1072 : vector<16xf32>
        %slice3A_1074 = vector.extract_strided_slice %get3A_812 {offsets = [10], sizes = [1], strides = [1]} : vector<16xf32> to vector<1xf32>
        %squeeze3A_1075 = vector.extract %slice3A_1074[0] : f32 from vector<1xf32>
        %broadcast_in_dim3A_1076 = vector.broadcast %squeeze3A_1075 : f32 to vector<16xf32>
        %mul3A_1077 = arith.constant 128 : i32
        %mul3A_1078 = arith.muli %scan3A_266, %mul3A_1077 : i32
        %add3A_1079 = arith.constant 20 : i32
        %add3A_1080 = arith.addi %mul3A_1078, %add3A_1079 : i32
        %add3A_1081 = arith.constant 10 : i32
        %add3A_1082 = arith.addi %add3A_1080, %add3A_1081 : i32
        %get3A_1083 = arith.constant 0 : i32
        %get3A_1084 = arith.index_cast %get3A_1083 : i32 to index
        %get3A_1085 = arith.index_cast %add3A_1082 : i32 to index
        %get3A_1086 = arith.constant 0 : index
        %get3A_1087 = tpu.vector_load %arg8[%get3A_1084, %get3A_1085, %get3A_1086] {strides = array<i32>} : memref<2x1024x32xf32, #tpu.memory_space<vmem>>, vector<1x1x16xf32>,
        %get3A_1088 = vector.shape_cast %get3A_1087 : vector<1x1x16xf32> to vector<16xf32>
        %mul3A_1089 = arith.mulf %broadcast_in_dim3A_1076, %get3A_1088 : vector<16xf32>
        %add3A_1090 = arith.addf %add3A_1065, %mul3A_1089 : vector<16xf32>
        %get3A_1091 = arith.constant 0 : i32
        %get3A_1092 = arith.index_cast %get3A_1091 : i32 to index
        %get3A_1093 = arith.index_cast %add3A_1082 : i32 to index
        %get3A_1094 = arith.constant 16 : index
        %get3A_1095 = tpu.vector_load %arg8[%get3A_1092, %get3A_1093, %get3A_1094] {strides = array<i32>} : memref<2x1024x32xf32, #tpu.memory_space<vmem>>, vector<1x1x16xf32>,
        %get3A_1096 = vector.shape_cast %get3A_1095 : vector<1x1x16xf32> to vector<16xf32>
        %mul3A_1097 = arith.mulf %broadcast_in_dim3A_1076, %get3A_1096 : vector<16xf32>
        %add3A_1098 = arith.addf %add3A_1073, %mul3A_1097 : vector<16xf32>
        %slice3A_1099 = vector.extract_strided_slice %get3A_812 {offsets = [11], sizes = [1], strides = [1]} : vector<16xf32> to vector<1xf32>
        %squeeze3A_1100 = vector.extract %slice3A_1099[0] : f32 from vector<1xf32>
        %broadcast_in_dim3A_1101 = vector.broadcast %squeeze3A_1100 : f32 to vector<16xf32>
        %mul3A_1102 = arith.constant 128 : i32
        %mul3A_1103 = arith.muli %scan3A_266, %mul3A_1102 : i32
        %add3A_1104 = arith.constant 20 : i32
        %add3A_1105 = arith.addi %mul3A_1103, %add3A_1104 : i32
        %add3A_1106 = arith.constant 11 : i32
        %add3A_1107 = arith.addi %add3A_1105, %add3A_1106 : i32
        %get3A_1108 = arith.constant 0 : i32
        %get3A_1109 = arith.index_cast %get3A_1108 : i32 to index
        %get3A_1110 = arith.index_cast %add3A_1107 : i32 to index
        %get3A_1111 = arith.constant 0 : index
        %get3A_1112 = tpu.vector_load %arg8[%get3A_1109, %get3A_1110, %get3A_1111] {strides = array<i32>} : memref<2x1024x32xf32, #tpu.memory_space<vmem>>, vector<1x1x16xf32>,
        %get3A_1113 = vector.shape_cast %get3A_1112 : vector<1x1x16xf32> to vector<16xf32>
        %mul3A_1114 = arith.mulf %broadcast_in_dim3A_1101, %get3A_1113 : vector<16xf32>
        %add3A_1115 = arith.addf %add3A_1090, %mul3A_1114 : vector<16xf32>
        %get3A_1116 = arith.constant 0 : i32
        %get3A_1117 = arith.index_cast %get3A_1116 : i32 to index
        %get3A_1118 = arith.index_cast %add3A_1107 : i32 to index
        %get3A_1119 = arith.constant 16 : index
        %get3A_1120 = tpu.vector_load %arg8[%get3A_1117, %get3A_1118, %get3A_1119] {strides = array<i32>} : memref<2x1024x32xf32, #tpu.memory_space<vmem>>, vector<1x1x16xf32>,
        %get3A_1121 = vector.shape_cast %get3A_1120 : vector<1x1x16xf32> to vector<16xf32>
        %mul3A_1122 = arith.mulf %broadcast_in_dim3A_1101, %get3A_1121 : vector<16xf32>
        %add3A_1123 = arith.addf %add3A_1098, %mul3A_1122 : vector<16xf32>
        %slice3A_1124 = vector.extract_strided_slice %get3A_812 {offsets = [12], sizes = [1], strides = [1]} : vector<16xf32> to vector<1xf32>
        %squeeze3A_1125 = vector.extract %slice3A_1124[0] : f32 from vector<1xf32>
        %broadcast_in_dim3A_1126 = vector.broadcast %squeeze3A_1125 : f32 to vector<16xf32>
        %mul3A_1127 = arith.constant 128 : i32
        %mul3A_1128 = arith.muli %scan3A_266, %mul3A_1127 : i32
        %add3A_1129 = arith.constant 20 : i32
        %add3A_1130 = arith.addi %mul3A_1128, %add3A_1129 : i32
        %add3A_1131 = arith.constant 12 : i32
        %add3A_1132 = arith.addi %add3A_1130, %add3A_1131 : i32
        %get3A_1133 = arith.constant 0 : i32
        %get3A_1134 = arith.index_cast %get3A_1133 : i32 to index
        %get3A_1135 = arith.index_cast %add3A_1132 : i32 to index
        %get3A_1136 = arith.constant 0 : index
        %get3A_1137 = tpu.vector_load %arg8[%get3A_1134, %get3A_1135, %get3A_1136] {strides = array<i32>} : memref<2x1024x32xf32, #tpu.memory_space<vmem>>, vector<1x1x16xf32>,
        %get3A_1138 = vector.shape_cast %get3A_1137 : vector<1x1x16xf32> to vector<16xf32>
        %mul3A_1139 = arith.mulf %broadcast_in_dim3A_1126, %get3A_1138 : vector<16xf32>
        %add3A_1140 = arith.addf %add3A_1115, %mul3A_1139 : vector<16xf32>
        %get3A_1141 = arith.constant 0 : i32
        %get3A_1142 = arith.index_cast %get3A_1141 : i32 to index
        %get3A_1143 = arith.index_cast %add3A_1132 : i32 to index
        %get3A_1144 = arith.constant 16 : index
        %get3A_1145 = tpu.vector_load %arg8[%get3A_1142, %get3A_1143, %get3A_1144] {strides = array<i32>} : memref<2x1024x32xf32, #tpu.memory_space<vmem>>, vector<1x1x16xf32>,
        %get3A_1146 = vector.shape_cast %get3A_1145 : vector<1x1x16xf32> to vector<16xf32>
        %mul3A_1147 = arith.mulf %broadcast_in_dim3A_1126, %get3A_1146 : vector<16xf32>
        %add3A_1148 = arith.addf %add3A_1123, %mul3A_1147 : vector<16xf32>
        %slice3A_1149 = vector.extract_strided_slice %get3A_812 {offsets = [13], sizes = [1], strides = [1]} : vector<16xf32> to vector<1xf32>
        %squeeze3A_1150 = vector.extract %slice3A_1149[0] : f32 from vector<1xf32>
        %broadcast_in_dim3A_1151 = vector.broadcast %squeeze3A_1150 : f32 to vector<16xf32>
        %mul3A_1152 = arith.constant 128 : i32
        %mul3A_1153 = arith.muli %scan3A_266, %mul3A_1152 : i32
        %add3A_1154 = arith.constant 20 : i32
        %add3A_1155 = arith.addi %mul3A_1153, %add3A_1154 : i32
        %add3A_1156 = arith.constant 13 : i32
        %add3A_1157 = arith.addi %add3A_1155, %add3A_1156 : i32
        %get3A_1158 = arith.constant 0 : i32
        %get3A_1159 = arith.index_cast %get3A_1158 : i32 to index
        %get3A_1160 = arith.index_cast %add3A_1157 : i32 to index
        %get3A_1161 = arith.constant 0 : index
        %get3A_1162 = tpu.vector_load %arg8[%get3A_1159, %get3A_1160, %get3A_1161] {strides = array<i32>} : memref<2x1024x32xf32, #tpu.memory_space<vmem>>, vector<1x1x16xf32>,
        %get3A_1163 = vector.shape_cast %get3A_1162 : vector<1x1x16xf32> to vector<16xf32>
        %mul3A_1164 = arith.mulf %broadcast_in_dim3A_1151, %get3A_1163 : vector<16xf32>
        %add3A_1165 = arith.addf %add3A_1140, %mul3A_1164 : vector<16xf32>
        %get3A_1166 = arith.constant 0 : i32
        %get3A_1167 = arith.index_cast %get3A_1166 : i32 to index
        %get3A_1168 = arith.index_cast %add3A_1157 : i32 to index
        %get3A_1169 = arith.constant 16 : index
        %get3A_1170 = tpu.vector_load %arg8[%get3A_1167, %get3A_1168, %get3A_1169] {strides = array<i32>} : memref<2x1024x32xf32, #tpu.memory_space<vmem>>, vector<1x1x16xf32>,
        %get3A_1171 = vector.shape_cast %get3A_1170 : vector<1x1x16xf32> to vector<16xf32>
        %mul3A_1172 = arith.mulf %broadcast_in_dim3A_1151, %get3A_1171 : vector<16xf32>
        %add3A_1173 = arith.addf %add3A_1148, %mul3A_1172 : vector<16xf32>
        %slice3A_1174 = vector.extract_strided_slice %get3A_812 {offsets = [14], sizes = [1], strides = [1]} : vector<16xf32> to vector<1xf32>
        %squeeze3A_1175 = vector.extract %slice3A_1174[0] : f32 from vector<1xf32>
        %broadcast_in_dim3A_1176 = vector.broadcast %squeeze3A_1175 : f32 to vector<16xf32>
        %mul3A_1177 = arith.constant 128 : i32
        %mul3A_1178 = arith.muli %scan3A_266, %mul3A_1177 : i32
        %add3A_1179 = arith.constant 20 : i32
        %add3A_1180 = arith.addi %mul3A_1178, %add3A_1179 : i32
        %add3A_1181 = arith.constant 14 : i32
        %add3A_1182 = arith.addi %add3A_1180, %add3A_1181 : i32
        %get3A_1183 = arith.constant 0 : i32
        %get3A_1184 = arith.index_cast %get3A_1183 : i32 to index
        %get3A_1185 = arith.index_cast %add3A_1182 : i32 to index
        %get3A_1186 = arith.constant 0 : index
        %get3A_1187 = tpu.vector_load %arg8[%get3A_1184, %get3A_1185, %get3A_1186] {strides = array<i32>} : memref<2x1024x32xf32, #tpu.memory_space<vmem>>, vector<1x1x16xf32>,
        %get3A_1188 = vector.shape_cast %get3A_1187 : vector<1x1x16xf32> to vector<16xf32>
        %mul3A_1189 = arith.mulf %broadcast_in_dim3A_1176, %get3A_1188 : vector<16xf32>
        %add3A_1190 = arith.addf %add3A_1165, %mul3A_1189 : vector<16xf32>
        %get3A_1191 = arith.constant 0 : i32
        %get3A_1192 = arith.index_cast %get3A_1191 : i32 to index
        %get3A_1193 = arith.index_cast %add3A_1182 : i32 to index
        %get3A_1194 = arith.constant 16 : index
        %get3A_1195 = tpu.vector_load %arg8[%get3A_1192, %get3A_1193, %get3A_1194] {strides = array<i32>} : memref<2x1024x32xf32, #tpu.memory_space<vmem>>, vector<1x1x16xf32>,
        %get3A_1196 = vector.shape_cast %get3A_1195 : vector<1x1x16xf32> to vector<16xf32>
        %mul3A_1197 = arith.mulf %broadcast_in_dim3A_1176, %get3A_1196 : vector<16xf32>
        %add3A_1198 = arith.addf %add3A_1173, %mul3A_1197 : vector<16xf32>
        %slice3A_1199 = vector.extract_strided_slice %get3A_812 {offsets = [15], sizes = [1], strides = [1]} : vector<16xf32> to vector<1xf32>
        %squeeze3A_1200 = vector.extract %slice3A_1199[0] : f32 from vector<1xf32>
        %broadcast_in_dim3A_1201 = vector.broadcast %squeeze3A_1200 : f32 to vector<16xf32>
        %mul3A_1202 = arith.constant 128 : i32
        %mul3A_1203 = arith.muli %scan3A_266, %mul3A_1202 : i32
        %add3A_1204 = arith.constant 20 : i32
        %add3A_1205 = arith.addi %mul3A_1203, %add3A_1204 : i32
        %add3A_1206 = arith.constant 15 : i32
        %add3A_1207 = arith.addi %add3A_1205, %add3A_1206 : i32
        %get3A_1208 = arith.constant 0 : i32
        %get3A_1209 = arith.index_cast %get3A_1208 : i32 to index
        %get3A_1210 = arith.index_cast %add3A_1207 : i32 to index
        %get3A_1211 = arith.constant 0 : index
        %get3A_1212 = tpu.vector_load %arg8[%get3A_1209, %get3A_1210, %get3A_1211] {strides = array<i32>} : memref<2x1024x32xf32, #tpu.memory_space<vmem>>, vector<1x1x16xf32>,
        %get3A_1213 = vector.shape_cast %get3A_1212 : vector<1x1x16xf32> to vector<16xf32>
        %mul3A_1214 = arith.mulf %broadcast_in_dim3A_1201, %get3A_1213 : vector<16xf32>
        %add3A_1215 = arith.addf %add3A_1190, %mul3A_1214 : vector<16xf32>
        %get3A_1216 = arith.constant 0 : i32
        %get3A_1217 = arith.index_cast %get3A_1216 : i32 to index
        %get3A_1218 = arith.index_cast %add3A_1207 : i32 to index
        %get3A_1219 = arith.constant 16 : index
        %get3A_1220 = tpu.vector_load %arg8[%get3A_1217, %get3A_1218, %get3A_1219] {strides = array<i32>} : memref<2x1024x32xf32, #tpu.memory_space<vmem>>, vector<1x1x16xf32>,
        %get3A_1221 = vector.shape_cast %get3A_1220 : vector<1x1x16xf32> to vector<16xf32>
        %mul3A_1222 = arith.mulf %broadcast_in_dim3A_1201, %get3A_1221 : vector<16xf32>
        %add3A_1223 = arith.addf %add3A_1198, %mul3A_1222 : vector<16xf32>
        %slice3A_1224 = vector.extract_strided_slice %get3A_823 {offsets = [12], sizes = [1], strides = [1]} : vector<16xf32> to vector<1xf32>
        %squeeze3A_1225 = vector.extract %slice3A_1224[0] : f32 from vector<1xf32>
        %broadcast_in_dim3A_1226 = vector.broadcast %squeeze3A_1225 : f32 to vector<16xf32>
        %mul3A_1227 = arith.constant 128 : i32
        %mul3A_1228 = arith.muli %scan3A_266, %mul3A_1227 : i32
        %add3A_1229 = arith.constant 20 : i32
        %add3A_1230 = arith.addi %mul3A_1228, %add3A_1229 : i32
        %add3A_1231 = arith.constant 16 : i32
        %add3A_1232 = arith.addi %add3A_1230, %add3A_1231 : i32
        %get3A_1233 = arith.constant 0 : i32
        %get3A_1234 = arith.index_cast %get3A_1233 : i32 to index
        %get3A_1235 = arith.index_cast %add3A_1232 : i32 to index
        %get3A_1236 = arith.constant 0 : index
        %get3A_1237 = tpu.vector_load %arg8[%get3A_1234, %get3A_1235, %get3A_1236] {strides = array<i32>} : memref<2x1024x32xf32, #tpu.memory_space<vmem>>, vector<1x1x16xf32>,
        %get3A_1238 = vector.shape_cast %get3A_1237 : vector<1x1x16xf32> to vector<16xf32>
        %mul3A_1239 = arith.mulf %broadcast_in_dim3A_1226, %get3A_1238 : vector<16xf32>
        %add3A_1240 = arith.addf %add3A_1215, %mul3A_1239 : vector<16xf32>
        %get3A_1241 = arith.constant 0 : i32
        %get3A_1242 = arith.index_cast %get3A_1241 : i32 to index
        %get3A_1243 = arith.index_cast %add3A_1232 : i32 to index
        %get3A_1244 = arith.constant 16 : index
        %get3A_1245 = tpu.vector_load %arg8[%get3A_1242, %get3A_1243, %get3A_1244] {strides = array<i32>} : memref<2x1024x32xf32, #tpu.memory_space<vmem>>, vector<1x1x16xf32>,
        %get3A_1246 = vector.shape_cast %get3A_1245 : vector<1x1x16xf32> to vector<16xf32>
        %mul3A_1247 = arith.mulf %broadcast_in_dim3A_1226, %get3A_1246 : vector<16xf32>
        %add3A_1248 = arith.addf %add3A_1223, %mul3A_1247 : vector<16xf32>
        %slice3A_1249 = vector.extract_strided_slice %get3A_823 {offsets = [13], sizes = [1], strides = [1]} : vector<16xf32> to vector<1xf32>
        %squeeze3A_1250 = vector.extract %slice3A_1249[0] : f32 from vector<1xf32>
        %broadcast_in_dim3A_1251 = vector.broadcast %squeeze3A_1250 : f32 to vector<16xf32>
        %mul3A_1252 = arith.constant 128 : i32
        %mul3A_1253 = arith.muli %scan3A_266, %mul3A_1252 : i32
        %add3A_1254 = arith.constant 20 : i32
        %add3A_1255 = arith.addi %mul3A_1253, %add3A_1254 : i32
        %add3A_1256 = arith.constant 17 : i32
        %add3A_1257 = arith.addi %add3A_1255, %add3A_1256 : i32
        %get3A_1258 = arith.constant 0 : i32
        %get3A_1259 = arith.index_cast %get3A_1258 : i32 to index
        %get3A_1260 = arith.index_cast %add3A_1257 : i32 to index
        %get3A_1261 = arith.constant 0 : index
        %get3A_1262 = tpu.vector_load %arg8[%get3A_1259, %get3A_1260, %get3A_1261] {strides = array<i32>} : memref<2x1024x32xf32, #tpu.memory_space<vmem>>, vector<1x1x16xf32>,
        %get3A_1263 = vector.shape_cast %get3A_1262 : vector<1x1x16xf32> to vector<16xf32>
        %mul3A_1264 = arith.mulf %broadcast_in_dim3A_1251, %get3A_1263 : vector<16xf32>
        %add3A_1265 = arith.addf %add3A_1240, %mul3A_1264 : vector<16xf32>
        %get3A_1266 = arith.constant 0 : i32
        %get3A_1267 = arith.index_cast %get3A_1266 : i32 to index
        %get3A_1268 = arith.index_cast %add3A_1257 : i32 to index
        %get3A_1269 = arith.constant 16 : index
        %get3A_1270 = tpu.vector_load %arg8[%get3A_1267, %get3A_1268, %get3A_1269] {strides = array<i32>} : memref<2x1024x32xf32, #tpu.memory_space<vmem>>, vector<1x1x16xf32>,
        %get3A_1271 = vector.shape_cast %get3A_1270 : vector<1x1x16xf32> to vector<16xf32>
        %mul3A_1272 = arith.mulf %broadcast_in_dim3A_1251, %get3A_1271 : vector<16xf32>
        %add3A_1273 = arith.addf %add3A_1248, %mul3A_1272 : vector<16xf32>
        %slice3A_1274 = vector.extract_strided_slice %get3A_823 {offsets = [14], sizes = [1], strides = [1]} : vector<16xf32> to vector<1xf32>
        %squeeze3A_1275 = vector.extract %slice3A_1274[0] : f32 from vector<1xf32>
        %broadcast_in_dim3A_1276 = vector.broadcast %squeeze3A_1275 : f32 to vector<16xf32>
        %mul3A_1277 = arith.constant 128 : i32
        %mul3A_1278 = arith.muli %scan3A_266, %mul3A_1277 : i32
        %add3A_1279 = arith.constant 20 : i32
        %add3A_1280 = arith.addi %mul3A_1278, %add3A_1279 : i32
        %add3A_1281 = arith.constant 18 : i32
        %add3A_1282 = arith.addi %add3A_1280, %add3A_1281 : i32
        %get3A_1283 = arith.constant 0 : i32
        %get3A_1284 = arith.index_cast %get3A_1283 : i32 to index
        %get3A_1285 = arith.index_cast %add3A_1282 : i32 to index
        %get3A_1286 = arith.constant 0 : index
        %get3A_1287 = tpu.vector_load %arg8[%get3A_1284, %get3A_1285, %get3A_1286] {strides = array<i32>} : memref<2x1024x32xf32, #tpu.memory_space<vmem>>, vector<1x1x16xf32>,
        %get3A_1288 = vector.shape_cast %get3A_1287 : vector<1x1x16xf32> to vector<16xf32>
        %mul3A_1289 = arith.mulf %broadcast_in_dim3A_1276, %get3A_1288 : vector<16xf32>
        %add3A_1290 = arith.addf %add3A_1265, %mul3A_1289 : vector<16xf32>
        %get3A_1291 = arith.constant 0 : i32
        %get3A_1292 = arith.index_cast %get3A_1291 : i32 to index
        %get3A_1293 = arith.index_cast %add3A_1282 : i32 to index
        %get3A_1294 = arith.constant 16 : index
        %get3A_1295 = tpu.vector_load %arg8[%get3A_1292, %get3A_1293, %get3A_1294] {strides = array<i32>} : memref<2x1024x32xf32, #tpu.memory_space<vmem>>, vector<1x1x16xf32>,
        %get3A_1296 = vector.shape_cast %get3A_1295 : vector<1x1x16xf32> to vector<16xf32>
        %mul3A_1297 = arith.mulf %broadcast_in_dim3A_1276, %get3A_1296 : vector<16xf32>
        %add3A_1298 = arith.addf %add3A_1273, %mul3A_1297 : vector<16xf32>
        %slice3A_1299 = vector.extract_strided_slice %get3A_823 {offsets = [15], sizes = [1], strides = [1]} : vector<16xf32> to vector<1xf32>
        %squeeze3A_1300 = vector.extract %slice3A_1299[0] : f32 from vector<1xf32>
        %broadcast_in_dim3A_1301 = vector.broadcast %squeeze3A_1300 : f32 to vector<16xf32>
        %mul3A_1302 = arith.constant 128 : i32
        %mul3A_1303 = arith.muli %scan3A_266, %mul3A_1302 : i32
        %add3A_1304 = arith.constant 20 : i32
        %add3A_1305 = arith.addi %mul3A_1303, %add3A_1304 : i32
        %add3A_1306 = arith.constant 19 : i32
        %add3A_1307 = arith.addi %add3A_1305, %add3A_1306 : i32
        %get3A_1308 = arith.constant 0 : i32
        %get3A_1309 = arith.index_cast %get3A_1308 : i32 to index
        %get3A_1310 = arith.index_cast %add3A_1307 : i32 to index
        %get3A_1311 = arith.constant 0 : index
        %get3A_1312 = tpu.vector_load %arg8[%get3A_1309, %get3A_1310, %get3A_1311] {strides = array<i32>} : memref<2x1024x32xf32, #tpu.memory_space<vmem>>, vector<1x1x16xf32>,
        %get3A_1313 = vector.shape_cast %get3A_1312 : vector<1x1x16xf32> to vector<16xf32>
        %mul3A_1314 = arith.mulf %broadcast_in_dim3A_1301, %get3A_1313 : vector<16xf32>
        %add3A_1315 = arith.addf %add3A_1290, %mul3A_1314 : vector<16xf32>
        %get3A_1316 = arith.constant 0 : i32
        %get3A_1317 = arith.index_cast %get3A_1316 : i32 to index
        %get3A_1318 = arith.index_cast %add3A_1307 : i32 to index
        %get3A_1319 = arith.constant 16 : index
        %get3A_1320 = tpu.vector_load %arg8[%get3A_1317, %get3A_1318, %get3A_1319] {strides = array<i32>} : memref<2x1024x32xf32, #tpu.memory_space<vmem>>, vector<1x1x16xf32>,
        %get3A_1321 = vector.shape_cast %get3A_1320 : vector<1x1x16xf32> to vector<16xf32>
        %mul3A_1322 = arith.mulf %broadcast_in_dim3A_1301, %get3A_1321 : vector<16xf32>
        %add3A_1323 = arith.addf %add3A_1298, %mul3A_1322 : vector<16xf32>
        %swap3A_1324 = arith.constant 0 : i32
        %swap3A_1325 = arith.index_cast %swap3A_1324 : i32 to index
        %swap3A_1326 = arith.index_cast %scan3A_266 : i32 to index
        %swap3A_1327 = arith.constant 32 : index
        %swap3A_1328 = tpu.vector_load %arg9[%swap3A_1325, %swap3A_1326, %swap3A_1327] {strides = array<i32>} : memref<2x8x96xf32, #tpu.memory_space<vmem>>, vector<1x1x16xf32>,
        %swap3A_1329 = vector.shape_cast %swap3A_1328 : vector<1x1x16xf32> to vector<16xf32>
        %swap3A_1330 = vector.shape_cast %add3A_1315 : vector<16xf32> to vector<1x1x16xf32>
        tpu.vector_store %arg9[%swap3A_1325, %swap3A_1326, %swap3A_1327], %swap3A_1330 {strides = array<i32>} : memref<2x8x96xf32, #tpu.memory_space<vmem>>, vector<1x1x16xf32>,
        %swap3A_1331 = arith.constant 0 : i32
        %swap3A_1332 = arith.index_cast %swap3A_1331 : i32 to index
        %swap3A_1333 = arith.index_cast %scan3A_266 : i32 to index
        %swap3A_1334 = arith.constant 48 : index
        %swap3A_1335 = tpu.vector_load %arg9[%swap3A_1332, %swap3A_1333, %swap3A_1334] {strides = array<i32>} : memref<2x8x96xf32, #tpu.memory_space<vmem>>, vector<1x1x16xf32>,
        %swap3A_1336 = vector.shape_cast %swap3A_1335 : vector<1x1x16xf32> to vector<16xf32>
        %swap3A_1337 = vector.shape_cast %add3A_1323 : vector<16xf32> to vector<1x1x16xf32>
        tpu.vector_store %arg9[%swap3A_1332, %swap3A_1333, %swap3A_1334], %swap3A_1337 {strides = array<i32>} : memref<2x8x96xf32, #tpu.memory_space<vmem>>, vector<1x1x16xf32>,
        %broadcast_in_dim3A_1338 = arith.constant 0.000000e+00 : f32
        %broadcast_in_dim3A_1339 = vector.broadcast %broadcast_in_dim3A_1338 : f32 to vector<16xf32>
        %broadcast_in_dim3A_1340 = arith.constant 0.000000e+00 : f32
        %broadcast_in_dim3A_1341 = vector.broadcast %broadcast_in_dim3A_1340 : f32 to vector<16xf32>
        %mul3A_1342 = arith.constant 128 : i32
        %mul3A_1343 = arith.muli %scan3A_266, %mul3A_1342 : i32
        %add3A_1344 = arith.constant 40 : i32
        %add3A_1345 = arith.addi %mul3A_1343, %add3A_1344 : i32
        %get3A_1346 = arith.constant 0 : i32
        %get3A_1347 = arith.index_cast %get3A_1346 : i32 to index
        %get3A_1348 = arith.index_cast %add3A_1345 : i32 to index
        %get3A_1349 = tpu.vector_load %arg7[%get3A_1347, %get3A_1348] {strides = array<i32>} : memref<2x1024xf32, #tpu.memory_space<vmem>>, vector<1x16xf32>,
        %get3A_1350 = vector.shape_cast %get3A_1349 : vector<1x16xf32> to vector<16xf32>
        %mul3A_1351 = arith.constant 128 : i32
        %mul3A_1352 = arith.muli %scan3A_266, %mul3A_1351 : i32
        %add3A_1353 = arith.constant 40 : i32
        %add3A_1354 = arith.addi %mul3A_1352, %add3A_1353 : i32
        %add3A_1355 = arith.constant 4 : i32
        %add3A_1356 = arith.addi %add3A_1354, %add3A_1355 : i32
        %get3A_1357 = arith.constant 0 : i32
        %get3A_1358 = arith.index_cast %get3A_1357 : i32 to index
        %get3A_1359 = arith.index_cast %add3A_1356 : i32 to index
        %get3A_1360 = tpu.vector_load %arg7[%get3A_1358, %get3A_1359] {strides = array<i32>} : memref<2x1024xf32, #tpu.memory_space<vmem>>, vector<1x16xf32>,
        %get3A_1361 = vector.shape_cast %get3A_1360 : vector<1x16xf32> to vector<16xf32>
        %slice3A_1362 = vector.extract_strided_slice %get3A_1350 {offsets = [0], sizes = [1], strides = [1]} : vector<16xf32> to vector<1xf32>
        %squeeze3A_1363 = vector.extract %slice3A_1362[0] : f32 from vector<1xf32>
        %broadcast_in_dim3A_1364 = vector.broadcast %squeeze3A_1363 : f32 to vector<16xf32>
        %mul3A_1365 = arith.constant 128 : i32
        %mul3A_1366 = arith.muli %scan3A_266, %mul3A_1365 : i32
        %add3A_1367 = arith.constant 40 : i32
        %add3A_1368 = arith.addi %mul3A_1366, %add3A_1367 : i32
        %add3A_1369 = arith.constant 0 : i32
        %add3A_1370 = arith.addi %add3A_1368, %add3A_1369 : i32
        %get3A_1371 = arith.constant 0 : i32
        %get3A_1372 = arith.index_cast %get3A_1371 : i32 to index
        %get3A_1373 = arith.index_cast %add3A_1370 : i32 to index
        %get3A_1374 = arith.constant 0 : index
        %get3A_1375 = tpu.vector_load %arg8[%get3A_1372, %get3A_1373, %get3A_1374] {strides = array<i32>} : memref<2x1024x32xf32, #tpu.memory_space<vmem>>, vector<1x1x16xf32>,
        %get3A_1376 = vector.shape_cast %get3A_1375 : vector<1x1x16xf32> to vector<16xf32>
        %mul3A_1377 = arith.mulf %broadcast_in_dim3A_1364, %get3A_1376 : vector<16xf32>
        %add3A_1378 = arith.addf %broadcast_in_dim3A_1339, %mul3A_1377 : vector<16xf32>
        %get3A_1379 = arith.constant 0 : i32
        %get3A_1380 = arith.index_cast %get3A_1379 : i32 to index
        %get3A_1381 = arith.index_cast %add3A_1370 : i32 to index
        %get3A_1382 = arith.constant 16 : index
        %get3A_1383 = tpu.vector_load %arg8[%get3A_1380, %get3A_1381, %get3A_1382] {strides = array<i32>} : memref<2x1024x32xf32, #tpu.memory_space<vmem>>, vector<1x1x16xf32>,
        %get3A_1384 = vector.shape_cast %get3A_1383 : vector<1x1x16xf32> to vector<16xf32>
        %mul3A_1385 = arith.mulf %broadcast_in_dim3A_1364, %get3A_1384 : vector<16xf32>
        %add3A_1386 = arith.addf %broadcast_in_dim3A_1341, %mul3A_1385 : vector<16xf32>
        %slice3A_1387 = vector.extract_strided_slice %get3A_1350 {offsets = [1], sizes = [1], strides = [1]} : vector<16xf32> to vector<1xf32>
        %squeeze3A_1388 = vector.extract %slice3A_1387[0] : f32 from vector<1xf32>
        %broadcast_in_dim3A_1389 = vector.broadcast %squeeze3A_1388 : f32 to vector<16xf32>
        %mul3A_1390 = arith.constant 128 : i32
        %mul3A_1391 = arith.muli %scan3A_266, %mul3A_1390 : i32
        %add3A_1392 = arith.constant 40 : i32
        %add3A_1393 = arith.addi %mul3A_1391, %add3A_1392 : i32
        %add3A_1394 = arith.constant 1 : i32
        %add3A_1395 = arith.addi %add3A_1393, %add3A_1394 : i32
        %get3A_1396 = arith.constant 0 : i32
        %get3A_1397 = arith.index_cast %get3A_1396 : i32 to index
        %get3A_1398 = arith.index_cast %add3A_1395 : i32 to index
        %get3A_1399 = arith.constant 0 : index
        %get3A_1400 = tpu.vector_load %arg8[%get3A_1397, %get3A_1398, %get3A_1399] {strides = array<i32>} : memref<2x1024x32xf32, #tpu.memory_space<vmem>>, vector<1x1x16xf32>,
        %get3A_1401 = vector.shape_cast %get3A_1400 : vector<1x1x16xf32> to vector<16xf32>
        %mul3A_1402 = arith.mulf %broadcast_in_dim3A_1389, %get3A_1401 : vector<16xf32>
        %add3A_1403 = arith.addf %add3A_1378, %mul3A_1402 : vector<16xf32>
        %get3A_1404 = arith.constant 0 : i32
        %get3A_1405 = arith.index_cast %get3A_1404 : i32 to index
        %get3A_1406 = arith.index_cast %add3A_1395 : i32 to index
        %get3A_1407 = arith.constant 16 : index
        %get3A_1408 = tpu.vector_load %arg8[%get3A_1405, %get3A_1406, %get3A_1407] {strides = array<i32>} : memref<2x1024x32xf32, #tpu.memory_space<vmem>>, vector<1x1x16xf32>,
        %get3A_1409 = vector.shape_cast %get3A_1408 : vector<1x1x16xf32> to vector<16xf32>
        %mul3A_1410 = arith.mulf %broadcast_in_dim3A_1389, %get3A_1409 : vector<16xf32>
        %add3A_1411 = arith.addf %add3A_1386, %mul3A_1410 : vector<16xf32>
        %slice3A_1412 = vector.extract_strided_slice %get3A_1350 {offsets = [2], sizes = [1], strides = [1]} : vector<16xf32> to vector<1xf32>
        %squeeze3A_1413 = vector.extract %slice3A_1412[0] : f32 from vector<1xf32>
        %broadcast_in_dim3A_1414 = vector.broadcast %squeeze3A_1413 : f32 to vector<16xf32>
        %mul3A_1415 = arith.constant 128 : i32
        %mul3A_1416 = arith.muli %scan3A_266, %mul3A_1415 : i32
        %add3A_1417 = arith.constant 40 : i32
        %add3A_1418 = arith.addi %mul3A_1416, %add3A_1417 : i32
        %add3A_1419 = arith.constant 2 : i32
        %add3A_1420 = arith.addi %add3A_1418, %add3A_1419 : i32
        %get3A_1421 = arith.constant 0 : i32
        %get3A_1422 = arith.index_cast %get3A_1421 : i32 to index
        %get3A_1423 = arith.index_cast %add3A_1420 : i32 to index
        %get3A_1424 = arith.constant 0 : index
        %get3A_1425 = tpu.vector_load %arg8[%get3A_1422, %get3A_1423, %get3A_1424] {strides = array<i32>} : memref<2x1024x32xf32, #tpu.memory_space<vmem>>, vector<1x1x16xf32>,
        %get3A_1426 = vector.shape_cast %get3A_1425 : vector<1x1x16xf32> to vector<16xf32>
        %mul3A_1427 = arith.mulf %broadcast_in_dim3A_1414, %get3A_1426 : vector<16xf32>
        %add3A_1428 = arith.addf %add3A_1403, %mul3A_1427 : vector<16xf32>
        %get3A_1429 = arith.constant 0 : i32
        %get3A_1430 = arith.index_cast %get3A_1429 : i32 to index
        %get3A_1431 = arith.index_cast %add3A_1420 : i32 to index
        %get3A_1432 = arith.constant 16 : index
        %get3A_1433 = tpu.vector_load %arg8[%get3A_1430, %get3A_1431, %get3A_1432] {strides = array<i32>} : memref<2x1024x32xf32, #tpu.memory_space<vmem>>, vector<1x1x16xf32>,
        %get3A_1434 = vector.shape_cast %get3A_1433 : vector<1x1x16xf32> to vector<16xf32>
        %mul3A_1435 = arith.mulf %broadcast_in_dim3A_1414, %get3A_1434 : vector<16xf32>
        %add3A_1436 = arith.addf %add3A_1411, %mul3A_1435 : vector<16xf32>
        %slice3A_1437 = vector.extract_strided_slice %get3A_1350 {offsets = [3], sizes = [1], strides = [1]} : vector<16xf32> to vector<1xf32>
        %squeeze3A_1438 = vector.extract %slice3A_1437[0] : f32 from vector<1xf32>
        %broadcast_in_dim3A_1439 = vector.broadcast %squeeze3A_1438 : f32 to vector<16xf32>
        %mul3A_1440 = arith.constant 128 : i32
        %mul3A_1441 = arith.muli %scan3A_266, %mul3A_1440 : i32
        %add3A_1442 = arith.constant 40 : i32
        %add3A_1443 = arith.addi %mul3A_1441, %add3A_1442 : i32
        %add3A_1444 = arith.constant 3 : i32
        %add3A_1445 = arith.addi %add3A_1443, %add3A_1444 : i32
        %get3A_1446 = arith.constant 0 : i32
        %get3A_1447 = arith.index_cast %get3A_1446 : i32 to index
        %get3A_1448 = arith.index_cast %add3A_1445 : i32 to index
        %get3A_1449 = arith.constant 0 : index
        %get3A_1450 = tpu.vector_load %arg8[%get3A_1447, %get3A_1448, %get3A_1449] {strides = array<i32>} : memref<2x1024x32xf32, #tpu.memory_space<vmem>>, vector<1x1x16xf32>,
        %get3A_1451 = vector.shape_cast %get3A_1450 : vector<1x1x16xf32> to vector<16xf32>
        %mul3A_1452 = arith.mulf %broadcast_in_dim3A_1439, %get3A_1451 : vector<16xf32>
        %add3A_1453 = arith.addf %add3A_1428, %mul3A_1452 : vector<16xf32>
        %get3A_1454 = arith.constant 0 : i32
        %get3A_1455 = arith.index_cast %get3A_1454 : i32 to index
        %get3A_1456 = arith.index_cast %add3A_1445 : i32 to index
        %get3A_1457 = arith.constant 16 : index
        %get3A_1458 = tpu.vector_load %arg8[%get3A_1455, %get3A_1456, %get3A_1457] {strides = array<i32>} : memref<2x1024x32xf32, #tpu.memory_space<vmem>>, vector<1x1x16xf32>,
        %get3A_1459 = vector.shape_cast %get3A_1458 : vector<1x1x16xf32> to vector<16xf32>
        %mul3A_1460 = arith.mulf %broadcast_in_dim3A_1439, %get3A_1459 : vector<16xf32>
        %add3A_1461 = arith.addf %add3A_1436, %mul3A_1460 : vector<16xf32>
        %slice3A_1462 = vector.extract_strided_slice %get3A_1350 {offsets = [4], sizes = [1], strides = [1]} : vector<16xf32> to vector<1xf32>
        %squeeze3A_1463 = vector.extract %slice3A_1462[0] : f32 from vector<1xf32>
        %broadcast_in_dim3A_1464 = vector.broadcast %squeeze3A_1463 : f32 to vector<16xf32>
        %mul3A_1465 = arith.constant 128 : i32
        %mul3A_1466 = arith.muli %scan3A_266, %mul3A_1465 : i32
        %add3A_1467 = arith.constant 40 : i32
        %add3A_1468 = arith.addi %mul3A_1466, %add3A_1467 : i32
        %add3A_1469 = arith.constant 4 : i32
        %add3A_1470 = arith.addi %add3A_1468, %add3A_1469 : i32
        %get3A_1471 = arith.constant 0 : i32
        %get3A_1472 = arith.index_cast %get3A_1471 : i32 to index
        %get3A_1473 = arith.index_cast %add3A_1470 : i32 to index
        %get3A_1474 = arith.constant 0 : index
        %get3A_1475 = tpu.vector_load %arg8[%get3A_1472, %get3A_1473, %get3A_1474] {strides = array<i32>} : memref<2x1024x32xf32, #tpu.memory_space<vmem>>, vector<1x1x16xf32>,
        %get3A_1476 = vector.shape_cast %get3A_1475 : vector<1x1x16xf32> to vector<16xf32>
        %mul3A_1477 = arith.mulf %broadcast_in_dim3A_1464, %get3A_1476 : vector<16xf32>
        %add3A_1478 = arith.addf %add3A_1453, %mul3A_1477 : vector<16xf32>
        %get3A_1479 = arith.constant 0 : i32
        %get3A_1480 = arith.index_cast %get3A_1479 : i32 to index
        %get3A_1481 = arith.index_cast %add3A_1470 : i32 to index
        %get3A_1482 = arith.constant 16 : index
        %get3A_1483 = tpu.vector_load %arg8[%get3A_1480, %get3A_1481, %get3A_1482] {strides = array<i32>} : memref<2x1024x32xf32, #tpu.memory_space<vmem>>, vector<1x1x16xf32>,
        %get3A_1484 = vector.shape_cast %get3A_1483 : vector<1x1x16xf32> to vector<16xf32>
        %mul3A_1485 = arith.mulf %broadcast_in_dim3A_1464, %get3A_1484 : vector<16xf32>
        %add3A_1486 = arith.addf %add3A_1461, %mul3A_1485 : vector<16xf32>
        %slice3A_1487 = vector.extract_strided_slice %get3A_1350 {offsets = [5], sizes = [1], strides = [1]} : vector<16xf32> to vector<1xf32>
        %squeeze3A_1488 = vector.extract %slice3A_1487[0] : f32 from vector<1xf32>
        %broadcast_in_dim3A_1489 = vector.broadcast %squeeze3A_1488 : f32 to vector<16xf32>
        %mul3A_1490 = arith.constant 128 : i32
        %mul3A_1491 = arith.muli %scan3A_266, %mul3A_1490 : i32
        %add3A_1492 = arith.constant 40 : i32
        %add3A_1493 = arith.addi %mul3A_1491, %add3A_1492 : i32
        %add3A_1494 = arith.constant 5 : i32
        %add3A_1495 = arith.addi %add3A_1493, %add3A_1494 : i32
        %get3A_1496 = arith.constant 0 : i32
        %get3A_1497 = arith.index_cast %get3A_1496 : i32 to index
        %get3A_1498 = arith.index_cast %add3A_1495 : i32 to index
        %get3A_1499 = arith.constant 0 : index
        %get3A_1500 = tpu.vector_load %arg8[%get3A_1497, %get3A_1498, %get3A_1499] {strides = array<i32>} : memref<2x1024x32xf32, #tpu.memory_space<vmem>>, vector<1x1x16xf32>,
        %get3A_1501 = vector.shape_cast %get3A_1500 : vector<1x1x16xf32> to vector<16xf32>
        %mul3A_1502 = arith.mulf %broadcast_in_dim3A_1489, %get3A_1501 : vector<16xf32>
        %add3A_1503 = arith.addf %add3A_1478, %mul3A_1502 : vector<16xf32>
        %get3A_1504 = arith.constant 0 : i32
        %get3A_1505 = arith.index_cast %get3A_1504 : i32 to index
        %get3A_1506 = arith.index_cast %add3A_1495 : i32 to index
        %get3A_1507 = arith.constant 16 : index
        %get3A_1508 = tpu.vector_load %arg8[%get3A_1505, %get3A_1506, %get3A_1507] {strides = array<i32>} : memref<2x1024x32xf32, #tpu.memory_space<vmem>>, vector<1x1x16xf32>,
        %get3A_1509 = vector.shape_cast %get3A_1508 : vector<1x1x16xf32> to vector<16xf32>
        %mul3A_1510 = arith.mulf %broadcast_in_dim3A_1489, %get3A_1509 : vector<16xf32>
        %add3A_1511 = arith.addf %add3A_1486, %mul3A_1510 : vector<16xf32>
        %slice3A_1512 = vector.extract_strided_slice %get3A_1350 {offsets = [6], sizes = [1], strides = [1]} : vector<16xf32> to vector<1xf32>
        %squeeze3A_1513 = vector.extract %slice3A_1512[0] : f32 from vector<1xf32>
        %broadcast_in_dim3A_1514 = vector.broadcast %squeeze3A_1513 : f32 to vector<16xf32>
        %mul3A_1515 = arith.constant 128 : i32
        %mul3A_1516 = arith.muli %scan3A_266, %mul3A_1515 : i32
        %add3A_1517 = arith.constant 40 : i32
        %add3A_1518 = arith.addi %mul3A_1516, %add3A_1517 : i32
        %add3A_1519 = arith.constant 6 : i32
        %add3A_1520 = arith.addi %add3A_1518, %add3A_1519 : i32
        %get3A_1521 = arith.constant 0 : i32
        %get3A_1522 = arith.index_cast %get3A_1521 : i32 to index
        %get3A_1523 = arith.index_cast %add3A_1520 : i32 to index
        %get3A_1524 = arith.constant 0 : index
        %get3A_1525 = tpu.vector_load %arg8[%get3A_1522, %get3A_1523, %get3A_1524] {strides = array<i32>} : memref<2x1024x32xf32, #tpu.memory_space<vmem>>, vector<1x1x16xf32>,
        %get3A_1526 = vector.shape_cast %get3A_1525 : vector<1x1x16xf32> to vector<16xf32>
        %mul3A_1527 = arith.mulf %broadcast_in_dim3A_1514, %get3A_1526 : vector<16xf32>
        %add3A_1528 = arith.addf %add3A_1503, %mul3A_1527 : vector<16xf32>
        %get3A_1529 = arith.constant 0 : i32
        %get3A_1530 = arith.index_cast %get3A_1529 : i32 to index
        %get3A_1531 = arith.index_cast %add3A_1520 : i32 to index
        %get3A_1532 = arith.constant 16 : index
        %get3A_1533 = tpu.vector_load %arg8[%get3A_1530, %get3A_1531, %get3A_1532] {strides = array<i32>} : memref<2x1024x32xf32, #tpu.memory_space<vmem>>, vector<1x1x16xf32>,
        %get3A_1534 = vector.shape_cast %get3A_1533 : vector<1x1x16xf32> to vector<16xf32>
        %mul3A_1535 = arith.mulf %broadcast_in_dim3A_1514, %get3A_1534 : vector<16xf32>
        %add3A_1536 = arith.addf %add3A_1511, %mul3A_1535 : vector<16xf32>
        %slice3A_1537 = vector.extract_strided_slice %get3A_1350 {offsets = [7], sizes = [1], strides = [1]} : vector<16xf32> to vector<1xf32>
        %squeeze3A_1538 = vector.extract %slice3A_1537[0] : f32 from vector<1xf32>
        %broadcast_in_dim3A_1539 = vector.broadcast %squeeze3A_1538 : f32 to vector<16xf32>
        %mul3A_1540 = arith.constant 128 : i32
        %mul3A_1541 = arith.muli %scan3A_266, %mul3A_1540 : i32
        %add3A_1542 = arith.constant 40 : i32
        %add3A_1543 = arith.addi %mul3A_1541, %add3A_1542 : i32
        %add3A_1544 = arith.constant 7 : i32
        %add3A_1545 = arith.addi %add3A_1543, %add3A_1544 : i32
        %get3A_1546 = arith.constant 0 : i32
        %get3A_1547 = arith.index_cast %get3A_1546 : i32 to index
        %get3A_1548 = arith.index_cast %add3A_1545 : i32 to index
        %get3A_1549 = arith.constant 0 : index
        %get3A_1550 = tpu.vector_load %arg8[%get3A_1547, %get3A_1548, %get3A_1549] {strides = array<i32>} : memref<2x1024x32xf32, #tpu.memory_space<vmem>>, vector<1x1x16xf32>,
        %get3A_1551 = vector.shape_cast %get3A_1550 : vector<1x1x16xf32> to vector<16xf32>
        %mul3A_1552 = arith.mulf %broadcast_in_dim3A_1539, %get3A_1551 : vector<16xf32>
        %add3A_1553 = arith.addf %add3A_1528, %mul3A_1552 : vector<16xf32>
        %get3A_1554 = arith.constant 0 : i32
        %get3A_1555 = arith.index_cast %get3A_1554 : i32 to index
        %get3A_1556 = arith.index_cast %add3A_1545 : i32 to index
        %get3A_1557 = arith.constant 16 : index
        %get3A_1558 = tpu.vector_load %arg8[%get3A_1555, %get3A_1556, %get3A_1557] {strides = array<i32>} : memref<2x1024x32xf32, #tpu.memory_space<vmem>>, vector<1x1x16xf32>,
        %get3A_1559 = vector.shape_cast %get3A_1558 : vector<1x1x16xf32> to vector<16xf32>
        %mul3A_1560 = arith.mulf %broadcast_in_dim3A_1539, %get3A_1559 : vector<16xf32>
        %add3A_1561 = arith.addf %add3A_1536, %mul3A_1560 : vector<16xf32>
        %slice3A_1562 = vector.extract_strided_slice %get3A_1350 {offsets = [8], sizes = [1], strides = [1]} : vector<16xf32> to vector<1xf32>
        %squeeze3A_1563 = vector.extract %slice3A_1562[0] : f32 from vector<1xf32>
        %broadcast_in_dim3A_1564 = vector.broadcast %squeeze3A_1563 : f32 to vector<16xf32>
        %mul3A_1565 = arith.constant 128 : i32
        %mul3A_1566 = arith.muli %scan3A_266, %mul3A_1565 : i32
        %add3A_1567 = arith.constant 40 : i32
        %add3A_1568 = arith.addi %mul3A_1566, %add3A_1567 : i32
        %add3A_1569 = arith.constant 8 : i32
        %add3A_1570 = arith.addi %add3A_1568, %add3A_1569 : i32
        %get3A_1571 = arith.constant 0 : i32
        %get3A_1572 = arith.index_cast %get3A_1571 : i32 to index
        %get3A_1573 = arith.index_cast %add3A_1570 : i32 to index
        %get3A_1574 = arith.constant 0 : index
        %get3A_1575 = tpu.vector_load %arg8[%get3A_1572, %get3A_1573, %get3A_1574] {strides = array<i32>} : memref<2x1024x32xf32, #tpu.memory_space<vmem>>, vector<1x1x16xf32>,
        %get3A_1576 = vector.shape_cast %get3A_1575 : vector<1x1x16xf32> to vector<16xf32>
        %mul3A_1577 = arith.mulf %broadcast_in_dim3A_1564, %get3A_1576 : vector<16xf32>
        %add3A_1578 = arith.addf %add3A_1553, %mul3A_1577 : vector<16xf32>
        %get3A_1579 = arith.constant 0 : i32
        %get3A_1580 = arith.index_cast %get3A_1579 : i32 to index
        %get3A_1581 = arith.index_cast %add3A_1570 : i32 to index
        %get3A_1582 = arith.constant 16 : index
        %get3A_1583 = tpu.vector_load %arg8[%get3A_1580, %get3A_1581, %get3A_1582] {strides = array<i32>} : memref<2x1024x32xf32, #tpu.memory_space<vmem>>, vector<1x1x16xf32>,
        %get3A_1584 = vector.shape_cast %get3A_1583 : vector<1x1x16xf32> to vector<16xf32>
        %mul3A_1585 = arith.mulf %broadcast_in_dim3A_1564, %get3A_1584 : vector<16xf32>
        %add3A_1586 = arith.addf %add3A_1561, %mul3A_1585 : vector<16xf32>
        %slice3A_1587 = vector.extract_strided_slice %get3A_1350 {offsets = [9], sizes = [1], strides = [1]} : vector<16xf32> to vector<1xf32>
        %squeeze3A_1588 = vector.extract %slice3A_1587[0] : f32 from vector<1xf32>
        %broadcast_in_dim3A_1589 = vector.broadcast %squeeze3A_1588 : f32 to vector<16xf32>
        %mul3A_1590 = arith.constant 128 : i32
        %mul3A_1591 = arith.muli %scan3A_266, %mul3A_1590 : i32
        %add3A_1592 = arith.constant 40 : i32
        %add3A_1593 = arith.addi %mul3A_1591, %add3A_1592 : i32
        %add3A_1594 = arith.constant 9 : i32
        %add3A_1595 = arith.addi %add3A_1593, %add3A_1594 : i32
        %get3A_1596 = arith.constant 0 : i32
        %get3A_1597 = arith.index_cast %get3A_1596 : i32 to index
        %get3A_1598 = arith.index_cast %add3A_1595 : i32 to index
        %get3A_1599 = arith.constant 0 : index
        %get3A_1600 = tpu.vector_load %arg8[%get3A_1597, %get3A_1598, %get3A_1599] {strides = array<i32>} : memref<2x1024x32xf32, #tpu.memory_space<vmem>>, vector<1x1x16xf32>,
        %get3A_1601 = vector.shape_cast %get3A_1600 : vector<1x1x16xf32> to vector<16xf32>
        %mul3A_1602 = arith.mulf %broadcast_in_dim3A_1589, %get3A_1601 : vector<16xf32>
        %add3A_1603 = arith.addf %add3A_1578, %mul3A_1602 : vector<16xf32>
        %get3A_1604 = arith.constant 0 : i32
        %get3A_1605 = arith.index_cast %get3A_1604 : i32 to index
        %get3A_1606 = arith.index_cast %add3A_1595 : i32 to index
        %get3A_1607 = arith.constant 16 : index
        %get3A_1608 = tpu.vector_load %arg8[%get3A_1605, %get3A_1606, %get3A_1607] {strides = array<i32>} : memref<2x1024x32xf32, #tpu.memory_space<vmem>>, vector<1x1x16xf32>,
        %get3A_1609 = vector.shape_cast %get3A_1608 : vector<1x1x16xf32> to vector<16xf32>
        %mul3A_1610 = arith.mulf %broadcast_in_dim3A_1589, %get3A_1609 : vector<16xf32>
        %add3A_1611 = arith.addf %add3A_1586, %mul3A_1610 : vector<16xf32>
        %slice3A_1612 = vector.extract_strided_slice %get3A_1350 {offsets = [10], sizes = [1], strides = [1]} : vector<16xf32> to vector<1xf32>
        %squeeze3A_1613 = vector.extract %slice3A_1612[0] : f32 from vector<1xf32>
        %broadcast_in_dim3A_1614 = vector.broadcast %squeeze3A_1613 : f32 to vector<16xf32>
        %mul3A_1615 = arith.constant 128 : i32
        %mul3A_1616 = arith.muli %scan3A_266, %mul3A_1615 : i32
        %add3A_1617 = arith.constant 40 : i32
        %add3A_1618 = arith.addi %mul3A_1616, %add3A_1617 : i32
        %add3A_1619 = arith.constant 10 : i32
        %add3A_1620 = arith.addi %add3A_1618, %add3A_1619 : i32
        %get3A_1621 = arith.constant 0 : i32
        %get3A_1622 = arith.index_cast %get3A_1621 : i32 to index
        %get3A_1623 = arith.index_cast %add3A_1620 : i32 to index
        %get3A_1624 = arith.constant 0 : index
        %get3A_1625 = tpu.vector_load %arg8[%get3A_1622, %get3A_1623, %get3A_1624] {strides = array<i32>} : memref<2x1024x32xf32, #tpu.memory_space<vmem>>, vector<1x1x16xf32>,
        %get3A_1626 = vector.shape_cast %get3A_1625 : vector<1x1x16xf32> to vector<16xf32>
        %mul3A_1627 = arith.mulf %broadcast_in_dim3A_1614, %get3A_1626 : vector<16xf32>
        %add3A_1628 = arith.addf %add3A_1603, %mul3A_1627 : vector<16xf32>
        %get3A_1629 = arith.constant 0 : i32
        %get3A_1630 = arith.index_cast %get3A_1629 : i32 to index
        %get3A_1631 = arith.index_cast %add3A_1620 : i32 to index
        %get3A_1632 = arith.constant 16 : index
        %get3A_1633 = tpu.vector_load %arg8[%get3A_1630, %get3A_1631, %get3A_1632] {strides = array<i32>} : memref<2x1024x32xf32, #tpu.memory_space<vmem>>, vector<1x1x16xf32>,
        %get3A_1634 = vector.shape_cast %get3A_1633 : vector<1x1x16xf32> to vector<16xf32>
        %mul3A_1635 = arith.mulf %broadcast_in_dim3A_1614, %get3A_1634 : vector<16xf32>
        %add3A_1636 = arith.addf %add3A_1611, %mul3A_1635 : vector<16xf32>
        %slice3A_1637 = vector.extract_strided_slice %get3A_1350 {offsets = [11], sizes = [1], strides = [1]} : vector<16xf32> to vector<1xf32>
        %squeeze3A_1638 = vector.extract %slice3A_1637[0] : f32 from vector<1xf32>
        %broadcast_in_dim3A_1639 = vector.broadcast %squeeze3A_1638 : f32 to vector<16xf32>
        %mul3A_1640 = arith.constant 128 : i32
        %mul3A_1641 = arith.muli %scan3A_266, %mul3A_1640 : i32
        %add3A_1642 = arith.constant 40 : i32
        %add3A_1643 = arith.addi %mul3A_1641, %add3A_1642 : i32
        %add3A_1644 = arith.constant 11 : i32
        %add3A_1645 = arith.addi %add3A_1643, %add3A_1644 : i32
        %get3A_1646 = arith.constant 0 : i32
        %get3A_1647 = arith.index_cast %get3A_1646 : i32 to index
        %get3A_1648 = arith.index_cast %add3A_1645 : i32 to index
        %get3A_1649 = arith.constant 0 : index
        %get3A_1650 = tpu.vector_load %arg8[%get3A_1647, %get3A_1648, %get3A_1649] {strides = array<i32>} : memref<2x1024x32xf32, #tpu.memory_space<vmem>>, vector<1x1x16xf32>,
        %get3A_1651 = vector.shape_cast %get3A_1650 : vector<1x1x16xf32> to vector<16xf32>
        %mul3A_1652 = arith.mulf %broadcast_in_dim3A_1639, %get3A_1651 : vector<16xf32>
        %add3A_1653 = arith.addf %add3A_1628, %mul3A_1652 : vector<16xf32>
        %get3A_1654 = arith.constant 0 : i32
        %get3A_1655 = arith.index_cast %get3A_1654 : i32 to index
        %get3A_1656 = arith.index_cast %add3A_1645 : i32 to index
        %get3A_1657 = arith.constant 16 : index
        %get3A_1658 = tpu.vector_load %arg8[%get3A_1655, %get3A_1656, %get3A_1657] {strides = array<i32>} : memref<2x1024x32xf32, #tpu.memory_space<vmem>>, vector<1x1x16xf32>,
        %get3A_1659 = vector.shape_cast %get3A_1658 : vector<1x1x16xf32> to vector<16xf32>
        %mul3A_1660 = arith.mulf %broadcast_in_dim3A_1639, %get3A_1659 : vector<16xf32>
        %add3A_1661 = arith.addf %add3A_1636, %mul3A_1660 : vector<16xf32>
        %slice3A_1662 = vector.extract_strided_slice %get3A_1350 {offsets = [12], sizes = [1], strides = [1]} : vector<16xf32> to vector<1xf32>
        %squeeze3A_1663 = vector.extract %slice3A_1662[0] : f32 from vector<1xf32>
        %broadcast_in_dim3A_1664 = vector.broadcast %squeeze3A_1663 : f32 to vector<16xf32>
        %mul3A_1665 = arith.constant 128 : i32
        %mul3A_1666 = arith.muli %scan3A_266, %mul3A_1665 : i32
        %add3A_1667 = arith.constant 40 : i32
        %add3A_1668 = arith.addi %mul3A_1666, %add3A_1667 : i32
        %add3A_1669 = arith.constant 12 : i32
        %add3A_1670 = arith.addi %add3A_1668, %add3A_1669 : i32
        %get3A_1671 = arith.constant 0 : i32
        %get3A_1672 = arith.index_cast %get3A_1671 : i32 to index
        %get3A_1673 = arith.index_cast %add3A_1670 : i32 to index
        %get3A_1674 = arith.constant 0 : index
        %get3A_1675 = tpu.vector_load %arg8[%get3A_1672, %get3A_1673, %get3A_1674] {strides = array<i32>} : memref<2x1024x32xf32, #tpu.memory_space<vmem>>, vector<1x1x16xf32>,
        %get3A_1676 = vector.shape_cast %get3A_1675 : vector<1x1x16xf32> to vector<16xf32>
        %mul3A_1677 = arith.mulf %broadcast_in_dim3A_1664, %get3A_1676 : vector<16xf32>
        %add3A_1678 = arith.addf %add3A_1653, %mul3A_1677 : vector<16xf32>
        %get3A_1679 = arith.constant 0 : i32
        %get3A_1680 = arith.index_cast %get3A_1679 : i32 to index
        %get3A_1681 = arith.index_cast %add3A_1670 : i32 to index
        %get3A_1682 = arith.constant 16 : index
        %get3A_1683 = tpu.vector_load %arg8[%get3A_1680, %get3A_1681, %get3A_1682] {strides = array<i32>} : memref<2x1024x32xf32, #tpu.memory_space<vmem>>, vector<1x1x16xf32>,
        %get3A_1684 = vector.shape_cast %get3A_1683 : vector<1x1x16xf32> to vector<16xf32>
        %mul3A_1685 = arith.mulf %broadcast_in_dim3A_1664, %get3A_1684 : vector<16xf32>
        %add3A_1686 = arith.addf %add3A_1661, %mul3A_1685 : vector<16xf32>
        %slice3A_1687 = vector.extract_strided_slice %get3A_1350 {offsets = [13], sizes = [1], strides = [1]} : vector<16xf32> to vector<1xf32>
        %squeeze3A_1688 = vector.extract %slice3A_1687[0] : f32 from vector<1xf32>
        %broadcast_in_dim3A_1689 = vector.broadcast %squeeze3A_1688 : f32 to vector<16xf32>
        %mul3A_1690 = arith.constant 128 : i32
        %mul3A_1691 = arith.muli %scan3A_266, %mul3A_1690 : i32
        %add3A_1692 = arith.constant 40 : i32
        %add3A_1693 = arith.addi %mul3A_1691, %add3A_1692 : i32
        %add3A_1694 = arith.constant 13 : i32
        %add3A_1695 = arith.addi %add3A_1693, %add3A_1694 : i32
        %get3A_1696 = arith.constant 0 : i32
        %get3A_1697 = arith.index_cast %get3A_1696 : i32 to index
        %get3A_1698 = arith.index_cast %add3A_1695 : i32 to index
        %get3A_1699 = arith.constant 0 : index
        %get3A_1700 = tpu.vector_load %arg8[%get3A_1697, %get3A_1698, %get3A_1699] {strides = array<i32>} : memref<2x1024x32xf32, #tpu.memory_space<vmem>>, vector<1x1x16xf32>,
        %get3A_1701 = vector.shape_cast %get3A_1700 : vector<1x1x16xf32> to vector<16xf32>
        %mul3A_1702 = arith.mulf %broadcast_in_dim3A_1689, %get3A_1701 : vector<16xf32>
        %add3A_1703 = arith.addf %add3A_1678, %mul3A_1702 : vector<16xf32>
        %get3A_1704 = arith.constant 0 : i32
        %get3A_1705 = arith.index_cast %get3A_1704 : i32 to index
        %get3A_1706 = arith.index_cast %add3A_1695 : i32 to index
        %get3A_1707 = arith.constant 16 : index
        %get3A_1708 = tpu.vector_load %arg8[%get3A_1705, %get3A_1706, %get3A_1707] {strides = array<i32>} : memref<2x1024x32xf32, #tpu.memory_space<vmem>>, vector<1x1x16xf32>,
        %get3A_1709 = vector.shape_cast %get3A_1708 : vector<1x1x16xf32> to vector<16xf32>
        %mul3A_1710 = arith.mulf %broadcast_in_dim3A_1689, %get3A_1709 : vector<16xf32>
        %add3A_1711 = arith.addf %add3A_1686, %mul3A_1710 : vector<16xf32>
        %slice3A_1712 = vector.extract_strided_slice %get3A_1350 {offsets = [14], sizes = [1], strides = [1]} : vector<16xf32> to vector<1xf32>
        %squeeze3A_1713 = vector.extract %slice3A_1712[0] : f32 from vector<1xf32>
        %broadcast_in_dim3A_1714 = vector.broadcast %squeeze3A_1713 : f32 to vector<16xf32>
        %mul3A_1715 = arith.constant 128 : i32
        %mul3A_1716 = arith.muli %scan3A_266, %mul3A_1715 : i32
        %add3A_1717 = arith.constant 40 : i32
        %add3A_1718 = arith.addi %mul3A_1716, %add3A_1717 : i32
        %add3A_1719 = arith.constant 14 : i32
        %add3A_1720 = arith.addi %add3A_1718, %add3A_1719 : i32
        %get3A_1721 = arith.constant 0 : i32
        %get3A_1722 = arith.index_cast %get3A_1721 : i32 to index
        %get3A_1723 = arith.index_cast %add3A_1720 : i32 to index
        %get3A_1724 = arith.constant 0 : index
        %get3A_1725 = tpu.vector_load %arg8[%get3A_1722, %get3A_1723, %get3A_1724] {strides = array<i32>} : memref<2x1024x32xf32, #tpu.memory_space<vmem>>, vector<1x1x16xf32>,
        %get3A_1726 = vector.shape_cast %get3A_1725 : vector<1x1x16xf32> to vector<16xf32>
        %mul3A_1727 = arith.mulf %broadcast_in_dim3A_1714, %get3A_1726 : vector<16xf32>
        %add3A_1728 = arith.addf %add3A_1703, %mul3A_1727 : vector<16xf32>
        %get3A_1729 = arith.constant 0 : i32
        %get3A_1730 = arith.index_cast %get3A_1729 : i32 to index
        %get3A_1731 = arith.index_cast %add3A_1720 : i32 to index
        %get3A_1732 = arith.constant 16 : index
        %get3A_1733 = tpu.vector_load %arg8[%get3A_1730, %get3A_1731, %get3A_1732] {strides = array<i32>} : memref<2x1024x32xf32, #tpu.memory_space<vmem>>, vector<1x1x16xf32>,
        %get3A_1734 = vector.shape_cast %get3A_1733 : vector<1x1x16xf32> to vector<16xf32>
        %mul3A_1735 = arith.mulf %broadcast_in_dim3A_1714, %get3A_1734 : vector<16xf32>
        %add3A_1736 = arith.addf %add3A_1711, %mul3A_1735 : vector<16xf32>
        %slice3A_1737 = vector.extract_strided_slice %get3A_1350 {offsets = [15], sizes = [1], strides = [1]} : vector<16xf32> to vector<1xf32>
        %squeeze3A_1738 = vector.extract %slice3A_1737[0] : f32 from vector<1xf32>
        %broadcast_in_dim3A_1739 = vector.broadcast %squeeze3A_1738 : f32 to vector<16xf32>
        %mul3A_1740 = arith.constant 128 : i32
        %mul3A_1741 = arith.muli %scan3A_266, %mul3A_1740 : i32
        %add3A_1742 = arith.constant 40 : i32
        %add3A_1743 = arith.addi %mul3A_1741, %add3A_1742 : i32
        %add3A_1744 = arith.constant 15 : i32
        %add3A_1745 = arith.addi %add3A_1743, %add3A_1744 : i32
        %get3A_1746 = arith.constant 0 : i32
        %get3A_1747 = arith.index_cast %get3A_1746 : i32 to index
        %get3A_1748 = arith.index_cast %add3A_1745 : i32 to index
        %get3A_1749 = arith.constant 0 : index
        %get3A_1750 = tpu.vector_load %arg8[%get3A_1747, %get3A_1748, %get3A_1749] {strides = array<i32>} : memref<2x1024x32xf32, #tpu.memory_space<vmem>>, vector<1x1x16xf32>,
        %get3A_1751 = vector.shape_cast %get3A_1750 : vector<1x1x16xf32> to vector<16xf32>
        %mul3A_1752 = arith.mulf %broadcast_in_dim3A_1739, %get3A_1751 : vector<16xf32>
        %add3A_1753 = arith.addf %add3A_1728, %mul3A_1752 : vector<16xf32>
        %get3A_1754 = arith.constant 0 : i32
        %get3A_1755 = arith.index_cast %get3A_1754 : i32 to index
        %get3A_1756 = arith.index_cast %add3A_1745 : i32 to index
        %get3A_1757 = arith.constant 16 : index
        %get3A_1758 = tpu.vector_load %arg8[%get3A_1755, %get3A_1756, %get3A_1757] {strides = array<i32>} : memref<2x1024x32xf32, #tpu.memory_space<vmem>>, vector<1x1x16xf32>,
        %get3A_1759 = vector.shape_cast %get3A_1758 : vector<1x1x16xf32> to vector<16xf32>
        %mul3A_1760 = arith.mulf %broadcast_in_dim3A_1739, %get3A_1759 : vector<16xf32>
        %add3A_1761 = arith.addf %add3A_1736, %mul3A_1760 : vector<16xf32>
        %slice3A_1762 = vector.extract_strided_slice %get3A_1361 {offsets = [12], sizes = [1], strides = [1]} : vector<16xf32> to vector<1xf32>
        %squeeze3A_1763 = vector.extract %slice3A_1762[0] : f32 from vector<1xf32>
        %broadcast_in_dim3A_1764 = vector.broadcast %squeeze3A_1763 : f32 to vector<16xf32>
        %mul3A_1765 = arith.constant 128 : i32
        %mul3A_1766 = arith.muli %scan3A_266, %mul3A_1765 : i32
        %add3A_1767 = arith.constant 40 : i32
        %add3A_1768 = arith.addi %mul3A_1766, %add3A_1767 : i32
        %add3A_1769 = arith.constant 16 : i32
        %add3A_1770 = arith.addi %add3A_1768, %add3A_1769 : i32
        %get3A_1771 = arith.constant 0 : i32
        %get3A_1772 = arith.index_cast %get3A_1771 : i32 to index
        %get3A_1773 = arith.index_cast %add3A_1770 : i32 to index
        %get3A_1774 = arith.constant 0 : index
        %get3A_1775 = tpu.vector_load %arg8[%get3A_1772, %get3A_1773, %get3A_1774] {strides = array<i32>} : memref<2x1024x32xf32, #tpu.memory_space<vmem>>, vector<1x1x16xf32>,
        %get3A_1776 = vector.shape_cast %get3A_1775 : vector<1x1x16xf32> to vector<16xf32>
        %mul3A_1777 = arith.mulf %broadcast_in_dim3A_1764, %get3A_1776 : vector<16xf32>
        %add3A_1778 = arith.addf %add3A_1753, %mul3A_1777 : vector<16xf32>
        %get3A_1779 = arith.constant 0 : i32
        %get3A_1780 = arith.index_cast %get3A_1779 : i32 to index
        %get3A_1781 = arith.index_cast %add3A_1770 : i32 to index
        %get3A_1782 = arith.constant 16 : index
        %get3A_1783 = tpu.vector_load %arg8[%get3A_1780, %get3A_1781, %get3A_1782] {strides = array<i32>} : memref<2x1024x32xf32, #tpu.memory_space<vmem>>, vector<1x1x16xf32>,
        %get3A_1784 = vector.shape_cast %get3A_1783 : vector<1x1x16xf32> to vector<16xf32>
        %mul3A_1785 = arith.mulf %broadcast_in_dim3A_1764, %get3A_1784 : vector<16xf32>
        %add3A_1786 = arith.addf %add3A_1761, %mul3A_1785 : vector<16xf32>
        %slice3A_1787 = vector.extract_strided_slice %get3A_1361 {offsets = [13], sizes = [1], strides = [1]} : vector<16xf32> to vector<1xf32>
        %squeeze3A_1788 = vector.extract %slice3A_1787[0] : f32 from vector<1xf32>
        %broadcast_in_dim3A_1789 = vector.broadcast %squeeze3A_1788 : f32 to vector<16xf32>
        %mul3A_1790 = arith.constant 128 : i32
        %mul3A_1791 = arith.muli %scan3A_266, %mul3A_1790 : i32
        %add3A_1792 = arith.constant 40 : i32
        %add3A_1793 = arith.addi %mul3A_1791, %add3A_1792 : i32
        %add3A_1794 = arith.constant 17 : i32
        %add3A_1795 = arith.addi %add3A_1793, %add3A_1794 : i32
        %get3A_1796 = arith.constant 0 : i32
        %get3A_1797 = arith.index_cast %get3A_1796 : i32 to index
        %get3A_1798 = arith.index_cast %add3A_1795 : i32 to index
        %get3A_1799 = arith.constant 0 : index
        %get3A_1800 = tpu.vector_load %arg8[%get3A_1797, %get3A_1798, %get3A_1799] {strides = array<i32>} : memref<2x1024x32xf32, #tpu.memory_space<vmem>>, vector<1x1x16xf32>,
        %get3A_1801 = vector.shape_cast %get3A_1800 : vector<1x1x16xf32> to vector<16xf32>
        %mul3A_1802 = arith.mulf %broadcast_in_dim3A_1789, %get3A_1801 : vector<16xf32>
        %add3A_1803 = arith.addf %add3A_1778, %mul3A_1802 : vector<16xf32>
        %get3A_1804 = arith.constant 0 : i32
        %get3A_1805 = arith.index_cast %get3A_1804 : i32 to index
        %get3A_1806 = arith.index_cast %add3A_1795 : i32 to index
        %get3A_1807 = arith.constant 16 : index
        %get3A_1808 = tpu.vector_load %arg8[%get3A_1805, %get3A_1806, %get3A_1807] {strides = array<i32>} : memref<2x1024x32xf32, #tpu.memory_space<vmem>>, vector<1x1x16xf32>,
        %get3A_1809 = vector.shape_cast %get3A_1808 : vector<1x1x16xf32> to vector<16xf32>
        %mul3A_1810 = arith.mulf %broadcast_in_dim3A_1789, %get3A_1809 : vector<16xf32>
        %add3A_1811 = arith.addf %add3A_1786, %mul3A_1810 : vector<16xf32>
        %slice3A_1812 = vector.extract_strided_slice %get3A_1361 {offsets = [14], sizes = [1], strides = [1]} : vector<16xf32> to vector<1xf32>
        %squeeze3A_1813 = vector.extract %slice3A_1812[0] : f32 from vector<1xf32>
        %broadcast_in_dim3A_1814 = vector.broadcast %squeeze3A_1813 : f32 to vector<16xf32>
        %mul3A_1815 = arith.constant 128 : i32
        %mul3A_1816 = arith.muli %scan3A_266, %mul3A_1815 : i32
        %add3A_1817 = arith.constant 40 : i32
        %add3A_1818 = arith.addi %mul3A_1816, %add3A_1817 : i32
        %add3A_1819 = arith.constant 18 : i32
        %add3A_1820 = arith.addi %add3A_1818, %add3A_1819 : i32
        %get3A_1821 = arith.constant 0 : i32
        %get3A_1822 = arith.index_cast %get3A_1821 : i32 to index
        %get3A_1823 = arith.index_cast %add3A_1820 : i32 to index
        %get3A_1824 = arith.constant 0 : index
        %get3A_1825 = tpu.vector_load %arg8[%get3A_1822, %get3A_1823, %get3A_1824] {strides = array<i32>} : memref<2x1024x32xf32, #tpu.memory_space<vmem>>, vector<1x1x16xf32>,
        %get3A_1826 = vector.shape_cast %get3A_1825 : vector<1x1x16xf32> to vector<16xf32>
        %mul3A_1827 = arith.mulf %broadcast_in_dim3A_1814, %get3A_1826 : vector<16xf32>
        %add3A_1828 = arith.addf %add3A_1803, %mul3A_1827 : vector<16xf32>
        %get3A_1829 = arith.constant 0 : i32
        %get3A_1830 = arith.index_cast %get3A_1829 : i32 to index
        %get3A_1831 = arith.index_cast %add3A_1820 : i32 to index
        %get3A_1832 = arith.constant 16 : index
        %get3A_1833 = tpu.vector_load %arg8[%get3A_1830, %get3A_1831, %get3A_1832] {strides = array<i32>} : memref<2x1024x32xf32, #tpu.memory_space<vmem>>, vector<1x1x16xf32>,
        %get3A_1834 = vector.shape_cast %get3A_1833 : vector<1x1x16xf32> to vector<16xf32>
        %mul3A_1835 = arith.mulf %broadcast_in_dim3A_1814, %get3A_1834 : vector<16xf32>
        %add3A_1836 = arith.addf %add3A_1811, %mul3A_1835 : vector<16xf32>
        %slice3A_1837 = vector.extract_strided_slice %get3A_1361 {offsets = [15], sizes = [1], strides = [1]} : vector<16xf32> to vector<1xf32>
        %squeeze3A_1838 = vector.extract %slice3A_1837[0] : f32 from vector<1xf32>
        %broadcast_in_dim3A_1839 = vector.broadcast %squeeze3A_1838 : f32 to vector<16xf32>
        %mul3A_1840 = arith.constant 128 : i32
        %mul3A_1841 = arith.muli %scan3A_266, %mul3A_1840 : i32
        %add3A_1842 = arith.constant 40 : i32
        %add3A_1843 = arith.addi %mul3A_1841, %add3A_1842 : i32
        %add3A_1844 = arith.constant 19 : i32
        %add3A_1845 = arith.addi %add3A_1843, %add3A_1844 : i32
        %get3A_1846 = arith.constant 0 : i32
        %get3A_1847 = arith.index_cast %get3A_1846 : i32 to index
        %get3A_1848 = arith.index_cast %add3A_1845 : i32 to index
        %get3A_1849 = arith.constant 0 : index
        %get3A_1850 = tpu.vector_load %arg8[%get3A_1847, %get3A_1848, %get3A_1849] {strides = array<i32>} : memref<2x1024x32xf32, #tpu.memory_space<vmem>>, vector<1x1x16xf32>,
        %get3A_1851 = vector.shape_cast %get3A_1850 : vector<1x1x16xf32> to vector<16xf32>
        %mul3A_1852 = arith.mulf %broadcast_in_dim3A_1839, %get3A_1851 : vector<16xf32>
        %add3A_1853 = arith.addf %add3A_1828, %mul3A_1852 : vector<16xf32>
        %get3A_1854 = arith.constant 0 : i32
        %get3A_1855 = arith.index_cast %get3A_1854 : i32 to index
        %get3A_1856 = arith.index_cast %add3A_1845 : i32 to index
        %get3A_1857 = arith.constant 16 : index
        %get3A_1858 = tpu.vector_load %arg8[%get3A_1855, %get3A_1856, %get3A_1857] {strides = array<i32>} : memref<2x1024x32xf32, #tpu.memory_space<vmem>>, vector<1x1x16xf32>,
        %get3A_1859 = vector.shape_cast %get3A_1858 : vector<1x1x16xf32> to vector<16xf32>
        %mul3A_1860 = arith.mulf %broadcast_in_dim3A_1839, %get3A_1859 : vector<16xf32>
        %add3A_1861 = arith.addf %add3A_1836, %mul3A_1860 : vector<16xf32>
        %swap3A_1862 = arith.constant 0 : i32
        %swap3A_1863 = arith.index_cast %swap3A_1862 : i32 to index
        %swap3A_1864 = arith.index_cast %scan3A_266 : i32 to index
        %swap3A_1865 = arith.constant 64 : index
        %swap3A_1866 = tpu.vector_load %arg9[%swap3A_1863, %swap3A_1864, %swap3A_1865] {strides = array<i32>} : memref<2x8x96xf32, #tpu.memory_space<vmem>>, vector<1x1x16xf32>,
        %swap3A_1867 = vector.shape_cast %swap3A_1866 : vector<1x1x16xf32> to vector<16xf32>
        %swap3A_1868 = vector.shape_cast %add3A_1853 : vector<16xf32> to vector<1x1x16xf32>
        tpu.vector_store %arg9[%swap3A_1863, %swap3A_1864, %swap3A_1865], %swap3A_1868 {strides = array<i32>} : memref<2x8x96xf32, #tpu.memory_space<vmem>>, vector<1x1x16xf32>,
        %swap3A_1869 = arith.constant 0 : i32
        %swap3A_1870 = arith.index_cast %swap3A_1869 : i32 to index
        %swap3A_1871 = arith.index_cast %scan3A_266 : i32 to index
        %swap3A_1872 = arith.constant 80 : index
        %swap3A_1873 = tpu.vector_load %arg9[%swap3A_1870, %swap3A_1871, %swap3A_1872] {strides = array<i32>} : memref<2x8x96xf32, #tpu.memory_space<vmem>>, vector<1x1x16xf32>,
        %swap3A_1874 = vector.shape_cast %swap3A_1873 : vector<1x1x16xf32> to vector<16xf32>
        %swap3A_1875 = vector.shape_cast %add3A_1861 : vector<16xf32> to vector<1x1x16xf32>
        tpu.vector_store %arg9[%swap3A_1870, %swap3A_1871, %swap3A_1872], %swap3A_1875 {strides = array<i32>} : memref<2x8x96xf32, #tpu.memory_space<vmem>>, vector<1x1x16xf32>,
        %broadcast_in_dim3A_1876 = arith.constant 0.000000e+00 : f32
        %broadcast_in_dim3A_1877 = vector.broadcast %broadcast_in_dim3A_1876 : f32 to vector<16xf32>
        %broadcast_in_dim3A_1878 = arith.constant 0.000000e+00 : f32
        %broadcast_in_dim3A_1879 = vector.broadcast %broadcast_in_dim3A_1878 : f32 to vector<16xf32>
        %mul3A_1880 = arith.constant 128 : i32
        %mul3A_1881 = arith.muli %scan3A_266, %mul3A_1880 : i32
        %add3A_1882 = arith.constant 64 : i32
        %add3A_1883 = arith.addi %mul3A_1881, %add3A_1882 : i32
        %get3A_1884 = arith.constant 0 : i32
        %get3A_1885 = arith.index_cast %get3A_1884 : i32 to index
        %get3A_1886 = arith.index_cast %add3A_1883 : i32 to index
        %get3A_1887 = tpu.vector_load %arg7[%get3A_1885, %get3A_1886] {strides = array<i32>} : memref<2x1024xf32, #tpu.memory_space<vmem>>, vector<1x16xf32>,
        %get3A_1888 = vector.shape_cast %get3A_1887 : vector<1x16xf32> to vector<16xf32>
        %mul3A_1889 = arith.constant 128 : i32
        %mul3A_1890 = arith.muli %scan3A_266, %mul3A_1889 : i32
        %add3A_1891 = arith.constant 64 : i32
        %add3A_1892 = arith.addi %mul3A_1890, %add3A_1891 : i32
        %add3A_1893 = arith.constant 4 : i32
        %add3A_1894 = arith.addi %add3A_1892, %add3A_1893 : i32
        %get3A_1895 = arith.constant 0 : i32
        %get3A_1896 = arith.index_cast %get3A_1895 : i32 to index
        %get3A_1897 = arith.index_cast %add3A_1894 : i32 to index
        %get3A_1898 = tpu.vector_load %arg7[%get3A_1896, %get3A_1897] {strides = array<i32>} : memref<2x1024xf32, #tpu.memory_space<vmem>>, vector<1x16xf32>,
        %get3A_1899 = vector.shape_cast %get3A_1898 : vector<1x16xf32> to vector<16xf32>
        %slice3A_1900 = vector.extract_strided_slice %get3A_1888 {offsets = [0], sizes = [1], strides = [1]} : vector<16xf32> to vector<1xf32>
        %squeeze3A_1901 = vector.extract %slice3A_1900[0] : f32 from vector<1xf32>
        %broadcast_in_dim3A_1902 = vector.broadcast %squeeze3A_1901 : f32 to vector<16xf32>
        %mul3A_1903 = arith.constant 128 : i32
        %mul3A_1904 = arith.muli %scan3A_266, %mul3A_1903 : i32
        %add3A_1905 = arith.constant 64 : i32
        %add3A_1906 = arith.addi %mul3A_1904, %add3A_1905 : i32
        %add3A_1907 = arith.constant 0 : i32
        %add3A_1908 = arith.addi %add3A_1906, %add3A_1907 : i32
        %get3A_1909 = arith.constant 0 : i32
        %get3A_1910 = arith.index_cast %get3A_1909 : i32 to index
        %get3A_1911 = arith.index_cast %add3A_1908 : i32 to index
        %get3A_1912 = arith.constant 0 : index
        %get3A_1913 = tpu.vector_load %arg8[%get3A_1910, %get3A_1911, %get3A_1912] {strides = array<i32>} : memref<2x1024x32xf32, #tpu.memory_space<vmem>>, vector<1x1x16xf32>,
        %get3A_1914 = vector.shape_cast %get3A_1913 : vector<1x1x16xf32> to vector<16xf32>
        %mul3A_1915 = arith.mulf %broadcast_in_dim3A_1902, %get3A_1914 : vector<16xf32>
        %add3A_1916 = arith.addf %broadcast_in_dim3A_1877, %mul3A_1915 : vector<16xf32>
        %get3A_1917 = arith.constant 0 : i32
        %get3A_1918 = arith.index_cast %get3A_1917 : i32 to index
        %get3A_1919 = arith.index_cast %add3A_1908 : i32 to index
        %get3A_1920 = arith.constant 16 : index
        %get3A_1921 = tpu.vector_load %arg8[%get3A_1918, %get3A_1919, %get3A_1920] {strides = array<i32>} : memref<2x1024x32xf32, #tpu.memory_space<vmem>>, vector<1x1x16xf32>,
        %get3A_1922 = vector.shape_cast %get3A_1921 : vector<1x1x16xf32> to vector<16xf32>
        %mul3A_1923 = arith.mulf %broadcast_in_dim3A_1902, %get3A_1922 : vector<16xf32>
        %add3A_1924 = arith.addf %broadcast_in_dim3A_1879, %mul3A_1923 : vector<16xf32>
        %slice3A_1925 = vector.extract_strided_slice %get3A_1888 {offsets = [1], sizes = [1], strides = [1]} : vector<16xf32> to vector<1xf32>
        %squeeze3A_1926 = vector.extract %slice3A_1925[0] : f32 from vector<1xf32>
        %broadcast_in_dim3A_1927 = vector.broadcast %squeeze3A_1926 : f32 to vector<16xf32>
        %mul3A_1928 = arith.constant 128 : i32
        %mul3A_1929 = arith.muli %scan3A_266, %mul3A_1928 : i32
        %add3A_1930 = arith.constant 64 : i32
        %add3A_1931 = arith.addi %mul3A_1929, %add3A_1930 : i32
        %add3A_1932 = arith.constant 1 : i32
        %add3A_1933 = arith.addi %add3A_1931, %add3A_1932 : i32
        %get3A_1934 = arith.constant 0 : i32
        %get3A_1935 = arith.index_cast %get3A_1934 : i32 to index
        %get3A_1936 = arith.index_cast %add3A_1933 : i32 to index
        %get3A_1937 = arith.constant 0 : index
        %get3A_1938 = tpu.vector_load %arg8[%get3A_1935, %get3A_1936, %get3A_1937] {strides = array<i32>} : memref<2x1024x32xf32, #tpu.memory_space<vmem>>, vector<1x1x16xf32>,
        %get3A_1939 = vector.shape_cast %get3A_1938 : vector<1x1x16xf32> to vector<16xf32>
        %mul3A_1940 = arith.mulf %broadcast_in_dim3A_1927, %get3A_1939 : vector<16xf32>
        %add3A_1941 = arith.addf %add3A_1916, %mul3A_1940 : vector<16xf32>
        %get3A_1942 = arith.constant 0 : i32
        %get3A_1943 = arith.index_cast %get3A_1942 : i32 to index
        %get3A_1944 = arith.index_cast %add3A_1933 : i32 to index
        %get3A_1945 = arith.constant 16 : index
        %get3A_1946 = tpu.vector_load %arg8[%get3A_1943, %get3A_1944, %get3A_1945] {strides = array<i32>} : memref<2x1024x32xf32, #tpu.memory_space<vmem>>, vector<1x1x16xf32>,
        %get3A_1947 = vector.shape_cast %get3A_1946 : vector<1x1x16xf32> to vector<16xf32>
        %mul3A_1948 = arith.mulf %broadcast_in_dim3A_1927, %get3A_1947 : vector<16xf32>
        %add3A_1949 = arith.addf %add3A_1924, %mul3A_1948 : vector<16xf32>
        %slice3A_1950 = vector.extract_strided_slice %get3A_1888 {offsets = [2], sizes = [1], strides = [1]} : vector<16xf32> to vector<1xf32>
        %squeeze3A_1951 = vector.extract %slice3A_1950[0] : f32 from vector<1xf32>
        %broadcast_in_dim3A_1952 = vector.broadcast %squeeze3A_1951 : f32 to vector<16xf32>
        %mul3A_1953 = arith.constant 128 : i32
        %mul3A_1954 = arith.muli %scan3A_266, %mul3A_1953 : i32
        %add3A_1955 = arith.constant 64 : i32
        %add3A_1956 = arith.addi %mul3A_1954, %add3A_1955 : i32
        %add3A_1957 = arith.constant 2 : i32
        %add3A_1958 = arith.addi %add3A_1956, %add3A_1957 : i32
        %get3A_1959 = arith.constant 0 : i32
        %get3A_1960 = arith.index_cast %get3A_1959 : i32 to index
        %get3A_1961 = arith.index_cast %add3A_1958 : i32 to index
        %get3A_1962 = arith.constant 0 : index
        %get3A_1963 = tpu.vector_load %arg8[%get3A_1960, %get3A_1961, %get3A_1962] {strides = array<i32>} : memref<2x1024x32xf32, #tpu.memory_space<vmem>>, vector<1x1x16xf32>,
        %get3A_1964 = vector.shape_cast %get3A_1963 : vector<1x1x16xf32> to vector<16xf32>
        %mul3A_1965 = arith.mulf %broadcast_in_dim3A_1952, %get3A_1964 : vector<16xf32>
        %add3A_1966 = arith.addf %add3A_1941, %mul3A_1965 : vector<16xf32>
        %get3A_1967 = arith.constant 0 : i32
        %get3A_1968 = arith.index_cast %get3A_1967 : i32 to index
        %get3A_1969 = arith.index_cast %add3A_1958 : i32 to index
        %get3A_1970 = arith.constant 16 : index
        %get3A_1971 = tpu.vector_load %arg8[%get3A_1968, %get3A_1969, %get3A_1970] {strides = array<i32>} : memref<2x1024x32xf32, #tpu.memory_space<vmem>>, vector<1x1x16xf32>,
        %get3A_1972 = vector.shape_cast %get3A_1971 : vector<1x1x16xf32> to vector<16xf32>
        %mul3A_1973 = arith.mulf %broadcast_in_dim3A_1952, %get3A_1972 : vector<16xf32>
        %add3A_1974 = arith.addf %add3A_1949, %mul3A_1973 : vector<16xf32>
        %slice3A_1975 = vector.extract_strided_slice %get3A_1888 {offsets = [3], sizes = [1], strides = [1]} : vector<16xf32> to vector<1xf32>
        %squeeze3A_1976 = vector.extract %slice3A_1975[0] : f32 from vector<1xf32>
        %broadcast_in_dim3A_1977 = vector.broadcast %squeeze3A_1976 : f32 to vector<16xf32>
        %mul3A_1978 = arith.constant 128 : i32
        %mul3A_1979 = arith.muli %scan3A_266, %mul3A_1978 : i32
        %add3A_1980 = arith.constant 64 : i32
        %add3A_1981 = arith.addi %mul3A_1979, %add3A_1980 : i32
        %add3A_1982 = arith.constant 3 : i32
        %add3A_1983 = arith.addi %add3A_1981, %add3A_1982 : i32
        %get3A_1984 = arith.constant 0 : i32
        %get3A_1985 = arith.index_cast %get3A_1984 : i32 to index
        %get3A_1986 = arith.index_cast %add3A_1983 : i32 to index
        %get3A_1987 = arith.constant 0 : index
        %get3A_1988 = tpu.vector_load %arg8[%get3A_1985, %get3A_1986, %get3A_1987] {strides = array<i32>} : memref<2x1024x32xf32, #tpu.memory_space<vmem>>, vector<1x1x16xf32>,
        %get3A_1989 = vector.shape_cast %get3A_1988 : vector<1x1x16xf32> to vector<16xf32>
        %mul3A_1990 = arith.mulf %broadcast_in_dim3A_1977, %get3A_1989 : vector<16xf32>
        %add3A_1991 = arith.addf %add3A_1966, %mul3A_1990 : vector<16xf32>
        %get3A_1992 = arith.constant 0 : i32
        %get3A_1993 = arith.index_cast %get3A_1992 : i32 to index
        %get3A_1994 = arith.index_cast %add3A_1983 : i32 to index
        %get3A_1995 = arith.constant 16 : index
        %get3A_1996 = tpu.vector_load %arg8[%get3A_1993, %get3A_1994, %get3A_1995] {strides = array<i32>} : memref<2x1024x32xf32, #tpu.memory_space<vmem>>, vector<1x1x16xf32>,
        %get3A_1997 = vector.shape_cast %get3A_1996 : vector<1x1x16xf32> to vector<16xf32>
        %mul3A_1998 = arith.mulf %broadcast_in_dim3A_1977, %get3A_1997 : vector<16xf32>
        %add3A_1999 = arith.addf %add3A_1974, %mul3A_1998 : vector<16xf32>
        %slice3A_2000 = vector.extract_strided_slice %get3A_1888 {offsets = [4], sizes = [1], strides = [1]} : vector<16xf32> to vector<1xf32>
        %squeeze3A_2001 = vector.extract %slice3A_2000[0] : f32 from vector<1xf32>
        %broadcast_in_dim3A_2002 = vector.broadcast %squeeze3A_2001 : f32 to vector<16xf32>
        %mul3A_2003 = arith.constant 128 : i32
        %mul3A_2004 = arith.muli %scan3A_266, %mul3A_2003 : i32
        %add3A_2005 = arith.constant 64 : i32
        %add3A_2006 = arith.addi %mul3A_2004, %add3A_2005 : i32
        %add3A_2007 = arith.constant 4 : i32
        %add3A_2008 = arith.addi %add3A_2006, %add3A_2007 : i32
        %get3A_2009 = arith.constant 0 : i32
        %get3A_2010 = arith.index_cast %get3A_2009 : i32 to index
        %get3A_2011 = arith.index_cast %add3A_2008 : i32 to index
        %get3A_2012 = arith.constant 0 : index
        %get3A_2013 = tpu.vector_load %arg8[%get3A_2010, %get3A_2011, %get3A_2012] {strides = array<i32>} : memref<2x1024x32xf32, #tpu.memory_space<vmem>>, vector<1x1x16xf32>,
        %get3A_2014 = vector.shape_cast %get3A_2013 : vector<1x1x16xf32> to vector<16xf32>
        %mul3A_2015 = arith.mulf %broadcast_in_dim3A_2002, %get3A_2014 : vector<16xf32>
        %add3A_2016 = arith.addf %add3A_1991, %mul3A_2015 : vector<16xf32>
        %get3A_2017 = arith.constant 0 : i32
        %get3A_2018 = arith.index_cast %get3A_2017 : i32 to index
        %get3A_2019 = arith.index_cast %add3A_2008 : i32 to index
        %get3A_2020 = arith.constant 16 : index
        %get3A_2021 = tpu.vector_load %arg8[%get3A_2018, %get3A_2019, %get3A_2020] {strides = array<i32>} : memref<2x1024x32xf32, #tpu.memory_space<vmem>>, vector<1x1x16xf32>,
        %get3A_2022 = vector.shape_cast %get3A_2021 : vector<1x1x16xf32> to vector<16xf32>
        %mul3A_2023 = arith.mulf %broadcast_in_dim3A_2002, %get3A_2022 : vector<16xf32>
        %add3A_2024 = arith.addf %add3A_1999, %mul3A_2023 : vector<16xf32>
        %slice3A_2025 = vector.extract_strided_slice %get3A_1888 {offsets = [5], sizes = [1], strides = [1]} : vector<16xf32> to vector<1xf32>
        %squeeze3A_2026 = vector.extract %slice3A_2025[0] : f32 from vector<1xf32>
        %broadcast_in_dim3A_2027 = vector.broadcast %squeeze3A_2026 : f32 to vector<16xf32>
        %mul3A_2028 = arith.constant 128 : i32
        %mul3A_2029 = arith.muli %scan3A_266, %mul3A_2028 : i32
        %add3A_2030 = arith.constant 64 : i32
        %add3A_2031 = arith.addi %mul3A_2029, %add3A_2030 : i32
        %add3A_2032 = arith.constant 5 : i32
        %add3A_2033 = arith.addi %add3A_2031, %add3A_2032 : i32
        %get3A_2034 = arith.constant 0 : i32
        %get3A_2035 = arith.index_cast %get3A_2034 : i32 to index
        %get3A_2036 = arith.index_cast %add3A_2033 : i32 to index
        %get3A_2037 = arith.constant 0 : index
        %get3A_2038 = tpu.vector_load %arg8[%get3A_2035, %get3A_2036, %get3A_2037] {strides = array<i32>} : memref<2x1024x32xf32, #tpu.memory_space<vmem>>, vector<1x1x16xf32>,
        %get3A_2039 = vector.shape_cast %get3A_2038 : vector<1x1x16xf32> to vector<16xf32>
        %mul3A_2040 = arith.mulf %broadcast_in_dim3A_2027, %get3A_2039 : vector<16xf32>
        %add3A_2041 = arith.addf %add3A_2016, %mul3A_2040 : vector<16xf32>
        %get3A_2042 = arith.constant 0 : i32
        %get3A_2043 = arith.index_cast %get3A_2042 : i32 to index
        %get3A_2044 = arith.index_cast %add3A_2033 : i32 to index
        %get3A_2045 = arith.constant 16 : index
        %get3A_2046 = tpu.vector_load %arg8[%get3A_2043, %get3A_2044, %get3A_2045] {strides = array<i32>} : memref<2x1024x32xf32, #tpu.memory_space<vmem>>, vector<1x1x16xf32>,
        %get3A_2047 = vector.shape_cast %get3A_2046 : vector<1x1x16xf32> to vector<16xf32>
        %mul3A_2048 = arith.mulf %broadcast_in_dim3A_2027, %get3A_2047 : vector<16xf32>
        %add3A_2049 = arith.addf %add3A_2024, %mul3A_2048 : vector<16xf32>
        %slice3A_2050 = vector.extract_strided_slice %get3A_1888 {offsets = [6], sizes = [1], strides = [1]} : vector<16xf32> to vector<1xf32>
        %squeeze3A_2051 = vector.extract %slice3A_2050[0] : f32 from vector<1xf32>
        %broadcast_in_dim3A_2052 = vector.broadcast %squeeze3A_2051 : f32 to vector<16xf32>
        %mul3A_2053 = arith.constant 128 : i32
        %mul3A_2054 = arith.muli %scan3A_266, %mul3A_2053 : i32
        %add3A_2055 = arith.constant 64 : i32
        %add3A_2056 = arith.addi %mul3A_2054, %add3A_2055 : i32
        %add3A_2057 = arith.constant 6 : i32
        %add3A_2058 = arith.addi %add3A_2056, %add3A_2057 : i32
        %get3A_2059 = arith.constant 0 : i32
        %get3A_2060 = arith.index_cast %get3A_2059 : i32 to index
        %get3A_2061 = arith.index_cast %add3A_2058 : i32 to index
        %get3A_2062 = arith.constant 0 : index
        %get3A_2063 = tpu.vector_load %arg8[%get3A_2060, %get3A_2061, %get3A_2062] {strides = array<i32>} : memref<2x1024x32xf32, #tpu.memory_space<vmem>>, vector<1x1x16xf32>,
        %get3A_2064 = vector.shape_cast %get3A_2063 : vector<1x1x16xf32> to vector<16xf32>
        %mul3A_2065 = arith.mulf %broadcast_in_dim3A_2052, %get3A_2064 : vector<16xf32>
        %add3A_2066 = arith.addf %add3A_2041, %mul3A_2065 : vector<16xf32>
        %get3A_2067 = arith.constant 0 : i32
        %get3A_2068 = arith.index_cast %get3A_2067 : i32 to index
        %get3A_2069 = arith.index_cast %add3A_2058 : i32 to index
        %get3A_2070 = arith.constant 16 : index
        %get3A_2071 = tpu.vector_load %arg8[%get3A_2068, %get3A_2069, %get3A_2070] {strides = array<i32>} : memref<2x1024x32xf32, #tpu.memory_space<vmem>>, vector<1x1x16xf32>,
        %get3A_2072 = vector.shape_cast %get3A_2071 : vector<1x1x16xf32> to vector<16xf32>
        %mul3A_2073 = arith.mulf %broadcast_in_dim3A_2052, %get3A_2072 : vector<16xf32>
        %add3A_2074 = arith.addf %add3A_2049, %mul3A_2073 : vector<16xf32>
        %slice3A_2075 = vector.extract_strided_slice %get3A_1888 {offsets = [7], sizes = [1], strides = [1]} : vector<16xf32> to vector<1xf32>
        %squeeze3A_2076 = vector.extract %slice3A_2075[0] : f32 from vector<1xf32>
        %broadcast_in_dim3A_2077 = vector.broadcast %squeeze3A_2076 : f32 to vector<16xf32>
        %mul3A_2078 = arith.constant 128 : i32
        %mul3A_2079 = arith.muli %scan3A_266, %mul3A_2078 : i32
        %add3A_2080 = arith.constant 64 : i32
        %add3A_2081 = arith.addi %mul3A_2079, %add3A_2080 : i32
        %add3A_2082 = arith.constant 7 : i32
        %add3A_2083 = arith.addi %add3A_2081, %add3A_2082 : i32
        %get3A_2084 = arith.constant 0 : i32
        %get3A_2085 = arith.index_cast %get3A_2084 : i32 to index
        %get3A_2086 = arith.index_cast %add3A_2083 : i32 to index
        %get3A_2087 = arith.constant 0 : index
        %get3A_2088 = tpu.vector_load %arg8[%get3A_2085, %get3A_2086, %get3A_2087] {strides = array<i32>} : memref<2x1024x32xf32, #tpu.memory_space<vmem>>, vector<1x1x16xf32>,
        %get3A_2089 = vector.shape_cast %get3A_2088 : vector<1x1x16xf32> to vector<16xf32>
        %mul3A_2090 = arith.mulf %broadcast_in_dim3A_2077, %get3A_2089 : vector<16xf32>
        %add3A_2091 = arith.addf %add3A_2066, %mul3A_2090 : vector<16xf32>
        %get3A_2092 = arith.constant 0 : i32
        %get3A_2093 = arith.index_cast %get3A_2092 : i32 to index
        %get3A_2094 = arith.index_cast %add3A_2083 : i32 to index
        %get3A_2095 = arith.constant 16 : index
        %get3A_2096 = tpu.vector_load %arg8[%get3A_2093, %get3A_2094, %get3A_2095] {strides = array<i32>} : memref<2x1024x32xf32, #tpu.memory_space<vmem>>, vector<1x1x16xf32>,
        %get3A_2097 = vector.shape_cast %get3A_2096 : vector<1x1x16xf32> to vector<16xf32>
        %mul3A_2098 = arith.mulf %broadcast_in_dim3A_2077, %get3A_2097 : vector<16xf32>
        %add3A_2099 = arith.addf %add3A_2074, %mul3A_2098 : vector<16xf32>
        %slice3A_2100 = vector.extract_strided_slice %get3A_1888 {offsets = [8], sizes = [1], strides = [1]} : vector<16xf32> to vector<1xf32>
        %squeeze3A_2101 = vector.extract %slice3A_2100[0] : f32 from vector<1xf32>
        %broadcast_in_dim3A_2102 = vector.broadcast %squeeze3A_2101 : f32 to vector<16xf32>
        %mul3A_2103 = arith.constant 128 : i32
        %mul3A_2104 = arith.muli %scan3A_266, %mul3A_2103 : i32
        %add3A_2105 = arith.constant 64 : i32
        %add3A_2106 = arith.addi %mul3A_2104, %add3A_2105 : i32
        %add3A_2107 = arith.constant 8 : i32
        %add3A_2108 = arith.addi %add3A_2106, %add3A_2107 : i32
        %get3A_2109 = arith.constant 0 : i32
        %get3A_2110 = arith.index_cast %get3A_2109 : i32 to index
        %get3A_2111 = arith.index_cast %add3A_2108 : i32 to index
        %get3A_2112 = arith.constant 0 : index
        %get3A_2113 = tpu.vector_load %arg8[%get3A_2110, %get3A_2111, %get3A_2112] {strides = array<i32>} : memref<2x1024x32xf32, #tpu.memory_space<vmem>>, vector<1x1x16xf32>,
        %get3A_2114 = vector.shape_cast %get3A_2113 : vector<1x1x16xf32> to vector<16xf32>
        %mul3A_2115 = arith.mulf %broadcast_in_dim3A_2102, %get3A_2114 : vector<16xf32>
        %add3A_2116 = arith.addf %add3A_2091, %mul3A_2115 : vector<16xf32>
        %get3A_2117 = arith.constant 0 : i32
        %get3A_2118 = arith.index_cast %get3A_2117 : i32 to index
        %get3A_2119 = arith.index_cast %add3A_2108 : i32 to index
        %get3A_2120 = arith.constant 16 : index
        %get3A_2121 = tpu.vector_load %arg8[%get3A_2118, %get3A_2119, %get3A_2120] {strides = array<i32>} : memref<2x1024x32xf32, #tpu.memory_space<vmem>>, vector<1x1x16xf32>,
        %get3A_2122 = vector.shape_cast %get3A_2121 : vector<1x1x16xf32> to vector<16xf32>
        %mul3A_2123 = arith.mulf %broadcast_in_dim3A_2102, %get3A_2122 : vector<16xf32>
        %add3A_2124 = arith.addf %add3A_2099, %mul3A_2123 : vector<16xf32>
        %slice3A_2125 = vector.extract_strided_slice %get3A_1888 {offsets = [9], sizes = [1], strides = [1]} : vector<16xf32> to vector<1xf32>
        %squeeze3A_2126 = vector.extract %slice3A_2125[0] : f32 from vector<1xf32>
        %broadcast_in_dim3A_2127 = vector.broadcast %squeeze3A_2126 : f32 to vector<16xf32>
        %mul3A_2128 = arith.constant 128 : i32
        %mul3A_2129 = arith.muli %scan3A_266, %mul3A_2128 : i32
        %add3A_2130 = arith.constant 64 : i32
        %add3A_2131 = arith.addi %mul3A_2129, %add3A_2130 : i32
        %add3A_2132 = arith.constant 9 : i32
        %add3A_2133 = arith.addi %add3A_2131, %add3A_2132 : i32
        %get3A_2134 = arith.constant 0 : i32
        %get3A_2135 = arith.index_cast %get3A_2134 : i32 to index
        %get3A_2136 = arith.index_cast %add3A_2133 : i32 to index
        %get3A_2137 = arith.constant 0 : index
        %get3A_2138 = tpu.vector_load %arg8[%get3A_2135, %get3A_2136, %get3A_2137] {strides = array<i32>} : memref<2x1024x32xf32, #tpu.memory_space<vmem>>, vector<1x1x16xf32>,
        %get3A_2139 = vector.shape_cast %get3A_2138 : vector<1x1x16xf32> to vector<16xf32>
        %mul3A_2140 = arith.mulf %broadcast_in_dim3A_2127, %get3A_2139 : vector<16xf32>
        %add3A_2141 = arith.addf %add3A_2116, %mul3A_2140 : vector<16xf32>
        %get3A_2142 = arith.constant 0 : i32
        %get3A_2143 = arith.index_cast %get3A_2142 : i32 to index
        %get3A_2144 = arith.index_cast %add3A_2133 : i32 to index
        %get3A_2145 = arith.constant 16 : index
        %get3A_2146 = tpu.vector_load %arg8[%get3A_2143, %get3A_2144, %get3A_2145] {strides = array<i32>} : memref<2x1024x32xf32, #tpu.memory_space<vmem>>, vector<1x1x16xf32>,
        %get3A_2147 = vector.shape_cast %get3A_2146 : vector<1x1x16xf32> to vector<16xf32>
        %mul3A_2148 = arith.mulf %broadcast_in_dim3A_2127, %get3A_2147 : vector<16xf32>
        %add3A_2149 = arith.addf %add3A_2124, %mul3A_2148 : vector<16xf32>
        %slice3A_2150 = vector.extract_strided_slice %get3A_1888 {offsets = [10], sizes = [1], strides = [1]} : vector<16xf32> to vector<1xf32>
        %squeeze3A_2151 = vector.extract %slice3A_2150[0] : f32 from vector<1xf32>
        %broadcast_in_dim3A_2152 = vector.broadcast %squeeze3A_2151 : f32 to vector<16xf32>
        %mul3A_2153 = arith.constant 128 : i32
        %mul3A_2154 = arith.muli %scan3A_266, %mul3A_2153 : i32
        %add3A_2155 = arith.constant 64 : i32
        %add3A_2156 = arith.addi %mul3A_2154, %add3A_2155 : i32
        %add3A_2157 = arith.constant 10 : i32
        %add3A_2158 = arith.addi %add3A_2156, %add3A_2157 : i32
        %get3A_2159 = arith.constant 0 : i32
        %get3A_2160 = arith.index_cast %get3A_2159 : i32 to index
        %get3A_2161 = arith.index_cast %add3A_2158 : i32 to index
        %get3A_2162 = arith.constant 0 : index
        %get3A_2163 = tpu.vector_load %arg8[%get3A_2160, %get3A_2161, %get3A_2162] {strides = array<i32>} : memref<2x1024x32xf32, #tpu.memory_space<vmem>>, vector<1x1x16xf32>,
        %get3A_2164 = vector.shape_cast %get3A_2163 : vector<1x1x16xf32> to vector<16xf32>
        %mul3A_2165 = arith.mulf %broadcast_in_dim3A_2152, %get3A_2164 : vector<16xf32>
        %add3A_2166 = arith.addf %add3A_2141, %mul3A_2165 : vector<16xf32>
        %get3A_2167 = arith.constant 0 : i32
        %get3A_2168 = arith.index_cast %get3A_2167 : i32 to index
        %get3A_2169 = arith.index_cast %add3A_2158 : i32 to index
        %get3A_2170 = arith.constant 16 : index
        %get3A_2171 = tpu.vector_load %arg8[%get3A_2168, %get3A_2169, %get3A_2170] {strides = array<i32>} : memref<2x1024x32xf32, #tpu.memory_space<vmem>>, vector<1x1x16xf32>,
        %get3A_2172 = vector.shape_cast %get3A_2171 : vector<1x1x16xf32> to vector<16xf32>
        %mul3A_2173 = arith.mulf %broadcast_in_dim3A_2152, %get3A_2172 : vector<16xf32>
        %add3A_2174 = arith.addf %add3A_2149, %mul3A_2173 : vector<16xf32>
        %slice3A_2175 = vector.extract_strided_slice %get3A_1888 {offsets = [11], sizes = [1], strides = [1]} : vector<16xf32> to vector<1xf32>
        %squeeze3A_2176 = vector.extract %slice3A_2175[0] : f32 from vector<1xf32>
        %broadcast_in_dim3A_2177 = vector.broadcast %squeeze3A_2176 : f32 to vector<16xf32>
        %mul3A_2178 = arith.constant 128 : i32
        %mul3A_2179 = arith.muli %scan3A_266, %mul3A_2178 : i32
        %add3A_2180 = arith.constant 64 : i32
        %add3A_2181 = arith.addi %mul3A_2179, %add3A_2180 : i32
        %add3A_2182 = arith.constant 11 : i32
        %add3A_2183 = arith.addi %add3A_2181, %add3A_2182 : i32
        %get3A_2184 = arith.constant 0 : i32
        %get3A_2185 = arith.index_cast %get3A_2184 : i32 to index
        %get3A_2186 = arith.index_cast %add3A_2183 : i32 to index
        %get3A_2187 = arith.constant 0 : index
        %get3A_2188 = tpu.vector_load %arg8[%get3A_2185, %get3A_2186, %get3A_2187] {strides = array<i32>} : memref<2x1024x32xf32, #tpu.memory_space<vmem>>, vector<1x1x16xf32>,
        %get3A_2189 = vector.shape_cast %get3A_2188 : vector<1x1x16xf32> to vector<16xf32>
        %mul3A_2190 = arith.mulf %broadcast_in_dim3A_2177, %get3A_2189 : vector<16xf32>
        %add3A_2191 = arith.addf %add3A_2166, %mul3A_2190 : vector<16xf32>
        %get3A_2192 = arith.constant 0 : i32
        %get3A_2193 = arith.index_cast %get3A_2192 : i32 to index
        %get3A_2194 = arith.index_cast %add3A_2183 : i32 to index
        %get3A_2195 = arith.constant 16 : index
        %get3A_2196 = tpu.vector_load %arg8[%get3A_2193, %get3A_2194, %get3A_2195] {strides = array<i32>} : memref<2x1024x32xf32, #tpu.memory_space<vmem>>, vector<1x1x16xf32>,
        %get3A_2197 = vector.shape_cast %get3A_2196 : vector<1x1x16xf32> to vector<16xf32>
        %mul3A_2198 = arith.mulf %broadcast_in_dim3A_2177, %get3A_2197 : vector<16xf32>
        %add3A_2199 = arith.addf %add3A_2174, %mul3A_2198 : vector<16xf32>
        %slice3A_2200 = vector.extract_strided_slice %get3A_1888 {offsets = [12], sizes = [1], strides = [1]} : vector<16xf32> to vector<1xf32>
        %squeeze3A_2201 = vector.extract %slice3A_2200[0] : f32 from vector<1xf32>
        %broadcast_in_dim3A_2202 = vector.broadcast %squeeze3A_2201 : f32 to vector<16xf32>
        %mul3A_2203 = arith.constant 128 : i32
        %mul3A_2204 = arith.muli %scan3A_266, %mul3A_2203 : i32
        %add3A_2205 = arith.constant 64 : i32
        %add3A_2206 = arith.addi %mul3A_2204, %add3A_2205 : i32
        %add3A_2207 = arith.constant 12 : i32
        %add3A_2208 = arith.addi %add3A_2206, %add3A_2207 : i32
        %get3A_2209 = arith.constant 0 : i32
        %get3A_2210 = arith.index_cast %get3A_2209 : i32 to index
        %get3A_2211 = arith.index_cast %add3A_2208 : i32 to index
        %get3A_2212 = arith.constant 0 : index
        %get3A_2213 = tpu.vector_load %arg8[%get3A_2210, %get3A_2211, %get3A_2212] {strides = array<i32>} : memref<2x1024x32xf32, #tpu.memory_space<vmem>>, vector<1x1x16xf32>,
        %get3A_2214 = vector.shape_cast %get3A_2213 : vector<1x1x16xf32> to vector<16xf32>
        %mul3A_2215 = arith.mulf %broadcast_in_dim3A_2202, %get3A_2214 : vector<16xf32>
        %add3A_2216 = arith.addf %add3A_2191, %mul3A_2215 : vector<16xf32>
        %get3A_2217 = arith.constant 0 : i32
        %get3A_2218 = arith.index_cast %get3A_2217 : i32 to index
        %get3A_2219 = arith.index_cast %add3A_2208 : i32 to index
        %get3A_2220 = arith.constant 16 : index
        %get3A_2221 = tpu.vector_load %arg8[%get3A_2218, %get3A_2219, %get3A_2220] {strides = array<i32>} : memref<2x1024x32xf32, #tpu.memory_space<vmem>>, vector<1x1x16xf32>,
        %get3A_2222 = vector.shape_cast %get3A_2221 : vector<1x1x16xf32> to vector<16xf32>
        %mul3A_2223 = arith.mulf %broadcast_in_dim3A_2202, %get3A_2222 : vector<16xf32>
        %add3A_2224 = arith.addf %add3A_2199, %mul3A_2223 : vector<16xf32>
        %slice3A_2225 = vector.extract_strided_slice %get3A_1888 {offsets = [13], sizes = [1], strides = [1]} : vector<16xf32> to vector<1xf32>
        %squeeze3A_2226 = vector.extract %slice3A_2225[0] : f32 from vector<1xf32>
        %broadcast_in_dim3A_2227 = vector.broadcast %squeeze3A_2226 : f32 to vector<16xf32>
        %mul3A_2228 = arith.constant 128 : i32
        %mul3A_2229 = arith.muli %scan3A_266, %mul3A_2228 : i32
        %add3A_2230 = arith.constant 64 : i32
        %add3A_2231 = arith.addi %mul3A_2229, %add3A_2230 : i32
        %add3A_2232 = arith.constant 13 : i32
        %add3A_2233 = arith.addi %add3A_2231, %add3A_2232 : i32
        %get3A_2234 = arith.constant 0 : i32
        %get3A_2235 = arith.index_cast %get3A_2234 : i32 to index
        %get3A_2236 = arith.index_cast %add3A_2233 : i32 to index
        %get3A_2237 = arith.constant 0 : index
        %get3A_2238 = tpu.vector_load %arg8[%get3A_2235, %get3A_2236, %get3A_2237] {strides = array<i32>} : memref<2x1024x32xf32, #tpu.memory_space<vmem>>, vector<1x1x16xf32>,
        %get3A_2239 = vector.shape_cast %get3A_2238 : vector<1x1x16xf32> to vector<16xf32>
        %mul3A_2240 = arith.mulf %broadcast_in_dim3A_2227, %get3A_2239 : vector<16xf32>
        %add3A_2241 = arith.addf %add3A_2216, %mul3A_2240 : vector<16xf32>
        %get3A_2242 = arith.constant 0 : i32
        %get3A_2243 = arith.index_cast %get3A_2242 : i32 to index
        %get3A_2244 = arith.index_cast %add3A_2233 : i32 to index
        %get3A_2245 = arith.constant 16 : index
        %get3A_2246 = tpu.vector_load %arg8[%get3A_2243, %get3A_2244, %get3A_2245] {strides = array<i32>} : memref<2x1024x32xf32, #tpu.memory_space<vmem>>, vector<1x1x16xf32>,
        %get3A_2247 = vector.shape_cast %get3A_2246 : vector<1x1x16xf32> to vector<16xf32>
        %mul3A_2248 = arith.mulf %broadcast_in_dim3A_2227, %get3A_2247 : vector<16xf32>
        %add3A_2249 = arith.addf %add3A_2224, %mul3A_2248 : vector<16xf32>
        %slice3A_2250 = vector.extract_strided_slice %get3A_1888 {offsets = [14], sizes = [1], strides = [1]} : vector<16xf32> to vector<1xf32>
        %squeeze3A_2251 = vector.extract %slice3A_2250[0] : f32 from vector<1xf32>
        %broadcast_in_dim3A_2252 = vector.broadcast %squeeze3A_2251 : f32 to vector<16xf32>
        %mul3A_2253 = arith.constant 128 : i32
        %mul3A_2254 = arith.muli %scan3A_266, %mul3A_2253 : i32
        %add3A_2255 = arith.constant 64 : i32
        %add3A_2256 = arith.addi %mul3A_2254, %add3A_2255 : i32
        %add3A_2257 = arith.constant 14 : i32
        %add3A_2258 = arith.addi %add3A_2256, %add3A_2257 : i32
        %get3A_2259 = arith.constant 0 : i32
        %get3A_2260 = arith.index_cast %get3A_2259 : i32 to index
        %get3A_2261 = arith.index_cast %add3A_2258 : i32 to index
        %get3A_2262 = arith.constant 0 : index
        %get3A_2263 = tpu.vector_load %arg8[%get3A_2260, %get3A_2261, %get3A_2262] {strides = array<i32>} : memref<2x1024x32xf32, #tpu.memory_space<vmem>>, vector<1x1x16xf32>,
        %get3A_2264 = vector.shape_cast %get3A_2263 : vector<1x1x16xf32> to vector<16xf32>
        %mul3A_2265 = arith.mulf %broadcast_in_dim3A_2252, %get3A_2264 : vector<16xf32>
        %add3A_2266 = arith.addf %add3A_2241, %mul3A_2265 : vector<16xf32>
        %get3A_2267 = arith.constant 0 : i32
        %get3A_2268 = arith.index_cast %get3A_2267 : i32 to index
        %get3A_2269 = arith.index_cast %add3A_2258 : i32 to index
        %get3A_2270 = arith.constant 16 : index
        %get3A_2271 = tpu.vector_load %arg8[%get3A_2268, %get3A_2269, %get3A_2270] {strides = array<i32>} : memref<2x1024x32xf32, #tpu.memory_space<vmem>>, vector<1x1x16xf32>,
        %get3A_2272 = vector.shape_cast %get3A_2271 : vector<1x1x16xf32> to vector<16xf32>
        %mul3A_2273 = arith.mulf %broadcast_in_dim3A_2252, %get3A_2272 : vector<16xf32>
        %add3A_2274 = arith.addf %add3A_2249, %mul3A_2273 : vector<16xf32>
        %slice3A_2275 = vector.extract_strided_slice %get3A_1888 {offsets = [15], sizes = [1], strides = [1]} : vector<16xf32> to vector<1xf32>
        %squeeze3A_2276 = vector.extract %slice3A_2275[0] : f32 from vector<1xf32>
        %broadcast_in_dim3A_2277 = vector.broadcast %squeeze3A_2276 : f32 to vector<16xf32>
        %mul3A_2278 = arith.constant 128 : i32
        %mul3A_2279 = arith.muli %scan3A_266, %mul3A_2278 : i32
        %add3A_2280 = arith.constant 64 : i32
        %add3A_2281 = arith.addi %mul3A_2279, %add3A_2280 : i32
        %add3A_2282 = arith.constant 15 : i32
        %add3A_2283 = arith.addi %add3A_2281, %add3A_2282 : i32
        %get3A_2284 = arith.constant 0 : i32
        %get3A_2285 = arith.index_cast %get3A_2284 : i32 to index
        %get3A_2286 = arith.index_cast %add3A_2283 : i32 to index
        %get3A_2287 = arith.constant 0 : index
        %get3A_2288 = tpu.vector_load %arg8[%get3A_2285, %get3A_2286, %get3A_2287] {strides = array<i32>} : memref<2x1024x32xf32, #tpu.memory_space<vmem>>, vector<1x1x16xf32>,
        %get3A_2289 = vector.shape_cast %get3A_2288 : vector<1x1x16xf32> to vector<16xf32>
        %mul3A_2290 = arith.mulf %broadcast_in_dim3A_2277, %get3A_2289 : vector<16xf32>
        %add3A_2291 = arith.addf %add3A_2266, %mul3A_2290 : vector<16xf32>
        %get3A_2292 = arith.constant 0 : i32
        %get3A_2293 = arith.index_cast %get3A_2292 : i32 to index
        %get3A_2294 = arith.index_cast %add3A_2283 : i32 to index
        %get3A_2295 = arith.constant 16 : index
        %get3A_2296 = tpu.vector_load %arg8[%get3A_2293, %get3A_2294, %get3A_2295] {strides = array<i32>} : memref<2x1024x32xf32, #tpu.memory_space<vmem>>, vector<1x1x16xf32>,
        %get3A_2297 = vector.shape_cast %get3A_2296 : vector<1x1x16xf32> to vector<16xf32>
        %mul3A_2298 = arith.mulf %broadcast_in_dim3A_2277, %get3A_2297 : vector<16xf32>
        %add3A_2299 = arith.addf %add3A_2274, %mul3A_2298 : vector<16xf32>
        %slice3A_2300 = vector.extract_strided_slice %get3A_1899 {offsets = [12], sizes = [1], strides = [1]} : vector<16xf32> to vector<1xf32>
        %squeeze3A_2301 = vector.extract %slice3A_2300[0] : f32 from vector<1xf32>
        %broadcast_in_dim3A_2302 = vector.broadcast %squeeze3A_2301 : f32 to vector<16xf32>
        %mul3A_2303 = arith.constant 128 : i32
        %mul3A_2304 = arith.muli %scan3A_266, %mul3A_2303 : i32
        %add3A_2305 = arith.constant 64 : i32
        %add3A_2306 = arith.addi %mul3A_2304, %add3A_2305 : i32
        %add3A_2307 = arith.constant 16 : i32
        %add3A_2308 = arith.addi %add3A_2306, %add3A_2307 : i32
        %get3A_2309 = arith.constant 0 : i32
        %get3A_2310 = arith.index_cast %get3A_2309 : i32 to index
        %get3A_2311 = arith.index_cast %add3A_2308 : i32 to index
        %get3A_2312 = arith.constant 0 : index
        %get3A_2313 = tpu.vector_load %arg8[%get3A_2310, %get3A_2311, %get3A_2312] {strides = array<i32>} : memref<2x1024x32xf32, #tpu.memory_space<vmem>>, vector<1x1x16xf32>,
        %get3A_2314 = vector.shape_cast %get3A_2313 : vector<1x1x16xf32> to vector<16xf32>
        %mul3A_2315 = arith.mulf %broadcast_in_dim3A_2302, %get3A_2314 : vector<16xf32>
        %add3A_2316 = arith.addf %add3A_2291, %mul3A_2315 : vector<16xf32>
        %get3A_2317 = arith.constant 0 : i32
        %get3A_2318 = arith.index_cast %get3A_2317 : i32 to index
        %get3A_2319 = arith.index_cast %add3A_2308 : i32 to index
        %get3A_2320 = arith.constant 16 : index
        %get3A_2321 = tpu.vector_load %arg8[%get3A_2318, %get3A_2319, %get3A_2320] {strides = array<i32>} : memref<2x1024x32xf32, #tpu.memory_space<vmem>>, vector<1x1x16xf32>,
        %get3A_2322 = vector.shape_cast %get3A_2321 : vector<1x1x16xf32> to vector<16xf32>
        %mul3A_2323 = arith.mulf %broadcast_in_dim3A_2302, %get3A_2322 : vector<16xf32>
        %add3A_2324 = arith.addf %add3A_2299, %mul3A_2323 : vector<16xf32>
        %slice3A_2325 = vector.extract_strided_slice %get3A_1899 {offsets = [13], sizes = [1], strides = [1]} : vector<16xf32> to vector<1xf32>
        %squeeze3A_2326 = vector.extract %slice3A_2325[0] : f32 from vector<1xf32>
        %broadcast_in_dim3A_2327 = vector.broadcast %squeeze3A_2326 : f32 to vector<16xf32>
        %mul3A_2328 = arith.constant 128 : i32
        %mul3A_2329 = arith.muli %scan3A_266, %mul3A_2328 : i32
        %add3A_2330 = arith.constant 64 : i32
        %add3A_2331 = arith.addi %mul3A_2329, %add3A_2330 : i32
        %add3A_2332 = arith.constant 17 : i32
        %add3A_2333 = arith.addi %add3A_2331, %add3A_2332 : i32
        %get3A_2334 = arith.constant 0 : i32
        %get3A_2335 = arith.index_cast %get3A_2334 : i32 to index
        %get3A_2336 = arith.index_cast %add3A_2333 : i32 to index
        %get3A_2337 = arith.constant 0 : index
        %get3A_2338 = tpu.vector_load %arg8[%get3A_2335, %get3A_2336, %get3A_2337] {strides = array<i32>} : memref<2x1024x32xf32, #tpu.memory_space<vmem>>, vector<1x1x16xf32>,
        %get3A_2339 = vector.shape_cast %get3A_2338 : vector<1x1x16xf32> to vector<16xf32>
        %mul3A_2340 = arith.mulf %broadcast_in_dim3A_2327, %get3A_2339 : vector<16xf32>
        %add3A_2341 = arith.addf %add3A_2316, %mul3A_2340 : vector<16xf32>
        %get3A_2342 = arith.constant 0 : i32
        %get3A_2343 = arith.index_cast %get3A_2342 : i32 to index
        %get3A_2344 = arith.index_cast %add3A_2333 : i32 to index
        %get3A_2345 = arith.constant 16 : index
        %get3A_2346 = tpu.vector_load %arg8[%get3A_2343, %get3A_2344, %get3A_2345] {strides = array<i32>} : memref<2x1024x32xf32, #tpu.memory_space<vmem>>, vector<1x1x16xf32>,
        %get3A_2347 = vector.shape_cast %get3A_2346 : vector<1x1x16xf32> to vector<16xf32>
        %mul3A_2348 = arith.mulf %broadcast_in_dim3A_2327, %get3A_2347 : vector<16xf32>
        %add3A_2349 = arith.addf %add3A_2324, %mul3A_2348 : vector<16xf32>
        %slice3A_2350 = vector.extract_strided_slice %get3A_1899 {offsets = [14], sizes = [1], strides = [1]} : vector<16xf32> to vector<1xf32>
        %squeeze3A_2351 = vector.extract %slice3A_2350[0] : f32 from vector<1xf32>
        %broadcast_in_dim3A_2352 = vector.broadcast %squeeze3A_2351 : f32 to vector<16xf32>
        %mul3A_2353 = arith.constant 128 : i32
        %mul3A_2354 = arith.muli %scan3A_266, %mul3A_2353 : i32
        %add3A_2355 = arith.constant 64 : i32
        %add3A_2356 = arith.addi %mul3A_2354, %add3A_2355 : i32
        %add3A_2357 = arith.constant 18 : i32
        %add3A_2358 = arith.addi %add3A_2356, %add3A_2357 : i32
        %get3A_2359 = arith.constant 0 : i32
        %get3A_2360 = arith.index_cast %get3A_2359 : i32 to index
        %get3A_2361 = arith.index_cast %add3A_2358 : i32 to index
        %get3A_2362 = arith.constant 0 : index
        %get3A_2363 = tpu.vector_load %arg8[%get3A_2360, %get3A_2361, %get3A_2362] {strides = array<i32>} : memref<2x1024x32xf32, #tpu.memory_space<vmem>>, vector<1x1x16xf32>,
        %get3A_2364 = vector.shape_cast %get3A_2363 : vector<1x1x16xf32> to vector<16xf32>
        %mul3A_2365 = arith.mulf %broadcast_in_dim3A_2352, %get3A_2364 : vector<16xf32>
        %add3A_2366 = arith.addf %add3A_2341, %mul3A_2365 : vector<16xf32>
        %get3A_2367 = arith.constant 0 : i32
        %get3A_2368 = arith.index_cast %get3A_2367 : i32 to index
        %get3A_2369 = arith.index_cast %add3A_2358 : i32 to index
        %get3A_2370 = arith.constant 16 : index
        %get3A_2371 = tpu.vector_load %arg8[%get3A_2368, %get3A_2369, %get3A_2370] {strides = array<i32>} : memref<2x1024x32xf32, #tpu.memory_space<vmem>>, vector<1x1x16xf32>,
        %get3A_2372 = vector.shape_cast %get3A_2371 : vector<1x1x16xf32> to vector<16xf32>
        %mul3A_2373 = arith.mulf %broadcast_in_dim3A_2352, %get3A_2372 : vector<16xf32>
        %add3A_2374 = arith.addf %add3A_2349, %mul3A_2373 : vector<16xf32>
        %slice3A_2375 = vector.extract_strided_slice %get3A_1899 {offsets = [15], sizes = [1], strides = [1]} : vector<16xf32> to vector<1xf32>
        %squeeze3A_2376 = vector.extract %slice3A_2375[0] : f32 from vector<1xf32>
        %broadcast_in_dim3A_2377 = vector.broadcast %squeeze3A_2376 : f32 to vector<16xf32>
        %mul3A_2378 = arith.constant 128 : i32
        %mul3A_2379 = arith.muli %scan3A_266, %mul3A_2378 : i32
        %add3A_2380 = arith.constant 64 : i32
        %add3A_2381 = arith.addi %mul3A_2379, %add3A_2380 : i32
        %add3A_2382 = arith.constant 19 : i32
        %add3A_2383 = arith.addi %add3A_2381, %add3A_2382 : i32
        %get3A_2384 = arith.constant 0 : i32
        %get3A_2385 = arith.index_cast %get3A_2384 : i32 to index
        %get3A_2386 = arith.index_cast %add3A_2383 : i32 to index
        %get3A_2387 = arith.constant 0 : index
        %get3A_2388 = tpu.vector_load %arg8[%get3A_2385, %get3A_2386, %get3A_2387] {strides = array<i32>} : memref<2x1024x32xf32, #tpu.memory_space<vmem>>, vector<1x1x16xf32>,
        %get3A_2389 = vector.shape_cast %get3A_2388 : vector<1x1x16xf32> to vector<16xf32>
        %mul3A_2390 = arith.mulf %broadcast_in_dim3A_2377, %get3A_2389 : vector<16xf32>
        %add3A_2391 = arith.addf %add3A_2366, %mul3A_2390 : vector<16xf32>
        %get3A_2392 = arith.constant 0 : i32
        %get3A_2393 = arith.index_cast %get3A_2392 : i32 to index
        %get3A_2394 = arith.index_cast %add3A_2383 : i32 to index
        %get3A_2395 = arith.constant 16 : index
        %get3A_2396 = tpu.vector_load %arg8[%get3A_2393, %get3A_2394, %get3A_2395] {strides = array<i32>} : memref<2x1024x32xf32, #tpu.memory_space<vmem>>, vector<1x1x16xf32>,
        %get3A_2397 = vector.shape_cast %get3A_2396 : vector<1x1x16xf32> to vector<16xf32>
        %mul3A_2398 = arith.mulf %broadcast_in_dim3A_2377, %get3A_2397 : vector<16xf32>
        %add3A_2399 = arith.addf %add3A_2374, %mul3A_2398 : vector<16xf32>
        %swap3A_2400 = arith.constant 1 : i32
        %swap3A_2401 = arith.index_cast %swap3A_2400 : i32 to index
        %swap3A_2402 = arith.index_cast %scan3A_266 : i32 to index
        %swap3A_2403 = arith.constant 0 : index
        %swap3A_2404 = tpu.vector_load %arg9[%swap3A_2401, %swap3A_2402, %swap3A_2403] {strides = array<i32>} : memref<2x8x96xf32, #tpu.memory_space<vmem>>, vector<1x1x16xf32>,
        %swap3A_2405 = vector.shape_cast %swap3A_2404 : vector<1x1x16xf32> to vector<16xf32>
        %swap3A_2406 = vector.shape_cast %add3A_2391 : vector<16xf32> to vector<1x1x16xf32>
        tpu.vector_store %arg9[%swap3A_2401, %swap3A_2402, %swap3A_2403], %swap3A_2406 {strides = array<i32>} : memref<2x8x96xf32, #tpu.memory_space<vmem>>, vector<1x1x16xf32>,
        %swap3A_2407 = arith.constant 1 : i32
        %swap3A_2408 = arith.index_cast %swap3A_2407 : i32 to index
        %swap3A_2409 = arith.index_cast %scan3A_266 : i32 to index
        %swap3A_2410 = arith.constant 16 : index
        %swap3A_2411 = tpu.vector_load %arg9[%swap3A_2408, %swap3A_2409, %swap3A_2410] {strides = array<i32>} : memref<2x8x96xf32, #tpu.memory_space<vmem>>, vector<1x1x16xf32>,
        %swap3A_2412 = vector.shape_cast %swap3A_2411 : vector<1x1x16xf32> to vector<16xf32>
        %swap3A_2413 = vector.shape_cast %add3A_2399 : vector<16xf32> to vector<1x1x16xf32>
        tpu.vector_store %arg9[%swap3A_2408, %swap3A_2409, %swap3A_2410], %swap3A_2413 {strides = array<i32>} : memref<2x8x96xf32, #tpu.memory_space<vmem>>, vector<1x1x16xf32>,
        %broadcast_in_dim3A_2414 = arith.constant 0.000000e+00 : f32
        %broadcast_in_dim3A_2415 = vector.broadcast %broadcast_in_dim3A_2414 : f32 to vector<16xf32>
        %broadcast_in_dim3A_2416 = arith.constant 0.000000e+00 : f32
        %broadcast_in_dim3A_2417 = vector.broadcast %broadcast_in_dim3A_2416 : f32 to vector<16xf32>
        %mul3A_2418 = arith.constant 128 : i32
        %mul3A_2419 = arith.muli %scan3A_266, %mul3A_2418 : i32
        %add3A_2420 = arith.constant 84 : i32
        %add3A_2421 = arith.addi %mul3A_2419, %add3A_2420 : i32
        %get3A_2422 = arith.constant 0 : i32
        %get3A_2423 = arith.index_cast %get3A_2422 : i32 to index
        %get3A_2424 = arith.index_cast %add3A_2421 : i32 to index
        %get3A_2425 = tpu.vector_load %arg7[%get3A_2423, %get3A_2424] {strides = array<i32>} : memref<2x1024xf32, #tpu.memory_space<vmem>>, vector<1x16xf32>,
        %get3A_2426 = vector.shape_cast %get3A_2425 : vector<1x16xf32> to vector<16xf32>
        %mul3A_2427 = arith.constant 128 : i32
        %mul3A_2428 = arith.muli %scan3A_266, %mul3A_2427 : i32
        %add3A_2429 = arith.constant 84 : i32
        %add3A_2430 = arith.addi %mul3A_2428, %add3A_2429 : i32
        %add3A_2431 = arith.constant 4 : i32
        %add3A_2432 = arith.addi %add3A_2430, %add3A_2431 : i32
        %get3A_2433 = arith.constant 0 : i32
        %get3A_2434 = arith.index_cast %get3A_2433 : i32 to index
        %get3A_2435 = arith.index_cast %add3A_2432 : i32 to index
        %get3A_2436 = tpu.vector_load %arg7[%get3A_2434, %get3A_2435] {strides = array<i32>} : memref<2x1024xf32, #tpu.memory_space<vmem>>, vector<1x16xf32>,
        %get3A_2437 = vector.shape_cast %get3A_2436 : vector<1x16xf32> to vector<16xf32>
        %slice3A_2438 = vector.extract_strided_slice %get3A_2426 {offsets = [0], sizes = [1], strides = [1]} : vector<16xf32> to vector<1xf32>
        %squeeze3A_2439 = vector.extract %slice3A_2438[0] : f32 from vector<1xf32>
        %broadcast_in_dim3A_2440 = vector.broadcast %squeeze3A_2439 : f32 to vector<16xf32>
        %mul3A_2441 = arith.constant 128 : i32
        %mul3A_2442 = arith.muli %scan3A_266, %mul3A_2441 : i32
        %add3A_2443 = arith.constant 84 : i32
        %add3A_2444 = arith.addi %mul3A_2442, %add3A_2443 : i32
        %add3A_2445 = arith.constant 0 : i32
        %add3A_2446 = arith.addi %add3A_2444, %add3A_2445 : i32
        %get3A_2447 = arith.constant 0 : i32
        %get3A_2448 = arith.index_cast %get3A_2447 : i32 to index
        %get3A_2449 = arith.index_cast %add3A_2446 : i32 to index
        %get3A_2450 = arith.constant 0 : index
        %get3A_2451 = tpu.vector_load %arg8[%get3A_2448, %get3A_2449, %get3A_2450] {strides = array<i32>} : memref<2x1024x32xf32, #tpu.memory_space<vmem>>, vector<1x1x16xf32>,
        %get3A_2452 = vector.shape_cast %get3A_2451 : vector<1x1x16xf32> to vector<16xf32>
        %mul3A_2453 = arith.mulf %broadcast_in_dim3A_2440, %get3A_2452 : vector<16xf32>
        %add3A_2454 = arith.addf %broadcast_in_dim3A_2415, %mul3A_2453 : vector<16xf32>
        %get3A_2455 = arith.constant 0 : i32
        %get3A_2456 = arith.index_cast %get3A_2455 : i32 to index
        %get3A_2457 = arith.index_cast %add3A_2446 : i32 to index
        %get3A_2458 = arith.constant 16 : index
        %get3A_2459 = tpu.vector_load %arg8[%get3A_2456, %get3A_2457, %get3A_2458] {strides = array<i32>} : memref<2x1024x32xf32, #tpu.memory_space<vmem>>, vector<1x1x16xf32>,
        %get3A_2460 = vector.shape_cast %get3A_2459 : vector<1x1x16xf32> to vector<16xf32>
        %mul3A_2461 = arith.mulf %broadcast_in_dim3A_2440, %get3A_2460 : vector<16xf32>
        %add3A_2462 = arith.addf %broadcast_in_dim3A_2417, %mul3A_2461 : vector<16xf32>
        %slice3A_2463 = vector.extract_strided_slice %get3A_2426 {offsets = [1], sizes = [1], strides = [1]} : vector<16xf32> to vector<1xf32>
        %squeeze3A_2464 = vector.extract %slice3A_2463[0] : f32 from vector<1xf32>
        %broadcast_in_dim3A_2465 = vector.broadcast %squeeze3A_2464 : f32 to vector<16xf32>
        %mul3A_2466 = arith.constant 128 : i32
        %mul3A_2467 = arith.muli %scan3A_266, %mul3A_2466 : i32
        %add3A_2468 = arith.constant 84 : i32
        %add3A_2469 = arith.addi %mul3A_2467, %add3A_2468 : i32
        %add3A_2470 = arith.constant 1 : i32
        %add3A_2471 = arith.addi %add3A_2469, %add3A_2470 : i32
        %get3A_2472 = arith.constant 0 : i32
        %get3A_2473 = arith.index_cast %get3A_2472 : i32 to index
        %get3A_2474 = arith.index_cast %add3A_2471 : i32 to index
        %get3A_2475 = arith.constant 0 : index
        %get3A_2476 = tpu.vector_load %arg8[%get3A_2473, %get3A_2474, %get3A_2475] {strides = array<i32>} : memref<2x1024x32xf32, #tpu.memory_space<vmem>>, vector<1x1x16xf32>,
        %get3A_2477 = vector.shape_cast %get3A_2476 : vector<1x1x16xf32> to vector<16xf32>
        %mul3A_2478 = arith.mulf %broadcast_in_dim3A_2465, %get3A_2477 : vector<16xf32>
        %add3A_2479 = arith.addf %add3A_2454, %mul3A_2478 : vector<16xf32>
        %get3A_2480 = arith.constant 0 : i32
        %get3A_2481 = arith.index_cast %get3A_2480 : i32 to index
        %get3A_2482 = arith.index_cast %add3A_2471 : i32 to index
        %get3A_2483 = arith.constant 16 : index
        %get3A_2484 = tpu.vector_load %arg8[%get3A_2481, %get3A_2482, %get3A_2483] {strides = array<i32>} : memref<2x1024x32xf32, #tpu.memory_space<vmem>>, vector<1x1x16xf32>,
        %get3A_2485 = vector.shape_cast %get3A_2484 : vector<1x1x16xf32> to vector<16xf32>
        %mul3A_2486 = arith.mulf %broadcast_in_dim3A_2465, %get3A_2485 : vector<16xf32>
        %add3A_2487 = arith.addf %add3A_2462, %mul3A_2486 : vector<16xf32>
        %slice3A_2488 = vector.extract_strided_slice %get3A_2426 {offsets = [2], sizes = [1], strides = [1]} : vector<16xf32> to vector<1xf32>
        %squeeze3A_2489 = vector.extract %slice3A_2488[0] : f32 from vector<1xf32>
        %broadcast_in_dim3A_2490 = vector.broadcast %squeeze3A_2489 : f32 to vector<16xf32>
        %mul3A_2491 = arith.constant 128 : i32
        %mul3A_2492 = arith.muli %scan3A_266, %mul3A_2491 : i32
        %add3A_2493 = arith.constant 84 : i32
        %add3A_2494 = arith.addi %mul3A_2492, %add3A_2493 : i32
        %add3A_2495 = arith.constant 2 : i32
        %add3A_2496 = arith.addi %add3A_2494, %add3A_2495 : i32
        %get3A_2497 = arith.constant 0 : i32
        %get3A_2498 = arith.index_cast %get3A_2497 : i32 to index
        %get3A_2499 = arith.index_cast %add3A_2496 : i32 to index
        %get3A_2500 = arith.constant 0 : index
        %get3A_2501 = tpu.vector_load %arg8[%get3A_2498, %get3A_2499, %get3A_2500] {strides = array<i32>} : memref<2x1024x32xf32, #tpu.memory_space<vmem>>, vector<1x1x16xf32>,
        %get3A_2502 = vector.shape_cast %get3A_2501 : vector<1x1x16xf32> to vector<16xf32>
        %mul3A_2503 = arith.mulf %broadcast_in_dim3A_2490, %get3A_2502 : vector<16xf32>
        %add3A_2504 = arith.addf %add3A_2479, %mul3A_2503 : vector<16xf32>
        %get3A_2505 = arith.constant 0 : i32
        %get3A_2506 = arith.index_cast %get3A_2505 : i32 to index
        %get3A_2507 = arith.index_cast %add3A_2496 : i32 to index
        %get3A_2508 = arith.constant 16 : index
        %get3A_2509 = tpu.vector_load %arg8[%get3A_2506, %get3A_2507, %get3A_2508] {strides = array<i32>} : memref<2x1024x32xf32, #tpu.memory_space<vmem>>, vector<1x1x16xf32>,
        %get3A_2510 = vector.shape_cast %get3A_2509 : vector<1x1x16xf32> to vector<16xf32>
        %mul3A_2511 = arith.mulf %broadcast_in_dim3A_2490, %get3A_2510 : vector<16xf32>
        %add3A_2512 = arith.addf %add3A_2487, %mul3A_2511 : vector<16xf32>
        %slice3A_2513 = vector.extract_strided_slice %get3A_2426 {offsets = [3], sizes = [1], strides = [1]} : vector<16xf32> to vector<1xf32>
        %squeeze3A_2514 = vector.extract %slice3A_2513[0] : f32 from vector<1xf32>
        %broadcast_in_dim3A_2515 = vector.broadcast %squeeze3A_2514 : f32 to vector<16xf32>
        %mul3A_2516 = arith.constant 128 : i32
        %mul3A_2517 = arith.muli %scan3A_266, %mul3A_2516 : i32
        %add3A_2518 = arith.constant 84 : i32
        %add3A_2519 = arith.addi %mul3A_2517, %add3A_2518 : i32
        %add3A_2520 = arith.constant 3 : i32
        %add3A_2521 = arith.addi %add3A_2519, %add3A_2520 : i32
        %get3A_2522 = arith.constant 0 : i32
        %get3A_2523 = arith.index_cast %get3A_2522 : i32 to index
        %get3A_2524 = arith.index_cast %add3A_2521 : i32 to index
        %get3A_2525 = arith.constant 0 : index
        %get3A_2526 = tpu.vector_load %arg8[%get3A_2523, %get3A_2524, %get3A_2525] {strides = array<i32>} : memref<2x1024x32xf32, #tpu.memory_space<vmem>>, vector<1x1x16xf32>,
        %get3A_2527 = vector.shape_cast %get3A_2526 : vector<1x1x16xf32> to vector<16xf32>
        %mul3A_2528 = arith.mulf %broadcast_in_dim3A_2515, %get3A_2527 : vector<16xf32>
        %add3A_2529 = arith.addf %add3A_2504, %mul3A_2528 : vector<16xf32>
        %get3A_2530 = arith.constant 0 : i32
        %get3A_2531 = arith.index_cast %get3A_2530 : i32 to index
        %get3A_2532 = arith.index_cast %add3A_2521 : i32 to index
        %get3A_2533 = arith.constant 16 : index
        %get3A_2534 = tpu.vector_load %arg8[%get3A_2531, %get3A_2532, %get3A_2533] {strides = array<i32>} : memref<2x1024x32xf32, #tpu.memory_space<vmem>>, vector<1x1x16xf32>,
        %get3A_2535 = vector.shape_cast %get3A_2534 : vector<1x1x16xf32> to vector<16xf32>
        %mul3A_2536 = arith.mulf %broadcast_in_dim3A_2515, %get3A_2535 : vector<16xf32>
        %add3A_2537 = arith.addf %add3A_2512, %mul3A_2536 : vector<16xf32>
        %slice3A_2538 = vector.extract_strided_slice %get3A_2426 {offsets = [4], sizes = [1], strides = [1]} : vector<16xf32> to vector<1xf32>
        %squeeze3A_2539 = vector.extract %slice3A_2538[0] : f32 from vector<1xf32>
        %broadcast_in_dim3A_2540 = vector.broadcast %squeeze3A_2539 : f32 to vector<16xf32>
        %mul3A_2541 = arith.constant 128 : i32
        %mul3A_2542 = arith.muli %scan3A_266, %mul3A_2541 : i32
        %add3A_2543 = arith.constant 84 : i32
        %add3A_2544 = arith.addi %mul3A_2542, %add3A_2543 : i32
        %add3A_2545 = arith.constant 4 : i32
        %add3A_2546 = arith.addi %add3A_2544, %add3A_2545 : i32
        %get3A_2547 = arith.constant 0 : i32
        %get3A_2548 = arith.index_cast %get3A_2547 : i32 to index
        %get3A_2549 = arith.index_cast %add3A_2546 : i32 to index
        %get3A_2550 = arith.constant 0 : index
        %get3A_2551 = tpu.vector_load %arg8[%get3A_2548, %get3A_2549, %get3A_2550] {strides = array<i32>} : memref<2x1024x32xf32, #tpu.memory_space<vmem>>, vector<1x1x16xf32>,
        %get3A_2552 = vector.shape_cast %get3A_2551 : vector<1x1x16xf32> to vector<16xf32>
        %mul3A_2553 = arith.mulf %broadcast_in_dim3A_2540, %get3A_2552 : vector<16xf32>
        %add3A_2554 = arith.addf %add3A_2529, %mul3A_2553 : vector<16xf32>
        %get3A_2555 = arith.constant 0 : i32
        %get3A_2556 = arith.index_cast %get3A_2555 : i32 to index
        %get3A_2557 = arith.index_cast %add3A_2546 : i32 to index
        %get3A_2558 = arith.constant 16 : index
        %get3A_2559 = tpu.vector_load %arg8[%get3A_2556, %get3A_2557, %get3A_2558] {strides = array<i32>} : memref<2x1024x32xf32, #tpu.memory_space<vmem>>, vector<1x1x16xf32>,
        %get3A_2560 = vector.shape_cast %get3A_2559 : vector<1x1x16xf32> to vector<16xf32>
        %mul3A_2561 = arith.mulf %broadcast_in_dim3A_2540, %get3A_2560 : vector<16xf32>
        %add3A_2562 = arith.addf %add3A_2537, %mul3A_2561 : vector<16xf32>
        %slice3A_2563 = vector.extract_strided_slice %get3A_2426 {offsets = [5], sizes = [1], strides = [1]} : vector<16xf32> to vector<1xf32>
        %squeeze3A_2564 = vector.extract %slice3A_2563[0] : f32 from vector<1xf32>
        %broadcast_in_dim3A_2565 = vector.broadcast %squeeze3A_2564 : f32 to vector<16xf32>
        %mul3A_2566 = arith.constant 128 : i32
        %mul3A_2567 = arith.muli %scan3A_266, %mul3A_2566 : i32
        %add3A_2568 = arith.constant 84 : i32
        %add3A_2569 = arith.addi %mul3A_2567, %add3A_2568 : i32
        %add3A_2570 = arith.constant 5 : i32
        %add3A_2571 = arith.addi %add3A_2569, %add3A_2570 : i32
        %get3A_2572 = arith.constant 0 : i32
        %get3A_2573 = arith.index_cast %get3A_2572 : i32 to index
        %get3A_2574 = arith.index_cast %add3A_2571 : i32 to index
        %get3A_2575 = arith.constant 0 : index
        %get3A_2576 = tpu.vector_load %arg8[%get3A_2573, %get3A_2574, %get3A_2575] {strides = array<i32>} : memref<2x1024x32xf32, #tpu.memory_space<vmem>>, vector<1x1x16xf32>,
        %get3A_2577 = vector.shape_cast %get3A_2576 : vector<1x1x16xf32> to vector<16xf32>
        %mul3A_2578 = arith.mulf %broadcast_in_dim3A_2565, %get3A_2577 : vector<16xf32>
        %add3A_2579 = arith.addf %add3A_2554, %mul3A_2578 : vector<16xf32>
        %get3A_2580 = arith.constant 0 : i32
        %get3A_2581 = arith.index_cast %get3A_2580 : i32 to index
        %get3A_2582 = arith.index_cast %add3A_2571 : i32 to index
        %get3A_2583 = arith.constant 16 : index
        %get3A_2584 = tpu.vector_load %arg8[%get3A_2581, %get3A_2582, %get3A_2583] {strides = array<i32>} : memref<2x1024x32xf32, #tpu.memory_space<vmem>>, vector<1x1x16xf32>,
        %get3A_2585 = vector.shape_cast %get3A_2584 : vector<1x1x16xf32> to vector<16xf32>
        %mul3A_2586 = arith.mulf %broadcast_in_dim3A_2565, %get3A_2585 : vector<16xf32>
        %add3A_2587 = arith.addf %add3A_2562, %mul3A_2586 : vector<16xf32>
        %slice3A_2588 = vector.extract_strided_slice %get3A_2426 {offsets = [6], sizes = [1], strides = [1]} : vector<16xf32> to vector<1xf32>
        %squeeze3A_2589 = vector.extract %slice3A_2588[0] : f32 from vector<1xf32>
        %broadcast_in_dim3A_2590 = vector.broadcast %squeeze3A_2589 : f32 to vector<16xf32>
        %mul3A_2591 = arith.constant 128 : i32
        %mul3A_2592 = arith.muli %scan3A_266, %mul3A_2591 : i32
        %add3A_2593 = arith.constant 84 : i32
        %add3A_2594 = arith.addi %mul3A_2592, %add3A_2593 : i32
        %add3A_2595 = arith.constant 6 : i32
        %add3A_2596 = arith.addi %add3A_2594, %add3A_2595 : i32
        %get3A_2597 = arith.constant 0 : i32
        %get3A_2598 = arith.index_cast %get3A_2597 : i32 to index
        %get3A_2599 = arith.index_cast %add3A_2596 : i32 to index
        %get3A_2600 = arith.constant 0 : index
        %get3A_2601 = tpu.vector_load %arg8[%get3A_2598, %get3A_2599, %get3A_2600] {strides = array<i32>} : memref<2x1024x32xf32, #tpu.memory_space<vmem>>, vector<1x1x16xf32>,
        %get3A_2602 = vector.shape_cast %get3A_2601 : vector<1x1x16xf32> to vector<16xf32>
        %mul3A_2603 = arith.mulf %broadcast_in_dim3A_2590, %get3A_2602 : vector<16xf32>
        %add3A_2604 = arith.addf %add3A_2579, %mul3A_2603 : vector<16xf32>
        %get3A_2605 = arith.constant 0 : i32
        %get3A_2606 = arith.index_cast %get3A_2605 : i32 to index
        %get3A_2607 = arith.index_cast %add3A_2596 : i32 to index
        %get3A_2608 = arith.constant 16 : index
        %get3A_2609 = tpu.vector_load %arg8[%get3A_2606, %get3A_2607, %get3A_2608] {strides = array<i32>} : memref<2x1024x32xf32, #tpu.memory_space<vmem>>, vector<1x1x16xf32>,
        %get3A_2610 = vector.shape_cast %get3A_2609 : vector<1x1x16xf32> to vector<16xf32>
        %mul3A_2611 = arith.mulf %broadcast_in_dim3A_2590, %get3A_2610 : vector<16xf32>
        %add3A_2612 = arith.addf %add3A_2587, %mul3A_2611 : vector<16xf32>
        %slice3A_2613 = vector.extract_strided_slice %get3A_2426 {offsets = [7], sizes = [1], strides = [1]} : vector<16xf32> to vector<1xf32>
        %squeeze3A_2614 = vector.extract %slice3A_2613[0] : f32 from vector<1xf32>
        %broadcast_in_dim3A_2615 = vector.broadcast %squeeze3A_2614 : f32 to vector<16xf32>
        %mul3A_2616 = arith.constant 128 : i32
        %mul3A_2617 = arith.muli %scan3A_266, %mul3A_2616 : i32
        %add3A_2618 = arith.constant 84 : i32
        %add3A_2619 = arith.addi %mul3A_2617, %add3A_2618 : i32
        %add3A_2620 = arith.constant 7 : i32
        %add3A_2621 = arith.addi %add3A_2619, %add3A_2620 : i32
        %get3A_2622 = arith.constant 0 : i32
        %get3A_2623 = arith.index_cast %get3A_2622 : i32 to index
        %get3A_2624 = arith.index_cast %add3A_2621 : i32 to index
        %get3A_2625 = arith.constant 0 : index
        %get3A_2626 = tpu.vector_load %arg8[%get3A_2623, %get3A_2624, %get3A_2625] {strides = array<i32>} : memref<2x1024x32xf32, #tpu.memory_space<vmem>>, vector<1x1x16xf32>,
        %get3A_2627 = vector.shape_cast %get3A_2626 : vector<1x1x16xf32> to vector<16xf32>
        %mul3A_2628 = arith.mulf %broadcast_in_dim3A_2615, %get3A_2627 : vector<16xf32>
        %add3A_2629 = arith.addf %add3A_2604, %mul3A_2628 : vector<16xf32>
        %get3A_2630 = arith.constant 0 : i32
        %get3A_2631 = arith.index_cast %get3A_2630 : i32 to index
        %get3A_2632 = arith.index_cast %add3A_2621 : i32 to index
        %get3A_2633 = arith.constant 16 : index
        %get3A_2634 = tpu.vector_load %arg8[%get3A_2631, %get3A_2632, %get3A_2633] {strides = array<i32>} : memref<2x1024x32xf32, #tpu.memory_space<vmem>>, vector<1x1x16xf32>,
        %get3A_2635 = vector.shape_cast %get3A_2634 : vector<1x1x16xf32> to vector<16xf32>
        %mul3A_2636 = arith.mulf %broadcast_in_dim3A_2615, %get3A_2635 : vector<16xf32>
        %add3A_2637 = arith.addf %add3A_2612, %mul3A_2636 : vector<16xf32>
        %slice3A_2638 = vector.extract_strided_slice %get3A_2426 {offsets = [8], sizes = [1], strides = [1]} : vector<16xf32> to vector<1xf32>
        %squeeze3A_2639 = vector.extract %slice3A_2638[0] : f32 from vector<1xf32>
        %broadcast_in_dim3A_2640 = vector.broadcast %squeeze3A_2639 : f32 to vector<16xf32>
        %mul3A_2641 = arith.constant 128 : i32
        %mul3A_2642 = arith.muli %scan3A_266, %mul3A_2641 : i32
        %add3A_2643 = arith.constant 84 : i32
        %add3A_2644 = arith.addi %mul3A_2642, %add3A_2643 : i32
        %add3A_2645 = arith.constant 8 : i32
        %add3A_2646 = arith.addi %add3A_2644, %add3A_2645 : i32
        %get3A_2647 = arith.constant 0 : i32
        %get3A_2648 = arith.index_cast %get3A_2647 : i32 to index
        %get3A_2649 = arith.index_cast %add3A_2646 : i32 to index
        %get3A_2650 = arith.constant 0 : index
        %get3A_2651 = tpu.vector_load %arg8[%get3A_2648, %get3A_2649, %get3A_2650] {strides = array<i32>} : memref<2x1024x32xf32, #tpu.memory_space<vmem>>, vector<1x1x16xf32>,
        %get3A_2652 = vector.shape_cast %get3A_2651 : vector<1x1x16xf32> to vector<16xf32>
        %mul3A_2653 = arith.mulf %broadcast_in_dim3A_2640, %get3A_2652 : vector<16xf32>
        %add3A_2654 = arith.addf %add3A_2629, %mul3A_2653 : vector<16xf32>
        %get3A_2655 = arith.constant 0 : i32
        %get3A_2656 = arith.index_cast %get3A_2655 : i32 to index
        %get3A_2657 = arith.index_cast %add3A_2646 : i32 to index
        %get3A_2658 = arith.constant 16 : index
        %get3A_2659 = tpu.vector_load %arg8[%get3A_2656, %get3A_2657, %get3A_2658] {strides = array<i32>} : memref<2x1024x32xf32, #tpu.memory_space<vmem>>, vector<1x1x16xf32>,
        %get3A_2660 = vector.shape_cast %get3A_2659 : vector<1x1x16xf32> to vector<16xf32>
        %mul3A_2661 = arith.mulf %broadcast_in_dim3A_2640, %get3A_2660 : vector<16xf32>
        %add3A_2662 = arith.addf %add3A_2637, %mul3A_2661 : vector<16xf32>
        %slice3A_2663 = vector.extract_strided_slice %get3A_2426 {offsets = [9], sizes = [1], strides = [1]} : vector<16xf32> to vector<1xf32>
        %squeeze3A_2664 = vector.extract %slice3A_2663[0] : f32 from vector<1xf32>
        %broadcast_in_dim3A_2665 = vector.broadcast %squeeze3A_2664 : f32 to vector<16xf32>
        %mul3A_2666 = arith.constant 128 : i32
        %mul3A_2667 = arith.muli %scan3A_266, %mul3A_2666 : i32
        %add3A_2668 = arith.constant 84 : i32
        %add3A_2669 = arith.addi %mul3A_2667, %add3A_2668 : i32
        %add3A_2670 = arith.constant 9 : i32
        %add3A_2671 = arith.addi %add3A_2669, %add3A_2670 : i32
        %get3A_2672 = arith.constant 0 : i32
        %get3A_2673 = arith.index_cast %get3A_2672 : i32 to index
        %get3A_2674 = arith.index_cast %add3A_2671 : i32 to index
        %get3A_2675 = arith.constant 0 : index
        %get3A_2676 = tpu.vector_load %arg8[%get3A_2673, %get3A_2674, %get3A_2675] {strides = array<i32>} : memref<2x1024x32xf32, #tpu.memory_space<vmem>>, vector<1x1x16xf32>,
        %get3A_2677 = vector.shape_cast %get3A_2676 : vector<1x1x16xf32> to vector<16xf32>
        %mul3A_2678 = arith.mulf %broadcast_in_dim3A_2665, %get3A_2677 : vector<16xf32>
        %add3A_2679 = arith.addf %add3A_2654, %mul3A_2678 : vector<16xf32>
        %get3A_2680 = arith.constant 0 : i32
        %get3A_2681 = arith.index_cast %get3A_2680 : i32 to index
        %get3A_2682 = arith.index_cast %add3A_2671 : i32 to index
        %get3A_2683 = arith.constant 16 : index
        %get3A_2684 = tpu.vector_load %arg8[%get3A_2681, %get3A_2682, %get3A_2683] {strides = array<i32>} : memref<2x1024x32xf32, #tpu.memory_space<vmem>>, vector<1x1x16xf32>,
        %get3A_2685 = vector.shape_cast %get3A_2684 : vector<1x1x16xf32> to vector<16xf32>
        %mul3A_2686 = arith.mulf %broadcast_in_dim3A_2665, %get3A_2685 : vector<16xf32>
        %add3A_2687 = arith.addf %add3A_2662, %mul3A_2686 : vector<16xf32>
        %slice3A_2688 = vector.extract_strided_slice %get3A_2426 {offsets = [10], sizes = [1], strides = [1]} : vector<16xf32> to vector<1xf32>
        %squeeze3A_2689 = vector.extract %slice3A_2688[0] : f32 from vector<1xf32>
        %broadcast_in_dim3A_2690 = vector.broadcast %squeeze3A_2689 : f32 to vector<16xf32>
        %mul3A_2691 = arith.constant 128 : i32
        %mul3A_2692 = arith.muli %scan3A_266, %mul3A_2691 : i32
        %add3A_2693 = arith.constant 84 : i32
        %add3A_2694 = arith.addi %mul3A_2692, %add3A_2693 : i32
        %add3A_2695 = arith.constant 10 : i32
        %add3A_2696 = arith.addi %add3A_2694, %add3A_2695 : i32
        %get3A_2697 = arith.constant 0 : i32
        %get3A_2698 = arith.index_cast %get3A_2697 : i32 to index
        %get3A_2699 = arith.index_cast %add3A_2696 : i32 to index
        %get3A_2700 = arith.constant 0 : index
        %get3A_2701 = tpu.vector_load %arg8[%get3A_2698, %get3A_2699, %get3A_2700] {strides = array<i32>} : memref<2x1024x32xf32, #tpu.memory_space<vmem>>, vector<1x1x16xf32>,
        %get3A_2702 = vector.shape_cast %get3A_2701 : vector<1x1x16xf32> to vector<16xf32>
        %mul3A_2703 = arith.mulf %broadcast_in_dim3A_2690, %get3A_2702 : vector<16xf32>
        %add3A_2704 = arith.addf %add3A_2679, %mul3A_2703 : vector<16xf32>
        %get3A_2705 = arith.constant 0 : i32
        %get3A_2706 = arith.index_cast %get3A_2705 : i32 to index
        %get3A_2707 = arith.index_cast %add3A_2696 : i32 to index
        %get3A_2708 = arith.constant 16 : index
        %get3A_2709 = tpu.vector_load %arg8[%get3A_2706, %get3A_2707, %get3A_2708] {strides = array<i32>} : memref<2x1024x32xf32, #tpu.memory_space<vmem>>, vector<1x1x16xf32>,
        %get3A_2710 = vector.shape_cast %get3A_2709 : vector<1x1x16xf32> to vector<16xf32>
        %mul3A_2711 = arith.mulf %broadcast_in_dim3A_2690, %get3A_2710 : vector<16xf32>
        %add3A_2712 = arith.addf %add3A_2687, %mul3A_2711 : vector<16xf32>
        %slice3A_2713 = vector.extract_strided_slice %get3A_2426 {offsets = [11], sizes = [1], strides = [1]} : vector<16xf32> to vector<1xf32>
        %squeeze3A_2714 = vector.extract %slice3A_2713[0] : f32 from vector<1xf32>
        %broadcast_in_dim3A_2715 = vector.broadcast %squeeze3A_2714 : f32 to vector<16xf32>
        %mul3A_2716 = arith.constant 128 : i32
        %mul3A_2717 = arith.muli %scan3A_266, %mul3A_2716 : i32
        %add3A_2718 = arith.constant 84 : i32
        %add3A_2719 = arith.addi %mul3A_2717, %add3A_2718 : i32
        %add3A_2720 = arith.constant 11 : i32
        %add3A_2721 = arith.addi %add3A_2719, %add3A_2720 : i32
        %get3A_2722 = arith.constant 0 : i32
        %get3A_2723 = arith.index_cast %get3A_2722 : i32 to index
        %get3A_2724 = arith.index_cast %add3A_2721 : i32 to index
        %get3A_2725 = arith.constant 0 : index
        %get3A_2726 = tpu.vector_load %arg8[%get3A_2723, %get3A_2724, %get3A_2725] {strides = array<i32>} : memref<2x1024x32xf32, #tpu.memory_space<vmem>>, vector<1x1x16xf32>,
        %get3A_2727 = vector.shape_cast %get3A_2726 : vector<1x1x16xf32> to vector<16xf32>
        %mul3A_2728 = arith.mulf %broadcast_in_dim3A_2715, %get3A_2727 : vector<16xf32>
        %add3A_2729 = arith.addf %add3A_2704, %mul3A_2728 : vector<16xf32>
        %get3A_2730 = arith.constant 0 : i32
        %get3A_2731 = arith.index_cast %get3A_2730 : i32 to index
        %get3A_2732 = arith.index_cast %add3A_2721 : i32 to index
        %get3A_2733 = arith.constant 16 : index
        %get3A_2734 = tpu.vector_load %arg8[%get3A_2731, %get3A_2732, %get3A_2733] {strides = array<i32>} : memref<2x1024x32xf32, #tpu.memory_space<vmem>>, vector<1x1x16xf32>,
        %get3A_2735 = vector.shape_cast %get3A_2734 : vector<1x1x16xf32> to vector<16xf32>
        %mul3A_2736 = arith.mulf %broadcast_in_dim3A_2715, %get3A_2735 : vector<16xf32>
        %add3A_2737 = arith.addf %add3A_2712, %mul3A_2736 : vector<16xf32>
        %slice3A_2738 = vector.extract_strided_slice %get3A_2426 {offsets = [12], sizes = [1], strides = [1]} : vector<16xf32> to vector<1xf32>
        %squeeze3A_2739 = vector.extract %slice3A_2738[0] : f32 from vector<1xf32>
        %broadcast_in_dim3A_2740 = vector.broadcast %squeeze3A_2739 : f32 to vector<16xf32>
        %mul3A_2741 = arith.constant 128 : i32
        %mul3A_2742 = arith.muli %scan3A_266, %mul3A_2741 : i32
        %add3A_2743 = arith.constant 84 : i32
        %add3A_2744 = arith.addi %mul3A_2742, %add3A_2743 : i32
        %add3A_2745 = arith.constant 12 : i32
        %add3A_2746 = arith.addi %add3A_2744, %add3A_2745 : i32
        %get3A_2747 = arith.constant 0 : i32
        %get3A_2748 = arith.index_cast %get3A_2747 : i32 to index
        %get3A_2749 = arith.index_cast %add3A_2746 : i32 to index
        %get3A_2750 = arith.constant 0 : index
        %get3A_2751 = tpu.vector_load %arg8[%get3A_2748, %get3A_2749, %get3A_2750] {strides = array<i32>} : memref<2x1024x32xf32, #tpu.memory_space<vmem>>, vector<1x1x16xf32>,
        %get3A_2752 = vector.shape_cast %get3A_2751 : vector<1x1x16xf32> to vector<16xf32>
        %mul3A_2753 = arith.mulf %broadcast_in_dim3A_2740, %get3A_2752 : vector<16xf32>
        %add3A_2754 = arith.addf %add3A_2729, %mul3A_2753 : vector<16xf32>
        %get3A_2755 = arith.constant 0 : i32
        %get3A_2756 = arith.index_cast %get3A_2755 : i32 to index
        %get3A_2757 = arith.index_cast %add3A_2746 : i32 to index
        %get3A_2758 = arith.constant 16 : index
        %get3A_2759 = tpu.vector_load %arg8[%get3A_2756, %get3A_2757, %get3A_2758] {strides = array<i32>} : memref<2x1024x32xf32, #tpu.memory_space<vmem>>, vector<1x1x16xf32>,
        %get3A_2760 = vector.shape_cast %get3A_2759 : vector<1x1x16xf32> to vector<16xf32>
        %mul3A_2761 = arith.mulf %broadcast_in_dim3A_2740, %get3A_2760 : vector<16xf32>
        %add3A_2762 = arith.addf %add3A_2737, %mul3A_2761 : vector<16xf32>
        %slice3A_2763 = vector.extract_strided_slice %get3A_2426 {offsets = [13], sizes = [1], strides = [1]} : vector<16xf32> to vector<1xf32>
        %squeeze3A_2764 = vector.extract %slice3A_2763[0] : f32 from vector<1xf32>
        %broadcast_in_dim3A_2765 = vector.broadcast %squeeze3A_2764 : f32 to vector<16xf32>
        %mul3A_2766 = arith.constant 128 : i32
        %mul3A_2767 = arith.muli %scan3A_266, %mul3A_2766 : i32
        %add3A_2768 = arith.constant 84 : i32
        %add3A_2769 = arith.addi %mul3A_2767, %add3A_2768 : i32
        %add3A_2770 = arith.constant 13 : i32
        %add3A_2771 = arith.addi %add3A_2769, %add3A_2770 : i32
        %get3A_2772 = arith.constant 0 : i32
        %get3A_2773 = arith.index_cast %get3A_2772 : i32 to index
        %get3A_2774 = arith.index_cast %add3A_2771 : i32 to index
        %get3A_2775 = arith.constant 0 : index
        %get3A_2776 = tpu.vector_load %arg8[%get3A_2773, %get3A_2774, %get3A_2775] {strides = array<i32>} : memref<2x1024x32xf32, #tpu.memory_space<vmem>>, vector<1x1x16xf32>,
        %get3A_2777 = vector.shape_cast %get3A_2776 : vector<1x1x16xf32> to vector<16xf32>
        %mul3A_2778 = arith.mulf %broadcast_in_dim3A_2765, %get3A_2777 : vector<16xf32>
        %add3A_2779 = arith.addf %add3A_2754, %mul3A_2778 : vector<16xf32>
        %get3A_2780 = arith.constant 0 : i32
        %get3A_2781 = arith.index_cast %get3A_2780 : i32 to index
        %get3A_2782 = arith.index_cast %add3A_2771 : i32 to index
        %get3A_2783 = arith.constant 16 : index
        %get3A_2784 = tpu.vector_load %arg8[%get3A_2781, %get3A_2782, %get3A_2783] {strides = array<i32>} : memref<2x1024x32xf32, #tpu.memory_space<vmem>>, vector<1x1x16xf32>,
        %get3A_2785 = vector.shape_cast %get3A_2784 : vector<1x1x16xf32> to vector<16xf32>
        %mul3A_2786 = arith.mulf %broadcast_in_dim3A_2765, %get3A_2785 : vector<16xf32>
        %add3A_2787 = arith.addf %add3A_2762, %mul3A_2786 : vector<16xf32>
        %slice3A_2788 = vector.extract_strided_slice %get3A_2426 {offsets = [14], sizes = [1], strides = [1]} : vector<16xf32> to vector<1xf32>
        %squeeze3A_2789 = vector.extract %slice3A_2788[0] : f32 from vector<1xf32>
        %broadcast_in_dim3A_2790 = vector.broadcast %squeeze3A_2789 : f32 to vector<16xf32>
        %mul3A_2791 = arith.constant 128 : i32
        %mul3A_2792 = arith.muli %scan3A_266, %mul3A_2791 : i32
        %add3A_2793 = arith.constant 84 : i32
        %add3A_2794 = arith.addi %mul3A_2792, %add3A_2793 : i32
        %add3A_2795 = arith.constant 14 : i32
        %add3A_2796 = arith.addi %add3A_2794, %add3A_2795 : i32
        %get3A_2797 = arith.constant 0 : i32
        %get3A_2798 = arith.index_cast %get3A_2797 : i32 to index
        %get3A_2799 = arith.index_cast %add3A_2796 : i32 to index
        %get3A_2800 = arith.constant 0 : index
        %get3A_2801 = tpu.vector_load %arg8[%get3A_2798, %get3A_2799, %get3A_2800] {strides = array<i32>} : memref<2x1024x32xf32, #tpu.memory_space<vmem>>, vector<1x1x16xf32>,
        %get3A_2802 = vector.shape_cast %get3A_2801 : vector<1x1x16xf32> to vector<16xf32>
        %mul3A_2803 = arith.mulf %broadcast_in_dim3A_2790, %get3A_2802 : vector<16xf32>
        %add3A_2804 = arith.addf %add3A_2779, %mul3A_2803 : vector<16xf32>
        %get3A_2805 = arith.constant 0 : i32
        %get3A_2806 = arith.index_cast %get3A_2805 : i32 to index
        %get3A_2807 = arith.index_cast %add3A_2796 : i32 to index
        %get3A_2808 = arith.constant 16 : index
        %get3A_2809 = tpu.vector_load %arg8[%get3A_2806, %get3A_2807, %get3A_2808] {strides = array<i32>} : memref<2x1024x32xf32, #tpu.memory_space<vmem>>, vector<1x1x16xf32>,
        %get3A_2810 = vector.shape_cast %get3A_2809 : vector<1x1x16xf32> to vector<16xf32>
        %mul3A_2811 = arith.mulf %broadcast_in_dim3A_2790, %get3A_2810 : vector<16xf32>
        %add3A_2812 = arith.addf %add3A_2787, %mul3A_2811 : vector<16xf32>
        %slice3A_2813 = vector.extract_strided_slice %get3A_2426 {offsets = [15], sizes = [1], strides = [1]} : vector<16xf32> to vector<1xf32>
        %squeeze3A_2814 = vector.extract %slice3A_2813[0] : f32 from vector<1xf32>
        %broadcast_in_dim3A_2815 = vector.broadcast %squeeze3A_2814 : f32 to vector<16xf32>
        %mul3A_2816 = arith.constant 128 : i32
        %mul3A_2817 = arith.muli %scan3A_266, %mul3A_2816 : i32
        %add3A_2818 = arith.constant 84 : i32
        %add3A_2819 = arith.addi %mul3A_2817, %add3A_2818 : i32
        %add3A_2820 = arith.constant 15 : i32
        %add3A_2821 = arith.addi %add3A_2819, %add3A_2820 : i32
        %get3A_2822 = arith.constant 0 : i32
        %get3A_2823 = arith.index_cast %get3A_2822 : i32 to index
        %get3A_2824 = arith.index_cast %add3A_2821 : i32 to index
        %get3A_2825 = arith.constant 0 : index
        %get3A_2826 = tpu.vector_load %arg8[%get3A_2823, %get3A_2824, %get3A_2825] {strides = array<i32>} : memref<2x1024x32xf32, #tpu.memory_space<vmem>>, vector<1x1x16xf32>,
        %get3A_2827 = vector.shape_cast %get3A_2826 : vector<1x1x16xf32> to vector<16xf32>
        %mul3A_2828 = arith.mulf %broadcast_in_dim3A_2815, %get3A_2827 : vector<16xf32>
        %add3A_2829 = arith.addf %add3A_2804, %mul3A_2828 : vector<16xf32>
        %get3A_2830 = arith.constant 0 : i32
        %get3A_2831 = arith.index_cast %get3A_2830 : i32 to index
        %get3A_2832 = arith.index_cast %add3A_2821 : i32 to index
        %get3A_2833 = arith.constant 16 : index
        %get3A_2834 = tpu.vector_load %arg8[%get3A_2831, %get3A_2832, %get3A_2833] {strides = array<i32>} : memref<2x1024x32xf32, #tpu.memory_space<vmem>>, vector<1x1x16xf32>,
        %get3A_2835 = vector.shape_cast %get3A_2834 : vector<1x1x16xf32> to vector<16xf32>
        %mul3A_2836 = arith.mulf %broadcast_in_dim3A_2815, %get3A_2835 : vector<16xf32>
        %add3A_2837 = arith.addf %add3A_2812, %mul3A_2836 : vector<16xf32>
        %slice3A_2838 = vector.extract_strided_slice %get3A_2437 {offsets = [12], sizes = [1], strides = [1]} : vector<16xf32> to vector<1xf32>
        %squeeze3A_2839 = vector.extract %slice3A_2838[0] : f32 from vector<1xf32>
        %broadcast_in_dim3A_2840 = vector.broadcast %squeeze3A_2839 : f32 to vector<16xf32>
        %mul3A_2841 = arith.constant 128 : i32
        %mul3A_2842 = arith.muli %scan3A_266, %mul3A_2841 : i32
        %add3A_2843 = arith.constant 84 : i32
        %add3A_2844 = arith.addi %mul3A_2842, %add3A_2843 : i32
        %add3A_2845 = arith.constant 16 : i32
        %add3A_2846 = arith.addi %add3A_2844, %add3A_2845 : i32
        %get3A_2847 = arith.constant 0 : i32
        %get3A_2848 = arith.index_cast %get3A_2847 : i32 to index
        %get3A_2849 = arith.index_cast %add3A_2846 : i32 to index
        %get3A_2850 = arith.constant 0 : index
        %get3A_2851 = tpu.vector_load %arg8[%get3A_2848, %get3A_2849, %get3A_2850] {strides = array<i32>} : memref<2x1024x32xf32, #tpu.memory_space<vmem>>, vector<1x1x16xf32>,
        %get3A_2852 = vector.shape_cast %get3A_2851 : vector<1x1x16xf32> to vector<16xf32>
        %mul3A_2853 = arith.mulf %broadcast_in_dim3A_2840, %get3A_2852 : vector<16xf32>
        %add3A_2854 = arith.addf %add3A_2829, %mul3A_2853 : vector<16xf32>
        %get3A_2855 = arith.constant 0 : i32
        %get3A_2856 = arith.index_cast %get3A_2855 : i32 to index
        %get3A_2857 = arith.index_cast %add3A_2846 : i32 to index
        %get3A_2858 = arith.constant 16 : index
        %get3A_2859 = tpu.vector_load %arg8[%get3A_2856, %get3A_2857, %get3A_2858] {strides = array<i32>} : memref<2x1024x32xf32, #tpu.memory_space<vmem>>, vector<1x1x16xf32>,
        %get3A_2860 = vector.shape_cast %get3A_2859 : vector<1x1x16xf32> to vector<16xf32>
        %mul3A_2861 = arith.mulf %broadcast_in_dim3A_2840, %get3A_2860 : vector<16xf32>
        %add3A_2862 = arith.addf %add3A_2837, %mul3A_2861 : vector<16xf32>
        %slice3A_2863 = vector.extract_strided_slice %get3A_2437 {offsets = [13], sizes = [1], strides = [1]} : vector<16xf32> to vector<1xf32>
        %squeeze3A_2864 = vector.extract %slice3A_2863[0] : f32 from vector<1xf32>
        %broadcast_in_dim3A_2865 = vector.broadcast %squeeze3A_2864 : f32 to vector<16xf32>
        %mul3A_2866 = arith.constant 128 : i32
        %mul3A_2867 = arith.muli %scan3A_266, %mul3A_2866 : i32
        %add3A_2868 = arith.constant 84 : i32
        %add3A_2869 = arith.addi %mul3A_2867, %add3A_2868 : i32
        %add3A_2870 = arith.constant 17 : i32
        %add3A_2871 = arith.addi %add3A_2869, %add3A_2870 : i32
        %get3A_2872 = arith.constant 0 : i32
        %get3A_2873 = arith.index_cast %get3A_2872 : i32 to index
        %get3A_2874 = arith.index_cast %add3A_2871 : i32 to index
        %get3A_2875 = arith.constant 0 : index
        %get3A_2876 = tpu.vector_load %arg8[%get3A_2873, %get3A_2874, %get3A_2875] {strides = array<i32>} : memref<2x1024x32xf32, #tpu.memory_space<vmem>>, vector<1x1x16xf32>,
        %get3A_2877 = vector.shape_cast %get3A_2876 : vector<1x1x16xf32> to vector<16xf32>
        %mul3A_2878 = arith.mulf %broadcast_in_dim3A_2865, %get3A_2877 : vector<16xf32>
        %add3A_2879 = arith.addf %add3A_2854, %mul3A_2878 : vector<16xf32>
        %get3A_2880 = arith.constant 0 : i32
        %get3A_2881 = arith.index_cast %get3A_2880 : i32 to index
        %get3A_2882 = arith.index_cast %add3A_2871 : i32 to index
        %get3A_2883 = arith.constant 16 : index
        %get3A_2884 = tpu.vector_load %arg8[%get3A_2881, %get3A_2882, %get3A_2883] {strides = array<i32>} : memref<2x1024x32xf32, #tpu.memory_space<vmem>>, vector<1x1x16xf32>,
        %get3A_2885 = vector.shape_cast %get3A_2884 : vector<1x1x16xf32> to vector<16xf32>
        %mul3A_2886 = arith.mulf %broadcast_in_dim3A_2865, %get3A_2885 : vector<16xf32>
        %add3A_2887 = arith.addf %add3A_2862, %mul3A_2886 : vector<16xf32>
        %slice3A_2888 = vector.extract_strided_slice %get3A_2437 {offsets = [14], sizes = [1], strides = [1]} : vector<16xf32> to vector<1xf32>
        %squeeze3A_2889 = vector.extract %slice3A_2888[0] : f32 from vector<1xf32>
        %broadcast_in_dim3A_2890 = vector.broadcast %squeeze3A_2889 : f32 to vector<16xf32>
        %mul3A_2891 = arith.constant 128 : i32
        %mul3A_2892 = arith.muli %scan3A_266, %mul3A_2891 : i32
        %add3A_2893 = arith.constant 84 : i32
        %add3A_2894 = arith.addi %mul3A_2892, %add3A_2893 : i32
        %add3A_2895 = arith.constant 18 : i32
        %add3A_2896 = arith.addi %add3A_2894, %add3A_2895 : i32
        %get3A_2897 = arith.constant 0 : i32
        %get3A_2898 = arith.index_cast %get3A_2897 : i32 to index
        %get3A_2899 = arith.index_cast %add3A_2896 : i32 to index
        %get3A_2900 = arith.constant 0 : index
        %get3A_2901 = tpu.vector_load %arg8[%get3A_2898, %get3A_2899, %get3A_2900] {strides = array<i32>} : memref<2x1024x32xf32, #tpu.memory_space<vmem>>, vector<1x1x16xf32>,
        %get3A_2902 = vector.shape_cast %get3A_2901 : vector<1x1x16xf32> to vector<16xf32>
        %mul3A_2903 = arith.mulf %broadcast_in_dim3A_2890, %get3A_2902 : vector<16xf32>
        %add3A_2904 = arith.addf %add3A_2879, %mul3A_2903 : vector<16xf32>
        %get3A_2905 = arith.constant 0 : i32
        %get3A_2906 = arith.index_cast %get3A_2905 : i32 to index
        %get3A_2907 = arith.index_cast %add3A_2896 : i32 to index
        %get3A_2908 = arith.constant 16 : index
        %get3A_2909 = tpu.vector_load %arg8[%get3A_2906, %get3A_2907, %get3A_2908] {strides = array<i32>} : memref<2x1024x32xf32, #tpu.memory_space<vmem>>, vector<1x1x16xf32>,
        %get3A_2910 = vector.shape_cast %get3A_2909 : vector<1x1x16xf32> to vector<16xf32>
        %mul3A_2911 = arith.mulf %broadcast_in_dim3A_2890, %get3A_2910 : vector<16xf32>
        %add3A_2912 = arith.addf %add3A_2887, %mul3A_2911 : vector<16xf32>
        %slice3A_2913 = vector.extract_strided_slice %get3A_2437 {offsets = [15], sizes = [1], strides = [1]} : vector<16xf32> to vector<1xf32>
        %squeeze3A_2914 = vector.extract %slice3A_2913[0] : f32 from vector<1xf32>
        %broadcast_in_dim3A_2915 = vector.broadcast %squeeze3A_2914 : f32 to vector<16xf32>
        %mul3A_2916 = arith.constant 128 : i32
        %mul3A_2917 = arith.muli %scan3A_266, %mul3A_2916 : i32
        %add3A_2918 = arith.constant 84 : i32
        %add3A_2919 = arith.addi %mul3A_2917, %add3A_2918 : i32
        %add3A_2920 = arith.constant 19 : i32
        %add3A_2921 = arith.addi %add3A_2919, %add3A_2920 : i32
        %get3A_2922 = arith.constant 0 : i32
        %get3A_2923 = arith.index_cast %get3A_2922 : i32 to index
        %get3A_2924 = arith.index_cast %add3A_2921 : i32 to index
        %get3A_2925 = arith.constant 0 : index
        %get3A_2926 = tpu.vector_load %arg8[%get3A_2923, %get3A_2924, %get3A_2925] {strides = array<i32>} : memref<2x1024x32xf32, #tpu.memory_space<vmem>>, vector<1x1x16xf32>,
        %get3A_2927 = vector.shape_cast %get3A_2926 : vector<1x1x16xf32> to vector<16xf32>
        %mul3A_2928 = arith.mulf %broadcast_in_dim3A_2915, %get3A_2927 : vector<16xf32>
        %add3A_2929 = arith.addf %add3A_2904, %mul3A_2928 : vector<16xf32>
        %get3A_2930 = arith.constant 0 : i32
        %get3A_2931 = arith.index_cast %get3A_2930 : i32 to index
        %get3A_2932 = arith.index_cast %add3A_2921 : i32 to index
        %get3A_2933 = arith.constant 16 : index
        %get3A_2934 = tpu.vector_load %arg8[%get3A_2931, %get3A_2932, %get3A_2933] {strides = array<i32>} : memref<2x1024x32xf32, #tpu.memory_space<vmem>>, vector<1x1x16xf32>,
        %get3A_2935 = vector.shape_cast %get3A_2934 : vector<1x1x16xf32> to vector<16xf32>
        %mul3A_2936 = arith.mulf %broadcast_in_dim3A_2915, %get3A_2935 : vector<16xf32>
        %add3A_2937 = arith.addf %add3A_2912, %mul3A_2936 : vector<16xf32>
        %swap3A_2938 = arith.constant 1 : i32
        %swap3A_2939 = arith.index_cast %swap3A_2938 : i32 to index
        %swap3A_2940 = arith.index_cast %scan3A_266 : i32 to index
        %swap3A_2941 = arith.constant 32 : index
        %swap3A_2942 = tpu.vector_load %arg9[%swap3A_2939, %swap3A_2940, %swap3A_2941] {strides = array<i32>} : memref<2x8x96xf32, #tpu.memory_space<vmem>>, vector<1x1x16xf32>,
        %swap3A_2943 = vector.shape_cast %swap3A_2942 : vector<1x1x16xf32> to vector<16xf32>
        %swap3A_2944 = vector.shape_cast %add3A_2929 : vector<16xf32> to vector<1x1x16xf32>
        tpu.vector_store %arg9[%swap3A_2939, %swap3A_2940, %swap3A_2941], %swap3A_2944 {strides = array<i32>} : memref<2x8x96xf32, #tpu.memory_space<vmem>>, vector<1x1x16xf32>,
        %swap3A_2945 = arith.constant 1 : i32
        %swap3A_2946 = arith.index_cast %swap3A_2945 : i32 to index
        %swap3A_2947 = arith.index_cast %scan3A_266 : i32 to index
        %swap3A_2948 = arith.constant 48 : index
        %swap3A_2949 = tpu.vector_load %arg9[%swap3A_2946, %swap3A_2947, %swap3A_2948] {strides = array<i32>} : memref<2x8x96xf32, #tpu.memory_space<vmem>>, vector<1x1x16xf32>,
        %swap3A_2950 = vector.shape_cast %swap3A_2949 : vector<1x1x16xf32> to vector<16xf32>
        %swap3A_2951 = vector.shape_cast %add3A_2937 : vector<16xf32> to vector<1x1x16xf32>
        tpu.vector_store %arg9[%swap3A_2946, %swap3A_2947, %swap3A_2948], %swap3A_2951 {strides = array<i32>} : memref<2x8x96xf32, #tpu.memory_space<vmem>>, vector<1x1x16xf32>,
        %broadcast_in_dim3A_2952 = arith.constant 0.000000e+00 : f32
        %broadcast_in_dim3A_2953 = vector.broadcast %broadcast_in_dim3A_2952 : f32 to vector<16xf32>
        %broadcast_in_dim3A_2954 = arith.constant 0.000000e+00 : f32
        %broadcast_in_dim3A_2955 = vector.broadcast %broadcast_in_dim3A_2954 : f32 to vector<16xf32>
        %mul3A_2956 = arith.constant 128 : i32
        %mul3A_2957 = arith.muli %scan3A_266, %mul3A_2956 : i32
        %add3A_2958 = arith.constant 104 : i32
        %add3A_2959 = arith.addi %mul3A_2957, %add3A_2958 : i32
        %get3A_2960 = arith.constant 0 : i32
        %get3A_2961 = arith.index_cast %get3A_2960 : i32 to index
        %get3A_2962 = arith.index_cast %add3A_2959 : i32 to index
        %get3A_2963 = tpu.vector_load %arg7[%get3A_2961, %get3A_2962] {strides = array<i32>} : memref<2x1024xf32, #tpu.memory_space<vmem>>, vector<1x16xf32>,
        %get3A_2964 = vector.shape_cast %get3A_2963 : vector<1x16xf32> to vector<16xf32>
        %mul3A_2965 = arith.constant 128 : i32
        %mul3A_2966 = arith.muli %scan3A_266, %mul3A_2965 : i32
        %add3A_2967 = arith.constant 104 : i32
        %add3A_2968 = arith.addi %mul3A_2966, %add3A_2967 : i32
        %add3A_2969 = arith.constant 4 : i32
        %add3A_2970 = arith.addi %add3A_2968, %add3A_2969 : i32
        %get3A_2971 = arith.constant 0 : i32
        %get3A_2972 = arith.index_cast %get3A_2971 : i32 to index
        %get3A_2973 = arith.index_cast %add3A_2970 : i32 to index
        %get3A_2974 = tpu.vector_load %arg7[%get3A_2972, %get3A_2973] {strides = array<i32>} : memref<2x1024xf32, #tpu.memory_space<vmem>>, vector<1x16xf32>,
        %get3A_2975 = vector.shape_cast %get3A_2974 : vector<1x16xf32> to vector<16xf32>
        %slice3A_2976 = vector.extract_strided_slice %get3A_2964 {offsets = [0], sizes = [1], strides = [1]} : vector<16xf32> to vector<1xf32>
        %squeeze3A_2977 = vector.extract %slice3A_2976[0] : f32 from vector<1xf32>
        %broadcast_in_dim3A_2978 = vector.broadcast %squeeze3A_2977 : f32 to vector<16xf32>
        %mul3A_2979 = arith.constant 128 : i32
        %mul3A_2980 = arith.muli %scan3A_266, %mul3A_2979 : i32
        %add3A_2981 = arith.constant 104 : i32
        %add3A_2982 = arith.addi %mul3A_2980, %add3A_2981 : i32
        %add3A_2983 = arith.constant 0 : i32
        %add3A_2984 = arith.addi %add3A_2982, %add3A_2983 : i32
        %get3A_2985 = arith.constant 0 : i32
        %get3A_2986 = arith.index_cast %get3A_2985 : i32 to index
        %get3A_2987 = arith.index_cast %add3A_2984 : i32 to index
        %get3A_2988 = arith.constant 0 : index
        %get3A_2989 = tpu.vector_load %arg8[%get3A_2986, %get3A_2987, %get3A_2988] {strides = array<i32>} : memref<2x1024x32xf32, #tpu.memory_space<vmem>>, vector<1x1x16xf32>,
        %get3A_2990 = vector.shape_cast %get3A_2989 : vector<1x1x16xf32> to vector<16xf32>
        %mul3A_2991 = arith.mulf %broadcast_in_dim3A_2978, %get3A_2990 : vector<16xf32>
        %add3A_2992 = arith.addf %broadcast_in_dim3A_2953, %mul3A_2991 : vector<16xf32>
        %get3A_2993 = arith.constant 0 : i32
        %get3A_2994 = arith.index_cast %get3A_2993 : i32 to index
        %get3A_2995 = arith.index_cast %add3A_2984 : i32 to index
        %get3A_2996 = arith.constant 16 : index
        %get3A_2997 = tpu.vector_load %arg8[%get3A_2994, %get3A_2995, %get3A_2996] {strides = array<i32>} : memref<2x1024x32xf32, #tpu.memory_space<vmem>>, vector<1x1x16xf32>,
        %get3A_2998 = vector.shape_cast %get3A_2997 : vector<1x1x16xf32> to vector<16xf32>
        %mul3A_2999 = arith.mulf %broadcast_in_dim3A_2978, %get3A_2998 : vector<16xf32>
        %add3A_3000 = arith.addf %broadcast_in_dim3A_2955, %mul3A_2999 : vector<16xf32>
        %slice3A_3001 = vector.extract_strided_slice %get3A_2964 {offsets = [1], sizes = [1], strides = [1]} : vector<16xf32> to vector<1xf32>
        %squeeze3A_3002 = vector.extract %slice3A_3001[0] : f32 from vector<1xf32>
        %broadcast_in_dim3A_3003 = vector.broadcast %squeeze3A_3002 : f32 to vector<16xf32>
        %mul3A_3004 = arith.constant 128 : i32
        %mul3A_3005 = arith.muli %scan3A_266, %mul3A_3004 : i32
        %add3A_3006 = arith.constant 104 : i32
        %add3A_3007 = arith.addi %mul3A_3005, %add3A_3006 : i32
        %add3A_3008 = arith.constant 1 : i32
        %add3A_3009 = arith.addi %add3A_3007, %add3A_3008 : i32
        %get3A_3010 = arith.constant 0 : i32
        %get3A_3011 = arith.index_cast %get3A_3010 : i32 to index
        %get3A_3012 = arith.index_cast %add3A_3009 : i32 to index
        %get3A_3013 = arith.constant 0 : index
        %get3A_3014 = tpu.vector_load %arg8[%get3A_3011, %get3A_3012, %get3A_3013] {strides = array<i32>} : memref<2x1024x32xf32, #tpu.memory_space<vmem>>, vector<1x1x16xf32>,
        %get3A_3015 = vector.shape_cast %get3A_3014 : vector<1x1x16xf32> to vector<16xf32>
        %mul3A_3016 = arith.mulf %broadcast_in_dim3A_3003, %get3A_3015 : vector<16xf32>
        %add3A_3017 = arith.addf %add3A_2992, %mul3A_3016 : vector<16xf32>
        %get3A_3018 = arith.constant 0 : i32
        %get3A_3019 = arith.index_cast %get3A_3018 : i32 to index
        %get3A_3020 = arith.index_cast %add3A_3009 : i32 to index
        %get3A_3021 = arith.constant 16 : index
        %get3A_3022 = tpu.vector_load %arg8[%get3A_3019, %get3A_3020, %get3A_3021] {strides = array<i32>} : memref<2x1024x32xf32, #tpu.memory_space<vmem>>, vector<1x1x16xf32>,
        %get3A_3023 = vector.shape_cast %get3A_3022 : vector<1x1x16xf32> to vector<16xf32>
        %mul3A_3024 = arith.mulf %broadcast_in_dim3A_3003, %get3A_3023 : vector<16xf32>
        %add3A_3025 = arith.addf %add3A_3000, %mul3A_3024 : vector<16xf32>
        %slice3A_3026 = vector.extract_strided_slice %get3A_2964 {offsets = [2], sizes = [1], strides = [1]} : vector<16xf32> to vector<1xf32>
        %squeeze3A_3027 = vector.extract %slice3A_3026[0] : f32 from vector<1xf32>
        %broadcast_in_dim3A_3028 = vector.broadcast %squeeze3A_3027 : f32 to vector<16xf32>
        %mul3A_3029 = arith.constant 128 : i32
        %mul3A_3030 = arith.muli %scan3A_266, %mul3A_3029 : i32
        %add3A_3031 = arith.constant 104 : i32
        %add3A_3032 = arith.addi %mul3A_3030, %add3A_3031 : i32
        %add3A_3033 = arith.constant 2 : i32
        %add3A_3034 = arith.addi %add3A_3032, %add3A_3033 : i32
        %get3A_3035 = arith.constant 0 : i32
        %get3A_3036 = arith.index_cast %get3A_3035 : i32 to index
        %get3A_3037 = arith.index_cast %add3A_3034 : i32 to index
        %get3A_3038 = arith.constant 0 : index
        %get3A_3039 = tpu.vector_load %arg8[%get3A_3036, %get3A_3037, %get3A_3038] {strides = array<i32>} : memref<2x1024x32xf32, #tpu.memory_space<vmem>>, vector<1x1x16xf32>,
        %get3A_3040 = vector.shape_cast %get3A_3039 : vector<1x1x16xf32> to vector<16xf32>
        %mul3A_3041 = arith.mulf %broadcast_in_dim3A_3028, %get3A_3040 : vector<16xf32>
        %add3A_3042 = arith.addf %add3A_3017, %mul3A_3041 : vector<16xf32>
        %get3A_3043 = arith.constant 0 : i32
        %get3A_3044 = arith.index_cast %get3A_3043 : i32 to index
        %get3A_3045 = arith.index_cast %add3A_3034 : i32 to index
        %get3A_3046 = arith.constant 16 : index
        %get3A_3047 = tpu.vector_load %arg8[%get3A_3044, %get3A_3045, %get3A_3046] {strides = array<i32>} : memref<2x1024x32xf32, #tpu.memory_space<vmem>>, vector<1x1x16xf32>,
        %get3A_3048 = vector.shape_cast %get3A_3047 : vector<1x1x16xf32> to vector<16xf32>
        %mul3A_3049 = arith.mulf %broadcast_in_dim3A_3028, %get3A_3048 : vector<16xf32>
        %add3A_3050 = arith.addf %add3A_3025, %mul3A_3049 : vector<16xf32>
        %slice3A_3051 = vector.extract_strided_slice %get3A_2964 {offsets = [3], sizes = [1], strides = [1]} : vector<16xf32> to vector<1xf32>
        %squeeze3A_3052 = vector.extract %slice3A_3051[0] : f32 from vector<1xf32>
        %broadcast_in_dim3A_3053 = vector.broadcast %squeeze3A_3052 : f32 to vector<16xf32>
        %mul3A_3054 = arith.constant 128 : i32
        %mul3A_3055 = arith.muli %scan3A_266, %mul3A_3054 : i32
        %add3A_3056 = arith.constant 104 : i32
        %add3A_3057 = arith.addi %mul3A_3055, %add3A_3056 : i32
        %add3A_3058 = arith.constant 3 : i32
        %add3A_3059 = arith.addi %add3A_3057, %add3A_3058 : i32
        %get3A_3060 = arith.constant 0 : i32
        %get3A_3061 = arith.index_cast %get3A_3060 : i32 to index
        %get3A_3062 = arith.index_cast %add3A_3059 : i32 to index
        %get3A_3063 = arith.constant 0 : index
        %get3A_3064 = tpu.vector_load %arg8[%get3A_3061, %get3A_3062, %get3A_3063] {strides = array<i32>} : memref<2x1024x32xf32, #tpu.memory_space<vmem>>, vector<1x1x16xf32>,
        %get3A_3065 = vector.shape_cast %get3A_3064 : vector<1x1x16xf32> to vector<16xf32>
        %mul3A_3066 = arith.mulf %broadcast_in_dim3A_3053, %get3A_3065 : vector<16xf32>
        %add3A_3067 = arith.addf %add3A_3042, %mul3A_3066 : vector<16xf32>
        %get3A_3068 = arith.constant 0 : i32
        %get3A_3069 = arith.index_cast %get3A_3068 : i32 to index
        %get3A_3070 = arith.index_cast %add3A_3059 : i32 to index
        %get3A_3071 = arith.constant 16 : index
        %get3A_3072 = tpu.vector_load %arg8[%get3A_3069, %get3A_3070, %get3A_3071] {strides = array<i32>} : memref<2x1024x32xf32, #tpu.memory_space<vmem>>, vector<1x1x16xf32>,
        %get3A_3073 = vector.shape_cast %get3A_3072 : vector<1x1x16xf32> to vector<16xf32>
        %mul3A_3074 = arith.mulf %broadcast_in_dim3A_3053, %get3A_3073 : vector<16xf32>
        %add3A_3075 = arith.addf %add3A_3050, %mul3A_3074 : vector<16xf32>
        %slice3A_3076 = vector.extract_strided_slice %get3A_2964 {offsets = [4], sizes = [1], strides = [1]} : vector<16xf32> to vector<1xf32>
        %squeeze3A_3077 = vector.extract %slice3A_3076[0] : f32 from vector<1xf32>
        %broadcast_in_dim3A_3078 = vector.broadcast %squeeze3A_3077 : f32 to vector<16xf32>
        %mul3A_3079 = arith.constant 128 : i32
        %mul3A_3080 = arith.muli %scan3A_266, %mul3A_3079 : i32
        %add3A_3081 = arith.constant 104 : i32
        %add3A_3082 = arith.addi %mul3A_3080, %add3A_3081 : i32
        %add3A_3083 = arith.constant 4 : i32
        %add3A_3084 = arith.addi %add3A_3082, %add3A_3083 : i32
        %get3A_3085 = arith.constant 0 : i32
        %get3A_3086 = arith.index_cast %get3A_3085 : i32 to index
        %get3A_3087 = arith.index_cast %add3A_3084 : i32 to index
        %get3A_3088 = arith.constant 0 : index
        %get3A_3089 = tpu.vector_load %arg8[%get3A_3086, %get3A_3087, %get3A_3088] {strides = array<i32>} : memref<2x1024x32xf32, #tpu.memory_space<vmem>>, vector<1x1x16xf32>,
        %get3A_3090 = vector.shape_cast %get3A_3089 : vector<1x1x16xf32> to vector<16xf32>
        %mul3A_3091 = arith.mulf %broadcast_in_dim3A_3078, %get3A_3090 : vector<16xf32>
        %add3A_3092 = arith.addf %add3A_3067, %mul3A_3091 : vector<16xf32>
        %get3A_3093 = arith.constant 0 : i32
        %get3A_3094 = arith.index_cast %get3A_3093 : i32 to index
        %get3A_3095 = arith.index_cast %add3A_3084 : i32 to index
        %get3A_3096 = arith.constant 16 : index
        %get3A_3097 = tpu.vector_load %arg8[%get3A_3094, %get3A_3095, %get3A_3096] {strides = array<i32>} : memref<2x1024x32xf32, #tpu.memory_space<vmem>>, vector<1x1x16xf32>,
        %get3A_3098 = vector.shape_cast %get3A_3097 : vector<1x1x16xf32> to vector<16xf32>
        %mul3A_3099 = arith.mulf %broadcast_in_dim3A_3078, %get3A_3098 : vector<16xf32>
        %add3A_3100 = arith.addf %add3A_3075, %mul3A_3099 : vector<16xf32>
        %slice3A_3101 = vector.extract_strided_slice %get3A_2964 {offsets = [5], sizes = [1], strides = [1]} : vector<16xf32> to vector<1xf32>
        %squeeze3A_3102 = vector.extract %slice3A_3101[0] : f32 from vector<1xf32>
        %broadcast_in_dim3A_3103 = vector.broadcast %squeeze3A_3102 : f32 to vector<16xf32>
        %mul3A_3104 = arith.constant 128 : i32
        %mul3A_3105 = arith.muli %scan3A_266, %mul3A_3104 : i32
        %add3A_3106 = arith.constant 104 : i32
        %add3A_3107 = arith.addi %mul3A_3105, %add3A_3106 : i32
        %add3A_3108 = arith.constant 5 : i32
        %add3A_3109 = arith.addi %add3A_3107, %add3A_3108 : i32
        %get3A_3110 = arith.constant 0 : i32
        %get3A_3111 = arith.index_cast %get3A_3110 : i32 to index
        %get3A_3112 = arith.index_cast %add3A_3109 : i32 to index
        %get3A_3113 = arith.constant 0 : index
        %get3A_3114 = tpu.vector_load %arg8[%get3A_3111, %get3A_3112, %get3A_3113] {strides = array<i32>} : memref<2x1024x32xf32, #tpu.memory_space<vmem>>, vector<1x1x16xf32>,
        %get3A_3115 = vector.shape_cast %get3A_3114 : vector<1x1x16xf32> to vector<16xf32>
        %mul3A_3116 = arith.mulf %broadcast_in_dim3A_3103, %get3A_3115 : vector<16xf32>
        %add3A_3117 = arith.addf %add3A_3092, %mul3A_3116 : vector<16xf32>
        %get3A_3118 = arith.constant 0 : i32
        %get3A_3119 = arith.index_cast %get3A_3118 : i32 to index
        %get3A_3120 = arith.index_cast %add3A_3109 : i32 to index
        %get3A_3121 = arith.constant 16 : index
        %get3A_3122 = tpu.vector_load %arg8[%get3A_3119, %get3A_3120, %get3A_3121] {strides = array<i32>} : memref<2x1024x32xf32, #tpu.memory_space<vmem>>, vector<1x1x16xf32>,
        %get3A_3123 = vector.shape_cast %get3A_3122 : vector<1x1x16xf32> to vector<16xf32>
        %mul3A_3124 = arith.mulf %broadcast_in_dim3A_3103, %get3A_3123 : vector<16xf32>
        %add3A_3125 = arith.addf %add3A_3100, %mul3A_3124 : vector<16xf32>
        %slice3A_3126 = vector.extract_strided_slice %get3A_2964 {offsets = [6], sizes = [1], strides = [1]} : vector<16xf32> to vector<1xf32>
        %squeeze3A_3127 = vector.extract %slice3A_3126[0] : f32 from vector<1xf32>
        %broadcast_in_dim3A_3128 = vector.broadcast %squeeze3A_3127 : f32 to vector<16xf32>
        %mul3A_3129 = arith.constant 128 : i32
        %mul3A_3130 = arith.muli %scan3A_266, %mul3A_3129 : i32
        %add3A_3131 = arith.constant 104 : i32
        %add3A_3132 = arith.addi %mul3A_3130, %add3A_3131 : i32
        %add3A_3133 = arith.constant 6 : i32
        %add3A_3134 = arith.addi %add3A_3132, %add3A_3133 : i32
        %get3A_3135 = arith.constant 0 : i32
        %get3A_3136 = arith.index_cast %get3A_3135 : i32 to index
        %get3A_3137 = arith.index_cast %add3A_3134 : i32 to index
        %get3A_3138 = arith.constant 0 : index
        %get3A_3139 = tpu.vector_load %arg8[%get3A_3136, %get3A_3137, %get3A_3138] {strides = array<i32>} : memref<2x1024x32xf32, #tpu.memory_space<vmem>>, vector<1x1x16xf32>,
        %get3A_3140 = vector.shape_cast %get3A_3139 : vector<1x1x16xf32> to vector<16xf32>
        %mul3A_3141 = arith.mulf %broadcast_in_dim3A_3128, %get3A_3140 : vector<16xf32>
        %add3A_3142 = arith.addf %add3A_3117, %mul3A_3141 : vector<16xf32>
        %get3A_3143 = arith.constant 0 : i32
        %get3A_3144 = arith.index_cast %get3A_3143 : i32 to index
        %get3A_3145 = arith.index_cast %add3A_3134 : i32 to index
        %get3A_3146 = arith.constant 16 : index
        %get3A_3147 = tpu.vector_load %arg8[%get3A_3144, %get3A_3145, %get3A_3146] {strides = array<i32>} : memref<2x1024x32xf32, #tpu.memory_space<vmem>>, vector<1x1x16xf32>,
        %get3A_3148 = vector.shape_cast %get3A_3147 : vector<1x1x16xf32> to vector<16xf32>
        %mul3A_3149 = arith.mulf %broadcast_in_dim3A_3128, %get3A_3148 : vector<16xf32>
        %add3A_3150 = arith.addf %add3A_3125, %mul3A_3149 : vector<16xf32>
        %slice3A_3151 = vector.extract_strided_slice %get3A_2964 {offsets = [7], sizes = [1], strides = [1]} : vector<16xf32> to vector<1xf32>
        %squeeze3A_3152 = vector.extract %slice3A_3151[0] : f32 from vector<1xf32>
        %broadcast_in_dim3A_3153 = vector.broadcast %squeeze3A_3152 : f32 to vector<16xf32>
        %mul3A_3154 = arith.constant 128 : i32
        %mul3A_3155 = arith.muli %scan3A_266, %mul3A_3154 : i32
        %add3A_3156 = arith.constant 104 : i32
        %add3A_3157 = arith.addi %mul3A_3155, %add3A_3156 : i32
        %add3A_3158 = arith.constant 7 : i32
        %add3A_3159 = arith.addi %add3A_3157, %add3A_3158 : i32
        %get3A_3160 = arith.constant 0 : i32
        %get3A_3161 = arith.index_cast %get3A_3160 : i32 to index
        %get3A_3162 = arith.index_cast %add3A_3159 : i32 to index
        %get3A_3163 = arith.constant 0 : index
        %get3A_3164 = tpu.vector_load %arg8[%get3A_3161, %get3A_3162, %get3A_3163] {strides = array<i32>} : memref<2x1024x32xf32, #tpu.memory_space<vmem>>, vector<1x1x16xf32>,
        %get3A_3165 = vector.shape_cast %get3A_3164 : vector<1x1x16xf32> to vector<16xf32>
        %mul3A_3166 = arith.mulf %broadcast_in_dim3A_3153, %get3A_3165 : vector<16xf32>
        %add3A_3167 = arith.addf %add3A_3142, %mul3A_3166 : vector<16xf32>
        %get3A_3168 = arith.constant 0 : i32
        %get3A_3169 = arith.index_cast %get3A_3168 : i32 to index
        %get3A_3170 = arith.index_cast %add3A_3159 : i32 to index
        %get3A_3171 = arith.constant 16 : index
        %get3A_3172 = tpu.vector_load %arg8[%get3A_3169, %get3A_3170, %get3A_3171] {strides = array<i32>} : memref<2x1024x32xf32, #tpu.memory_space<vmem>>, vector<1x1x16xf32>,
        %get3A_3173 = vector.shape_cast %get3A_3172 : vector<1x1x16xf32> to vector<16xf32>
        %mul3A_3174 = arith.mulf %broadcast_in_dim3A_3153, %get3A_3173 : vector<16xf32>
        %add3A_3175 = arith.addf %add3A_3150, %mul3A_3174 : vector<16xf32>
        %slice3A_3176 = vector.extract_strided_slice %get3A_2964 {offsets = [8], sizes = [1], strides = [1]} : vector<16xf32> to vector<1xf32>
        %squeeze3A_3177 = vector.extract %slice3A_3176[0] : f32 from vector<1xf32>
        %broadcast_in_dim3A_3178 = vector.broadcast %squeeze3A_3177 : f32 to vector<16xf32>
        %mul3A_3179 = arith.constant 128 : i32
        %mul3A_3180 = arith.muli %scan3A_266, %mul3A_3179 : i32
        %add3A_3181 = arith.constant 104 : i32
        %add3A_3182 = arith.addi %mul3A_3180, %add3A_3181 : i32
        %add3A_3183 = arith.constant 8 : i32
        %add3A_3184 = arith.addi %add3A_3182, %add3A_3183 : i32
        %get3A_3185 = arith.constant 0 : i32
        %get3A_3186 = arith.index_cast %get3A_3185 : i32 to index
        %get3A_3187 = arith.index_cast %add3A_3184 : i32 to index
        %get3A_3188 = arith.constant 0 : index
        %get3A_3189 = tpu.vector_load %arg8[%get3A_3186, %get3A_3187, %get3A_3188] {strides = array<i32>} : memref<2x1024x32xf32, #tpu.memory_space<vmem>>, vector<1x1x16xf32>,
        %get3A_3190 = vector.shape_cast %get3A_3189 : vector<1x1x16xf32> to vector<16xf32>
        %mul3A_3191 = arith.mulf %broadcast_in_dim3A_3178, %get3A_3190 : vector<16xf32>
        %add3A_3192 = arith.addf %add3A_3167, %mul3A_3191 : vector<16xf32>
        %get3A_3193 = arith.constant 0 : i32
        %get3A_3194 = arith.index_cast %get3A_3193 : i32 to index
        %get3A_3195 = arith.index_cast %add3A_3184 : i32 to index
        %get3A_3196 = arith.constant 16 : index
        %get3A_3197 = tpu.vector_load %arg8[%get3A_3194, %get3A_3195, %get3A_3196] {strides = array<i32>} : memref<2x1024x32xf32, #tpu.memory_space<vmem>>, vector<1x1x16xf32>,
        %get3A_3198 = vector.shape_cast %get3A_3197 : vector<1x1x16xf32> to vector<16xf32>
        %mul3A_3199 = arith.mulf %broadcast_in_dim3A_3178, %get3A_3198 : vector<16xf32>
        %add3A_3200 = arith.addf %add3A_3175, %mul3A_3199 : vector<16xf32>
        %slice3A_3201 = vector.extract_strided_slice %get3A_2964 {offsets = [9], sizes = [1], strides = [1]} : vector<16xf32> to vector<1xf32>
        %squeeze3A_3202 = vector.extract %slice3A_3201[0] : f32 from vector<1xf32>
        %broadcast_in_dim3A_3203 = vector.broadcast %squeeze3A_3202 : f32 to vector<16xf32>
        %mul3A_3204 = arith.constant 128 : i32
        %mul3A_3205 = arith.muli %scan3A_266, %mul3A_3204 : i32
        %add3A_3206 = arith.constant 104 : i32
        %add3A_3207 = arith.addi %mul3A_3205, %add3A_3206 : i32
        %add3A_3208 = arith.constant 9 : i32
        %add3A_3209 = arith.addi %add3A_3207, %add3A_3208 : i32
        %get3A_3210 = arith.constant 0 : i32
        %get3A_3211 = arith.index_cast %get3A_3210 : i32 to index
        %get3A_3212 = arith.index_cast %add3A_3209 : i32 to index
        %get3A_3213 = arith.constant 0 : index
        %get3A_3214 = tpu.vector_load %arg8[%get3A_3211, %get3A_3212, %get3A_3213] {strides = array<i32>} : memref<2x1024x32xf32, #tpu.memory_space<vmem>>, vector<1x1x16xf32>,
        %get3A_3215 = vector.shape_cast %get3A_3214 : vector<1x1x16xf32> to vector<16xf32>
        %mul3A_3216 = arith.mulf %broadcast_in_dim3A_3203, %get3A_3215 : vector<16xf32>
        %add3A_3217 = arith.addf %add3A_3192, %mul3A_3216 : vector<16xf32>
        %get3A_3218 = arith.constant 0 : i32
        %get3A_3219 = arith.index_cast %get3A_3218 : i32 to index
        %get3A_3220 = arith.index_cast %add3A_3209 : i32 to index
        %get3A_3221 = arith.constant 16 : index
        %get3A_3222 = tpu.vector_load %arg8[%get3A_3219, %get3A_3220, %get3A_3221] {strides = array<i32>} : memref<2x1024x32xf32, #tpu.memory_space<vmem>>, vector<1x1x16xf32>,
        %get3A_3223 = vector.shape_cast %get3A_3222 : vector<1x1x16xf32> to vector<16xf32>
        %mul3A_3224 = arith.mulf %broadcast_in_dim3A_3203, %get3A_3223 : vector<16xf32>
        %add3A_3225 = arith.addf %add3A_3200, %mul3A_3224 : vector<16xf32>
        %slice3A_3226 = vector.extract_strided_slice %get3A_2964 {offsets = [10], sizes = [1], strides = [1]} : vector<16xf32> to vector<1xf32>
        %squeeze3A_3227 = vector.extract %slice3A_3226[0] : f32 from vector<1xf32>
        %broadcast_in_dim3A_3228 = vector.broadcast %squeeze3A_3227 : f32 to vector<16xf32>
        %mul3A_3229 = arith.constant 128 : i32
        %mul3A_3230 = arith.muli %scan3A_266, %mul3A_3229 : i32
        %add3A_3231 = arith.constant 104 : i32
        %add3A_3232 = arith.addi %mul3A_3230, %add3A_3231 : i32
        %add3A_3233 = arith.constant 10 : i32
        %add3A_3234 = arith.addi %add3A_3232, %add3A_3233 : i32
        %get3A_3235 = arith.constant 0 : i32
        %get3A_3236 = arith.index_cast %get3A_3235 : i32 to index
        %get3A_3237 = arith.index_cast %add3A_3234 : i32 to index
        %get3A_3238 = arith.constant 0 : index
        %get3A_3239 = tpu.vector_load %arg8[%get3A_3236, %get3A_3237, %get3A_3238] {strides = array<i32>} : memref<2x1024x32xf32, #tpu.memory_space<vmem>>, vector<1x1x16xf32>,
        %get3A_3240 = vector.shape_cast %get3A_3239 : vector<1x1x16xf32> to vector<16xf32>
        %mul3A_3241 = arith.mulf %broadcast_in_dim3A_3228, %get3A_3240 : vector<16xf32>
        %add3A_3242 = arith.addf %add3A_3217, %mul3A_3241 : vector<16xf32>
        %get3A_3243 = arith.constant 0 : i32
        %get3A_3244 = arith.index_cast %get3A_3243 : i32 to index
        %get3A_3245 = arith.index_cast %add3A_3234 : i32 to index
        %get3A_3246 = arith.constant 16 : index
        %get3A_3247 = tpu.vector_load %arg8[%get3A_3244, %get3A_3245, %get3A_3246] {strides = array<i32>} : memref<2x1024x32xf32, #tpu.memory_space<vmem>>, vector<1x1x16xf32>,
        %get3A_3248 = vector.shape_cast %get3A_3247 : vector<1x1x16xf32> to vector<16xf32>
        %mul3A_3249 = arith.mulf %broadcast_in_dim3A_3228, %get3A_3248 : vector<16xf32>
        %add3A_3250 = arith.addf %add3A_3225, %mul3A_3249 : vector<16xf32>
        %slice3A_3251 = vector.extract_strided_slice %get3A_2964 {offsets = [11], sizes = [1], strides = [1]} : vector<16xf32> to vector<1xf32>
        %squeeze3A_3252 = vector.extract %slice3A_3251[0] : f32 from vector<1xf32>
        %broadcast_in_dim3A_3253 = vector.broadcast %squeeze3A_3252 : f32 to vector<16xf32>
        %mul3A_3254 = arith.constant 128 : i32
        %mul3A_3255 = arith.muli %scan3A_266, %mul3A_3254 : i32
        %add3A_3256 = arith.constant 104 : i32
        %add3A_3257 = arith.addi %mul3A_3255, %add3A_3256 : i32
        %add3A_3258 = arith.constant 11 : i32
        %add3A_3259 = arith.addi %add3A_3257, %add3A_3258 : i32
        %get3A_3260 = arith.constant 0 : i32
        %get3A_3261 = arith.index_cast %get3A_3260 : i32 to index
        %get3A_3262 = arith.index_cast %add3A_3259 : i32 to index
        %get3A_3263 = arith.constant 0 : index
        %get3A_3264 = tpu.vector_load %arg8[%get3A_3261, %get3A_3262, %get3A_3263] {strides = array<i32>} : memref<2x1024x32xf32, #tpu.memory_space<vmem>>, vector<1x1x16xf32>,
        %get3A_3265 = vector.shape_cast %get3A_3264 : vector<1x1x16xf32> to vector<16xf32>
        %mul3A_3266 = arith.mulf %broadcast_in_dim3A_3253, %get3A_3265 : vector<16xf32>
        %add3A_3267 = arith.addf %add3A_3242, %mul3A_3266 : vector<16xf32>
        %get3A_3268 = arith.constant 0 : i32
        %get3A_3269 = arith.index_cast %get3A_3268 : i32 to index
        %get3A_3270 = arith.index_cast %add3A_3259 : i32 to index
        %get3A_3271 = arith.constant 16 : index
        %get3A_3272 = tpu.vector_load %arg8[%get3A_3269, %get3A_3270, %get3A_3271] {strides = array<i32>} : memref<2x1024x32xf32, #tpu.memory_space<vmem>>, vector<1x1x16xf32>,
        %get3A_3273 = vector.shape_cast %get3A_3272 : vector<1x1x16xf32> to vector<16xf32>
        %mul3A_3274 = arith.mulf %broadcast_in_dim3A_3253, %get3A_3273 : vector<16xf32>
        %add3A_3275 = arith.addf %add3A_3250, %mul3A_3274 : vector<16xf32>
        %slice3A_3276 = vector.extract_strided_slice %get3A_2964 {offsets = [12], sizes = [1], strides = [1]} : vector<16xf32> to vector<1xf32>
        %squeeze3A_3277 = vector.extract %slice3A_3276[0] : f32 from vector<1xf32>
        %broadcast_in_dim3A_3278 = vector.broadcast %squeeze3A_3277 : f32 to vector<16xf32>
        %mul3A_3279 = arith.constant 128 : i32
        %mul3A_3280 = arith.muli %scan3A_266, %mul3A_3279 : i32
        %add3A_3281 = arith.constant 104 : i32
        %add3A_3282 = arith.addi %mul3A_3280, %add3A_3281 : i32
        %add3A_3283 = arith.constant 12 : i32
        %add3A_3284 = arith.addi %add3A_3282, %add3A_3283 : i32
        %get3A_3285 = arith.constant 0 : i32
        %get3A_3286 = arith.index_cast %get3A_3285 : i32 to index
        %get3A_3287 = arith.index_cast %add3A_3284 : i32 to index
        %get3A_3288 = arith.constant 0 : index
        %get3A_3289 = tpu.vector_load %arg8[%get3A_3286, %get3A_3287, %get3A_3288] {strides = array<i32>} : memref<2x1024x32xf32, #tpu.memory_space<vmem>>, vector<1x1x16xf32>,
        %get3A_3290 = vector.shape_cast %get3A_3289 : vector<1x1x16xf32> to vector<16xf32>
        %mul3A_3291 = arith.mulf %broadcast_in_dim3A_3278, %get3A_3290 : vector<16xf32>
        %add3A_3292 = arith.addf %add3A_3267, %mul3A_3291 : vector<16xf32>
        %get3A_3293 = arith.constant 0 : i32
        %get3A_3294 = arith.index_cast %get3A_3293 : i32 to index
        %get3A_3295 = arith.index_cast %add3A_3284 : i32 to index
        %get3A_3296 = arith.constant 16 : index
        %get3A_3297 = tpu.vector_load %arg8[%get3A_3294, %get3A_3295, %get3A_3296] {strides = array<i32>} : memref<2x1024x32xf32, #tpu.memory_space<vmem>>, vector<1x1x16xf32>,
        %get3A_3298 = vector.shape_cast %get3A_3297 : vector<1x1x16xf32> to vector<16xf32>
        %mul3A_3299 = arith.mulf %broadcast_in_dim3A_3278, %get3A_3298 : vector<16xf32>
        %add3A_3300 = arith.addf %add3A_3275, %mul3A_3299 : vector<16xf32>
        %slice3A_3301 = vector.extract_strided_slice %get3A_2964 {offsets = [13], sizes = [1], strides = [1]} : vector<16xf32> to vector<1xf32>
        %squeeze3A_3302 = vector.extract %slice3A_3301[0] : f32 from vector<1xf32>
        %broadcast_in_dim3A_3303 = vector.broadcast %squeeze3A_3302 : f32 to vector<16xf32>
        %mul3A_3304 = arith.constant 128 : i32
        %mul3A_3305 = arith.muli %scan3A_266, %mul3A_3304 : i32
        %add3A_3306 = arith.constant 104 : i32
        %add3A_3307 = arith.addi %mul3A_3305, %add3A_3306 : i32
        %add3A_3308 = arith.constant 13 : i32
        %add3A_3309 = arith.addi %add3A_3307, %add3A_3308 : i32
        %get3A_3310 = arith.constant 0 : i32
        %get3A_3311 = arith.index_cast %get3A_3310 : i32 to index
        %get3A_3312 = arith.index_cast %add3A_3309 : i32 to index
        %get3A_3313 = arith.constant 0 : index
        %get3A_3314 = tpu.vector_load %arg8[%get3A_3311, %get3A_3312, %get3A_3313] {strides = array<i32>} : memref<2x1024x32xf32, #tpu.memory_space<vmem>>, vector<1x1x16xf32>,
        %get3A_3315 = vector.shape_cast %get3A_3314 : vector<1x1x16xf32> to vector<16xf32>
        %mul3A_3316 = arith.mulf %broadcast_in_dim3A_3303, %get3A_3315 : vector<16xf32>
        %add3A_3317 = arith.addf %add3A_3292, %mul3A_3316 : vector<16xf32>
        %get3A_3318 = arith.constant 0 : i32
        %get3A_3319 = arith.index_cast %get3A_3318 : i32 to index
        %get3A_3320 = arith.index_cast %add3A_3309 : i32 to index
        %get3A_3321 = arith.constant 16 : index
        %get3A_3322 = tpu.vector_load %arg8[%get3A_3319, %get3A_3320, %get3A_3321] {strides = array<i32>} : memref<2x1024x32xf32, #tpu.memory_space<vmem>>, vector<1x1x16xf32>,
        %get3A_3323 = vector.shape_cast %get3A_3322 : vector<1x1x16xf32> to vector<16xf32>
        %mul3A_3324 = arith.mulf %broadcast_in_dim3A_3303, %get3A_3323 : vector<16xf32>
        %add3A_3325 = arith.addf %add3A_3300, %mul3A_3324 : vector<16xf32>
        %slice3A_3326 = vector.extract_strided_slice %get3A_2964 {offsets = [14], sizes = [1], strides = [1]} : vector<16xf32> to vector<1xf32>
        %squeeze3A_3327 = vector.extract %slice3A_3326[0] : f32 from vector<1xf32>
        %broadcast_in_dim3A_3328 = vector.broadcast %squeeze3A_3327 : f32 to vector<16xf32>
        %mul3A_3329 = arith.constant 128 : i32
        %mul3A_3330 = arith.muli %scan3A_266, %mul3A_3329 : i32
        %add3A_3331 = arith.constant 104 : i32
        %add3A_3332 = arith.addi %mul3A_3330, %add3A_3331 : i32
        %add3A_3333 = arith.constant 14 : i32
        %add3A_3334 = arith.addi %add3A_3332, %add3A_3333 : i32
        %get3A_3335 = arith.constant 0 : i32
        %get3A_3336 = arith.index_cast %get3A_3335 : i32 to index
        %get3A_3337 = arith.index_cast %add3A_3334 : i32 to index
        %get3A_3338 = arith.constant 0 : index
        %get3A_3339 = tpu.vector_load %arg8[%get3A_3336, %get3A_3337, %get3A_3338] {strides = array<i32>} : memref<2x1024x32xf32, #tpu.memory_space<vmem>>, vector<1x1x16xf32>,
        %get3A_3340 = vector.shape_cast %get3A_3339 : vector<1x1x16xf32> to vector<16xf32>
        %mul3A_3341 = arith.mulf %broadcast_in_dim3A_3328, %get3A_3340 : vector<16xf32>
        %add3A_3342 = arith.addf %add3A_3317, %mul3A_3341 : vector<16xf32>
        %get3A_3343 = arith.constant 0 : i32
        %get3A_3344 = arith.index_cast %get3A_3343 : i32 to index
        %get3A_3345 = arith.index_cast %add3A_3334 : i32 to index
        %get3A_3346 = arith.constant 16 : index
        %get3A_3347 = tpu.vector_load %arg8[%get3A_3344, %get3A_3345, %get3A_3346] {strides = array<i32>} : memref<2x1024x32xf32, #tpu.memory_space<vmem>>, vector<1x1x16xf32>,
        %get3A_3348 = vector.shape_cast %get3A_3347 : vector<1x1x16xf32> to vector<16xf32>
        %mul3A_3349 = arith.mulf %broadcast_in_dim3A_3328, %get3A_3348 : vector<16xf32>
        %add3A_3350 = arith.addf %add3A_3325, %mul3A_3349 : vector<16xf32>
        %slice3A_3351 = vector.extract_strided_slice %get3A_2964 {offsets = [15], sizes = [1], strides = [1]} : vector<16xf32> to vector<1xf32>
        %squeeze3A_3352 = vector.extract %slice3A_3351[0] : f32 from vector<1xf32>
        %broadcast_in_dim3A_3353 = vector.broadcast %squeeze3A_3352 : f32 to vector<16xf32>
        %mul3A_3354 = arith.constant 128 : i32
        %mul3A_3355 = arith.muli %scan3A_266, %mul3A_3354 : i32
        %add3A_3356 = arith.constant 104 : i32
        %add3A_3357 = arith.addi %mul3A_3355, %add3A_3356 : i32
        %add3A_3358 = arith.constant 15 : i32
        %add3A_3359 = arith.addi %add3A_3357, %add3A_3358 : i32
        %get3A_3360 = arith.constant 0 : i32
        %get3A_3361 = arith.index_cast %get3A_3360 : i32 to index
        %get3A_3362 = arith.index_cast %add3A_3359 : i32 to index
        %get3A_3363 = arith.constant 0 : index
        %get3A_3364 = tpu.vector_load %arg8[%get3A_3361, %get3A_3362, %get3A_3363] {strides = array<i32>} : memref<2x1024x32xf32, #tpu.memory_space<vmem>>, vector<1x1x16xf32>,
        %get3A_3365 = vector.shape_cast %get3A_3364 : vector<1x1x16xf32> to vector<16xf32>
        %mul3A_3366 = arith.mulf %broadcast_in_dim3A_3353, %get3A_3365 : vector<16xf32>
        %add3A_3367 = arith.addf %add3A_3342, %mul3A_3366 : vector<16xf32>
        %get3A_3368 = arith.constant 0 : i32
        %get3A_3369 = arith.index_cast %get3A_3368 : i32 to index
        %get3A_3370 = arith.index_cast %add3A_3359 : i32 to index
        %get3A_3371 = arith.constant 16 : index
        %get3A_3372 = tpu.vector_load %arg8[%get3A_3369, %get3A_3370, %get3A_3371] {strides = array<i32>} : memref<2x1024x32xf32, #tpu.memory_space<vmem>>, vector<1x1x16xf32>,
        %get3A_3373 = vector.shape_cast %get3A_3372 : vector<1x1x16xf32> to vector<16xf32>
        %mul3A_3374 = arith.mulf %broadcast_in_dim3A_3353, %get3A_3373 : vector<16xf32>
        %add3A_3375 = arith.addf %add3A_3350, %mul3A_3374 : vector<16xf32>
        %slice3A_3376 = vector.extract_strided_slice %get3A_2975 {offsets = [12], sizes = [1], strides = [1]} : vector<16xf32> to vector<1xf32>
        %squeeze3A_3377 = vector.extract %slice3A_3376[0] : f32 from vector<1xf32>
        %broadcast_in_dim3A_3378 = vector.broadcast %squeeze3A_3377 : f32 to vector<16xf32>
        %mul3A_3379 = arith.constant 128 : i32
        %mul3A_3380 = arith.muli %scan3A_266, %mul3A_3379 : i32
        %add3A_3381 = arith.constant 104 : i32
        %add3A_3382 = arith.addi %mul3A_3380, %add3A_3381 : i32
        %add3A_3383 = arith.constant 16 : i32
        %add3A_3384 = arith.addi %add3A_3382, %add3A_3383 : i32
        %get3A_3385 = arith.constant 0 : i32
        %get3A_3386 = arith.index_cast %get3A_3385 : i32 to index
        %get3A_3387 = arith.index_cast %add3A_3384 : i32 to index
        %get3A_3388 = arith.constant 0 : index
        %get3A_3389 = tpu.vector_load %arg8[%get3A_3386, %get3A_3387, %get3A_3388] {strides = array<i32>} : memref<2x1024x32xf32, #tpu.memory_space<vmem>>, vector<1x1x16xf32>,
        %get3A_3390 = vector.shape_cast %get3A_3389 : vector<1x1x16xf32> to vector<16xf32>
        %mul3A_3391 = arith.mulf %broadcast_in_dim3A_3378, %get3A_3390 : vector<16xf32>
        %add3A_3392 = arith.addf %add3A_3367, %mul3A_3391 : vector<16xf32>
        %get3A_3393 = arith.constant 0 : i32
        %get3A_3394 = arith.index_cast %get3A_3393 : i32 to index
        %get3A_3395 = arith.index_cast %add3A_3384 : i32 to index
        %get3A_3396 = arith.constant 16 : index
        %get3A_3397 = tpu.vector_load %arg8[%get3A_3394, %get3A_3395, %get3A_3396] {strides = array<i32>} : memref<2x1024x32xf32, #tpu.memory_space<vmem>>, vector<1x1x16xf32>,
        %get3A_3398 = vector.shape_cast %get3A_3397 : vector<1x1x16xf32> to vector<16xf32>
        %mul3A_3399 = arith.mulf %broadcast_in_dim3A_3378, %get3A_3398 : vector<16xf32>
        %add3A_3400 = arith.addf %add3A_3375, %mul3A_3399 : vector<16xf32>
        %slice3A_3401 = vector.extract_strided_slice %get3A_2975 {offsets = [13], sizes = [1], strides = [1]} : vector<16xf32> to vector<1xf32>
        %squeeze3A_3402 = vector.extract %slice3A_3401[0] : f32 from vector<1xf32>
        %broadcast_in_dim3A_3403 = vector.broadcast %squeeze3A_3402 : f32 to vector<16xf32>
        %mul3A_3404 = arith.constant 128 : i32
        %mul3A_3405 = arith.muli %scan3A_266, %mul3A_3404 : i32
        %add3A_3406 = arith.constant 104 : i32
        %add3A_3407 = arith.addi %mul3A_3405, %add3A_3406 : i32
        %add3A_3408 = arith.constant 17 : i32
        %add3A_3409 = arith.addi %add3A_3407, %add3A_3408 : i32
        %get3A_3410 = arith.constant 0 : i32
        %get3A_3411 = arith.index_cast %get3A_3410 : i32 to index
        %get3A_3412 = arith.index_cast %add3A_3409 : i32 to index
        %get3A_3413 = arith.constant 0 : index
        %get3A_3414 = tpu.vector_load %arg8[%get3A_3411, %get3A_3412, %get3A_3413] {strides = array<i32>} : memref<2x1024x32xf32, #tpu.memory_space<vmem>>, vector<1x1x16xf32>,
        %get3A_3415 = vector.shape_cast %get3A_3414 : vector<1x1x16xf32> to vector<16xf32>
        %mul3A_3416 = arith.mulf %broadcast_in_dim3A_3403, %get3A_3415 : vector<16xf32>
        %add3A_3417 = arith.addf %add3A_3392, %mul3A_3416 : vector<16xf32>
        %get3A_3418 = arith.constant 0 : i32
        %get3A_3419 = arith.index_cast %get3A_3418 : i32 to index
        %get3A_3420 = arith.index_cast %add3A_3409 : i32 to index
        %get3A_3421 = arith.constant 16 : index
        %get3A_3422 = tpu.vector_load %arg8[%get3A_3419, %get3A_3420, %get3A_3421] {strides = array<i32>} : memref<2x1024x32xf32, #tpu.memory_space<vmem>>, vector<1x1x16xf32>,
        %get3A_3423 = vector.shape_cast %get3A_3422 : vector<1x1x16xf32> to vector<16xf32>
        %mul3A_3424 = arith.mulf %broadcast_in_dim3A_3403, %get3A_3423 : vector<16xf32>
        %add3A_3425 = arith.addf %add3A_3400, %mul3A_3424 : vector<16xf32>
        %slice3A_3426 = vector.extract_strided_slice %get3A_2975 {offsets = [14], sizes = [1], strides = [1]} : vector<16xf32> to vector<1xf32>
        %squeeze3A_3427 = vector.extract %slice3A_3426[0] : f32 from vector<1xf32>
        %broadcast_in_dim3A_3428 = vector.broadcast %squeeze3A_3427 : f32 to vector<16xf32>
        %mul3A_3429 = arith.constant 128 : i32
        %mul3A_3430 = arith.muli %scan3A_266, %mul3A_3429 : i32
        %add3A_3431 = arith.constant 104 : i32
        %add3A_3432 = arith.addi %mul3A_3430, %add3A_3431 : i32
        %add3A_3433 = arith.constant 18 : i32
        %add3A_3434 = arith.addi %add3A_3432, %add3A_3433 : i32
        %get3A_3435 = arith.constant 0 : i32
        %get3A_3436 = arith.index_cast %get3A_3435 : i32 to index
        %get3A_3437 = arith.index_cast %add3A_3434 : i32 to index
        %get3A_3438 = arith.constant 0 : index
        %get3A_3439 = tpu.vector_load %arg8[%get3A_3436, %get3A_3437, %get3A_3438] {strides = array<i32>} : memref<2x1024x32xf32, #tpu.memory_space<vmem>>, vector<1x1x16xf32>,
        %get3A_3440 = vector.shape_cast %get3A_3439 : vector<1x1x16xf32> to vector<16xf32>
        %mul3A_3441 = arith.mulf %broadcast_in_dim3A_3428, %get3A_3440 : vector<16xf32>
        %add3A_3442 = arith.addf %add3A_3417, %mul3A_3441 : vector<16xf32>
        %get3A_3443 = arith.constant 0 : i32
        %get3A_3444 = arith.index_cast %get3A_3443 : i32 to index
        %get3A_3445 = arith.index_cast %add3A_3434 : i32 to index
        %get3A_3446 = arith.constant 16 : index
        %get3A_3447 = tpu.vector_load %arg8[%get3A_3444, %get3A_3445, %get3A_3446] {strides = array<i32>} : memref<2x1024x32xf32, #tpu.memory_space<vmem>>, vector<1x1x16xf32>,
        %get3A_3448 = vector.shape_cast %get3A_3447 : vector<1x1x16xf32> to vector<16xf32>
        %mul3A_3449 = arith.mulf %broadcast_in_dim3A_3428, %get3A_3448 : vector<16xf32>
        %add3A_3450 = arith.addf %add3A_3425, %mul3A_3449 : vector<16xf32>
        %slice3A_3451 = vector.extract_strided_slice %get3A_2975 {offsets = [15], sizes = [1], strides = [1]} : vector<16xf32> to vector<1xf32>
        %squeeze3A_3452 = vector.extract %slice3A_3451[0] : f32 from vector<1xf32>
        %broadcast_in_dim3A_3453 = vector.broadcast %squeeze3A_3452 : f32 to vector<16xf32>
        %mul3A_3454 = arith.constant 128 : i32
        %mul3A_3455 = arith.muli %scan3A_266, %mul3A_3454 : i32
        %add3A_3456 = arith.constant 104 : i32
        %add3A_3457 = arith.addi %mul3A_3455, %add3A_3456 : i32
        %add3A_3458 = arith.constant 19 : i32
        %add3A_3459 = arith.addi %add3A_3457, %add3A_3458 : i32
        %get3A_3460 = arith.constant 0 : i32
        %get3A_3461 = arith.index_cast %get3A_3460 : i32 to index
        %get3A_3462 = arith.index_cast %add3A_3459 : i32 to index
        %get3A_3463 = arith.constant 0 : index
        %get3A_3464 = tpu.vector_load %arg8[%get3A_3461, %get3A_3462, %get3A_3463] {strides = array<i32>} : memref<2x1024x32xf32, #tpu.memory_space<vmem>>, vector<1x1x16xf32>,
        %get3A_3465 = vector.shape_cast %get3A_3464 : vector<1x1x16xf32> to vector<16xf32>
        %mul3A_3466 = arith.mulf %broadcast_in_dim3A_3453, %get3A_3465 : vector<16xf32>
        %add3A_3467 = arith.addf %add3A_3442, %mul3A_3466 : vector<16xf32>
        %get3A_3468 = arith.constant 0 : i32
        %get3A_3469 = arith.index_cast %get3A_3468 : i32 to index
        %get3A_3470 = arith.index_cast %add3A_3459 : i32 to index
        %get3A_3471 = arith.constant 16 : index
        %get3A_3472 = tpu.vector_load %arg8[%get3A_3469, %get3A_3470, %get3A_3471] {strides = array<i32>} : memref<2x1024x32xf32, #tpu.memory_space<vmem>>, vector<1x1x16xf32>,
        %get3A_3473 = vector.shape_cast %get3A_3472 : vector<1x1x16xf32> to vector<16xf32>
        %mul3A_3474 = arith.mulf %broadcast_in_dim3A_3453, %get3A_3473 : vector<16xf32>
        %add3A_3475 = arith.addf %add3A_3450, %mul3A_3474 : vector<16xf32>
        %swap3A_3476 = arith.constant 1 : i32
        %swap3A_3477 = arith.index_cast %swap3A_3476 : i32 to index
        %swap3A_3478 = arith.index_cast %scan3A_266 : i32 to index
        %swap3A_3479 = arith.constant 64 : index
        %swap3A_3480 = tpu.vector_load %arg9[%swap3A_3477, %swap3A_3478, %swap3A_3479] {strides = array<i32>} : memref<2x8x96xf32, #tpu.memory_space<vmem>>, vector<1x1x16xf32>,
        %swap3A_3481 = vector.shape_cast %swap3A_3480 : vector<1x1x16xf32> to vector<16xf32>
        %swap3A_3482 = vector.shape_cast %add3A_3467 : vector<16xf32> to vector<1x1x16xf32>
        tpu.vector_store %arg9[%swap3A_3477, %swap3A_3478, %swap3A_3479], %swap3A_3482 {strides = array<i32>} : memref<2x8x96xf32, #tpu.memory_space<vmem>>, vector<1x1x16xf32>,
        %swap3A_3483 = arith.constant 1 : i32
        %swap3A_3484 = arith.index_cast %swap3A_3483 : i32 to index
        %swap3A_3485 = arith.index_cast %scan3A_266 : i32 to index
        %swap3A_3486 = arith.constant 80 : index
        %swap3A_3487 = tpu.vector_load %arg9[%swap3A_3484, %swap3A_3485, %swap3A_3486] {strides = array<i32>} : memref<2x8x96xf32, #tpu.memory_space<vmem>>, vector<1x1x16xf32>,
        %swap3A_3488 = vector.shape_cast %swap3A_3487 : vector<1x1x16xf32> to vector<16xf32>
        %swap3A_3489 = vector.shape_cast %add3A_3475 : vector<16xf32> to vector<1x1x16xf32>
        tpu.vector_store %arg9[%swap3A_3484, %swap3A_3485, %swap3A_3486], %swap3A_3489 {strides = array<i32>} : memref<2x8x96xf32, #tpu.memory_space<vmem>>, vector<1x1x16xf32>,
      }
      %scan3A_261 = arith.constant 8 : i32
      %run_scoped3A_262 = arith.constant 0 : i32
      "tpu.region"() ({
        %run_scoped3A_266 = tpu.sem_alloc : memref<!tpu.dma_semaphore, #tpu.memory_space<semaphore_mem>>
        %dma_start3A_267 = arith.constant 0 : i32
        %dma_start3A_268 = arith.constant 0 : i32
        %dma_start3A_269 = tpu.memref_slice %arg9[%run_scoped3A_262, %dma_start3A_267, %dma_start3A_268] : memref<2x8x96xf32, #tpu.memory_space<vmem>> -> memref<1x8x96xf32, #tpu.memory_space<vmem>>
        %dma_start3A_270 = tpu.memref_squeeze %dma_start3A_269 : memref<1x8x96xf32, #tpu.memory_space<vmem>> -> memref<8x96xf32, #tpu.memory_space<vmem>>
        %dma_start3A_271 = arith.constant 0 : i32
        %dma_start3A_272 = tpu.memref_slice %arg5[%add3A_255, %dma_start3A_271] : memref<16384x96xf32, #tpu.memory_space<hbm>> -> memref<8x96xf32, #tpu.memory_space<hbm>>
        %dma_start3A_273 = arith.constant 0 : i32
        %dma_start3A_274 = tpu.memref_slice %arg5[%add3A_255, %dma_start3A_273] : memref<16384x96xf32, #tpu.memory_space<hbm>> -> memref<8x96xf32, #tpu.memory_space<hbm>>
        %dma_start3A_275 = arith.constant 0 : i32
        %dma_start3A_276 = arith.constant 0 : i32
        %dma_start3A_277 = tpu.memref_slice %arg9[%run_scoped3A_262, %dma_start3A_275, %dma_start3A_276] : memref<2x8x96xf32, #tpu.memory_space<vmem>> -> memref<1x8x96xf32, #tpu.memory_space<vmem>>
        %dma_start3A_278 = tpu.memref_squeeze %dma_start3A_277 : memref<1x8x96xf32, #tpu.memory_space<vmem>> -> memref<8x96xf32, #tpu.memory_space<vmem>>
        tpu.enqueue_dma source(%dma_start3A_278 : memref<8x96xf32, #tpu.memory_space<vmem>>) target(%dma_start3A_274 : memref<8x96xf32, #tpu.memory_space<hbm>>) target_semaphore(%run_scoped3A_266 : memref<!tpu.dma_semaphore, #tpu.memory_space<semaphore_mem>>)
        %dma_wait3A_279 = arith.constant 0 : i32
        %dma_wait3A_280 = arith.constant 0 : i32
        %dma_wait3A_281 = tpu.memref_slice %arg9[%run_scoped3A_262, %dma_wait3A_279, %dma_wait3A_280] : memref<2x8x96xf32, #tpu.memory_space<vmem>> -> memref<1x8x96xf32, #tpu.memory_space<vmem>>
        %dma_wait3A_282 = tpu.memref_squeeze %dma_wait3A_281 : memref<1x8x96xf32, #tpu.memory_space<vmem>> -> memref<8x96xf32, #tpu.memory_space<vmem>>
        %dma_wait3A_283 = arith.constant 0 : i32
        %dma_wait3A_284 = tpu.memref_slice %arg5[%add3A_255, %dma_wait3A_283] : memref<16384x96xf32, #tpu.memory_space<hbm>> -> memref<8x96xf32, #tpu.memory_space<hbm>>
        %dma_wait3A_285 = arith.constant 0 : i32
        %dma_wait3A_286 = tpu.memref_slice %arg5[%add3A_255, %dma_wait3A_285] : memref<16384x96xf32, #tpu.memory_space<hbm>> -> memref<8x96xf32, #tpu.memory_space<hbm>>
        %dma_wait3A_287 = arith.constant 0 : i32
        %dma_wait3A_288 = arith.constant 0 : i32
        %dma_wait3A_289 = tpu.memref_slice %arg9[%run_scoped3A_262, %dma_wait3A_287, %dma_wait3A_288] : memref<2x8x96xf32, #tpu.memory_space<vmem>> -> memref<1x8x96xf32, #tpu.memory_space<vmem>>
        %dma_wait3A_290 = tpu.memref_squeeze %dma_wait3A_289 : memref<1x8x96xf32, #tpu.memory_space<vmem>> -> memref<8x96xf32, #tpu.memory_space<vmem>>
        tpu.wait_dma2 semaphore(%run_scoped3A_266 : memref<!tpu.dma_semaphore, #tpu.memory_space<semaphore_mem>>) src(%dma_wait3A_290 : memref<8x96xf32, #tpu.memory_space<vmem>>) dst(%dma_wait3A_286 : memref<8x96xf32, #tpu.memory_space<hbm>>)
        tpu.yield
      }) : () -> ()
      %add3A_263 = arith.constant 8192 : i32
      %add3A_264 = arith.addi %add3A_263, %add3A_255 : i32
      %run_scoped3A_265 = arith.constant 1 : i32
      "tpu.region"() ({
        %run_scoped3A_266 = tpu.sem_alloc : memref<!tpu.dma_semaphore, #tpu.memory_space<semaphore_mem>>
        %dma_start3A_267 = arith.constant 0 : i32
        %dma_start3A_268 = arith.constant 0 : i32
        %dma_start3A_269 = tpu.memref_slice %arg9[%run_scoped3A_265, %dma_start3A_267, %dma_start3A_268] : memref<2x8x96xf32, #tpu.memory_space<vmem>> -> memref<1x8x96xf32, #tpu.memory_space<vmem>>
        %dma_start3A_270 = tpu.memref_squeeze %dma_start3A_269 : memref<1x8x96xf32, #tpu.memory_space<vmem>> -> memref<8x96xf32, #tpu.memory_space<vmem>>
        %dma_start3A_271 = arith.constant 0 : i32
        %dma_start3A_272 = tpu.memref_slice %arg5[%add3A_264, %dma_start3A_271] : memref<16384x96xf32, #tpu.memory_space<hbm>> -> memref<8x96xf32, #tpu.memory_space<hbm>>
        %dma_start3A_273 = arith.constant 0 : i32
        %dma_start3A_274 = tpu.memref_slice %arg5[%add3A_264, %dma_start3A_273] : memref<16384x96xf32, #tpu.memory_space<hbm>> -> memref<8x96xf32, #tpu.memory_space<hbm>>
        %dma_start3A_275 = arith.constant 0 : i32
        %dma_start3A_276 = arith.constant 0 : i32
        %dma_start3A_277 = tpu.memref_slice %arg9[%run_scoped3A_265, %dma_start3A_275, %dma_start3A_276] : memref<2x8x96xf32, #tpu.memory_space<vmem>> -> memref<1x8x96xf32, #tpu.memory_space<vmem>>
        %dma_start3A_278 = tpu.memref_squeeze %dma_start3A_277 : memref<1x8x96xf32, #tpu.memory_space<vmem>> -> memref<8x96xf32, #tpu.memory_space<vmem>>
        tpu.enqueue_dma source(%dma_start3A_278 : memref<8x96xf32, #tpu.memory_space<vmem>>) target(%dma_start3A_274 : memref<8x96xf32, #tpu.memory_space<hbm>>) target_semaphore(%run_scoped3A_266 : memref<!tpu.dma_semaphore, #tpu.memory_space<semaphore_mem>>)
        %dma_wait3A_279 = arith.constant 0 : i32
        %dma_wait3A_280 = arith.constant 0 : i32
        %dma_wait3A_281 = tpu.memref_slice %arg9[%run_scoped3A_265, %dma_wait3A_279, %dma_wait3A_280] : memref<2x8x96xf32, #tpu.memory_space<vmem>> -> memref<1x8x96xf32, #tpu.memory_space<vmem>>
        %dma_wait3A_282 = tpu.memref_squeeze %dma_wait3A_281 : memref<1x8x96xf32, #tpu.memory_space<vmem>> -> memref<8x96xf32, #tpu.memory_space<vmem>>
        %dma_wait3A_283 = arith.constant 0 : i32
        %dma_wait3A_284 = tpu.memref_slice %arg5[%add3A_264, %dma_wait3A_283] : memref<16384x96xf32, #tpu.memory_space<hbm>> -> memref<8x96xf32, #tpu.memory_space<hbm>>
        %dma_wait3A_285 = arith.constant 0 : i32
        %dma_wait3A_286 = tpu.memref_slice %arg5[%add3A_264, %dma_wait3A_285] : memref<16384x96xf32, #tpu.memory_space<hbm>> -> memref<8x96xf32, #tpu.memory_space<hbm>>
        %dma_wait3A_287 = arith.constant 0 : i32
        %dma_wait3A_288 = arith.constant 0 : i32
        %dma_wait3A_289 = tpu.memref_slice %arg9[%run_scoped3A_265, %dma_wait3A_287, %dma_wait3A_288] : memref<2x8x96xf32, #tpu.memory_space<vmem>> -> memref<1x8x96xf32, #tpu.memory_space<vmem>>
        %dma_wait3A_290 = tpu.memref_squeeze %dma_wait3A_289 : memref<1x8x96xf32, #tpu.memory_space<vmem>> -> memref<8x96xf32, #tpu.memory_space<vmem>>
        tpu.wait_dma2 semaphore(%run_scoped3A_266 : memref<!tpu.dma_semaphore, #tpu.memory_space<semaphore_mem>>) src(%dma_wait3A_290 : memref<8x96xf32, #tpu.memory_space<vmem>>) dst(%dma_wait3A_286 : memref<8x96xf32, #tpu.memory_space<hbm>>)
        tpu.yield
      }) : () -> ()
    }
    %scan3A_7 = arith.constant 32 : i32
    return
  }
}

module attributes {stable_mosaic.version = 14 : i64} {
  func.func @_packt_body(%arg0: i32, %arg1: memref<2000x32xf32, #tpu.memory_space<vmem>>, %arg2: memref<2000x32xf32, #tpu.memory_space<vmem>>, %arg3: memref<2000x32xf32, #tpu.memory_space<vmem>>, %arg4: memref<2000x32xf32, #tpu.memory_space<vmem>>, %arg5: memref<2000x128xf32, #tpu.memory_space<vmem>>) attributes {dimension_semantics = [#tpu.dimension_semantics<arbitrary>], iteration_bounds = array<i64: 125>, scalar_prefetch = 0 : i64, scratch_operands = 0 : i64, tpu.core_type = #tpu.core_type<tc>, window_params = [{transform_indices = @transform_0, window_bounds = array<i64: 2000, 32>}, {transform_indices = @transform_1, window_bounds = array<i64: 2000, 32>}, {transform_indices = @transform_2, window_bounds = array<i64: 2000, 32>}, {transform_indices = @transform_3, window_bounds = array<i64: 2000, 32>}, {transform_indices = @transform_4, window_bounds = array<i64: 2000, 128>}]} {
    %get3A = arith.constant 0 : index
    %get3A_0 = arith.constant 0 : index
    %get3A_1 = vector.load %arg1[%get3A, %get3A_0] : memref<2000x32xf32, #tpu.memory_space<vmem>>, vector<2000x32xf32>
    %get3A_2 = arith.constant 0 : index
    %get3A_3 = arith.constant 0 : index
    %get3A_4 = vector.load %arg2[%get3A_2, %get3A_3] : memref<2000x32xf32, #tpu.memory_space<vmem>>, vector<2000x32xf32>
    %get3A_5 = arith.constant 0 : index
    %get3A_6 = arith.constant 0 : index
    %get3A_7 = vector.load %arg3[%get3A_5, %get3A_6] : memref<2000x32xf32, #tpu.memory_space<vmem>>, vector<2000x32xf32>
    %get3A_8 = arith.constant 0 : index
    %get3A_9 = arith.constant 0 : index
    %get3A_10 = vector.load %arg4[%get3A_8, %get3A_9] : memref<2000x32xf32, #tpu.memory_space<vmem>>, vector<2000x32xf32>
    %concatenate3A = tpu.concatenate %get3A_1, %get3A_4, %get3A_7, %get3A_10 in 1 : vector<2000x32xf32>, vector<2000x32xf32>, vector<2000x32xf32>, vector<2000x32xf32> -> vector<2000x128xf32>
    %swap3A = arith.constant 0 : index
    %swap3A_11 = arith.constant 0 : index
    %swap3A_12 = vector.load %arg5[%swap3A, %swap3A_11] : memref<2000x128xf32, #tpu.memory_space<vmem>>, vector<2000x128xf32>
    tpu.vector_store %arg5[%swap3A, %swap3A_11], %concatenate3A {strides = array<i32>} : memref<2000x128xf32, #tpu.memory_space<vmem>>, vector<2000x128xf32>,
    return
  }
  func.func @transform_0(%arg0: i32) -> (i32, i32) {
    %add3A = arith.constant 0 : i32
    %add3A_0 = arith.addi %arg0, %add3A : i32
    %c0_i32 = arith.constant 0 : i32
    %c0_i32_1 = arith.constant 0 : i32
    return %add3A_0, %c0_i32 : i32, i32
  }
  func.func @transform_1(%arg0: i32) -> (i32, i32) {
    %add3A = arith.constant 125 : i32
    %add3A_0 = arith.addi %arg0, %add3A : i32
    %c0_i32 = arith.constant 0 : i32
    %c0_i32_1 = arith.constant 0 : i32
    return %add3A_0, %c0_i32 : i32, i32
  }
  func.func @transform_2(%arg0: i32) -> (i32, i32) {
    %add3A = arith.constant 250 : i32
    %add3A_0 = arith.addi %arg0, %add3A : i32
    %c0_i32 = arith.constant 0 : i32
    %c0_i32_1 = arith.constant 0 : i32
    return %add3A_0, %c0_i32 : i32, i32
  }
  func.func @transform_3(%arg0: i32) -> (i32, i32) {
    %add3A = arith.constant 375 : i32
    %add3A_0 = arith.addi %arg0, %add3A : i32
    %c0_i32 = arith.constant 0 : i32
    %c0_i32_1 = arith.constant 0 : i32
    return %add3A_0, %c0_i32 : i32, i32
  }
  func.func @transform_4(%arg0: i32) -> (i32, i32) {
    %c0_i32 = arith.constant 0 : i32
    %c0_i32_0 = arith.constant 0 : i32
    return %arg0, %c0_i32 : i32, i32
  }
}

module attributes {stable_mosaic.version = 14 : i64} {
  func.func @_flat_body(%arg0: i32, %arg1: memref<1024x3x20xi32, #tpu.memory_space<vmem>>, %arg2: memref<1024x3x20xi32, #tpu.memory_space<vmem>>, %arg3: memref<1024x3x20xf32, #tpu.memory_space<vmem>>, %arg4: memref<1024x3x20xf32, #tpu.memory_space<vmem>>, %arg5: memref<1024x128xi32, #tpu.memory_space<vmem>>, %arg6: memref<1024x128xf32, #tpu.memory_space<vmem>>) attributes {dimension_semantics = [#tpu.dimension_semantics<arbitrary>], iteration_bounds = array<i64: 8>, scalar_prefetch = 0 : i64, scratch_operands = 0 : i64, tpu.core_type = #tpu.core_type<tc>, window_params = [{transform_indices = @transform_0, window_bounds = array<i64: 1024, 3, 20>}, {transform_indices = @transform_1, window_bounds = array<i64: 1024, 3, 20>}, {transform_indices = @transform_2, window_bounds = array<i64: 1024, 3, 20>}, {transform_indices = @transform_3, window_bounds = array<i64: 1024, 3, 20>}, {transform_indices = @transform_4, window_bounds = array<i64: 1024, 128>}, {transform_indices = @transform_5, window_bounds = array<i64: 1024, 128>}]} {
    %iota3A = tpu.iota {dimensions = array<i32: 0>} : vector<1024x4xi32>
    %mul3A = arith.constant 1024 : i32
    %mul3A_0 = arith.muli %arg0, %mul3A : i32
    %add3A = vector.broadcast %mul3A_0 : i32 to vector<1024x4xi32>
    %add3A_1 = arith.addi %iota3A, %add3A : vector<1024x4xi32>
    %mul3A_2 = arith.constant 29 : i32
    %mul3A_3 = vector.broadcast %mul3A_2 : i32 to vector<1024x4xi32>
    %mul3A_4 = arith.muli %add3A_1, %mul3A_3 : vector<1024x4xi32>
    %iota3A_5 = tpu.iota {dimensions = array<i32: 1>} : vector<1024x4xi32>
    %add3A_6 = arith.addi %mul3A_4, %iota3A_5 : vector<1024x4xi32>
    %broadcast_in_dim3A = arith.constant 0.000000e+00 : f32
    %broadcast_in_dim3A_7 = vector.broadcast %broadcast_in_dim3A : f32 to vector<1024x4xf32>
    %get3A = arith.constant 0 : index
    %get3A_8 = arith.constant 0 : index
    %get3A_9 = arith.constant 0 : index
    %get3A_10 = vector.load %arg1[%get3A, %get3A_8, %get3A_9] : memref<1024x3x20xi32, #tpu.memory_space<vmem>>, vector<1024x3x20xi32>
    %jit3A = arith.constant 250000 : i32
    %eq3A = arith.constant 0 : i32
    %eq3A_11 = arith.cmpi eq, %jit3A, %eq3A : i32
    %jit3A_12 = arith.constant 1 : i32
    %select_n3A = arith.select %eq3A_11, %jit3A_12, %jit3A : i32
    %rem3A = vector.broadcast %select_n3A : i32 to vector<1024x3x20xi32>
    %rem3A_13 = arith.remsi %get3A_10, %rem3A : vector<1024x3x20xi32>
    %ne3A = arith.constant 0 : i32
    %ne3A_14 = vector.broadcast %ne3A : i32 to vector<1024x3x20xi32>
    %ne3A_15 = arith.cmpi ne, %rem3A_13, %ne3A_14 : vector<1024x3x20xi32>
    %lt3A = arith.constant 0 : i32
    %lt3A_16 = vector.broadcast %lt3A : i32 to vector<1024x3x20xi32>
    %lt3A_17 = arith.cmpi slt, %rem3A_13, %lt3A_16 : vector<1024x3x20xi32>
    %lt3A_18 = arith.constant 0 : i32
    %lt3A_19 = arith.cmpi slt, %select_n3A, %lt3A_18 : i32
    %ne3A_20 = vector.broadcast %lt3A_19 : i1 to vector<1024x3x20xi1>
    %ne3A_21 = vector.broadcast %ne3A_20 : vector<1024x3x20xi1> to vector<1024x3x20xi1>
    %ne3A_22 = arith.xori %lt3A_17, %ne3A_21 : vector<1024x3x20xi1>
    %and3A = arith.andi %ne3A_22, %ne3A_15 : vector<1024x3x20xi1>
    %add3A_23 = vector.broadcast %select_n3A : i32 to vector<1024x3x20xi32>
    %add3A_24 = arith.addi %rem3A_13, %add3A_23 : vector<1024x3x20xi32>
    %select_n3A_25 = arith.select %and3A, %add3A_24, %rem3A_13 : vector<1024x3x20xi1>, vector<1024x3x20xi32>
    %mul3A_26 = arith.constant 4 : i32
    %mul3A_27 = vector.broadcast %mul3A_26 : i32 to vector<1024x3x20xi32>
    %mul3A_28 = arith.muli %select_n3A_25, %mul3A_27 : vector<1024x3x20xi32>
    %get3A_29 = arith.constant 0 : index
    %get3A_30 = arith.constant 0 : index
    %get3A_31 = arith.constant 0 : index
    %get3A_32 = vector.load %arg1[%get3A_29, %get3A_30, %get3A_31] : memref<1024x3x20xi32, #tpu.memory_space<vmem>>, vector<1024x3x20xi32>
    %jit3A_33 = arith.constant 250000 : i32
    %div3A = vector.broadcast %jit3A_33 : i32 to vector<1024x3x20xi32>
    %div3A_34 = arith.divsi %get3A_32, %div3A : vector<1024x3x20xi32>
    %sign3A = arith.constant 0 : i32
    %sign3A_35 = vector.broadcast %sign3A : i32 to vector<1024x3x20xi32>
    %sign3A_36 = arith.cmpi sgt, %get3A_32, %sign3A_35 : vector<1024x3x20xi32>
    %sign3A_37 = arith.extui %sign3A_36 : vector<1024x3x20xi1> to vector<1024x3x20xi32>
    %sign3A_38 = arith.constant 0 : i32
    %sign3A_39 = vector.broadcast %sign3A_38 : i32 to vector<1024x3x20xi32>
    %sign3A_40 = arith.cmpi slt, %get3A_32, %sign3A_39 : vector<1024x3x20xi32>
    %sign3A_41 = arith.extui %sign3A_40 : vector<1024x3x20xi1> to vector<1024x3x20xi32>
    %sign3A_42 = arith.subi %sign3A_37, %sign3A_41 : vector<1024x3x20xi32>
    %sign3A_43 = arith.constant 0 : i32
    %sign3A_44 = arith.cmpi sgt, %jit3A_33, %sign3A_43 : i32
    %sign3A_45 = arith.extui %sign3A_44 : i1 to i32
    %sign3A_46 = arith.constant 0 : i32
    %sign3A_47 = arith.cmpi slt, %jit3A_33, %sign3A_46 : i32
    %sign3A_48 = arith.extui %sign3A_47 : i1 to i32
    %sign3A_49 = arith.subi %sign3A_45, %sign3A_48 : i32
    %ne3A_50 = vector.broadcast %sign3A_49 : i32 to vector<1024x3x20xi32>
    %ne3A_51 = arith.cmpi ne, %sign3A_42, %ne3A_50 : vector<1024x3x20xi32>
    %rem3A_52 = vector.broadcast %jit3A_33 : i32 to vector<1024x3x20xi32>
    %rem3A_53 = arith.remsi %get3A_32, %rem3A_52 : vector<1024x3x20xi32>
    %ne3A_54 = arith.constant 0 : i32
    %ne3A_55 = vector.broadcast %ne3A_54 : i32 to vector<1024x3x20xi32>
    %ne3A_56 = arith.cmpi ne, %rem3A_53, %ne3A_55 : vector<1024x3x20xi32>
    %and3A_57 = arith.andi %ne3A_51, %ne3A_56 : vector<1024x3x20xi1>
    %sub3A = arith.constant 1 : i32
    %sub3A_58 = vector.broadcast %sub3A : i32 to vector<1024x3x20xi32>
    %sub3A_59 = arith.subi %div3A_34, %sub3A_58 : vector<1024x3x20xi32>
    %select_n3A_60 = arith.select %and3A_57, %sub3A_59, %div3A_34 : vector<1024x3x20xi1>, vector<1024x3x20xi32>
    %add3A_61 = arith.addi %mul3A_28, %select_n3A_60 : vector<1024x3x20xi32>
    %get3A_62 = arith.constant 0 : index
    %get3A_63 = arith.constant 0 : index
    %get3A_64 = arith.constant 0 : index
    %get3A_65 = vector.load %arg2[%get3A_62, %get3A_63, %get3A_64] : memref<1024x3x20xi32, #tpu.memory_space<vmem>>, vector<1024x3x20xi32>
    %jit3A_66 = arith.constant 250000 : i32
    %eq3A_67 = arith.constant 0 : i32
    %eq3A_68 = arith.cmpi eq, %jit3A_66, %eq3A_67 : i32
    %jit3A_69 = arith.constant 1 : i32
    %select_n3A_70 = arith.select %eq3A_68, %jit3A_69, %jit3A_66 : i32
    %rem3A_71 = vector.broadcast %select_n3A_70 : i32 to vector<1024x3x20xi32>
    %rem3A_72 = arith.remsi %get3A_65, %rem3A_71 : vector<1024x3x20xi32>
    %ne3A_73 = arith.constant 0 : i32
    %ne3A_74 = vector.broadcast %ne3A_73 : i32 to vector<1024x3x20xi32>
    %ne3A_75 = arith.cmpi ne, %rem3A_72, %ne3A_74 : vector<1024x3x20xi32>
    %lt3A_76 = arith.constant 0 : i32
    %lt3A_77 = vector.broadcast %lt3A_76 : i32 to vector<1024x3x20xi32>
    %lt3A_78 = arith.cmpi slt, %rem3A_72, %lt3A_77 : vector<1024x3x20xi32>
    %lt3A_79 = arith.constant 0 : i32
    %lt3A_80 = arith.cmpi slt, %select_n3A_70, %lt3A_79 : i32
    %ne3A_81 = vector.broadcast %lt3A_80 : i1 to vector<1024x3x20xi1>
    %ne3A_82 = vector.broadcast %ne3A_81 : vector<1024x3x20xi1> to vector<1024x3x20xi1>
    %ne3A_83 = arith.xori %lt3A_78, %ne3A_82 : vector<1024x3x20xi1>
    %and3A_84 = arith.andi %ne3A_83, %ne3A_75 : vector<1024x3x20xi1>
    %add3A_85 = vector.broadcast %select_n3A_70 : i32 to vector<1024x3x20xi32>
    %add3A_86 = arith.addi %rem3A_72, %add3A_85 : vector<1024x3x20xi32>
    %select_n3A_87 = arith.select %and3A_84, %add3A_86, %rem3A_72 : vector<1024x3x20xi1>, vector<1024x3x20xi32>
    %mul3A_88 = arith.constant 4 : i32
    %mul3A_89 = vector.broadcast %mul3A_88 : i32 to vector<1024x3x20xi32>
    %mul3A_90 = arith.muli %select_n3A_87, %mul3A_89 : vector<1024x3x20xi32>
    %get3A_91 = arith.constant 0 : index
    %get3A_92 = arith.constant 0 : index
    %get3A_93 = arith.constant 0 : index
    %get3A_94 = vector.load %arg2[%get3A_91, %get3A_92, %get3A_93] : memref<1024x3x20xi32, #tpu.memory_space<vmem>>, vector<1024x3x20xi32>
    %jit3A_95 = arith.constant 250000 : i32
    %div3A_96 = vector.broadcast %jit3A_95 : i32 to vector<1024x3x20xi32>
    %div3A_97 = arith.divsi %get3A_94, %div3A_96 : vector<1024x3x20xi32>
    %sign3A_98 = arith.constant 0 : i32
    %sign3A_99 = vector.broadcast %sign3A_98 : i32 to vector<1024x3x20xi32>
    %sign3A_100 = arith.cmpi sgt, %get3A_94, %sign3A_99 : vector<1024x3x20xi32>
    %sign3A_101 = arith.extui %sign3A_100 : vector<1024x3x20xi1> to vector<1024x3x20xi32>
    %sign3A_102 = arith.constant 0 : i32
    %sign3A_103 = vector.broadcast %sign3A_102 : i32 to vector<1024x3x20xi32>
    %sign3A_104 = arith.cmpi slt, %get3A_94, %sign3A_103 : vector<1024x3x20xi32>
    %sign3A_105 = arith.extui %sign3A_104 : vector<1024x3x20xi1> to vector<1024x3x20xi32>
    %sign3A_106 = arith.subi %sign3A_101, %sign3A_105 : vector<1024x3x20xi32>
    %sign3A_107 = arith.constant 0 : i32
    %sign3A_108 = arith.cmpi sgt, %jit3A_95, %sign3A_107 : i32
    %sign3A_109 = arith.extui %sign3A_108 : i1 to i32
    %sign3A_110 = arith.constant 0 : i32
    %sign3A_111 = arith.cmpi slt, %jit3A_95, %sign3A_110 : i32
    %sign3A_112 = arith.extui %sign3A_111 : i1 to i32
    %sign3A_113 = arith.subi %sign3A_109, %sign3A_112 : i32
    %ne3A_114 = vector.broadcast %sign3A_113 : i32 to vector<1024x3x20xi32>
    %ne3A_115 = arith.cmpi ne, %sign3A_106, %ne3A_114 : vector<1024x3x20xi32>
    %rem3A_116 = vector.broadcast %jit3A_95 : i32 to vector<1024x3x20xi32>
    %rem3A_117 = arith.remsi %get3A_94, %rem3A_116 : vector<1024x3x20xi32>
    %ne3A_118 = arith.constant 0 : i32
    %ne3A_119 = vector.broadcast %ne3A_118 : i32 to vector<1024x3x20xi32>
    %ne3A_120 = arith.cmpi ne, %rem3A_117, %ne3A_119 : vector<1024x3x20xi32>
    %and3A_121 = arith.andi %ne3A_115, %ne3A_120 : vector<1024x3x20xi1>
    %sub3A_122 = arith.constant 1 : i32
    %sub3A_123 = vector.broadcast %sub3A_122 : i32 to vector<1024x3x20xi32>
    %sub3A_124 = arith.subi %div3A_97, %sub3A_123 : vector<1024x3x20xi32>
    %select_n3A_125 = arith.select %and3A_121, %sub3A_124, %div3A_97 : vector<1024x3x20xi1>, vector<1024x3x20xi32>
    %add3A_126 = arith.addi %mul3A_90, %select_n3A_125 : vector<1024x3x20xi32>
    %slice3A = vector.extract_strided_slice %add3A_61 {offsets = [0, 0, 0], sizes = [1024, 1, 20], strides = [1, 1, 1]} : vector<1024x3x20xi32> to vector<1024x1x20xi32>
    %squeeze3A = vector.shape_cast %slice3A : vector<1024x1x20xi32> to vector<1024x20xi32>
    %slice3A_127 = vector.extract_strided_slice %add3A_61 {offsets = [0, 1, 0], sizes = [1024, 1, 20], strides = [1, 1, 1]} : vector<1024x3x20xi32> to vector<1024x1x20xi32>
    %squeeze3A_128 = vector.shape_cast %slice3A_127 : vector<1024x1x20xi32> to vector<1024x20xi32>
    %slice3A_129 = vector.extract_strided_slice %add3A_61 {offsets = [0, 2, 0], sizes = [1024, 1, 20], strides = [1, 1, 1]} : vector<1024x3x20xi32> to vector<1024x1x20xi32>
    %squeeze3A_130 = vector.shape_cast %slice3A_129 : vector<1024x1x20xi32> to vector<1024x20xi32>
    %concatenate3A = tpu.concatenate %squeeze3A, %squeeze3A_128, %squeeze3A_130, %add3A_6 in 1 : vector<1024x20xi32>, vector<1024x20xi32>, vector<1024x20xi32>, vector<1024x4xi32> -> vector<1024x64xi32>
    %slice3A_131 = vector.extract_strided_slice %add3A_126 {offsets = [0, 0, 0], sizes = [1024, 1, 20], strides = [1, 1, 1]} : vector<1024x3x20xi32> to vector<1024x1x20xi32>
    %squeeze3A_132 = vector.shape_cast %slice3A_131 : vector<1024x1x20xi32> to vector<1024x20xi32>
    %slice3A_133 = vector.extract_strided_slice %add3A_126 {offsets = [0, 1, 0], sizes = [1024, 1, 20], strides = [1, 1, 1]} : vector<1024x3x20xi32> to vector<1024x1x20xi32>
    %squeeze3A_134 = vector.shape_cast %slice3A_133 : vector<1024x1x20xi32> to vector<1024x20xi32>
    %slice3A_135 = vector.extract_strided_slice %add3A_126 {offsets = [0, 2, 0], sizes = [1024, 1, 20], strides = [1, 1, 1]} : vector<1024x3x20xi32> to vector<1024x1x20xi32>
    %squeeze3A_136 = vector.shape_cast %slice3A_135 : vector<1024x1x20xi32> to vector<1024x20xi32>
    %concatenate3A_137 = tpu.concatenate %squeeze3A_132, %squeeze3A_134, %squeeze3A_136, %add3A_6 in 1 : vector<1024x20xi32>, vector<1024x20xi32>, vector<1024x20xi32>, vector<1024x4xi32> -> vector<1024x64xi32>
    %concatenate3A_138 = tpu.concatenate %concatenate3A, %concatenate3A_137 in 1 : vector<1024x64xi32>, vector<1024x64xi32> -> vector<1024x128xi32>
    %swap3A = arith.constant 0 : index
    %swap3A_139 = arith.constant 0 : index
    %swap3A_140 = vector.load %arg5[%swap3A, %swap3A_139] : memref<1024x128xi32, #tpu.memory_space<vmem>>, vector<1024x128xi32>
    tpu.vector_store %arg5[%swap3A, %swap3A_139], %concatenate3A_138 {strides = array<i32>} : memref<1024x128xi32, #tpu.memory_space<vmem>>, vector<1024x128xi32>,
    %get3A_141 = arith.constant 0 : index
    %get3A_142 = arith.constant 0 : index
    %get3A_143 = arith.constant 0 : index
    %get3A_144 = vector.load %arg3[%get3A_141, %get3A_142, %get3A_143] : memref<1024x3x20xf32, #tpu.memory_space<vmem>>, vector<1024x3x20xf32>
    %slice3A_145 = vector.extract_strided_slice %get3A_144 {offsets = [0, 0, 0], sizes = [1024, 1, 20], strides = [1, 1, 1]} : vector<1024x3x20xf32> to vector<1024x1x20xf32>
    %squeeze3A_146 = vector.shape_cast %slice3A_145 : vector<1024x1x20xf32> to vector<1024x20xf32>
    %slice3A_147 = vector.extract_strided_slice %get3A_144 {offsets = [0, 1, 0], sizes = [1024, 1, 20], strides = [1, 1, 1]} : vector<1024x3x20xf32> to vector<1024x1x20xf32>
    %squeeze3A_148 = vector.shape_cast %slice3A_147 : vector<1024x1x20xf32> to vector<1024x20xf32>
    %slice3A_149 = vector.extract_strided_slice %get3A_144 {offsets = [0, 2, 0], sizes = [1024, 1, 20], strides = [1, 1, 1]} : vector<1024x3x20xf32> to vector<1024x1x20xf32>
    %squeeze3A_150 = vector.shape_cast %slice3A_149 : vector<1024x1x20xf32> to vector<1024x20xf32>
    %concatenate3A_151 = tpu.concatenate %squeeze3A_146, %squeeze3A_148, %squeeze3A_150, %broadcast_in_dim3A_7 in 1 : vector<1024x20xf32>, vector<1024x20xf32>, vector<1024x20xf32>, vector<1024x4xf32> -> vector<1024x64xf32>
    %get3A_152 = arith.constant 0 : index
    %get3A_153 = arith.constant 0 : index
    %get3A_154 = arith.constant 0 : index
    %get3A_155 = vector.load %arg4[%get3A_152, %get3A_153, %get3A_154] : memref<1024x3x20xf32, #tpu.memory_space<vmem>>, vector<1024x3x20xf32>
    %slice3A_156 = vector.extract_strided_slice %get3A_155 {offsets = [0, 0, 0], sizes = [1024, 1, 20], strides = [1, 1, 1]} : vector<1024x3x20xf32> to vector<1024x1x20xf32>
    %squeeze3A_157 = vector.shape_cast %slice3A_156 : vector<1024x1x20xf32> to vector<1024x20xf32>
    %slice3A_158 = vector.extract_strided_slice %get3A_155 {offsets = [0, 1, 0], sizes = [1024, 1, 20], strides = [1, 1, 1]} : vector<1024x3x20xf32> to vector<1024x1x20xf32>
    %squeeze3A_159 = vector.shape_cast %slice3A_158 : vector<1024x1x20xf32> to vector<1024x20xf32>
    %slice3A_160 = vector.extract_strided_slice %get3A_155 {offsets = [0, 2, 0], sizes = [1024, 1, 20], strides = [1, 1, 1]} : vector<1024x3x20xf32> to vector<1024x1x20xf32>
    %squeeze3A_161 = vector.shape_cast %slice3A_160 : vector<1024x1x20xf32> to vector<1024x20xf32>
    %concatenate3A_162 = tpu.concatenate %squeeze3A_157, %squeeze3A_159, %squeeze3A_161, %broadcast_in_dim3A_7 in 1 : vector<1024x20xf32>, vector<1024x20xf32>, vector<1024x20xf32>, vector<1024x4xf32> -> vector<1024x64xf32>
    %concatenate3A_163 = tpu.concatenate %concatenate3A_151, %concatenate3A_162 in 1 : vector<1024x64xf32>, vector<1024x64xf32> -> vector<1024x128xf32>
    %swap3A_164 = arith.constant 0 : index
    %swap3A_165 = arith.constant 0 : index
    %swap3A_166 = vector.load %arg6[%swap3A_164, %swap3A_165] : memref<1024x128xf32, #tpu.memory_space<vmem>>, vector<1024x128xf32>
    tpu.vector_store %arg6[%swap3A_164, %swap3A_165], %concatenate3A_163 {strides = array<i32>} : memref<1024x128xf32, #tpu.memory_space<vmem>>, vector<1024x128xf32>,
    return
  }
  func.func @transform_0(%arg0: i32) -> (i32, i32, i32) {
    %c0_i32 = arith.constant 0 : i32
    %c0_i32_0 = arith.constant 0 : i32
    %c0_i32_1 = arith.constant 0 : i32
    return %arg0, %c0_i32, %c0_i32_0 : i32, i32, i32
  }
  func.func @transform_1(%arg0: i32) -> (i32, i32, i32) {
    %add3A = arith.constant 8 : i32
    %add3A_0 = arith.addi %arg0, %add3A : i32
    %c0_i32 = arith.constant 0 : i32
    %c0_i32_1 = arith.constant 0 : i32
    %c0_i32_2 = arith.constant 0 : i32
    return %add3A_0, %c0_i32, %c0_i32_1 : i32, i32, i32
  }
  func.func @transform_2(%arg0: i32) -> (i32, i32, i32) {
    %c0_i32 = arith.constant 0 : i32
    %c0_i32_0 = arith.constant 0 : i32
    %c0_i32_1 = arith.constant 0 : i32
    return %arg0, %c0_i32, %c0_i32_0 : i32, i32, i32
  }
  func.func @transform_3(%arg0: i32) -> (i32, i32, i32) {
    %add3A = arith.constant 8 : i32
    %add3A_0 = arith.addi %arg0, %add3A : i32
    %c0_i32 = arith.constant 0 : i32
    %c0_i32_1 = arith.constant 0 : i32
    %c0_i32_2 = arith.constant 0 : i32
    return %add3A_0, %c0_i32, %c0_i32_1 : i32, i32, i32
  }
  func.func @transform_4(%arg0: i32) -> (i32, i32) {
    %c0_i32 = arith.constant 0 : i32
    %c0_i32_0 = arith.constant 0 : i32
    return %arg0, %c0_i32 : i32, i32
  }
  func.func @transform_5(%arg0: i32) -> (i32, i32) {
    %c0_i32 = arith.constant 0 : i32
    %c0_i32_0 = arith.constant 0 : i32
    return %arg0, %c0_i32 : i32, i32
  }
}

module attributes {stable_mosaic.version = 14 : i64} {
  func.func @_mlp_body(%arg0: i32, %arg1: memref<1024x96xf32, #tpu.memory_space<vmem>>, %arg2: memref<32x96xf32, #tpu.memory_space<vmem>>, %arg3: memref<1x32xf32, #tpu.memory_space<vmem>>, %arg4: memref<107x32xf32, #tpu.memory_space<vmem>>, %arg5: memref<1x107xf32, #tpu.memory_space<vmem>>, %arg6: memref<1024x107xf32, #tpu.memory_space<vmem>>) attributes {dimension_semantics = [#tpu.dimension_semantics<arbitrary>], iteration_bounds = array<i64: 16>, scalar_prefetch = 0 : i64, scratch_operands = 0 : i64, tpu.core_type = #tpu.core_type<tc>, window_params = [{transform_indices = @transform_0, window_bounds = array<i64: 1024, 96>}, {pipeline_mode = #tpu.pipeline_mode<synchronous>, transform_indices = @transform_1, window_bounds = array<i64: 32, 96>}, {pipeline_mode = #tpu.pipeline_mode<synchronous>, transform_indices = @transform_2, window_bounds = array<i64: 1, 32>}, {pipeline_mode = #tpu.pipeline_mode<synchronous>, transform_indices = @transform_3, window_bounds = array<i64: 107, 32>}, {pipeline_mode = #tpu.pipeline_mode<synchronous>, transform_indices = @transform_4, window_bounds = array<i64: 1, 107>}, {transform_indices = @transform_5, window_bounds = array<i64: 1024, 107>}]} {
    %get3A = arith.constant 0 : index
    %get3A_0 = arith.constant 0 : index
    %get3A_1 = vector.load %arg1[%get3A, %get3A_0] : memref<1024x96xf32, #tpu.memory_space<vmem>>, vector<1024x96xf32>
    %get3A_2 = arith.constant 0 : index
    %get3A_3 = arith.constant 0 : index
    %get3A_4 = vector.load %arg2[%get3A_2, %get3A_3] : memref<32x96xf32, #tpu.memory_space<vmem>>, vector<32x96xf32>
    %dot_general3A = arith.constant dense<0.000000e+00> : vector<1024x32xf32>
    %dot_general3A_5 = tpu.matmul %get3A_1, %get3A_4, %dot_general3A {dimension_numbers = #tpu.dot_dimension_numbers<[1], [1], [0], [0], [0, 0, 1, 0], [], []>, transpose_lhs_hint = false} : vector<1024x96xf32>, vector<32x96xf32>, vector<1024x32xf32> -> vector<1024x32xf32>
    %get3A_6 = arith.constant 0 : index
    %get3A_7 = arith.constant 0 : index
    %get3A_8 = vector.load %arg3[%get3A_6, %get3A_7] : memref<1x32xf32, #tpu.memory_space<vmem>>, vector<1x32xf32>
    %add3A = vector.broadcast %get3A_8 : vector<1x32xf32> to vector<1024x32xf32>
    %add3A_9 = arith.addf %dot_general3A_5, %add3A : vector<1024x32xf32>
    %get3A_10 = arith.constant 0 : index
    %get3A_11 = arith.constant 0 : index
    %get3A_12 = vector.load %arg4[%get3A_10, %get3A_11] : memref<107x32xf32, #tpu.memory_space<vmem>>, vector<107x32xf32>
    %dot_general3A_13 = arith.constant dense<0.000000e+00> : vector<1024x107xf32>
    %dot_general3A_14 = tpu.matmul %add3A_9, %get3A_12, %dot_general3A_13 {dimension_numbers = #tpu.dot_dimension_numbers<[1], [1], [0], [0], [0, 0, 1, 0], [], []>, transpose_lhs_hint = false} : vector<1024x32xf32>, vector<107x32xf32>, vector<1024x107xf32> -> vector<1024x107xf32>
    %get3A_15 = arith.constant 0 : index
    %get3A_16 = arith.constant 0 : index
    %get3A_17 = vector.load %arg5[%get3A_15, %get3A_16] : memref<1x107xf32, #tpu.memory_space<vmem>>, vector<1x107xf32>
    %add3A_18 = vector.broadcast %get3A_17 : vector<1x107xf32> to vector<1024x107xf32>
    %add3A_19 = arith.addf %dot_general3A_14, %add3A_18 : vector<1024x107xf32>
    %reduce_max3A = arith.constant dense<0xFF800000> : vector<1024xf32>
    %reduce_max3A_20 = vector.multi_reduction <maximumf>, %add3A_19, %reduce_max3A [1] : vector<1024x107xf32> to vector<1024xf32>
    %broadcast_in_dim3A = vector.shape_cast %reduce_max3A_20 : vector<1024xf32> to vector<1024x1xf32>
    %sub3A = vector.broadcast %broadcast_in_dim3A : vector<1024x1xf32> to vector<1024x107xf32>
    %sub3A_21 = arith.subf %add3A_19, %sub3A : vector<1024x107xf32>
    %exp3A = math.exp %sub3A_21 : vector<1024x107xf32>
    %reduce_sum3A = arith.constant dense<0.000000e+00> : vector<1024xf32>
    %reduce_sum3A_22 = vector.multi_reduction <add>, %exp3A, %reduce_sum3A [1] : vector<1024x107xf32> to vector<1024xf32>
    %broadcast_in_dim3A_23 = vector.shape_cast %reduce_sum3A_22 : vector<1024xf32> to vector<1024x1xf32>
    %log3A = math.log %broadcast_in_dim3A_23 : vector<1024x1xf32>
    %add3A_24 = arith.addf %log3A, %broadcast_in_dim3A : vector<1024x1xf32>
    %sub3A_25 = vector.broadcast %add3A_24 : vector<1024x1xf32> to vector<1024x107xf32>
    %sub3A_26 = arith.subf %add3A_19, %sub3A_25 : vector<1024x107xf32>
    %swap3A = arith.constant 0 : index
    %swap3A_27 = arith.constant 0 : index
    %swap3A_28 = vector.load %arg6[%swap3A, %swap3A_27] : memref<1024x107xf32, #tpu.memory_space<vmem>>, vector<1024x107xf32>
    tpu.vector_store %arg6[%swap3A, %swap3A_27], %sub3A_26 {strides = array<i32>} : memref<1024x107xf32, #tpu.memory_space<vmem>>, vector<1024x107xf32>,
    return
  }
  func.func @transform_0(%arg0: i32) -> (i32, i32) {
    %c0_i32 = arith.constant 0 : i32
    %c0_i32_0 = arith.constant 0 : i32
    return %arg0, %c0_i32 : i32, i32
  }
  func.func @transform_1(%arg0: i32) -> (i32, i32) {
    %c0_i32 = arith.constant 0 : i32
    %c0_i32_0 = arith.constant 0 : i32
    %c0_i32_1 = arith.constant 0 : i32
    return %c0_i32, %c0_i32_0 : i32, i32
  }
  func.func @transform_2(%arg0: i32) -> (i32, i32) {
    %c0_i32 = arith.constant 0 : i32
    %c0_i32_0 = arith.constant 0 : i32
    %c0_i32_1 = arith.constant 0 : i32
    return %c0_i32, %c0_i32_0 : i32, i32
  }
  func.func @transform_3(%arg0: i32) -> (i32, i32) {
    %c0_i32 = arith.constant 0 : i32
    %c0_i32_0 = arith.constant 0 : i32
    %c0_i32_1 = arith.constant 0 : i32
    return %c0_i32, %c0_i32_0 : i32, i32
  }
  func.func @transform_4(%arg0: i32) -> (i32, i32) {
    %c0_i32 = arith.constant 0 : i32
    %c0_i32_0 = arith.constant 0 : i32
    %c0_i32_1 = arith.constant 0 : i32
    return %c0_i32, %c0_i32_0 : i32, i32
  }
  func.func @transform_5(%arg0: i32) -> (i32, i32) {
    %c0_i32 = arith.constant 0 : i32
    %c0_i32_0 = arith.constant 0 : i32
    return %arg0, %c0_i32 : i32, i32
  }
}

</mosaic_0001>

<sc_bundles>
// kernel: kernel.6.cloned.1.call-start
scs
__scs_entry_jumppad:
0x0: {  	(pc) =	sbr.rel $0x88, $3  }
0x1: {  	(tag) =	ssettag $0x0;
	lr =	simm.s32 $0x1  }
0x2: {  	[smem:$0x3F9A] =	sst lr;
	_ =	strace $0xD0000000  }
0x3: {  	_ = 	snop  }
0x4: {  	_ = 	snop  }
0x5: {  	_ = 	snop  }
0x6: {  	_ = 	snop  }
0x7: {  	_ = 	snop  }
__scs_overlays_trampoline_lowered:
0x8: {  	[smem:$0x3FA9] =	sst s0  }
0x9: {  	[smem:$0x3FAA] =	sst s1  }
0xa: {  	[smem:$0x3FAB] =	sst s2  }
0xb: {  	[smem:$0x3FAC] =	sst s3  }
0xc: {  	[smem:$0x3FAD] =	sst s4  }
0xd: {  	[smem:$0x3FAE] =	sst s5  }
0xe: {  	[smem:$0x3FAF] =	sst s6  }
0xf: {  	[smem:$0x3FB0] =	sst s7  }
0x10: {  	[smem:$0x3FB1] =	sst s8  }
0x11: {  	[smem:$0x3FB2] =	sst s9;
	s0 =	simm.s32 @!p0 $0x0  }
0x12: {  	s1 =	sld [smem:$0x3F98];
	s0 =	simm.s32 @p0 $0x1  }
0x13: {  	[smem:$0x3FB3] =	sst s0;
	s0 =	simm.s32 @!p1 $0x0  }
0x14: {  	s2 =	sld [smem:$0x3F97];
	s0 =	simm.s32 @p1 $0x1  }
0x15: {  	[smem:$0x3FB4] =	sst s0;
	s0 =	simm.s32 @!p2 $0x0  }
0x16: {  	s3 =	sld [smem:$0x3FDB];
	s0 =	simm.s32 @p2 $0x1  }
0x17: {  	s4 =	simm.s32 $0x1BF5;
	[smem:$0x3FB6] =	sst s0  }
0x18: {  	s0 =	sld [smem:$0x3F99];
	_ =	swait.ge [sflag:s4], $0x0  }
0x19: {  	s7 =	sld [smem:$0x3F9A]  }
0x1a: {  	s8 =	sadd.s32 $0xFFFFE003, lr  }
0x1b: {  	s9 =	sadd.s32 $0xFFFFFEF7, lr;
	s5 =	simm.s32 $0xFFFFFFFF;
	p2 =	slt.u32 s8, $0xFFFFF086  }
0x1c: {  	p1 =	slt.u32 s9, $0xF7A;
	s5 =	simm.s32 @!p2 $0x0  }
0x1d: {  	s5 =	simm.s32 @p1 $0x1;
	p0 =	seq.s32 s7, s2  }
0x1e: {  	s7 =	smul.u32 @!p0 $0xF7A, s2;
	p2 =	seq.s32 @!p0 s5, $0x0  }
0x1f: {  	s9 =	smul.u32 $0xF7A, s1;
	s8 =	simm.s32 @!p0 $0x1BF5;
	p2 =	por !p2, p0  }
0x20: {  	[sflag:s8] =	ssyncset.s32 @!p0 $0xFFFFF086;
	s6 =	sadd.s32 @!p0 s3, s7;
	s7 =	simm.s32 @!p0 $0x108  }
0x21: {  	s3 =	sadd.s32 s3, s9;
	s6 =	sadd.s32 @!p0 $0x88, s6;
	s7 =	simm.s32 @p2 $0x1082  }
0x22: {  	[simem:s7], [sflag:s8] =	dma.local @!p0 [hbm:s6], $0xF7A  }
0x23: {  	s9 =	sor.u32 $0xD0000000, s2;
	s6 =	simm.s32 $0x108;
	_ =	swait.ge @!p0 [sflag:s8], $0x0  }
0x24: {  	s3 =	sadd.s32 $0x88, s3;
	s6 =	simm.s32 @!p1 $0x1082;
	[sflag:s4] =	ssyncset.s32 $0xFFFFF086  }
0x25: {  	[simem:s6], [sflag:s4] =	dma.local [hbm:s3], $0xF7A  }
0x26: {  	[smem:$0x3F9A] =	sst s1;
	(tag) =	ssettag s2;
	_ =	strace s9  }
0x27: {  	s1 =	sld [smem:$0x3FAA]  }
0x28: {  	s2 =	sld [smem:$0x3FAB]  }
0x29: {  	s4 =	sld [smem:$0x3FAD]  }
0x2a: {  	p0 =	seq.s32 s5, $0x0;
	s5 =	sld [smem:$0x3FAE]  }
0x2b: {  	s6 =	sld [smem:$0x3FAF]  }
0x2c: {  	s7 =	sld [smem:$0x3FB0]  }
0x2d: {  	s3 =	simm.s32 $0x108;
	s8 =	sld [smem:$0x3FB1]  }
0x2e: {  	s3 =	simm.s32 @!p0 $0x1082;
	s9 =	sld [smem:$0x3FB2]  }
0x2f: {  	lr =	sadd.s32 s0, s3;
	s0 =	sld [smem:$0x3FA9]  }
0x30: {  	s3 =	sld [smem:$0x3FAC]  }
0x31: {  	[smem:$0x3FB5] =	sst s10  }
0x32: {  	s10 =	sld [smem:$0x3FB3];
	_ =	sdelay $0x3  }
0x33: {  	p0 =	seq.s32 s10, $0x1;
	s10 =	sld [smem:$0x3FB5];
	_ =	sdelay $0x3  }
0x34: {  	[smem:$0x3FB5] =	sst s10  }
0x35: {  	s10 =	sld [smem:$0x3FB4];
	_ =	sdelay $0x3  }
0x36: {  	p1 =	seq.s32 s10, $0x1;
	s10 =	sld [smem:$0x3FB5];
	_ =	sdelay $0x3  }
0x37: {  	[smem:$0x3FB5] =	sst s10  }
0x38: {  	s10 =	sld [smem:$0x3FB6]  }
0x39: {  	_ = 	snop;
	(pc) =	sbr.ind lr, $3  }
0x3a: {  	_ = 	snop  }
0x3b: {  	_ = 	snop  }
0x3c: {  	p2 =	seq.s32 s10, $0x1;
	s10 =	sld [smem:$0x3FB5]  }
0x3d: {  	_ =	shalt  }
0x3e: {  	_ =	shalt  }
0x3f: {  	_ =	shalt  }
0x40: {  	_ =	shalt  }
0x41: {  	_ =	shalt  }
0x42: {  	_ =	shalt  }
0x43: {  	_ =	shalt  }
0x44: {  	_ =	shalt  }
0x45: {  	_ =	shalt  }
0x46: {  	_ =	shalt  }
0x47: {  	_ =	shalt  }
0x48: {  	_ =	shalt  }
0x49: {  	_ =	shalt  }
0x4a: {  	_ =	shalt  }
0x4b: {  	_ =	shalt  }
0x4c: {  	_ =	shalt  }
0x4d: {  	_ =	shalt  }
0x4e: {  	_ =	shalt  }
0x4f: {  	_ =	shalt  }
0x50: {  	_ =	shalt  }
0x51: {  	_ =	shalt  }
0x52: {  	_ =	shalt  }
0x53: {  	_ =	shalt  }
0x54: {  	_ =	shalt  }
0x55: {  	_ =	shalt  }
0x56: {  	_ =	shalt  }
0x57: {  	_ =	shalt  }
0x58: {  	_ =	shalt  }
0x59: {  	_ =	shalt  }
0x5a: {  	_ =	shalt  }
0x5b: {  	_ =	shalt  }
0x5c: {  	_ =	shalt  }
0x5d: {  	_ =	shalt  }
0x5e: {  	_ =	shalt  }
0x5f: {  	_ =	shalt  }
0x60: {  	_ =	shalt  }
0x61: {  	_ =	shalt  }
0x62: {  	_ =	shalt  }
0x63: {  	_ =	shalt  }
0x64: {  	_ =	shalt  }
0x65: {  	_ =	shalt  }
0x66: {  	_ =	shalt  }
0x67: {  	_ =	shalt  }
0x68: {  	_ =	shalt  }
0x69: {  	_ =	shalt  }
0x6a: {  	_ =	shalt  }
0x6b: {  	_ =	shalt  }
0x6c: {  	_ =	shalt  }
0x6d: {  	_ =	shalt  }
0x6e: {  	_ =	shalt  }
0x6f: {  	_ =	shalt  }
0x70: {  	_ =	shalt  }
0x71: {  	_ =	shalt  }
0x72: {  	_ =	shalt  }
0x73: {  	_ =	shalt  }
0x74: {  	_ =	shalt  }
0x75: {  	_ =	shalt  }
0x76: {  	_ =	shalt  }
0x77: {  	_ =	shalt  }
0x78: {  	_ =	shalt  }
0x79: {  	_ =	shalt  }
0x7a: {  	_ =	shalt  }
0x7b: {  	_ =	shalt  }
0x7c: {  	_ =	shalt  }
0x7d: {  	_ =	shalt  }
0x7e: {  	_ =	shalt  }
0x7f: {  	_ =	shalt  }
0x80: {  	_ =	shalt  }
0x81: {  	_ =	shalt  }
0x82: {  	_ =	shalt  }
0x83: {  	_ =	shalt  }
0x84: {  	_ =	shalt  }
0x85: {  	_ =	shalt  }
0x86: {  	_ =	shalt  }
0x87: {  	_ =	shalt  }
.Lfunc_end0:
.L_simem_size_0:
called_computation_lowered:
.L_overlay_start_0:
0x88: {  	s2 =	sld [smem:$0x3FD9]  }
0x89: {  	s3 =	sld [smem:$0x3FFE];
	_ =	sdelay $0x1  }
0x8a: {  	s1 =	srdreg.scid  }
0x8b: {  	s0 =	sand.u32 $0x1, s1  }
0x8c: {  	s17 =	sshll.u32 s0, $0xA;
	s2 =	sadd.s32 s3, s2  }
0x8d: {  	s2 =	sadd.s32 s2, s17  }
0x8e: {  	[smem:$0x3FC1] =	sst s2  }
0x8f: {  	_ = 	snop  }
0x90: {  	s2 =	sld [smem:$0x3FD0];
	(tm) =	ssettm $0x1  }
0x91: {  	s18 =	sld [smem:$0x3FFB];
	_ =	sdelay $0x3  }
0x92: {  	_ =	strace s18  }
0x93: {  	s3 =	sld [smem:$0x3FFC];
	_ =	sdelay $0x3  }
0x94: {  	_ =	strace s3  }
0x95: {  	s3 =	sld [smem:$0x3FFD];
	_ =	sdelay $0x3  }
0x96: {  	_ =	strace s3  }
0x97: {  	_ =	strace $0x8FFFFFFF  }
0x98: {  	s19 =	sld [smem:$0x3FDB];
	_ =	sdelay $0x1  }
0x99: {  	s4 =	simm.s32 $_scs_section_size  }
0x9a: {  	s5 =	simm.s32 $_size__tile_overlayer_lowered;
	s6 =	simm.s32 $_tile_overlayer_lowered  }
0x9b: {  	s22 =	simm.s32 $0x1BFF;
	s21 =	sshll.u32 s6, $0x1;
	s3 =	sadd.s32 s4, s19  }
0x9c: {  	s7 =	simm.s32 $0x0;
	s20 =	sshll.u32 s5, $0x1;
	s5 =	sadd.s32 s21, s3  }
0x9d: {  	[timem:s7], [sflag:s22] =	dma.local [hbm:s5], s20  }
0x9e: {  	_ =	swait.ge [sflag:s22], s20  }
0x9f: {  	s4 =	ssub.s32 $0x0, s20;
	[sflag:s22] =	ssyncset.done $0x0  }
0xa0: {  	[sflag:s22] =	ssyncadd.s32 s4;
	_ =	sdelay $0x1  }
0xa1: {  	s23 =	simm.s32 $0x1B8B  }
0xa2: {  	_ =	swait.ge [sflag:s23], $0x1  }
0xa3: {  	[sflag:s23] =	ssyncset.done $0x0  }
0xa4: {  	s25 =	simm.s32 $0x1B8E;
	s24 =	sld [smem:$0x3FFE];
	[sflag:s23] =	ssyncadd.s32 $0xFFFFFFFF  }
0xa5: {  	s26 =	simm.s32 $execute0_lowered;
	[smem:$0x3FD2] =	sst s25  }
0xa6: {  	s5 =	sshll.u32 s26, $0x1;
	_ =	strace $0x80000046;
	[dreg:$0x1] =	wrdreg $0xFFFFFFFF  }
0xa7: {  	s28 =	simm.s32 $_size_execute0_lowered;
	s3 =	sadd.s32 s3, s5;
	[dreg:$0x0] =	wrdreg $0x0  }
0xa8: {  	s5 =	sshll.u32 s28, $0x1;
	[dreg:$0x2] =	wrdreg s3  }
0xa9: {  	[dreg:$0x3] =	wrdreg s5  }
0xaa: {  	[dreg:$0x4] =	wrdreg $0xC0  }
0xab: {  	_ =	task [dreg:s7], $0x5FFFF  }
0xac: {  	[dreg:$0x1] =	wrdreg $0xFFFFFFFF  }
0xad: {  	[dreg:$0x0] =	wrdreg $0x60  }
0xae: {  	[dreg:$0x2] =	wrdreg s24  }
0xaf: {  	[dreg:$0x3] =	wrdreg s2  }
0xb0: {  	[dreg:$0x4] =	wrdreg $0x9  }
0xb1: {  	_ =	task.clear_ibuf [dreg:s7], $0x5FFFF;
	_ =	strace $0x90000046  }
0xb2: {  	s29 =	simm.s32 $0x9;
	_ =	strace $0x80000048  }
0xb3: {  	_ =	swait.ge [sflag:s29], $0x1  }
0xb4: {  	[sflag:s29] =	ssyncadd.s32 $0xFFFFFFFF  }
0xb5: {  	_ =	strace $0x90000048  }
0xb6: {  	_ =	sfence  }
0xb7: {  	s30 =	sld [smem:$0x0];
	_ =	sdelay $0x2  }
0xb8: {  	s31 =	sshll.u32 s1, $0xD;
	s1 =	sshrl.u32 s1, $0x2  }
0xb9: {  	s3 =	sand.u32 $0x4000, s31;
	s1 =	sadd.s32 s1, s30  }
0xba: {  	s0 =	sor.u32 s3, s0;
	s1 =	sshll.u32 s1, $0x11  }
0xbb: {  	s0 =	sor.u32 s1, s0  }
0xbc: {  	s0 =	sadd.s32 $0x8F2B, s0  }
0xbd: {  	[sflag:s0] =	ssyncadd.remote.s32 $0x1  }
0xbe: {  	_ =	sfence.sel $0xFFFF  }
0xbf: {  	[dreg:$0x0] =	wrdreg $0xFFFFFFFF;
	(pc) =	sbr.abs _section_cstart, $3  }
0xc0: {  	[dreg:$0x1] =	wrdreg $0xFFFFFFFF  }
0xc1: {  	_ =	task.clear_ibuf [dreg:s7], $0x2FFFF;
	_ =	strace $0x9FFFFFFF  }
0xc2: {  	(tm) =	ssettm $0x7FFFFFFF  }
0xc3: {  	_ =	shalt  }
tec
execute0_lowered:
.L_overlay_start_1:
0x0: {  	(tag) =	ssettag $0x1  }
0x1: {  	s0 =	rddreg [dreg:$0x0]  }
0x2: {  	s1 =	rddreg [dreg:$0x1];
	s2 =	simm.s32 $0x0;
	s3 =	srdreg.scid  }
0x3: {  	s9 =	stileid.u32;
	s11 =	simm.s32 $0x80;
	s14 =	simm.s32 $0x100  }
0x4: {  	s15 =	simm.s32 $0x3000;
	s16 =	simm.s32 $0x180;
	s17 =	simm.s32 $0x4000  }
0x5: {  	s18 =	simm.s32 $0x200;
	s19 =	simm.s32 $0x5000;
	s20 =	simm.s32 $0x280  }
0x6: {  	s21 =	simm.s32 $0x6000;
	s22 =	simm.s32 $0x300;
	s23 =	simm.s32 $0x7000  }
0x7: {  	s24 =	simm.s32 $0x380;
	s25 =	simm.s32 $0x8000;
	s26 =	simm.s32 $0x1  }
0x8: {  	s28 =	simm.s32 $0x11000;
	s29 =	simm.s32 $0x11300;
	s3 =	sand.u32 $0x1, s3  }
0x9: {  	[smem:$0x7FF] =	sst s2;
	s4 =	sadd.s32 $0x1400, s0;
	s6 =	ssub.s32 $0x2, s3  }
0xa: {  	s5 =	sadd.s32 $0x21400, s0;
	s30 =	sshll.u32 s9, $0x9;
	s7 =	sshrl.u32 s6, $0x1  }
0xb: {  	s9 =	simm.s32 $0x3;
	_ =	strace $0x80000047;
	s8 =	ssub.s32 s6, s7  }
0xc: {  	s3 =	sshll.u32 s3, $0x8;
	s6 =	sadd.s32 $0x1143800, s0;
	s31 =	smax.u32 s8, $0x1  }
0xd: {  	s7 =	sor.u32 s3, s30;
	s3 =	simm.s32 $0x0;
	[dreg:$0x3] =	wrdreg s31  }
.LBB2_1:
0xe: {  	[dreg:$0x4] =	wrdreg s3;
	s31 =	simm.s32 $0x0  }
.LBB2_2:
0xf: {  	s0 =	sshll.u32 s31, $0x3  }
0x10: {  	s0 =	sadd.s32 s7, s0  }
0x11: {  	s8 =	sshll.u32 s0, $0x4  }
0x12: {  	s3 =	simm.s32 $0x0;
	s10 =	sadd.s32 s4, s8  }
0x13: {  	[tilespmem:s3], [sflag:$0x3] =	stream.linear.gather [hbm4b:s10+s3], $0x400, $0x38;
	[tilespmem:$0x11600] =	vst v63  }
0x14: {  	_ =	swait.ge [sflag:s9], $0x400  }
0x15: {  	[sflag:s9] =	ssyncset.done $0x0  }
0x16: {  	s12 =	simm.s32 $0x800;
	s8 =	sadd.s32 s5, s8;
	[sflag:s9] =	ssyncadd.s32 $0xFFFFFC00  }
0x17: {  	[tilespmem:s12], [sflag:$0x3] =	stream.linear.gather [hbm4b:s8+s3], $0x400, $0x38;
	[tilespmem:$0x11600] =	vst v63  }
0x18: {  	_ =	swait.ge [sflag:s9], $0x400  }
0x19: {  	[sflag:s9] =	ssyncset.done $0x0  }
0x1a: {  	s13 =	simm.s32 $0x1000;
	[sflag:s9] =	ssyncadd.s32 $0xFFFFFC00  }
0x1b: {  	[tilespmem:s13], [sflag:$0x1] =	stream.indirect.gather [hbm4b:s6+s11], $0x20, s3, s11, $0xb8;
	[tilespmem:$0x11600] =	vst v63  }
0x1c: {  	s30 =	simm.s32 $0x2000  }
0x1d: {  	[tilespmem:s30], [sflag:$0x1] =	stream.indirect.gather [hbm4b:s6+s11], $0x20, s11, s11, $0xb8;
	[tilespmem:$0x11600] =	vst v63  }
0x1e: {  	_ = 	snop  }
0x1f: {  	[tilespmem:s15], [sflag:$0x1] =	stream.indirect.gather [hbm4b:s6+s11], $0x20, s14, s11, $0xb8;
	[tilespmem:$0x11600] =	vst v63  }
0x20: {  	_ = 	snop  }
0x21: {  	[tilespmem:s17], [sflag:$0x1] =	stream.indirect.gather [hbm4b:s6+s11], $0x20, s16, s11, $0xb8;
	[tilespmem:$0x11600] =	vst v63  }
0x22: {  	_ = 	snop  }
0x23: {  	[tilespmem:s19], [sflag:$0x1] =	stream.indirect.gather [hbm4b:s6+s11], $0x20, s18, s11, $0xb8;
	[tilespmem:$0x11600] =	vst v63  }
0x24: {  	_ = 	snop  }
0x25: {  	[tilespmem:s21], [sflag:$0x1] =	stream.indirect.gather [hbm4b:s6+s11], $0x20, s20, s11, $0xb8;
	[tilespmem:$0x11600] =	vst v63  }
0x26: {  	_ = 	snop  }
0x27: {  	[tilespmem:s23], [sflag:$0x1] =	stream.indirect.gather [hbm4b:s6+s11], $0x20, s22, s11, $0xb8;
	[tilespmem:$0x11600] =	vst v63  }
0x28: {  	_ = 	snop  }
0x29: {  	[tilespmem:s25], [sflag:$0x1] =	stream.indirect.gather [hbm4b:s6+s11], $0x20, s24, s11, $0xb8;
	[tilespmem:$0x11600] =	vst v63  }
0x2a: {  	_ =	swait.ge [sflag:s26], $0x1000  }
0x2b: {  	[sflag:s26] =	ssyncset.done $0x0  }
0x2c: {  	[sflag:s26] =	ssyncadd.s32 $0xFFFFF000  }
0x2d: {  	_ =	swait.ge [sflag:s26], $0x1000  }
0x2e: {  	[sflag:s26] =	ssyncset.done $0x0  }
0x2f: {  	[sflag:s26] =	ssyncadd.s32 $0xFFFFF000  }
0x30: {  	_ =	swait.ge [sflag:s26], $0x1000  }
0x31: {  	[sflag:s26] =	ssyncset.done $0x0  }
0x32: {  	[sflag:s26] =	ssyncadd.s32 $0xFFFFF000  }
0x33: {  	_ =	swait.ge [sflag:s26], $0x1000  }
0x34: {  	[sflag:s26] =	ssyncset.done $0x0  }
0x35: {  	[sflag:s26] =	ssyncadd.s32 $0xFFFFF000  }
0x36: {  	_ =	swait.ge [sflag:s26], $0x1000  }
0x37: {  	[sflag:s26] =	ssyncset.done $0x0  }
0x38: {  	[sflag:s26] =	ssyncadd.s32 $0xFFFFF000  }
0x39: {  	_ =	swait.ge [sflag:s26], $0x1000  }
0x3a: {  	[sflag:s26] =	ssyncset.done $0x0  }
0x3b: {  	[sflag:s26] =	ssyncadd.s32 $0xFFFFF000  }
0x3c: {  	_ =	swait.ge [sflag:s26], $0x1000  }
0x3d: {  	[sflag:s26] =	ssyncset.done $0x0  }
0x3e: {  	[sflag:s26] =	ssyncadd.s32 $0xFFFFF000  }
0x3f: {  	_ =	swait.ge [sflag:s26], $0x1000  }
0x40: {  	[sflag:s26] =	ssyncset.done $0x0  }
0x41: {  	[sflag:s26] =	ssyncadd.s32 $0xFFFFF000  }
.LBB2_3:
0x42: {  	s30 =	sshll.u32 s3, $0x7  }
0x43: {  	s12 =	sshll.u32 s3, $0xC;
	v1 =	vld [tilespmem:s30+$0x800]  }
0x44: {  	v0 =	vld [tilespmem:s30+$0x804];
	s8 =	sand.u32 $0x3FFFF000, s12  }
0x45: {  	v2 =	vld [tilespmem:s8+$0x1000]  }
0x46: {  	v3 =	vld [tilespmem:s8+$0x1010]  }
0x47: {  	v4 =	vld [tilespmem:s8+$0x1020]  }
0x48: {  	v6 =	vld [tilespmem:s8+$0x1030];
	v5 =	vbroadcast v1, $0x0  }
0x49: {  	v7 =	vld [tilespmem:s8+$0x1040]  }
0x4a: {  	v9 =	vld [tilespmem:s8+$0x1050];
	v8 =	vbroadcast v1, $0x1;
	v2 =	vmul.f32 v2, v5  }
0x4b: {  	v35 =	vld [tilespmem:s8+$0x1060];
	v3 =	vmul.f32 v3, v5  }
0x4c: {  	v11 =	vld [tilespmem:s8+$0x1070];
	v10 =	vbroadcast v1, $0x2;
	v4 =	vmul.f32 v4, v8;
	v2 =	vadd.f32 $0.0e+00, v2  }
0x4d: {  	v36 =	vld [tilespmem:s8+$0x1080];
	v6 =	vmul.f32 v6, v8;
	v3 =	vadd.f32 $0.0e+00, v3  }
0x4e: {  	v12 =	vld [tilespmem:s8+$0x1090];
	v38 =	vbroadcast v1, $0x3;
	v37 =	vmul.f32 v7, v10;
	v2 =	vadd.f32 v4, v2  }
0x4f: {  	v40 =	vld [tilespmem:s8+$0x10A0];
	v39 =	vmul.f32 v9, v10;
	v3 =	vadd.f32 v6, v3  }
0x50: {  	v43 =	vld [tilespmem:s8+$0x10B0];
	v42 =	vbroadcast v1, $0x4;
	v41 =	vmul.f32 v35, v38;
	v2 =	vadd.f32 v37, v2  }
0x51: {  	v45 =	vld [tilespmem:s8+$0x10C0];
	v44 =	vmul.f32 v11, v38;
	v3 =	vadd.f32 v39, v3  }
0x52: {  	v48 =	vld [tilespmem:s8+$0x10D0];
	v47 =	vbroadcast v1, $0x5;
	v46 =	vmul.f32 v36, v42;
	v2 =	vadd.f32 v41, v2  }
0x53: {  	v49 =	vld [tilespmem:s8+$0x10E0];
	v5 =	vmul.f32 v12, v42;
	v3 =	vadd.f32 v44, v3  }
0x54: {  	v52 =	vld [tilespmem:s8+$0x10F0];
	v51 =	vbroadcast v1, $0x6;
	v50 =	vmul.f32 v40, v47;
	v2 =	vadd.f32 v46, v2  }
0x55: {  	v54 =	vld [tilespmem:s8+$0x1100];
	v53 =	vmul.f32 v43, v47;
	v3 =	vadd.f32 v5, v3  }
0x56: {  	v57 =	vld [tilespmem:s8+$0x1110];
	v56 =	vbroadcast v1, $0x7;
	v55 =	vmul.f32 v45, v51;
	v2 =	vadd.f32 v50, v2  }
0x57: {  	v59 =	vld [tilespmem:s8+$0x1120];
	v58 =	vmul.f32 v48, v51;
	v3 =	vadd.f32 v53, v3  }
0x58: {  	v62 =	vld [tilespmem:s8+$0x1130];
	v61 =	vbroadcast v1, $0x8;
	v60 =	vmul.f32 v49, v56;
	v2 =	vadd.f32 v55, v2  }
0x59: {  	v16 =	vld [tilespmem:s8+$0x1140];
	v63 =	vmul.f32 v52, v56;
	v3 =	vadd.f32 v58, v3  }
0x5a: {  	v19 =	vld [tilespmem:s8+$0x1150];
	v18 =	vbroadcast v1, $0x9;
	v17 =	vmul.f32 v54, v61;
	v2 =	vadd.f32 v60, v2  }
0x5b: {  	v21 =	vld [tilespmem:s8+$0x1160];
	v20 =	vmul.f32 v57, v61;
	v3 =	vadd.f32 v63, v3  }
0x5c: {  	v24 =	vld [tilespmem:s8+$0x1170];
	v23 =	vbroadcast v1, $0xA;
	v22 =	vmul.f32 v59, v18;
	v2 =	vadd.f32 v17, v2  }
0x5d: {  	v26 =	vld [tilespmem:s8+$0x1180];
	v25 =	vmul.f32 v62, v18;
	v3 =	vadd.f32 v20, v3  }
0x5e: {  	v29 =	vld [tilespmem:s8+$0x1190];
	v28 =	vbroadcast v1, $0xB;
	v27 =	vmul.f32 v16, v23;
	v2 =	vadd.f32 v22, v2  }
0x5f: {  	v31 =	vld [tilespmem:s8+$0x11A0];
	v30 =	vmul.f32 v19, v23;
	v3 =	vadd.f32 v25, v3  }
0x60: {  	v34 =	vld [tilespmem:s8+$0x11B0];
	v33 =	vbroadcast v1, $0xC;
	v32 =	vmul.f32 v21, v28;
	v2 =	vadd.f32 v27, v2  }
0x61: {  	v35 =	vmul.f32 v24, v28;
	v36 =	vld [tilespmem:s8+$0x11C0];
	v3 =	vadd.f32 v30, v3  }
0x62: {  	v38 =	vbroadcast v1, $0xD;
	v37 =	vmul.f32 v26, v33;
	v39 =	vld [tilespmem:s8+$0x11D0];
	v2 =	vadd.f32 v32, v2  }
0x63: {  	v40 =	vmul.f32 v29, v33;
	v41 =	vld [tilespmem:s8+$0x11E0];
	v3 =	vadd.f32 v35, v3  }
0x64: {  	v43 =	vbroadcast v1, $0xE;
	v42 =	vmul.f32 v31, v38;
	v44 =	vld [tilespmem:s8+$0x11F0];
	v2 =	vadd.f32 v37, v2  }
0x65: {  	v45 =	vmul.f32 v34, v38;
	v46 =	vld [tilespmem:s8+$0x1200];
	v3 =	vadd.f32 v40, v3  }
0x66: {  	v1 =	vbroadcast v1, $0xF;
	v48 =	vld [tilespmem:s8+$0x1210];
	v47 =	vmul.f32 v36, v43;
	v2 =	vadd.f32 v42, v2  }
0x67: {  	v49 =	vmul.f32 v39, v43;
	v50 =	vld [tilespmem:s8+$0x1220];
	v3 =	vadd.f32 v45, v3  }
0x68: {  	v52 =	vbroadcast v0, $0xC;
	v53 =	vld [tilespmem:s8+$0x1230];
	v51 =	vmul.f32 v41, v1;
	v2 =	vadd.f32 v47, v2  }
0x69: {  	v54 =	vld [tilespmem:s8+$0x1240];
	v1 =	vmul.f32 v44, v1;
	v3 =	vadd.f32 v49, v3  }
0x6a: {  	v56 =	vbroadcast v0, $0xD;
	v57 =	vld [tilespmem:s8+$0x1250];
	v55 =	vmul.f32 v46, v52;
	v2 =	vadd.f32 v51, v2  }
0x6b: {  	v59 =	vld [tilespmem:s8+$0x1260];
	v58 =	vmul.f32 v48, v52;
	v1 =	vadd.f32 v1, v3  }
0x6c: {  	v61 =	vbroadcast v0, $0xE;
	v62 =	vld [tilespmem:s8+$0x1270];
	v60 =	vmul.f32 v50, v56;
	v2 =	vadd.f32 v55, v2  }
0x6d: {  	v63 =	vmul.f32 v53, v56;
	v1 =	vadd.f32 v58, v1  }
0x6e: {  	v0 =	vbroadcast v0, $0xF;
	v8 =	vmul.f32 v54, v61;
	v2 =	vadd.f32 v60, v2  }
0x6f: {  	v10 =	vmul.f32 v57, v61;
	v1 =	vadd.f32 v63, v1  }
0x70: {  	v11 =	vmul.f32 v59, v0;
	v2 =	vadd.f32 v8, v2  }
0x71: {  	s10 =	smul.u32 $0x180, s3;
	v0 =	vmul.f32 v62, v0;
	v1 =	vadd.f32 v10, v1  }
0x72: {  	v2 =	vadd.f32 v11, v2  }
0x73: {  	s10 =	sshra.s32 s10, $0x2;
	v0 =	vadd.f32 v0, v1  }
0x74: {  	[tilespmem:s10+$0x11000] =	vst v2  }
0x75: {  	[tilespmem:s10+$0x11010] =	vst v0  }
0x76: {  	v1 =	vld [tilespmem:s30+$0x814]  }
0x77: {  	v0 =	vld [tilespmem:s30+$0x818]  }
0x78: {  	v2 =	vld [tilespmem:s8+$0x1280]  }
0x79: {  	v12 =	vld [tilespmem:s8+$0x1290]  }
0x7a: {  	v13 =	vld [tilespmem:s8+$0x12A0]  }
0x7b: {  	v15 =	vld [tilespmem:s8+$0x12B0];
	v14 =	vbroadcast v1, $0x0  }
0x7c: {  	v16 =	vld [tilespmem:s8+$0x12C0]  }
0x7d: {  	v18 =	vld [tilespmem:s8+$0x12D0];
	v17 =	vbroadcast v1, $0x1;
	v2 =	vmul.f32 v2, v14  }
0x7e: {  	s13 =	sor.u32 $0x300, s12;
	v19 =	vld [tilespmem:s8+$0x12E0];
	v3 =	vmul.f32 v12, v14  }
0x7f: {  	s13 =	sand.u32 $0x3FFFF300, s13;
	v21 =	vld [tilespmem:s8+$0x12F0];
	v20 =	vbroadcast v1, $0x2;
	v4 =	vmul.f32 v13, v17;
	v2 =	vadd.f32 $0.0e+00, v2  }
0x80: {  	v22 =	vld [tilespmem:s13+$0x1000];
	v6 =	vmul.f32 v15, v17;
	v3 =	vadd.f32 $0.0e+00, v3  }
0x81: {  	v25 =	vld [tilespmem:s13+$0x1010];
	v24 =	vbroadcast v1, $0x3;
	v23 =	vmul.f32 v16, v20;
	v2 =	vadd.f32 v4, v2  }
0x82: {  	v27 =	vld [tilespmem:s8+$0x1320];
	v26 =	vmul.f32 v18, v20;
	v3 =	vadd.f32 v6, v3  }
0x83: {  	v30 =	vld [tilespmem:s8+$0x1330];
	v29 =	vbroadcast v1, $0x4;
	v28 =	vmul.f32 v19, v24;
	v2 =	vadd.f32 v23, v2  }
0x84: {  	v32 =	vld [tilespmem:s8+$0x1340];
	v31 =	vmul.f32 v21, v24;
	v3 =	vadd.f32 v26, v3  }
0x85: {  	v35 =	vld [tilespmem:s8+$0x1350];
	v34 =	vbroadcast v1, $0x5;
	v33 =	vmul.f32 v22, v29;
	v2 =	vadd.f32 v28, v2  }
0x86: {  	v36 =	vld [tilespmem:s8+$0x1360];
	v5 =	vmul.f32 v25, v29;
	v3 =	vadd.f32 v31, v3  }
0x87: {  	v39 =	vld [tilespmem:s8+$0x1370];
	v38 =	vbroadcast v1, $0x6;
	v37 =	vmul.f32 v27, v34;
	v2 =	vadd.f32 v33, v2  }
0x88: {  	v41 =	vld [tilespmem:s8+$0x1380];
	v40 =	vmul.f32 v30, v34;
	v3 =	vadd.f32 v5, v3  }
0x89: {  	v44 =	vld [tilespmem:s8+$0x1390];
	v43 =	vbroadcast v1, $0x7;
	v42 =	vmul.f32 v32, v38;
	v2 =	vadd.f32 v37, v2  }
0x8a: {  	v46 =	vld [tilespmem:s8+$0x13A0];
	v45 =	vmul.f32 v35, v38;
	v3 =	vadd.f32 v40, v3  }
0x8b: {  	v49 =	vld [tilespmem:s8+$0x13B0];
	v48 =	vbroadcast v1, $0x8;
	v47 =	vmul.f32 v36, v43;
	v2 =	vadd.f32 v42, v2  }
0x8c: {  	v51 =	vld [tilespmem:s8+$0x13C0];
	v50 =	vmul.f32 v39, v43;
	v3 =	vadd.f32 v45, v3  }
0x8d: {  	v54 =	vld [tilespmem:s8+$0x13D0];
	v53 =	vbroadcast v1, $0x9;
	v52 =	vmul.f32 v41, v48;
	v2 =	vadd.f32 v47, v2  }
0x8e: {  	v56 =	vld [tilespmem:s8+$0x13E0];
	v55 =	vmul.f32 v44, v48;
	v3 =	vadd.f32 v50, v3  }
0x8f: {  	v59 =	vld [tilespmem:s8+$0x13F0];
	v58 =	vbroadcast v1, $0xA;
	v57 =	vmul.f32 v46, v53;
	v2 =	vadd.f32 v52, v2  }
0x90: {  	v61 =	vld [tilespmem:s8+$0x1400];
	v60 =	vmul.f32 v49, v53;
	v3 =	vadd.f32 v55, v3  }
0x91: {  	v63 =	vbroadcast v1, $0xB;
	v62 =	vmul.f32 v51, v58;
	v16 =	vld [tilespmem:s8+$0x1410];
	v2 =	vadd.f32 v57, v2  }
0x92: {  	v17 =	vmul.f32 v54, v58;
	v18 =	vld [tilespmem:s8+$0x1420];
	v3 =	vadd.f32 v60, v3  }
0x93: {  	v19 =	vmul.f32 v56, v63;
	v20 =	vbroadcast v1, $0xC;
	v21 =	vld [tilespmem:s8+$0x1430];
	v2 =	vadd.f32 v62, v2  }
0x94: {  	v22 =	vmul.f32 v59, v63;
	v23 =	vld [tilespmem:s8+$0x1440];
	v3 =	vadd.f32 v17, v3  }
0x95: {  	v25 =	vbroadcast v1, $0xD;
	v24 =	vmul.f32 v61, v20;
	v26 =	vld [tilespmem:s8+$0x1450];
	v2 =	vadd.f32 v19, v2  }
0x96: {  	v27 =	vmul.f32 v16, v20;
	v28 =	vld [tilespmem:s8+$0x1460];
	v3 =	vadd.f32 v22, v3  }
0x97: {  	v30 =	vbroadcast v1, $0xE;
	v29 =	vmul.f32 v18, v25;
	v31 =	vld [tilespmem:s8+$0x1470];
	v2 =	vadd.f32 v24, v2  }
0x98: {  	v32 =	vmul.f32 v21, v25;
	v33 =	vld [tilespmem:s8+$0x1480];
	v3 =	vadd.f32 v27, v3  }
0x99: {  	v1 =	vbroadcast v1, $0xF;
	v35 =	vld [tilespmem:s8+$0x1490];
	v34 =	vmul.f32 v23, v30;
	v2 =	vadd.f32 v29, v2  }
0x9a: {  	v36 =	vmul.f32 v26, v30;
	v37 =	vld [tilespmem:s8+$0x14A0];
	v3 =	vadd.f32 v32, v3  }
0x9b: {  	v39 =	vbroadcast v0, $0xC;
	v40 =	vld [tilespmem:s8+$0x14B0];
	v38 =	vmul.f32 v28, v1;
	v2 =	vadd.f32 v34, v2  }
0x9c: {  	v41 =	vld [tilespmem:s8+$0x14C0];
	v1 =	vmul.f32 v31, v1;
	v3 =	vadd.f32 v36, v3  }
0x9d: {  	v43 =	vbroadcast v0, $0xD;
	v44 =	vld [tilespmem:s8+$0x14D0];
	v42 =	vmul.f32 v33, v39;
	v2 =	vadd.f32 v38, v2  }
0x9e: {  	v46 =	vld [tilespmem:s8+$0x14E0];
	v45 =	vmul.f32 v35, v39;
	v1 =	vadd.f32 v1, v3  }
0x9f: {  	v48 =	vbroadcast v0, $0xE;
	v49 =	vld [tilespmem:s8+$0x14F0];
	v47 =	vmul.f32 v37, v43;
	v2 =	vadd.f32 v42, v2  }
0xa0: {  	v50 =	vmul.f32 v40, v43;
	v1 =	vadd.f32 v45, v1  }
0xa1: {  	v0 =	vbroadcast v0, $0xF;
	v51 =	vmul.f32 v41, v48;
	v2 =	vadd.f32 v47, v2  }
0xa2: {  	v52 =	vmul.f32 v44, v48;
	v1 =	vadd.f32 v50, v1  }
0xa3: {  	v53 =	vmul.f32 v46, v0;
	v2 =	vadd.f32 v51, v2  }
0xa4: {  	v0 =	vmul.f32 v49, v0;
	v1 =	vadd.f32 v52, v1  }
0xa5: {  	v2 =	vadd.f32 v53, v2  }
0xa6: {  	v0 =	vadd.f32 v0, v1  }
0xa7: {  	[tilespmem:s10+$0x11020] =	vst v2  }
0xa8: {  	[tilespmem:s10+$0x11030] =	vst v0  }
0xa9: {  	s13 =	sor.u32 $0x500, s12;
	v1 =	vld [tilespmem:s30+$0x828]  }
0xaa: {  	s13 =	sand.u32 $0x3FFFF500, s13;
	v0 =	vld [tilespmem:s30+$0x82C]  }
0xab: {  	v2 =	vld [tilespmem:s13+$0x1000]  }
0xac: {  	v54 =	vld [tilespmem:s13+$0x1010]  }
0xad: {  	v55 =	vld [tilespmem:s8+$0x1520]  }
0xae: {  	v57 =	vld [tilespmem:s8+$0x1530];
	v56 =	vbroadcast v1, $0x0  }
0xaf: {  	v58 =	vld [tilespmem:s8+$0x1540]  }
0xb0: {  	v60 =	vld [tilespmem:s8+$0x1550];
	v59 =	vbroadcast v1, $0x1;
	v2 =	vmul.f32 v2, v56  }
0xb1: {  	v61 =	vld [tilespmem:s8+$0x1560];
	v3 =	vmul.f32 v54, v56  }
0xb2: {  	v63 =	vld [tilespmem:s8+$0x1570];
	v62 =	vbroadcast v1, $0x2;
	v4 =	vmul.f32 v55, v59;
	v2 =	vadd.f32 $0.0e+00, v2  }
0xb3: {  	v16 =	vld [tilespmem:s8+$0x1580];
	v6 =	vmul.f32 v57, v59;
	v3 =	vadd.f32 $0.0e+00, v3  }
0xb4: {  	v19 =	vld [tilespmem:s8+$0x1590];
	v18 =	vbroadcast v1, $0x3;
	v17 =	vmul.f32 v58, v62;
	v2 =	vadd.f32 v4, v2  }
0xb5: {  	v21 =	vld [tilespmem:s8+$0x15A0];
	v20 =	vmul.f32 v60, v62;
	v3 =	vadd.f32 v6, v3  }
0xb6: {  	v24 =	vld [tilespmem:s8+$0x15B0];
	v23 =	vbroadcast v1, $0x4;
	v22 =	vmul.f32 v61, v18;
	v2 =	vadd.f32 v17, v2  }
0xb7: {  	v26 =	vld [tilespmem:s8+$0x15C0];
	v25 =	vmul.f32 v63, v18;
	v3 =	vadd.f32 v20, v3  }
0xb8: {  	v29 =	vld [tilespmem:s8+$0x15D0];
	v28 =	vbroadcast v1, $0x5;
	v27 =	vmul.f32 v16, v23;
	v2 =	vadd.f32 v22, v2  }
0xb9: {  	v30 =	vld [tilespmem:s8+$0x15E0];
	v5 =	vmul.f32 v19, v23;
	v3 =	vadd.f32 v25, v3  }
0xba: {  	v33 =	vld [tilespmem:s8+$0x15F0];
	v32 =	vbroadcast v1, $0x6;
	v31 =	vmul.f32 v21, v28;
	v2 =	vadd.f32 v27, v2  }
0xbb: {  	v35 =	vld [tilespmem:s8+$0x1600];
	v34 =	vmul.f32 v24, v28;
	v3 =	vadd.f32 v5, v3  }
0xbc: {  	v38 =	vld [tilespmem:s8+$0x1610];
	v37 =	vbroadcast v1, $0x7;
	v36 =	vmul.f32 v26, v32;
	v2 =	vadd.f32 v31, v2  }
0xbd: {  	v40 =	vld [tilespmem:s8+$0x1620];
	v39 =	vmul.f32 v29, v32;
	v3 =	vadd.f32 v34, v3  }
0xbe: {  	v43 =	vld [tilespmem:s8+$0x1630];
	v42 =	vbroadcast v1, $0x8;
	v41 =	vmul.f32 v30, v37;
	v2 =	vadd.f32 v36, v2  }
0xbf: {  	v45 =	vld [tilespmem:s8+$0x1640];
	v44 =	vmul.f32 v33, v37;
	v3 =	vadd.f32 v39, v3  }
0xc0: {  	v48 =	vld [tilespmem:s8+$0x1650];
	v47 =	vbroadcast v1, $0x9;
	v46 =	vmul.f32 v35, v42;
	v2 =	vadd.f32 v41, v2  }
0xc1: {  	v50 =	vld [tilespmem:s8+$0x1660];
	v49 =	vmul.f32 v38, v42;
	v3 =	vadd.f32 v44, v3  }
0xc2: {  	v53 =	vld [tilespmem:s8+$0x1670];
	v52 =	vbroadcast v1, $0xA;
	v51 =	vmul.f32 v40, v47;
	v2 =	vadd.f32 v46, v2  }
0xc3: {  	v54 =	vmul.f32 v43, v47;
	v55 =	vld [tilespmem:s8+$0x1680];
	v3 =	vadd.f32 v49, v3  }
0xc4: {  	v56 =	vmul.f32 v45, v52;
	v57 =	vbroadcast v1, $0xB;
	v58 =	vld [tilespmem:s8+$0x1690];
	v2 =	vadd.f32 v51, v2  }
0xc5: {  	v59 =	vmul.f32 v48, v52;
	v60 =	vld [tilespmem:s8+$0x16A0];
	v3 =	vadd.f32 v54, v3  }
0xc6: {  	v62 =	vbroadcast v1, $0xC;
	v63 =	vld [tilespmem:s8+$0x16B0];
	v61 =	vmul.f32 v50, v57;
	v2 =	vadd.f32 v56, v2  }
0xc7: {  	v14 =	vld [tilespmem:s8+$0x16C0];
	v13 =	vmul.f32 v53, v57;
	v3 =	vadd.f32 v59, v3  }
0xc8: {  	v16 =	vbroadcast v1, $0xD;
	v15 =	vmul.f32 v55, v62;
	v17 =	vld [tilespmem:s8+$0x16D0];
	v2 =	vadd.f32 v61, v2  }
0xc9: {  	v19 =	vld [tilespmem:s8+$0x16E0];
	v18 =	vmul.f32 v58, v62;
	v3 =	vadd.f32 v13, v3  }
0xca: {  	v21 =	vbroadcast v1, $0xE;
	v20 =	vmul.f32 v60, v16;
	v22 =	vld [tilespmem:s8+$0x16F0];
	v2 =	vadd.f32 v15, v2  }
0xcb: {  	v24 =	vld [tilespmem:s8+$0x1700];
	v23 =	vmul.f32 v63, v16;
	v3 =	vadd.f32 v18, v3  }
0xcc: {  	v1 =	vbroadcast v1, $0xF;
	v26 =	vld [tilespmem:s8+$0x1710];
	v25 =	vmul.f32 v14, v21;
	v2 =	vadd.f32 v20, v2  }
0xcd: {  	v28 =	vld [tilespmem:s8+$0x1720];
	v27 =	vmul.f32 v17, v21;
	v3 =	vadd.f32 v23, v3  }
0xce: {  	v30 =	vbroadcast v0, $0xC;
	v29 =	vmul.f32 v19, v1;
	v31 =	vld [tilespmem:s8+$0x1730];
	v2 =	vadd.f32 v25, v2  }
0xcf: {  	v32 =	vld [tilespmem:s8+$0x1740];
	v1 =	vmul.f32 v22, v1;
	v3 =	vadd.f32 v27, v3  }
0xd0: {  	v35 =	vld [tilespmem:s8+$0x1750];
	v33 =	vmul.f32 v24, v30;
	v34 =	vbroadcast v0, $0xD;
	v2 =	vadd.f32 v29, v2  }
0xd1: {  	v37 =	vld [tilespmem:s8+$0x1760];
	v36 =	vmul.f32 v26, v30;
	v1 =	vadd.f32 v1, v3  }
0xd2: {  	v40 =	vld [tilespmem:s8+$0x1770];
	v38 =	vmul.f32 v28, v34;
	v39 =	vbroadcast v0, $0xE;
	v2 =	vadd.f32 v33, v2  }
0xd3: {  	v41 =	vmul.f32 v31, v34;
	v1 =	vadd.f32 v36, v1  }
0xd4: {  	v0 =	vbroadcast v0, $0xF;
	v42 =	vmul.f32 v32, v39;
	v2 =	vadd.f32 v38, v2  }
0xd5: {  	v43 =	vmul.f32 v35, v39;
	v1 =	vadd.f32 v41, v1  }
0xd6: {  	v44 =	vmul.f32 v37, v0;
	v2 =	vadd.f32 v42, v2  }
0xd7: {  	v0 =	vmul.f32 v40, v0;
	v1 =	vadd.f32 v43, v1  }
0xd8: {  	v2 =	vadd.f32 v44, v2  }
0xd9: {  	v0 =	vadd.f32 v0, v1  }
0xda: {  	[tilespmem:s10+$0x11040] =	vst v2  }
0xdb: {  	[tilespmem:s10+$0x11050] =	vst v0  }
0xdc: {  	s13 =	sor.u32 $0x800, s12;
	v1 =	vld [tilespmem:s30+$0x840]  }
0xdd: {  	s13 =	sand.u32 $0x3FFFF800, s13;
	v0 =	vld [tilespmem:s30+$0x844]  }
0xde: {  	v2 =	vld [tilespmem:s13+$0x1000]  }
0xdf: {  	v45 =	vld [tilespmem:s13+$0x1010]  }
0xe0: {  	v46 =	vld [tilespmem:s8+$0x1820]  }
0xe1: {  	v48 =	vld [tilespmem:s8+$0x1830];
	v47 =	vbroadcast v1, $0x0  }
0xe2: {  	v49 =	vld [tilespmem:s8+$0x1840]  }
0xe3: {  	v51 =	vld [tilespmem:s8+$0x1850];
	v50 =	vbroadcast v1, $0x1;
	v2 =	vmul.f32 v2, v47  }
0xe4: {  	v52 =	vld [tilespmem:s8+$0x1860];
	v3 =	vmul.f32 v45, v47  }
0xe5: {  	v54 =	vld [tilespmem:s8+$0x1870];
	v53 =	vbroadcast v1, $0x2;
	v4 =	vmul.f32 v46, v50;
	v2 =	vadd.f32 $0.0e+00, v2  }
0xe6: {  	v55 =	vld [tilespmem:s8+$0x1880];
	v6 =	vmul.f32 v48, v50;
	v3 =	vadd.f32 $0.0e+00, v3  }
0xe7: {  	v58 =	vld [tilespmem:s8+$0x1890];
	v57 =	vbroadcast v1, $0x3;
	v56 =	vmul.f32 v49, v53;
	v2 =	vadd.f32 v4, v2  }
0xe8: {  	v60 =	vld [tilespmem:s8+$0x18A0];
	v59 =	vmul.f32 v51, v53;
	v3 =	vadd.f32 v6, v3  }
0xe9: {  	v63 =	vld [tilespmem:s8+$0x18B0];
	v62 =	vbroadcast v1, $0x4;
	v61 =	vmul.f32 v52, v57;
	v2 =	vadd.f32 v56, v2  }
0xea: {  	v16 =	vld [tilespmem:s8+$0x18C0];
	v15 =	vmul.f32 v54, v57;
	v3 =	vadd.f32 v59, v3  }
0xeb: {  	v19 =	vld [tilespmem:s8+$0x18D0];
	v18 =	vbroadcast v1, $0x5;
	v17 =	vmul.f32 v55, v62;
	v2 =	vadd.f32 v61, v2  }
0xec: {  	v20 =	vld [tilespmem:s8+$0x18E0];
	v5 =	vmul.f32 v58, v62;
	v3 =	vadd.f32 v15, v3  }
0xed: {  	v23 =	vld [tilespmem:s8+$0x18F0];
	v22 =	vbroadcast v1, $0x6;
	v21 =	vmul.f32 v60, v18;
	v2 =	vadd.f32 v17, v2  }
0xee: {  	v25 =	vld [tilespmem:s8+$0x1900];
	v24 =	vmul.f32 v63, v18;
	v3 =	vadd.f32 v5, v3  }
0xef: {  	v28 =	vld [tilespmem:s8+$0x1910];
	v27 =	vbroadcast v1, $0x7;
	v26 =	vmul.f32 v16, v22;
	v2 =	vadd.f32 v21, v2  }
0xf0: {  	v30 =	vld [tilespmem:s8+$0x1920];
	v29 =	vmul.f32 v19, v22;
	v3 =	vadd.f32 v24, v3  }
0xf1: {  	v33 =	vld [tilespmem:s8+$0x1930];
	v32 =	vbroadcast v1, $0x8;
	v31 =	vmul.f32 v20, v27;
	v2 =	vadd.f32 v26, v2  }
0xf2: {  	v35 =	vld [tilespmem:s8+$0x1940];
	v34 =	vmul.f32 v23, v27;
	v3 =	vadd.f32 v29, v3  }
0xf3: {  	v38 =	vld [tilespmem:s8+$0x1950];
	v37 =	vbroadcast v1, $0x9;
	v36 =	vmul.f32 v25, v32;
	v2 =	vadd.f32 v31, v2  }
0xf4: {  	v40 =	vld [tilespmem:s8+$0x1960];
	v39 =	vmul.f32 v28, v32;
	v3 =	vadd.f32 v34, v3  }
0xf5: {  	v43 =	vld [tilespmem:s8+$0x1970];
	v42 =	vbroadcast v1, $0xA;
	v41 =	vmul.f32 v30, v37;
	v2 =	vadd.f32 v36, v2  }
0xf6: {  	v44 =	vmul.f32 v33, v37;
	v45 =	vld [tilespmem:s8+$0x1980];
	v3 =	vadd.f32 v39, v3  }
0xf7: {  	v46 =	vmul.f32 v35, v42;
	v47 =	vbroadcast v1, $0xB;
	v48 =	vld [tilespmem:s8+$0x1990];
	v2 =	vadd.f32 v41, v2  }
0xf8: {  	v49 =	vmul.f32 v38, v42;
	v50 =	vld [tilespmem:s8+$0x19A0];
	v3 =	vadd.f32 v44, v3  }
0xf9: {  	v52 =	vbroadcast v1, $0xC;
	v53 =	vld [tilespmem:s8+$0x19B0];
	v51 =	vmul.f32 v40, v47;
	v2 =	vadd.f32 v46, v2  }
0xfa: {  	v55 =	vld [tilespmem:s8+$0x19C0];
	v54 =	vmul.f32 v43, v47;
	v3 =	vadd.f32 v49, v3  }
0xfb: {  	v57 =	vbroadcast v1, $0xD;
	v58 =	vld [tilespmem:s8+$0x19D0];
	v56 =	vmul.f32 v45, v52;
	v2 =	vadd.f32 v51, v2  }
0xfc: {  	v60 =	vld [tilespmem:s8+$0x19E0];
	v59 =	vmul.f32 v48, v52;
	v3 =	vadd.f32 v54, v3  }
0xfd: {  	v62 =	vbroadcast v1, $0xE;
	v63 =	vld [tilespmem:s8+$0x19F0];
	v61 =	vmul.f32 v50, v57;
	v2 =	vadd.f32 v56, v2  }
0xfe: {  	v14 =	vld [tilespmem:s8+$0x1A00];
	v13 =	vmul.f32 v53, v57;
	v3 =	vadd.f32 v59, v3  }
0xff: {  	v1 =	vbroadcast v1, $0xF;
	v16 =	vld [tilespmem:s8+$0x1A10];
	v15 =	vmul.f32 v55, v62;
	v2 =	vadd.f32 v61, v2  }
0x100: {  	v18 =	vld [tilespmem:s8+$0x1A20];
	v17 =	vmul.f32 v58, v62;
	v3 =	vadd.f32 v13, v3  }
0x101: {  	v20 =	vbroadcast v0, $0xC;
	v19 =	vmul.f32 v60, v1;
	v21 =	vld [tilespmem:s8+$0x1A30];
	v2 =	vadd.f32 v15, v2  }
0x102: {  	v22 =	vld [tilespmem:s8+$0x1A40];
	v1 =	vmul.f32 v63, v1;
	v3 =	vadd.f32 v17, v3  }
0x103: {  	v25 =	vld [tilespmem:s8+$0x1A50];
	v23 =	vmul.f32 v14, v20;
	v24 =	vbroadcast v0, $0xD;
	v2 =	vadd.f32 v19, v2  }
0x104: {  	v27 =	vld [tilespmem:s8+$0x1A60];
	v26 =	vmul.f32 v16, v20;
	v1 =	vadd.f32 v1, v3  }
0x105: {  	v30 =	vld [tilespmem:s8+$0x1A70];
	v28 =	vmul.f32 v18, v24;
	v29 =	vbroadcast v0, $0xE;
	v2 =	vadd.f32 v23, v2  }
0x106: {  	v31 =	vmul.f32 v21, v24;
	v1 =	vadd.f32 v26, v1  }
0x107: {  	v0 =	vbroadcast v0, $0xF;
	v32 =	vmul.f32 v22, v29;
	v2 =	vadd.f32 v28, v2  }
0x108: {  	v33 =	vmul.f32 v25, v29;
	v1 =	vadd.f32 v31, v1  }
0x109: {  	v34 =	vmul.f32 v27, v0;
	v2 =	vadd.f32 v32, v2  }
0x10a: {  	v0 =	vmul.f32 v30, v0;
	v1 =	vadd.f32 v33, v1  }
0x10b: {  	v2 =	vadd.f32 v34, v2  }
0x10c: {  	v0 =	vadd.f32 v0, v1  }
0x10d: {  	[tilespmem:s10+$0x11300] =	vst v2  }
0x10e: {  	[tilespmem:s10+$0x11310] =	vst v0  }
0x10f: {  	v1 =	vld [tilespmem:s30+$0x854]  }
0x110: {  	v0 =	vld [tilespmem:s30+$0x858]  }
0x111: {  	v2 =	vld [tilespmem:s8+$0x1A80]  }
0x112: {  	v35 =	vld [tilespmem:s8+$0x1A90]  }
0x113: {  	v36 =	vld [tilespmem:s8+$0x1AA0]  }
0x114: {  	v38 =	vld [tilespmem:s8+$0x1AB0];
	v37 =	vbroadcast v1, $0x0  }
0x115: {  	v39 =	vld [tilespmem:s8+$0x1AC0]  }
0x116: {  	v41 =	vld [tilespmem:s8+$0x1AD0];
	v40 =	vbroadcast v1, $0x1;
	v2 =	vmul.f32 v2, v37  }
0x117: {  	s13 =	sor.u32 $0xB00, s12;
	v42 =	vld [tilespmem:s8+$0x1AE0];
	v3 =	vmul.f32 v35, v37  }
0x118: {  	s13 =	sand.u32 $0x3FFFFB00, s13;
	v44 =	vld [tilespmem:s8+$0x1AF0];
	v43 =	vbroadcast v1, $0x2;
	v4 =	vmul.f32 v36, v40;
	v2 =	vadd.f32 $0.0e+00, v2  }
0x119: {  	v45 =	vld [tilespmem:s13+$0x1000];
	v6 =	vmul.f32 v38, v40;
	v3 =	vadd.f32 $0.0e+00, v3  }
0x11a: {  	v48 =	vld [tilespmem:s13+$0x1010];
	v47 =	vbroadcast v1, $0x3;
	v46 =	vmul.f32 v39, v43;
	v2 =	vadd.f32 v4, v2  }
0x11b: {  	v50 =	vld [tilespmem:s8+$0x1B20];
	v49 =	vmul.f32 v41, v43;
	v3 =	vadd.f32 v6, v3  }
0x11c: {  	v53 =	vld [tilespmem:s8+$0x1B30];
	v52 =	vbroadcast v1, $0x4;
	v51 =	vmul.f32 v42, v47;
	v2 =	vadd.f32 v46, v2  }
0x11d: {  	v55 =	vld [tilespmem:s8+$0x1B40];
	v54 =	vmul.f32 v44, v47;
	v3 =	vadd.f32 v49, v3  }
0x11e: {  	v58 =	vld [tilespmem:s8+$0x1B50];
	v57 =	vbroadcast v1, $0x5;
	v56 =	vmul.f32 v45, v52;
	v2 =	vadd.f32 v51, v2  }
0x11f: {  	v59 =	vld [tilespmem:s8+$0x1B60];
	v5 =	vmul.f32 v48, v52;
	v3 =	vadd.f32 v54, v3  }
0x120: {  	v62 =	vld [tilespmem:s8+$0x1B70];
	v61 =	vbroadcast v1, $0x6;
	v60 =	vmul.f32 v50, v57;
	v2 =	vadd.f32 v56, v2  }
0x121: {  	v13 =	vld [tilespmem:s8+$0x1B80];
	v63 =	vmul.f32 v53, v57;
	v3 =	vadd.f32 v5, v3  }
0x122: {  	v16 =	vld [tilespmem:s8+$0x1B90];
	v15 =	vbroadcast v1, $0x7;
	v14 =	vmul.f32 v55, v61;
	v2 =	vadd.f32 v60, v2  }
0x123: {  	v18 =	vld [tilespmem:s8+$0x1BA0];
	v17 =	vmul.f32 v58, v61;
	v3 =	vadd.f32 v63, v3  }
0x124: {  	v21 =	vld [tilespmem:s8+$0x1BB0];
	v20 =	vbroadcast v1, $0x8;
	v19 =	vmul.f32 v59, v15;
	v2 =	vadd.f32 v14, v2  }
0x125: {  	v23 =	vld [tilespmem:s8+$0x1BC0];
	v22 =	vmul.f32 v62, v15;
	v3 =	vadd.f32 v17, v3  }
0x126: {  	v26 =	vld [tilespmem:s8+$0x1BD0];
	v25 =	vbroadcast v1, $0x9;
	v24 =	vmul.f32 v13, v20;
	v2 =	vadd.f32 v19, v2  }
0x127: {  	v28 =	vld [tilespmem:s8+$0x1BE0];
	v27 =	vmul.f32 v16, v20;
	v3 =	vadd.f32 v22, v3  }
0x128: {  	v31 =	vld [tilespmem:s8+$0x1BF0];
	v30 =	vbroadcast v1, $0xA;
	v29 =	vmul.f32 v18, v25;
	v2 =	vadd.f32 v24, v2  }
0x129: {  	v33 =	vld [tilespmem:s8+$0x1C00];
	v32 =	vmul.f32 v21, v25;
	v3 =	vadd.f32 v27, v3  }
0x12a: {  	v34 =	vmul.f32 v23, v30;
	v35 =	vbroadcast v1, $0xB;
	v36 =	vld [tilespmem:s8+$0x1C10];
	v2 =	vadd.f32 v29, v2  }
0x12b: {  	v37 =	vmul.f32 v26, v30;
	v38 =	vld [tilespmem:s8+$0x1C20];
	v3 =	vadd.f32 v32, v3  }
0x12c: {  	v40 =	vbroadcast v1, $0xC;
	v41 =	vld [tilespmem:s8+$0x1C30];
	v39 =	vmul.f32 v28, v35;
	v2 =	vadd.f32 v34, v2  }
0x12d: {  	v43 =	vld [tilespmem:s8+$0x1C40];
	v42 =	vmul.f32 v31, v35;
	v3 =	vadd.f32 v37, v3  }
0x12e: {  	v45 =	vbroadcast v1, $0xD;
	v44 =	vmul.f32 v33, v40;
	v46 =	vld [tilespmem:s8+$0x1C50];
	v2 =	vadd.f32 v39, v2  }
0x12f: {  	v48 =	vld [tilespmem:s8+$0x1C60];
	v47 =	vmul.f32 v36, v40;
	v3 =	vadd.f32 v42, v3  }
0x130: {  	v50 =	vbroadcast v1, $0xE;
	v49 =	vmul.f32 v38, v45;
	v51 =	vld [tilespmem:s8+$0x1C70];
	v2 =	vadd.f32 v44, v2  }
0x131: {  	v53 =	vld [tilespmem:s8+$0x1C80];
	v52 =	vmul.f32 v41, v45;
	v3 =	vadd.f32 v47, v3  }
0x132: {  	v1 =	vbroadcast v1, $0xF;
	v55 =	vld [tilespmem:s8+$0x1C90];
	v54 =	vmul.f32 v43, v50;
	v2 =	vadd.f32 v49, v2  }
0x133: {  	v57 =	vld [tilespmem:s8+$0x1CA0];
	v56 =	vmul.f32 v46, v50;
	v3 =	vadd.f32 v52, v3  }
0x134: {  	v59 =	vbroadcast v0, $0xC;
	v58 =	vmul.f32 v48, v1;
	v60 =	vld [tilespmem:s8+$0x1CB0];
	v2 =	vadd.f32 v54, v2  }
0x135: {  	v61 =	vld [tilespmem:s8+$0x1CC0];
	v1 =	vmul.f32 v51, v1;
	v3 =	vadd.f32 v56, v3  }
0x136: {  	v12 =	vld [tilespmem:s8+$0x1CD0];
	v62 =	vmul.f32 v53, v59;
	v63 =	vbroadcast v0, $0xD;
	v2 =	vadd.f32 v58, v2  }
0x137: {  	v13 =	vmul.f32 v55, v59;
	v14 =	vld [tilespmem:s8+$0x1CE0];
	v1 =	vadd.f32 v1, v3  }
0x138: {  	v16 =	vbroadcast v0, $0xE;
	v15 =	vmul.f32 v57, v63;
	v17 =	vld [tilespmem:s8+$0x1CF0];
	v2 =	vadd.f32 v62, v2  }
0x139: {  	v18 =	vmul.f32 v60, v63;
	v1 =	vadd.f32 v13, v1  }
0x13a: {  	v0 =	vbroadcast v0, $0xF;
	v19 =	vmul.f32 v61, v16;
	v2 =	vadd.f32 v15, v2  }
0x13b: {  	v20 =	vmul.f32 v12, v16;
	v1 =	vadd.f32 v18, v1  }
0x13c: {  	v21 =	vmul.f32 v14, v0;
	v2 =	vadd.f32 v19, v2  }
0x13d: {  	v0 =	vmul.f32 v17, v0;
	v1 =	vadd.f32 v20, v1  }
0x13e: {  	v2 =	vadd.f32 v21, v2  }
0x13f: {  	v0 =	vadd.f32 v0, v1  }
0x140: {  	[tilespmem:s10+$0x11320] =	vst v2  }
0x141: {  	[tilespmem:s10+$0x11330] =	vst v0  }
0x142: {  	s12 =	sor.u32 $0xD00, s12;
	v1 =	vld [tilespmem:s30+$0x868]  }
0x143: {  	s12 =	sand.u32 $0x3FFFFD00, s12;
	v0 =	vld [tilespmem:s30+$0x86C]  }
0x144: {  	v2 =	vld [tilespmem:s12+$0x1000]  }
0x145: {  	v22 =	vld [tilespmem:s12+$0x1010]  }
0x146: {  	v23 =	vld [tilespmem:s8+$0x1D20]  }
0x147: {  	v25 =	vld [tilespmem:s8+$0x1D30];
	v24 =	vbroadcast v1, $0x0  }
0x148: {  	v26 =	vld [tilespmem:s8+$0x1D40]  }
0x149: {  	v28 =	vld [tilespmem:s8+$0x1D50];
	v27 =	vbroadcast v1, $0x1;
	v2 =	vmul.f32 v2, v24  }
0x14a: {  	v29 =	vld [tilespmem:s8+$0x1D60];
	v3 =	vmul.f32 v22, v24  }
0x14b: {  	v31 =	vld [tilespmem:s8+$0x1D70];
	v30 =	vbroadcast v1, $0x2;
	v4 =	vmul.f32 v23, v27;
	v2 =	vadd.f32 $0.0e+00, v2  }
0x14c: {  	v32 =	vld [tilespmem:s8+$0x1D80];
	v6 =	vmul.f32 v25, v27;
	v3 =	vadd.f32 $0.0e+00, v3  }
0x14d: {  	v35 =	vld [tilespmem:s8+$0x1D90];
	v34 =	vbroadcast v1, $0x3;
	v33 =	vmul.f32 v26, v30;
	v2 =	vadd.f32 v4, v2  }
0x14e: {  	v37 =	vld [tilespmem:s8+$0x1DA0];
	v36 =	vmul.f32 v28, v30;
	v3 =	vadd.f32 v6, v3  }
0x14f: {  	v40 =	vld [tilespmem:s8+$0x1DB0];
	v39 =	vbroadcast v1, $0x4;
	v38 =	vmul.f32 v29, v34;
	v2 =	vadd.f32 v33, v2  }
0x150: {  	v42 =	vld [tilespmem:s8+$0x1DC0];
	v41 =	vmul.f32 v31, v34;
	v3 =	vadd.f32 v36, v3  }
0x151: {  	v45 =	vld [tilespmem:s8+$0x1DD0];
	v44 =	vbroadcast v1, $0x5;
	v43 =	vmul.f32 v32, v39;
	v2 =	vadd.f32 v38, v2  }
0x152: {  	v46 =	vld [tilespmem:s8+$0x1DE0];
	v5 =	vmul.f32 v35, v39;
	v3 =	vadd.f32 v41, v3  }
0x153: {  	v49 =	vld [tilespmem:s8+$0x1DF0];
	v48 =	vbroadcast v1, $0x6;
	v47 =	vmul.f32 v37, v44;
	v2 =	vadd.f32 v43, v2  }
0x154: {  	v51 =	vld [tilespmem:s8+$0x1E00];
	v50 =	vmul.f32 v40, v44;
	v3 =	vadd.f32 v5, v3  }
0x155: {  	v54 =	vld [tilespmem:s8+$0x1E10];
	v53 =	vbroadcast v1, $0x7;
	v52 =	vmul.f32 v42, v48;
	v2 =	vadd.f32 v47, v2  }
0x156: {  	v56 =	vld [tilespmem:s8+$0x1E20];
	v55 =	vmul.f32 v45, v48;
	v3 =	vadd.f32 v50, v3  }
0x157: {  	v59 =	vld [tilespmem:s8+$0x1E30];
	v58 =	vbroadcast v1, $0x8;
	v57 =	vmul.f32 v46, v53;
	v2 =	vadd.f32 v52, v2  }
0x158: {  	v61 =	vld [tilespmem:s8+$0x1E40];
	v60 =	vmul.f32 v49, v53;
	v3 =	vadd.f32 v55, v3  }
0x159: {  	v16 =	vld [tilespmem:s8+$0x1E50];
	v63 =	vbroadcast v1, $0x9;
	v62 =	vmul.f32 v51, v58;
	v2 =	vadd.f32 v57, v2  }
0x15a: {  	v18 =	vld [tilespmem:s8+$0x1E60];
	v17 =	vmul.f32 v54, v58;
	v3 =	vadd.f32 v60, v3  }
0x15b: {  	v21 =	vld [tilespmem:s8+$0x1E70];
	v20 =	vbroadcast v1, $0xA;
	v19 =	vmul.f32 v56, v63;
	v2 =	vadd.f32 v62, v2  }
0x15c: {  	v22 =	vmul.f32 v59, v63;
	v23 =	vld [tilespmem:s8+$0x1E80];
	v3 =	vadd.f32 v17, v3  }
0x15d: {  	v24 =	vmul.f32 v61, v20;
	v25 =	vbroadcast v1, $0xB;
	v26 =	vld [tilespmem:s8+$0x1E90];
	v2 =	vadd.f32 v19, v2  }
0x15e: {  	v27 =	vmul.f32 v16, v20;
	v28 =	vld [tilespmem:s8+$0x1EA0];
	v3 =	vadd.f32 v22, v3  }
0x15f: {  	v30 =	vbroadcast v1, $0xC;
	v31 =	vld [tilespmem:s8+$0x1EB0];
	v29 =	vmul.f32 v18, v25;
	v2 =	vadd.f32 v24, v2  }
0x160: {  	v32 =	vmul.f32 v21, v25;
	v33 =	vld [tilespmem:s8+$0x1EC0];
	v3 =	vadd.f32 v27, v3  }
0x161: {  	v35 =	vbroadcast v1, $0xD;
	v34 =	vmul.f32 v23, v30;
	v36 =	vld [tilespmem:s8+$0x1ED0];
	v2 =	vadd.f32 v29, v2  }
0x162: {  	v37 =	vmul.f32 v26, v30;
	v38 =	vld [tilespmem:s8+$0x1EE0];
	v3 =	vadd.f32 v32, v3  }
0x163: {  	v40 =	vbroadcast v1, $0xE;
	v39 =	vmul.f32 v28, v35;
	v41 =	vld [tilespmem:s8+$0x1EF0];
	v2 =	vadd.f32 v34, v2  }
0x164: {  	v42 =	vmul.f32 v31, v35;
	v43 =	vld [tilespmem:s8+$0x1F00];
	v3 =	vadd.f32 v37, v3  }
0x165: {  	v1 =	vbroadcast v1, $0xF;
	v45 =	vld [tilespmem:s8+$0x1F10];
	v44 =	vmul.f32 v33, v40;
	v2 =	vadd.f32 v39, v2  }
0x166: {  	v46 =	vmul.f32 v36, v40;
	v47 =	vld [tilespmem:s8+$0x1F20];
	v3 =	vadd.f32 v42, v3  }
0x167: {  	v49 =	vbroadcast v0, $0xC;
	v50 =	vld [tilespmem:s8+$0x1F30];
	v48 =	vmul.f32 v38, v1;
	v2 =	vadd.f32 v44, v2  }
0x168: {  	v51 =	vld [tilespmem:s8+$0x1F40];
	v1 =	vmul.f32 v41, v1;
	v3 =	vadd.f32 v46, v3  }
0x169: {  	v53 =	vbroadcast v0, $0xD;
	v54 =	vld [tilespmem:s8+$0x1F50];
	v52 =	vmul.f32 v43, v49;
	v2 =	vadd.f32 v48, v2  }
0x16a: {  	v56 =	vld [tilespmem:s8+$0x1F60];
	v55 =	vmul.f32 v45, v49;
	v1 =	vadd.f32 v1, v3  }
0x16b: {  	v58 =	vbroadcast v0, $0xE;
	v59 =	vld [tilespmem:s8+$0x1F70];
	v57 =	vmul.f32 v47, v53;
	v2 =	vadd.f32 v52, v2  }
0x16c: {  	v60 =	vmul.f32 v50, v53;
	v1 =	vadd.f32 v55, v1  }
0x16d: {  	v0 =	vbroadcast v0, $0xF;
	v61 =	vmul.f32 v51, v58;
	v2 =	vadd.f32 v57, v2  }
0x16e: {  	v62 =	vmul.f32 v54, v58;
	v1 =	vadd.f32 v60, v1  }
0x16f: {  	p0 =	sne.s32 s3, $0x7;
	v63 =	vmul.f32 v56, v0;
	v2 =	vadd.f32 v61, v2  }
.Ltmp0:
0x170: {  	v0 =	vmul.f32 v59, v0;
	v1 =	vadd.f32 v62, v1;
	(pc) =	sbr.rel @p0 .LBB2_3-.Ltmp0, $4  }
0x171: {  	v2 =	vadd.f32 v63, v2  }
0x172: {  	v0 =	vadd.f32 v0, v1  }
0x173: {  	[tilespmem:s10+$0x11340] =	vst v2  }
0x174: {  	s3 =	sadd.s32 $0x1, s3;
	[tilespmem:s10+$0x11350] =	vst v0  }
0x175: {  	s3 =	smul.u32 $0xC, s0;
	_ =	sdelay $0x1  }
0x176: {  	s30 =	smul.u32 $0x60, s0;
	s3 =	sadd.s32 s1, s3  }
0x177: {  	[hbm4b:s3+s2] =	stream.linear.scatter [tilespmem:s28], [sflag:$0x3], $0x300, $0x38;
	[tilespmem:$0x11600] =	vst v63  }
0x178: {  	s31 =	sadd.s32 $0x1, s31;
	s0 =	sshrl.u32 s30, $0x3;
	_ =	swait.ge [sflag:s9], $0x300  }
0x179: {  	p0 =	sne.s32 s31, $0x20;
	s0 =	sadd.s32 s1, s0;
	[sflag:s9] =	ssyncset.done $0x0  }
.Ltmp1:
0x17a: {  	s0 =	sadd.s32 $0x18000, s0;
	[sflag:s9] =	ssyncadd.s32 $0xFFFFFD00;
	(pc) =	sbr.rel @p0 .LBB2_2-.Ltmp1, $4  }
0x17b: {  	[hbm4b:s0+s2] =	stream.linear.scatter [tilespmem:s29], [sflag:$0x3], $0x300, $0x38;
	[tilespmem:$0x11600] =	vst v63  }
0x17c: {  	_ =	swait.ge [sflag:s9], $0x300  }
0x17d: {  	[sflag:s9] =	ssyncset.done $0x0  }
0x17e: {  	[sflag:s9] =	ssyncadd.s32 $0xFFFFFD00  }
0x17f: {  	s3 =	rddreg [dreg:$0x4]  }
0x180: {  	s0 =	rddreg [dreg:$0x3];
	s3 =	sadd.s32 $0x1, s3  }
0x181: {  	p0 =	sne.s32 s3, s0  }
.Ltmp2:
0x182: {  	_ = 	snop;
	(pc) =	sbr.rel @p0 .LBB2_1-.Ltmp2, $1  }
0x183: {  	_ =	sdelay $0x3  }
0x184: {  	_ =	sfence.sel $0x180000  }
0x185: {  	[bflag:$0x0] =	sbarrier.arrive $0xFFFF  }
0x186: {  	_ =	strace $0x90000047  }
0x187: {  	s0 =	stileid.u32;
	[bflag:$0x2] =	sbarrier.arrive $0xFFFF  }
0x188: {  	p0 =	sne.s32 s0, $0x0;
	s0 =	rddreg [dreg:$0x2]  }
0x189: {  	s0 =	sadd.s32 @!p0 $0x100000, s0  }
0x18a: {  	[sflag:s0] =	ssyncadd.tile.s32 @!p0 $0x1;
	_ =	shalt  }
.Lfunc_end2:
_tile_overlayer_lowered:
.L_overlay_start_2:
0x18b: {  	(tag) =	ssettag $0x2  }
0x18c: {  	s0 =	rddreg [dreg:$0x0];
	s2 =	stileid.u32  }
0x18d: {  	s1 =	rddreg [dreg:$0x1];
	p0 =	sne.s32 s2, $0x0  }
0x18e: {  	s3 =	rddreg [dreg:$0x2];
	[bflag:$0x3] =	sbarrier.arrive $0xFFFF;
	s2 =	simm.s32 @!p0 $0x1C03  }
0x18f: {  	[timem:s3], [sflag:s2] =	dma.local @!p0 [hbm:s0], s1  }
0x190: {  	s0 =	simm.s32 @!p0 $0x3  }
0x191: {  	_ =	swait.ge @!p0 [sflag:s0], s1  }
0x192: {  	s1 =	ssub.s32 @!p0 $0x0, s1;
	[sflag:s0] =	ssyncset.done @!p0 $0x0  }
0x193: {  	[sflag:s0] =	ssyncadd.s32 @!p0 s1  }
0x194: {  	[bflag:$0x3] =	sbarrier.arrive $0xFFFF  }
0x195: {  	_ =	shalt  }

</sc_bundles>
